<compile_context>
chip_gen: v7x
topology: tpu7x:2x2x1
jax: 0.10.2.dev20260603
libtpu: 0.0.44.dev20260713+nightly
codegen_flags: <defaults>
</compile_context>

<pallas_src>
import functools

import jax
import jax.numpy as jnp
from jax import lax
from jax.experimental import pallas as pl
from jax.experimental.pallas import tpu as pltpu
from jax.experimental.pallas import tpu_sc as plsc

NUM_CLASSES = 100000
NUM_DOMAINS = 1000
E = 128
BATCH = 16384

_info = plsc.get_sparse_core_info()
NC, NS, L = _info.num_cores, _info.num_subcores, _info.num_lanes
NW = NC * NS
ROWS_PER_W = BATCH // NW
CHUNK = 128
NCHUNK = ROWS_PER_W // CHUNK
NBUF = 2
GROUPS = CHUNK // 16
BLKS = E // 16
STAGE = 64


def _rsqrt16(x):
    i = lax.bitcast_convert_type(x, jnp.int32)
    i = jnp.int32(0x5F3759DF) - lax.shift_right_logical(i, 1)
    y = lax.bitcast_convert_type(i, jnp.float32)
    for _ in range(3):
        y = y * (jnp.float32(1.5) - jnp.float32(0.5) * x * y * y)
    return y


def _sc_partials(emb, gt_c, gt_d, cls_tab, dom_tab, off):
    mesh = plsc.VectorSubcoreMesh(core_axis_name="c", subcore_axis_name="s")

    @functools.partial(
        pl.kernel,
        mesh=mesh,
        out_type=jax.ShapeDtypeStruct((NW, L), jnp.float32),
        compiler_params=pltpu.CompilerParams(needs_layout_passes=False),
        scratch_types=[
            pltpu.VMEM((ROWS_PER_W,), jnp.int32),
            pltpu.VMEM((ROWS_PER_W,), jnp.int32),
            [pltpu.VMEM((CHUNK, E), jnp.float32) for _ in range(NBUF)],
            [pltpu.VMEM((CHUNK, E), jnp.float32) for _ in range(NBUF)],
            [pltpu.VMEM((CHUNK, E), jnp.float32) for _ in range(NBUF)],
            pltpu.VMEM((E,), jnp.float32),
            pltpu.VMEM((STAGE, E), jnp.float32),
            pltpu.VMEM_SHARED((NUM_DOMAINS, E), jnp.float32),
            pltpu.VMEM((L,), jnp.float32),
            [pltpu.SemaphoreType.DMA for _ in range(3 * NBUF)],
        ],
    )
    def k(emb_hbm, gtc_hbm, gtd_hbm, cls_hbm, dom_hbm, off_hbm, out_hbm,
          idxc_v, idxd_v, cls_b, dom_b, emb_b, off_v, stage_v, dom_sh,
          acc_v, sems):
        cid = lax.axis_index("c")
        sid = lax.axis_index("s")
        wid = sid * NC + cid
        row0 = wid * ROWS_PER_W

        def start_hbm(c):
            b = c % NBUF
            return (
                pltpu.async_copy(
                    cls_hbm.at[idxc_v.at[pl.ds(c * CHUNK, CHUNK)]],
                    cls_b[b], sems[3 * b + 0]),
                pltpu.async_copy(
                    emb_hbm.at[pl.ds(row0 + c * CHUNK, CHUNK)],
                    emb_b[b], sems[3 * b + 1]),
            )

        def start_dom(c):
            b = c % NBUF
            return pltpu.async_copy(
                dom_sh.at[idxd_v.at[pl.ds(c * CHUNK, CHUNK)]],
                dom_b[b], sems[3 * b + 2])

        pltpu.sync_copy(gtc_hbm.at[pl.ds(row0, ROWS_PER_W)], idxc_v)
        pltpu.sync_copy(gtd_hbm.at[pl.ds(row0, ROWS_PER_W)], idxd_v)
        pend_hbm = {c: start_hbm(c) for c in range(NBUF - 1)}

        pltpu.sync_copy(off_hbm, off_v)
        dbase = jnp.minimum(sid * STAGE, NUM_DOMAINS - STAGE)
        pltpu.sync_copy(dom_hbm.at[pl.ds(dbase, STAGE)], stage_v)

        def add_off(r, carry):
            for t in range(BLKS):
                sl = pl.ds(16 * t, 16)
                stage_v[r, sl] = stage_v[r, sl] + off_v[sl]
            return carry

        lax.fori_loop(0, STAGE, add_off, 0)
        pltpu.sync_copy(stage_v, dom_sh.at[pl.ds(dbase, STAGE)])
        plsc.subcore_barrier()
        pend_dom = {c: start_dom(c) for c in range(NBUF - 1)}

        lane = lax.iota(jnp.int32, L)
        z = jnp.zeros((L,), jnp.float32)
        perm = [(lane + u) & jnp.int32(L - 1) for u in range(16)]
        acc = z
        for c in range(NCHUNK):
            if c + NBUF - 1 < NCHUNK:
                pend_hbm[c + NBUF - 1] = start_hbm(c + NBUF - 1)
                pend_dom[c + NBUF - 1] = start_dom(c + NBUF - 1)
            for cp in pend_hbm.pop(c):
                cp.wait()
            pend_dom.pop(c).wait()
            b = c % NBUF
            cls_v, dom_v, emb_v = cls_b[b], dom_b[b], emb_b[b]

            def group(g, a):
                rows = g * 16 + lane

                def blk(jj, carry):
                    P0, T0, S0, P1, T1, S1 = carry
                    jj16 = jj * 16
                    for u in range(16):
                        cj = perm[u] + jj16
                        e = plsc.load_gather(emb_v, [rows, cj])
                        cc = plsc.load_gather(cls_v, [rows, cj])
                        dd = plsc.load_gather(dom_v, [rows, cj])
                        pred = cc + dd
                        if u % 2 == 0:
                            P0 += pred * pred
                            T0 += pred * e
                            S0 += e * e
                        else:
                            P1 += pred * pred
                            T1 += pred * e
                            S1 += e * e
                    return (P0, T0, S0, P1, T1, S1)

                P0, T0, S0, P1, T1, S1 = plsc.parallel_loop(
                    0, BLKS, unroll=2, carry=(z, z, z, z, z, z))(blk)
                P, T, S = P0 + P1, T0 + T1, S0 + S1
                return a + P - jnp.float32(2.0) * T * _rsqrt16(S)

            acc = plsc.parallel_loop(0, GROUPS, carry=acc)(group)
        acc_v[...] = acc
        pltpu.sync_copy(acc_v, out_hbm.at[wid])

    return k(emb, gt_c, gt_d, cls_tab, dom_tab, off)


def _finish(parts_ref, o_ref):
    s = jnp.sum(parts_ref[...]) * jnp.float32(1.0 / BATCH) + jnp.float32(1.0)
    o_ref[...] = jnp.full((1, 1), s, jnp.float32)


def kernel(embeddings, gt_classes, gt_domains, class_components,
           domain_components, offset_component):
    parts = _sc_partials(embeddings, gt_classes, gt_domains,
                         class_components, domain_components,
                         offset_component.reshape(E))
    out = pl.pallas_call(
        _finish,
        out_shape=jax.ShapeDtypeStruct((1, 1), jnp.float32),
    )(parts)
    return out[0, 0]

# --- scband reference (transcript-rebuilt; emitter-appended) ---
"""Pipeline reference for scband-disentanglement-model-16707422781707 (READ-ONLY COPY).

The authoritative reference and input builder live on the scoring server;
editing this copy changes nothing except your own understanding.
"""

import jax, jax.numpy as jnp
import numpy as np

NUM_CLASSES = 100000
NUM_DOMAINS = 1000
EMBEDDING_SIZE = 128
BATCH = 16384


def setup_inputs(seed: int = 0) -> dict:
    key = jax.random.key(seed)
    k1, k2, k3, k4, k5, k6 = jax.random.split(key, 6)
    embeddings = jax.random.normal(k1, (BATCH, EMBEDDING_SIZE), dtype=jnp.float32)
    gt_classes = jax.random.randint(k2, (BATCH,), 0, NUM_CLASSES, dtype=jnp.int32)
    gt_domains = jax.random.randint(k3, (BATCH,), 0, NUM_DOMAINS, dtype=jnp.int32)
    # learned parameters (nn.Parameter tensors in the torch module); initialized
    # small-random instead of zeros so the loss is non-degenerate
    class_components = 0.02 * jax.random.normal(k4, (NUM_CLASSES, EMBEDDING_SIZE), dtype=jnp.float32)
    domain_components = 0.02 * jax.random.normal(k5, (NUM_DOMAINS, EMBEDDING_SIZE), dtype=jnp.float32)
    offset_component = 0.02 * jax.random.normal(k6, (1, EMBEDDING_SIZE), dtype=jnp.float32)
    return {
        "embeddings": embeddings,
        "gt_classes": gt_classes,
        "gt_domains": gt_domains,
        "class_components": class_components,
        "domain_components": domain_components,
        "offset_component": offset_component,
    }


def reference(embeddings, gt_classes, gt_domains, class_components, domain_components, offset_component):
    # do_disentanglement_ortho = False
    emb = embeddings.astype(jnp.float32)
    emb = emb / jnp.linalg.norm(emb, axis=1, keepdims=True)
    # embedding-table gathers (SparseCore-friendly)
    pred = (jnp.take(class_components, gt_classes, axis=0)
            + jnp.take(domain_components, gt_domains, axis=0)
            + offset_component)
    losses = jnp.sum(jnp.square(pred - emb), axis=1)
    loss = jnp.mean(losses)
    return loss

if __name__ == "__main__":
    import jax
    _d = setup_inputs()
    print(jax.jit(kernel)(*tuple(_d.values())))

</pallas_src>

<mosaic_0001>
#map = affine_map<(d0, d1) -> (0, 0)>
#map1 = affine_map<(d0, d1) -> (0)>
module attributes {stable_mosaic.version = 14 : i64} {
  func.func @k(%arg0: i32, %arg1: i32, %arg2: memref<16384x128xf32, #tpu.memory_space<hbm>>, %arg3: memref<16384xi32, #tpu.memory_space<hbm>>, %arg4: memref<16384xi32, #tpu.memory_space<hbm>>, %arg5: memref<100000x128xf32, #tpu.memory_space<hbm>>, %arg6: memref<1000x128xf32, #tpu.memory_space<hbm>>, %arg7: memref<128xf32, #tpu.memory_space<hbm>>, %arg8: memref<32x16xf32, #tpu.memory_space<hbm>>, %arg9: memref<512xi32, #tpu.memory_space<vmem>>, %arg10: memref<512xi32, #tpu.memory_space<vmem>>, %arg11: memref<128x128xf32, #tpu.memory_space<vmem>>, %arg12: memref<128x128xf32, #tpu.memory_space<vmem>>, %arg13: memref<128x128xf32, #tpu.memory_space<vmem>>, %arg14: memref<128x128xf32, #tpu.memory_space<vmem>>, %arg15: memref<128x128xf32, #tpu.memory_space<vmem>>, %arg16: memref<128x128xf32, #tpu.memory_space<vmem>>, %arg17: memref<128xf32, #tpu.memory_space<vmem>>, %arg18: memref<64x128xf32, #tpu.memory_space<vmem>>, %arg19: memref<1000x128xf32, #tpu.memory_space<vmem_shared>>, %arg20: memref<16xf32, #tpu.memory_space<vmem>>, %arg21: memref<!tpu.dma_semaphore, #tpu.memory_space<semaphore_mem>>, %arg22: memref<!tpu.dma_semaphore, #tpu.memory_space<semaphore_mem>>, %arg23: memref<!tpu.dma_semaphore, #tpu.memory_space<semaphore_mem>>, %arg24: memref<!tpu.dma_semaphore, #tpu.memory_space<semaphore_mem>>, %arg25: memref<!tpu.dma_semaphore, #tpu.memory_space<semaphore_mem>>, %arg26: memref<!tpu.dma_semaphore, #tpu.memory_space<semaphore_mem>>) attributes {dimension_semantics = [#tpu.dimension_semantics<core_parallel>, #tpu.dimension_semantics<subcore_parallel>], iteration_bounds = array<i64: 2, 16>, scalar_prefetch = 0 : i64, scratch_operands = 18 : i64, tpu.core_type = #tpu.core_type<sc_vector_subcore>, window_params = [{transform_indices = #map}, {transform_indices = #map1}, {transform_indices = #map1}, {transform_indices = #map}, {transform_indices = #map}, {transform_indices = #map1}, {transform_indices = #map}]} {
    %mul3A = arith.constant 2 : i32
    %mul3A_0 = arith.muli %arg1, %mul3A : i32
    %add3A = arith.addi %mul3A_0, %arg0 : i32
    %mul3A_1 = arith.constant 512 : i32
    %mul3A_2 = arith.muli %add3A, %mul3A_1 : i32
    "tpu.region"() ({
      %run_scoped3A = tpu.sem_alloc : memref<!tpu.dma_semaphore, #tpu.memory_space<semaphore_mem>>
      %dma_start3A_241 = tpu.memref_slice %arg3[%mul3A_2] : memref<16384xi32, #tpu.memory_space<hbm>> -> memref<512xi32, #tpu.memory_space<hbm>>
      %dma_start3A_242 = tpu.memref_slice %arg3[%mul3A_2] : memref<16384xi32, #tpu.memory_space<hbm>> -> memref<512xi32, #tpu.memory_space<hbm>>
      tpu.enqueue_dma source(%dma_start3A_242 : memref<512xi32, #tpu.memory_space<hbm>>) target(%arg9 : memref<512xi32, #tpu.memory_space<vmem>>) target_semaphore(%run_scoped3A : memref<!tpu.dma_semaphore, #tpu.memory_space<semaphore_mem>>)
      %dma_wait3A_243 = tpu.memref_slice %arg3[%mul3A_2] : memref<16384xi32, #tpu.memory_space<hbm>> -> memref<512xi32, #tpu.memory_space<hbm>>
      %dma_wait3A_244 = tpu.memref_slice %arg3[%mul3A_2] : memref<16384xi32, #tpu.memory_space<hbm>> -> memref<512xi32, #tpu.memory_space<hbm>>
      tpu.wait_dma2 semaphore(%run_scoped3A : memref<!tpu.dma_semaphore, #tpu.memory_space<semaphore_mem>>) src(%dma_wait3A_244 : memref<512xi32, #tpu.memory_space<hbm>>) dst(%arg9 : memref<512xi32, #tpu.memory_space<vmem>>)
      tpu.yield
    }) : () -> ()
    "tpu.region"() ({
      %run_scoped3A = tpu.sem_alloc : memref<!tpu.dma_semaphore, #tpu.memory_space<semaphore_mem>>
      %dma_start3A_241 = tpu.memref_slice %arg4[%mul3A_2] : memref<16384xi32, #tpu.memory_space<hbm>> -> memref<512xi32, #tpu.memory_space<hbm>>
      %dma_start3A_242 = tpu.memref_slice %arg4[%mul3A_2] : memref<16384xi32, #tpu.memory_space<hbm>> -> memref<512xi32, #tpu.memory_space<hbm>>
      tpu.enqueue_dma source(%dma_start3A_242 : memref<512xi32, #tpu.memory_space<hbm>>) target(%arg10 : memref<512xi32, #tpu.memory_space<vmem>>) target_semaphore(%run_scoped3A : memref<!tpu.dma_semaphore, #tpu.memory_space<semaphore_mem>>)
      %dma_wait3A_243 = tpu.memref_slice %arg4[%mul3A_2] : memref<16384xi32, #tpu.memory_space<hbm>> -> memref<512xi32, #tpu.memory_space<hbm>>
      %dma_wait3A_244 = tpu.memref_slice %arg4[%mul3A_2] : memref<16384xi32, #tpu.memory_space<hbm>> -> memref<512xi32, #tpu.memory_space<hbm>>
      tpu.wait_dma2 semaphore(%run_scoped3A : memref<!tpu.dma_semaphore, #tpu.memory_space<semaphore_mem>>) src(%dma_wait3A_244 : memref<512xi32, #tpu.memory_space<hbm>>) dst(%arg10 : memref<512xi32, #tpu.memory_space<vmem>>)
      tpu.yield
    }) : () -> ()
    %dma_start3A = arith.constant 0 : i32
    %dma_start3A_3 = tpu.memref_slice %arg9[%dma_start3A] : memref<512xi32, #tpu.memory_space<vmem>> -> memref<128xi32, #tpu.memory_space<vmem>>
    %dma_start3A_4 = arith.constant 0 : i32
    %dma_start3A_5 = arith.constant 0 : i32
    %dma_start3A_6 = tpu.memref_slice %arg5[%dma_start3A_4, %dma_start3A_5] : memref<100000x128xf32, #tpu.memory_space<hbm>> -> memref<100000x128xf32, #tpu.memory_space<hbm>>
    tpu.enqueue_indirect_dma source(%dma_start3A_6 : memref<100000x128xf32, #tpu.memory_space<hbm>>) target(%arg11 : memref<128x128xf32, #tpu.memory_space<vmem>>) offsets(%dma_start3A_3 : memref<128xi32, #tpu.memory_space<vmem>>) semaphore(%arg21 : memref<!tpu.dma_semaphore, #tpu.memory_space<semaphore_mem>>)
    %add3A_7 = arith.constant 0 : i32
    %add3A_8 = arith.addi %mul3A_2, %add3A_7 : i32
    %dma_start3A_9 = arith.constant 0 : i32
    %dma_start3A_10 = tpu.memref_slice %arg2[%add3A_8, %dma_start3A_9] : memref<16384x128xf32, #tpu.memory_space<hbm>> -> memref<128x128xf32, #tpu.memory_space<hbm>>
    %dma_start3A_11 = arith.constant 0 : i32
    %dma_start3A_12 = tpu.memref_slice %arg2[%add3A_8, %dma_start3A_11] : memref<16384x128xf32, #tpu.memory_space<hbm>> -> memref<128x128xf32, #tpu.memory_space<hbm>>
    tpu.enqueue_dma source(%dma_start3A_12 : memref<128x128xf32, #tpu.memory_space<hbm>>) target(%arg15 : memref<128x128xf32, #tpu.memory_space<vmem>>) target_semaphore(%arg22 : memref<!tpu.dma_semaphore, #tpu.memory_space<semaphore_mem>>)
    "tpu.region"() ({
      %run_scoped3A = tpu.sem_alloc : memref<!tpu.dma_semaphore, #tpu.memory_space<semaphore_mem>>
      tpu.enqueue_dma source(%arg7 : memref<128xf32, #tpu.memory_space<hbm>>) target(%arg17 : memref<128xf32, #tpu.memory_space<vmem>>) target_semaphore(%run_scoped3A : memref<!tpu.dma_semaphore, #tpu.memory_space<semaphore_mem>>)
      tpu.wait_dma2 semaphore(%run_scoped3A : memref<!tpu.dma_semaphore, #tpu.memory_space<semaphore_mem>>) src(%arg7 : memref<128xf32, #tpu.memory_space<hbm>>) dst(%arg17 : memref<128xf32, #tpu.memory_space<vmem>>)
      tpu.yield
    }) : () -> ()
    %mul3A_13 = arith.constant 64 : i32
    %mul3A_14 = arith.muli %arg1, %mul3A_13 : i32
    %min3A = arith.constant 936 : i32
    %min3A_15 = arith.minsi %mul3A_14, %min3A : i32
    "tpu.region"() ({
      %run_scoped3A = tpu.sem_alloc : memref<!tpu.dma_semaphore, #tpu.memory_space<semaphore_mem>>
      %dma_start3A_241 = arith.constant 0 : i32
      %dma_start3A_242 = tpu.memref_slice %arg6[%min3A_15, %dma_start3A_241] : memref<1000x128xf32, #tpu.memory_space<hbm>> -> memref<64x128xf32, #tpu.memory_space<hbm>>
      %dma_start3A_243 = arith.constant 0 : i32
      %dma_start3A_244 = tpu.memref_slice %arg6[%min3A_15, %dma_start3A_243] : memref<1000x128xf32, #tpu.memory_space<hbm>> -> memref<64x128xf32, #tpu.memory_space<hbm>>
      tpu.enqueue_dma source(%dma_start3A_244 : memref<64x128xf32, #tpu.memory_space<hbm>>) target(%arg18 : memref<64x128xf32, #tpu.memory_space<vmem>>) target_semaphore(%run_scoped3A : memref<!tpu.dma_semaphore, #tpu.memory_space<semaphore_mem>>)
      %dma_wait3A_245 = arith.constant 0 : i32
      %dma_wait3A_246 = tpu.memref_slice %arg6[%min3A_15, %dma_wait3A_245] : memref<1000x128xf32, #tpu.memory_space<hbm>> -> memref<64x128xf32, #tpu.memory_space<hbm>>
      %dma_wait3A_247 = arith.constant 0 : i32
      %dma_wait3A_248 = tpu.memref_slice %arg6[%min3A_15, %dma_wait3A_247] : memref<1000x128xf32, #tpu.memory_space<hbm>> -> memref<64x128xf32, #tpu.memory_space<hbm>>
      tpu.wait_dma2 semaphore(%run_scoped3A : memref<!tpu.dma_semaphore, #tpu.memory_space<semaphore_mem>>) src(%dma_wait3A_248 : memref<64x128xf32, #tpu.memory_space<hbm>>) dst(%arg18 : memref<64x128xf32, #tpu.memory_space<vmem>>)
      tpu.yield
    }) : () -> ()
    %scan3A = arith.constant 0 : i32
    %scan3A_16 = arith.constant 0 : i32
    %scan3A_17 = arith.constant 64 : i32
    %scan3A_18 = arith.addi %scan3A_16, %scan3A_17 : i32
    %scan3A_19 = arith.constant 1 : i32
    scf.for %scan3A_241 = %scan3A_16 to %scan3A_18 step %scan3A_19  : i32 {
      %get3A = arith.index_cast %scan3A_241 : i32 to index
      %get3A_242 = arith.constant 0 : index
      %get3A_243 = tpu.vector_load %arg18[%get3A, %get3A_242] {strides = array<i32>} : memref<64x128xf32, #tpu.memory_space<vmem>>, vector<16xf32>,
      %get3A_244 = arith.constant 0 : index
      %get3A_245 = tpu.vector_load %arg17[%get3A_244] {strides = array<i32>} : memref<128xf32, #tpu.memory_space<vmem>>, vector<16xf32>,
      %add3A_246 = arith.addf %get3A_243, %get3A_245 : vector<16xf32>
      %swap3A_247 = arith.index_cast %scan3A_241 : i32 to index
      %swap3A_248 = arith.constant 0 : index
      %swap3A_249 = tpu.vector_load %arg18[%swap3A_247, %swap3A_248] {strides = array<i32>} : memref<64x128xf32, #tpu.memory_space<vmem>>, vector<16xf32>,
      tpu.vector_store %arg18[%swap3A_247, %swap3A_248], %add3A_246 {strides = array<i32>} : memref<64x128xf32, #tpu.memory_space<vmem>>, vector<16xf32>,
      %get3A_250 = arith.index_cast %scan3A_241 : i32 to index
      %get3A_251 = arith.constant 16 : index
      %get3A_252 = tpu.vector_load %arg18[%get3A_250, %get3A_251] {strides = array<i32>} : memref<64x128xf32, #tpu.memory_space<vmem>>, vector<16xf32>,
      %get3A_253 = arith.constant 16 : index
      %get3A_254 = tpu.vector_load %arg17[%get3A_253] {strides = array<i32>} : memref<128xf32, #tpu.memory_space<vmem>>, vector<16xf32>,
      %add3A_255 = arith.addf %get3A_252, %get3A_254 : vector<16xf32>
      %swap3A_256 = arith.index_cast %scan3A_241 : i32 to index
      %swap3A_257 = arith.constant 16 : index
      %swap3A_258 = tpu.vector_load %arg18[%swap3A_256, %swap3A_257] {strides = array<i32>} : memref<64x128xf32, #tpu.memory_space<vmem>>, vector<16xf32>,
      tpu.vector_store %arg18[%swap3A_256, %swap3A_257], %add3A_255 {strides = array<i32>} : memref<64x128xf32, #tpu.memory_space<vmem>>, vector<16xf32>,
      %get3A_259 = arith.index_cast %scan3A_241 : i32 to index
      %get3A_260 = arith.constant 32 : index
      %get3A_261 = tpu.vector_load %arg18[%get3A_259, %get3A_260] {strides = array<i32>} : memref<64x128xf32, #tpu.memory_space<vmem>>, vector<16xf32>,
      %get3A_262 = arith.constant 32 : index
      %get3A_263 = tpu.vector_load %arg17[%get3A_262] {strides = array<i32>} : memref<128xf32, #tpu.memory_space<vmem>>, vector<16xf32>,
      %add3A_264 = arith.addf %get3A_261, %get3A_263 : vector<16xf32>
      %swap3A_265 = arith.index_cast %scan3A_241 : i32 to index
      %swap3A_266 = arith.constant 32 : index
      %swap3A_267 = tpu.vector_load %arg18[%swap3A_265, %swap3A_266] {strides = array<i32>} : memref<64x128xf32, #tpu.memory_space<vmem>>, vector<16xf32>,
      tpu.vector_store %arg18[%swap3A_265, %swap3A_266], %add3A_264 {strides = array<i32>} : memref<64x128xf32, #tpu.memory_space<vmem>>, vector<16xf32>,
      %get3A_268 = arith.index_cast %scan3A_241 : i32 to index
      %get3A_269 = arith.constant 48 : index
      %get3A_270 = tpu.vector_load %arg18[%get3A_268, %get3A_269] {strides = array<i32>} : memref<64x128xf32, #tpu.memory_space<vmem>>, vector<16xf32>,
      %get3A_271 = arith.constant 48 : index
      %get3A_272 = tpu.vector_load %arg17[%get3A_271] {strides = array<i32>} : memref<128xf32, #tpu.memory_space<vmem>>, vector<16xf32>,
      %add3A_273 = arith.addf %get3A_270, %get3A_272 : vector<16xf32>
      %swap3A_274 = arith.index_cast %scan3A_241 : i32 to index
      %swap3A_275 = arith.constant 48 : index
      %swap3A_276 = tpu.vector_load %arg18[%swap3A_274, %swap3A_275] {strides = array<i32>} : memref<64x128xf32, #tpu.memory_space<vmem>>, vector<16xf32>,
      tpu.vector_store %arg18[%swap3A_274, %swap3A_275], %add3A_273 {strides = array<i32>} : memref<64x128xf32, #tpu.memory_space<vmem>>, vector<16xf32>,
      %get3A_277 = arith.index_cast %scan3A_241 : i32 to index
      %get3A_278 = arith.constant 64 : index
      %get3A_279 = tpu.vector_load %arg18[%get3A_277, %get3A_278] {strides = array<i32>} : memref<64x128xf32, #tpu.memory_space<vmem>>, vector<16xf32>,
      %get3A_280 = arith.constant 64 : index
      %get3A_281 = tpu.vector_load %arg17[%get3A_280] {strides = array<i32>} : memref<128xf32, #tpu.memory_space<vmem>>, vector<16xf32>,
      %add3A_282 = arith.addf %get3A_279, %get3A_281 : vector<16xf32>
      %swap3A_283 = arith.index_cast %scan3A_241 : i32 to index
      %swap3A_284 = arith.constant 64 : index
      %swap3A_285 = tpu.vector_load %arg18[%swap3A_283, %swap3A_284] {strides = array<i32>} : memref<64x128xf32, #tpu.memory_space<vmem>>, vector<16xf32>,
      tpu.vector_store %arg18[%swap3A_283, %swap3A_284], %add3A_282 {strides = array<i32>} : memref<64x128xf32, #tpu.memory_space<vmem>>, vector<16xf32>,
      %get3A_286 = arith.index_cast %scan3A_241 : i32 to index
      %get3A_287 = arith.constant 80 : index
      %get3A_288 = tpu.vector_load %arg18[%get3A_286, %get3A_287] {strides = array<i32>} : memref<64x128xf32, #tpu.memory_space<vmem>>, vector<16xf32>,
      %get3A_289 = arith.constant 80 : index
      %get3A_290 = tpu.vector_load %arg17[%get3A_289] {strides = array<i32>} : memref<128xf32, #tpu.memory_space<vmem>>, vector<16xf32>,
      %add3A_291 = arith.addf %get3A_288, %get3A_290 : vector<16xf32>
      %swap3A_292 = arith.index_cast %scan3A_241 : i32 to index
      %swap3A_293 = arith.constant 80 : index
      %swap3A_294 = tpu.vector_load %arg18[%swap3A_292, %swap3A_293] {strides = array<i32>} : memref<64x128xf32, #tpu.memory_space<vmem>>, vector<16xf32>,
      tpu.vector_store %arg18[%swap3A_292, %swap3A_293], %add3A_291 {strides = array<i32>} : memref<64x128xf32, #tpu.memory_space<vmem>>, vector<16xf32>,
      %get3A_295 = arith.index_cast %scan3A_241 : i32 to index
      %get3A_296 = arith.constant 96 : index
      %get3A_297 = tpu.vector_load %arg18[%get3A_295, %get3A_296] {strides = array<i32>} : memref<64x128xf32, #tpu.memory_space<vmem>>, vector<16xf32>,
      %get3A_298 = arith.constant 96 : index
      %get3A_299 = tpu.vector_load %arg17[%get3A_298] {strides = array<i32>} : memref<128xf32, #tpu.memory_space<vmem>>, vector<16xf32>,
      %add3A_300 = arith.addf %get3A_297, %get3A_299 : vector<16xf32>
      %swap3A_301 = arith.index_cast %scan3A_241 : i32 to index
      %swap3A_302 = arith.constant 96 : index
      %swap3A_303 = tpu.vector_load %arg18[%swap3A_301, %swap3A_302] {strides = array<i32>} : memref<64x128xf32, #tpu.memory_space<vmem>>, vector<16xf32>,
      tpu.vector_store %arg18[%swap3A_301, %swap3A_302], %add3A_300 {strides = array<i32>} : memref<64x128xf32, #tpu.memory_space<vmem>>, vector<16xf32>,
      %get3A_304 = arith.index_cast %scan3A_241 : i32 to index
      %get3A_305 = arith.constant 112 : index
      %get3A_306 = tpu.vector_load %arg18[%get3A_304, %get3A_305] {strides = array<i32>} : memref<64x128xf32, #tpu.memory_space<vmem>>, vector<16xf32>,
      %get3A_307 = arith.constant 112 : index
      %get3A_308 = tpu.vector_load %arg17[%get3A_307] {strides = array<i32>} : memref<128xf32, #tpu.memory_space<vmem>>, vector<16xf32>,
      %add3A_309 = arith.addf %get3A_306, %get3A_308 : vector<16xf32>
      %swap3A_310 = arith.index_cast %scan3A_241 : i32 to index
      %swap3A_311 = arith.constant 112 : index
      %swap3A_312 = tpu.vector_load %arg18[%swap3A_310, %swap3A_311] {strides = array<i32>} : memref<64x128xf32, #tpu.memory_space<vmem>>, vector<16xf32>,
      tpu.vector_store %arg18[%swap3A_310, %swap3A_311], %add3A_309 {strides = array<i32>} : memref<64x128xf32, #tpu.memory_space<vmem>>, vector<16xf32>,
    }
    %scan3A_20 = arith.constant 64 : i32
    "tpu.region"() ({
      %run_scoped3A = tpu.sem_alloc : memref<!tpu.dma_semaphore, #tpu.memory_space<semaphore_mem>>
      %dma_start3A_241 = arith.constant 0 : i32
      %dma_start3A_242 = tpu.memref_slice %arg19[%min3A_15, %dma_start3A_241] : memref<1000x128xf32, #tpu.memory_space<vmem_shared>> -> memref<64x128xf32, #tpu.memory_space<vmem_shared>>
      %dma_start3A_243 = arith.constant 0 : i32
      %dma_start3A_244 = tpu.memref_slice %arg19[%min3A_15, %dma_start3A_243] : memref<1000x128xf32, #tpu.memory_space<vmem_shared>> -> memref<64x128xf32, #tpu.memory_space<vmem_shared>>
      tpu.enqueue_dma source(%arg18 : memref<64x128xf32, #tpu.memory_space<vmem>>) target(%dma_start3A_244 : memref<64x128xf32, #tpu.memory_space<vmem_shared>>) target_semaphore(%run_scoped3A : memref<!tpu.dma_semaphore, #tpu.memory_space<semaphore_mem>>)
      %dma_wait3A_245 = arith.constant 0 : i32
      %dma_wait3A_246 = tpu.memref_slice %arg19[%min3A_15, %dma_wait3A_245] : memref<1000x128xf32, #tpu.memory_space<vmem_shared>> -> memref<64x128xf32, #tpu.memory_space<vmem_shared>>
      %dma_wait3A_247 = arith.constant 0 : i32
      %dma_wait3A_248 = tpu.memref_slice %arg19[%min3A_15, %dma_wait3A_247] : memref<1000x128xf32, #tpu.memory_space<vmem_shared>> -> memref<64x128xf32, #tpu.memory_space<vmem_shared>>
      tpu.wait_dma2 semaphore(%run_scoped3A : memref<!tpu.dma_semaphore, #tpu.memory_space<semaphore_mem>>) src(%arg18 : memref<64x128xf32, #tpu.memory_space<vmem>>) dst(%dma_wait3A_248 : memref<64x128xf32, #tpu.memory_space<vmem_shared>>)
      tpu.yield
    }) : () -> ()
    %barrier3A = arith.constant 0 : index
    tpu.barrier barrier_id(%barrier3A)
    %dma_start3A_21 = arith.constant 0 : i32
    %dma_start3A_22 = tpu.memref_slice %arg10[%dma_start3A_21] : memref<512xi32, #tpu.memory_space<vmem>> -> memref<128xi32, #tpu.memory_space<vmem>>
    %dma_start3A_23 = arith.constant 0 : i32
    %dma_start3A_24 = arith.constant 0 : i32
    %dma_start3A_25 = tpu.memref_slice %arg19[%dma_start3A_23, %dma_start3A_24] : memref<1000x128xf32, #tpu.memory_space<vmem_shared>> -> memref<1000x128xf32, #tpu.memory_space<vmem_shared>>
    tpu.enqueue_indirect_dma source(%dma_start3A_25 : memref<1000x128xf32, #tpu.memory_space<vmem_shared>>) target(%arg13 : memref<128x128xf32, #tpu.memory_space<vmem>>) offsets(%dma_start3A_22 : memref<128xi32, #tpu.memory_space<vmem>>) semaphore(%arg23 : memref<!tpu.dma_semaphore, #tpu.memory_space<semaphore_mem>>)
    %iota3A = tpu.iota {dimensions = array<i32: 0>} : vector<16xi32>
    %broadcast_in_dim3A = arith.constant 0.000000e+00 : f32
    %broadcast_in_dim3A_26 = vector.broadcast %broadcast_in_dim3A : f32 to vector<16xf32>
    %add3A_27 = arith.constant 0 : i32
    %add3A_28 = vector.broadcast %add3A_27 : i32 to vector<16xi32>
    %add3A_29 = arith.addi %iota3A, %add3A_28 : vector<16xi32>
    %and3A = arith.constant 15 : i32
    %and3A_30 = vector.broadcast %and3A : i32 to vector<16xi32>
    %and3A_31 = arith.andi %add3A_29, %and3A_30 : vector<16xi32>
    %add3A_32 = arith.constant 1 : i32
    %add3A_33 = vector.broadcast %add3A_32 : i32 to vector<16xi32>
    %add3A_34 = arith.addi %iota3A, %add3A_33 : vector<16xi32>
    %and3A_35 = arith.constant 15 : i32
    %and3A_36 = vector.broadcast %and3A_35 : i32 to vector<16xi32>
    %and3A_37 = arith.andi %add3A_34, %and3A_36 : vector<16xi32>
    %add3A_38 = arith.constant 2 : i32
    %add3A_39 = vector.broadcast %add3A_38 : i32 to vector<16xi32>
    %add3A_40 = arith.addi %iota3A, %add3A_39 : vector<16xi32>
    %and3A_41 = arith.constant 15 : i32
    %and3A_42 = vector.broadcast %and3A_41 : i32 to vector<16xi32>
    %and3A_43 = arith.andi %add3A_40, %and3A_42 : vector<16xi32>
    %add3A_44 = arith.constant 3 : i32
    %add3A_45 = vector.broadcast %add3A_44 : i32 to vector<16xi32>
    %add3A_46 = arith.addi %iota3A, %add3A_45 : vector<16xi32>
    %and3A_47 = arith.constant 15 : i32
    %and3A_48 = vector.broadcast %and3A_47 : i32 to vector<16xi32>
    %and3A_49 = arith.andi %add3A_46, %and3A_48 : vector<16xi32>
    %add3A_50 = arith.constant 4 : i32
    %add3A_51 = vector.broadcast %add3A_50 : i32 to vector<16xi32>
    %add3A_52 = arith.addi %iota3A, %add3A_51 : vector<16xi32>
    %and3A_53 = arith.constant 15 : i32
    %and3A_54 = vector.broadcast %and3A_53 : i32 to vector<16xi32>
    %and3A_55 = arith.andi %add3A_52, %and3A_54 : vector<16xi32>
    %add3A_56 = arith.constant 5 : i32
    %add3A_57 = vector.broadcast %add3A_56 : i32 to vector<16xi32>
    %add3A_58 = arith.addi %iota3A, %add3A_57 : vector<16xi32>
    %and3A_59 = arith.constant 15 : i32
    %and3A_60 = vector.broadcast %and3A_59 : i32 to vector<16xi32>
    %and3A_61 = arith.andi %add3A_58, %and3A_60 : vector<16xi32>
    %add3A_62 = arith.constant 6 : i32
    %add3A_63 = vector.broadcast %add3A_62 : i32 to vector<16xi32>
    %add3A_64 = arith.addi %iota3A, %add3A_63 : vector<16xi32>
    %and3A_65 = arith.constant 15 : i32
    %and3A_66 = vector.broadcast %and3A_65 : i32 to vector<16xi32>
    %and3A_67 = arith.andi %add3A_64, %and3A_66 : vector<16xi32>
    %add3A_68 = arith.constant 7 : i32
    %add3A_69 = vector.broadcast %add3A_68 : i32 to vector<16xi32>
    %add3A_70 = arith.addi %iota3A, %add3A_69 : vector<16xi32>
    %and3A_71 = arith.constant 15 : i32
    %and3A_72 = vector.broadcast %and3A_71 : i32 to vector<16xi32>
    %and3A_73 = arith.andi %add3A_70, %and3A_72 : vector<16xi32>
    %add3A_74 = arith.constant 8 : i32
    %add3A_75 = vector.broadcast %add3A_74 : i32 to vector<16xi32>
    %add3A_76 = arith.addi %iota3A, %add3A_75 : vector<16xi32>
    %and3A_77 = arith.constant 15 : i32
    %and3A_78 = vector.broadcast %and3A_77 : i32 to vector<16xi32>
    %and3A_79 = arith.andi %add3A_76, %and3A_78 : vector<16xi32>
    %add3A_80 = arith.constant 9 : i32
    %add3A_81 = vector.broadcast %add3A_80 : i32 to vector<16xi32>
    %add3A_82 = arith.addi %iota3A, %add3A_81 : vector<16xi32>
    %and3A_83 = arith.constant 15 : i32
    %and3A_84 = vector.broadcast %and3A_83 : i32 to vector<16xi32>
    %and3A_85 = arith.andi %add3A_82, %and3A_84 : vector<16xi32>
    %add3A_86 = arith.constant 10 : i32
    %add3A_87 = vector.broadcast %add3A_86 : i32 to vector<16xi32>
    %add3A_88 = arith.addi %iota3A, %add3A_87 : vector<16xi32>
    %and3A_89 = arith.constant 15 : i32
    %and3A_90 = vector.broadcast %and3A_89 : i32 to vector<16xi32>
    %and3A_91 = arith.andi %add3A_88, %and3A_90 : vector<16xi32>
    %add3A_92 = arith.constant 11 : i32
    %add3A_93 = vector.broadcast %add3A_92 : i32 to vector<16xi32>
    %add3A_94 = arith.addi %iota3A, %add3A_93 : vector<16xi32>
    %and3A_95 = arith.constant 15 : i32
    %and3A_96 = vector.broadcast %and3A_95 : i32 to vector<16xi32>
    %and3A_97 = arith.andi %add3A_94, %and3A_96 : vector<16xi32>
    %add3A_98 = arith.constant 12 : i32
    %add3A_99 = vector.broadcast %add3A_98 : i32 to vector<16xi32>
    %add3A_100 = arith.addi %iota3A, %add3A_99 : vector<16xi32>
    %and3A_101 = arith.constant 15 : i32
    %and3A_102 = vector.broadcast %and3A_101 : i32 to vector<16xi32>
    %and3A_103 = arith.andi %add3A_100, %and3A_102 : vector<16xi32>
    %add3A_104 = arith.constant 13 : i32
    %add3A_105 = vector.broadcast %add3A_104 : i32 to vector<16xi32>
    %add3A_106 = arith.addi %iota3A, %add3A_105 : vector<16xi32>
    %and3A_107 = arith.constant 15 : i32
    %and3A_108 = vector.broadcast %and3A_107 : i32 to vector<16xi32>
    %and3A_109 = arith.andi %add3A_106, %and3A_108 : vector<16xi32>
    %add3A_110 = arith.constant 14 : i32
    %add3A_111 = vector.broadcast %add3A_110 : i32 to vector<16xi32>
    %add3A_112 = arith.addi %iota3A, %add3A_111 : vector<16xi32>
    %and3A_113 = arith.constant 15 : i32
    %and3A_114 = vector.broadcast %and3A_113 : i32 to vector<16xi32>
    %and3A_115 = arith.andi %add3A_112, %and3A_114 : vector<16xi32>
    %add3A_116 = arith.constant 15 : i32
    %add3A_117 = vector.broadcast %add3A_116 : i32 to vector<16xi32>
    %add3A_118 = arith.addi %iota3A, %add3A_117 : vector<16xi32>
    %and3A_119 = arith.constant 15 : i32
    %and3A_120 = vector.broadcast %and3A_119 : i32 to vector<16xi32>
    %and3A_121 = arith.andi %add3A_118, %and3A_120 : vector<16xi32>
    %dma_start3A_122 = arith.constant 128 : i32
    %dma_start3A_123 = tpu.memref_slice %arg9[%dma_start3A_122] : memref<512xi32, #tpu.memory_space<vmem>> -> memref<128xi32, #tpu.memory_space<vmem>>
    %dma_start3A_124 = arith.constant 0 : i32
    %dma_start3A_125 = arith.constant 0 : i32
    %dma_start3A_126 = tpu.memref_slice %arg5[%dma_start3A_124, %dma_start3A_125] : memref<100000x128xf32, #tpu.memory_space<hbm>> -> memref<100000x128xf32, #tpu.memory_space<hbm>>
    tpu.enqueue_indirect_dma source(%dma_start3A_126 : memref<100000x128xf32, #tpu.memory_space<hbm>>) target(%arg12 : memref<128x128xf32, #tpu.memory_space<vmem>>) offsets(%dma_start3A_123 : memref<128xi32, #tpu.memory_space<vmem>>) semaphore(%arg24 : memref<!tpu.dma_semaphore, #tpu.memory_space<semaphore_mem>>)
    %add3A_127 = arith.constant 128 : i32
    %add3A_128 = arith.addi %mul3A_2, %add3A_127 : i32
    %dma_start3A_129 = arith.constant 0 : i32
    %dma_start3A_130 = tpu.memref_slice %arg2[%add3A_128, %dma_start3A_129] : memref<16384x128xf32, #tpu.memory_space<hbm>> -> memref<128x128xf32, #tpu.memory_space<hbm>>
    %dma_start3A_131 = arith.constant 0 : i32
    %dma_start3A_132 = tpu.memref_slice %arg2[%add3A_128, %dma_start3A_131] : memref<16384x128xf32, #tpu.memory_space<hbm>> -> memref<128x128xf32, #tpu.memory_space<hbm>>
    tpu.enqueue_dma source(%dma_start3A_132 : memref<128x128xf32, #tpu.memory_space<hbm>>) target(%arg16 : memref<128x128xf32, #tpu.memory_space<vmem>>) target_semaphore(%arg25 : memref<!tpu.dma_semaphore, #tpu.memory_space<semaphore_mem>>)
    %dma_start3A_133 = arith.constant 128 : i32
    %dma_start3A_134 = tpu.memref_slice %arg10[%dma_start3A_133] : memref<512xi32, #tpu.memory_space<vmem>> -> memref<128xi32, #tpu.memory_space<vmem>>
    %dma_start3A_135 = arith.constant 0 : i32
    %dma_start3A_136 = arith.constant 0 : i32
    %dma_start3A_137 = tpu.memref_slice %arg19[%dma_start3A_135, %dma_start3A_136] : memref<1000x128xf32, #tpu.memory_space<vmem_shared>> -> memref<1000x128xf32, #tpu.memory_space<vmem_shared>>
    tpu.enqueue_indirect_dma source(%dma_start3A_137 : memref<1000x128xf32, #tpu.memory_space<vmem_shared>>) target(%arg14 : memref<128x128xf32, #tpu.memory_space<vmem>>) offsets(%dma_start3A_134 : memref<128xi32, #tpu.memory_space<vmem>>) semaphore(%arg26 : memref<!tpu.dma_semaphore, #tpu.memory_space<semaphore_mem>>)
    %dma_wait3A = arith.constant 0 : i32
    %dma_wait3A_138 = tpu.memref_slice %arg9[%dma_wait3A] : memref<512xi32, #tpu.memory_space<vmem>> -> memref<128xi32, #tpu.memory_space<vmem>>
    %dma_wait3A_139 = arith.constant 0 : i32
    %dma_wait3A_140 = arith.constant 0 : i32
    %dma_wait3A_141 = tpu.memref_slice %arg5[%dma_wait3A_139, %dma_wait3A_140] : memref<100000x128xf32, #tpu.memory_space<hbm>> -> memref<100000x128xf32, #tpu.memory_space<hbm>>
    tpu.wait_indirect_dma semaphore(%arg21 : memref<!tpu.dma_semaphore, #tpu.memory_space<semaphore_mem>>) src(%dma_wait3A_141 : memref<100000x128xf32, #tpu.memory_space<hbm>>) dst(%arg11 : memref<128x128xf32, #tpu.memory_space<vmem>>)
    %dma_wait3A_142 = arith.constant 0 : i32
    %dma_wait3A_143 = tpu.memref_slice %arg2[%add3A_8, %dma_wait3A_142] : memref<16384x128xf32, #tpu.memory_space<hbm>> -> memref<128x128xf32, #tpu.memory_space<hbm>>
    %dma_wait3A_144 = arith.constant 0 : i32
    %dma_wait3A_145 = tpu.memref_slice %arg2[%add3A_8, %dma_wait3A_144] : memref<16384x128xf32, #tpu.memory_space<hbm>> -> memref<128x128xf32, #tpu.memory_space<hbm>>
    tpu.wait_dma2 semaphore(%arg22 : memref<!tpu.dma_semaphore, #tpu.memory_space<semaphore_mem>>) src(%dma_wait3A_145 : memref<128x128xf32, #tpu.memory_space<hbm>>) dst(%arg15 : memref<128x128xf32, #tpu.memory_space<vmem>>)
    %dma_wait3A_146 = arith.constant 0 : i32
    %dma_wait3A_147 = tpu.memref_slice %arg10[%dma_wait3A_146] : memref<512xi32, #tpu.memory_space<vmem>> -> memref<128xi32, #tpu.memory_space<vmem>>
    %dma_wait3A_148 = arith.constant 0 : i32
    %dma_wait3A_149 = arith.constant 0 : i32
    %dma_wait3A_150 = tpu.memref_slice %arg19[%dma_wait3A_148, %dma_wait3A_149] : memref<1000x128xf32, #tpu.memory_space<vmem_shared>> -> memref<1000x128xf32, #tpu.memory_space<vmem_shared>>
    tpu.wait_indirect_dma semaphore(%arg23 : memref<!tpu.dma_semaphore, #tpu.memory_space<semaphore_mem>>) src(%dma_wait3A_150 : memref<1000x128xf32, #tpu.memory_space<vmem_shared>>) dst(%arg13 : memref<128x128xf32, #tpu.memory_space<vmem>>)
    %parallel_loop3A = arith.constant 0 : i32
    %parallel_loop3A_151 = arith.constant 8 : i32
    %parallel_loop3A_152 = arith.constant 1 : i32
    %parallel_loop3A_153 = scf.for %parallel_loop3A_241 = %parallel_loop3A to %parallel_loop3A_151 step %parallel_loop3A_152 iter_args(%parallel_loop3A_242 = %broadcast_in_dim3A_26) -> (vector<16xf32>)  : i32 {
      %parallel_loop3A_243 = arith.constant 16 : i32
      %parallel_loop3A_244 = arith.muli %parallel_loop3A_241, %parallel_loop3A_243 : i32
      %parallel_loop3A_245 = vector.broadcast %parallel_loop3A_244 : i32 to vector<16xi32>
      %parallel_loop3A_246 = arith.addi %parallel_loop3A_245, %iota3A : vector<16xi32>
      %parallel_loop3A_247 = arith.constant 0 : i32
      %parallel_loop3A_248 = arith.constant 8 : i32
      %parallel_loop3A_249 = arith.constant 1 : i32
      %parallel_loop3A_250:6 = scf.for %parallel_loop3A_295 = %parallel_loop3A_247 to %parallel_loop3A_248 step %parallel_loop3A_249 iter_args(%parallel_loop3A_296 = %broadcast_in_dim3A_26, %parallel_loop3A_297 = %broadcast_in_dim3A_26, %parallel_loop3A_298 = %broadcast_in_dim3A_26, %parallel_loop3A_299 = %broadcast_in_dim3A_26, %parallel_loop3A_300 = %broadcast_in_dim3A_26, %parallel_loop3A_301 = %broadcast_in_dim3A_26) -> (vector<16xf32>, vector<16xf32>, vector<16xf32>, vector<16xf32>, vector<16xf32>, vector<16xf32>)  : i32 {
        %parallel_loop3A_302 = arith.constant 16 : i32
        %parallel_loop3A_303 = arith.muli %parallel_loop3A_295, %parallel_loop3A_302 : i32
        %parallel_loop3A_304 = vector.broadcast %parallel_loop3A_303 : i32 to vector<16xi32>
        %parallel_loop3A_305 = arith.addi %and3A_31, %parallel_loop3A_304 : vector<16xi32>
        %parallel_loop3A_306 = tpu.vector_load_idx %arg15[%parallel_loop3A_246, %parallel_loop3A_305] : memref<128x128xf32, #tpu.memory_space<vmem>>[vector<16xi32>, vector<16xi32>], vector<16xf32>,
        %parallel_loop3A_307 = tpu.vector_load_idx %arg11[%parallel_loop3A_246, %parallel_loop3A_305] : memref<128x128xf32, #tpu.memory_space<vmem>>[vector<16xi32>, vector<16xi32>], vector<16xf32>,
        %parallel_loop3A_308 = tpu.vector_load_idx %arg13[%parallel_loop3A_246, %parallel_loop3A_305] : memref<128x128xf32, #tpu.memory_space<vmem>>[vector<16xi32>, vector<16xi32>], vector<16xf32>,
        %parallel_loop3A_309 = arith.addf %parallel_loop3A_307, %parallel_loop3A_308 : vector<16xf32>
        %parallel_loop3A_310 = arith.mulf %parallel_loop3A_309, %parallel_loop3A_309 : vector<16xf32>
        %parallel_loop3A_311 = arith.addf %parallel_loop3A_296, %parallel_loop3A_310 : vector<16xf32>
        %parallel_loop3A_312 = arith.mulf %parallel_loop3A_309, %parallel_loop3A_306 : vector<16xf32>
        %parallel_loop3A_313 = arith.addf %parallel_loop3A_297, %parallel_loop3A_312 : vector<16xf32>
        %parallel_loop3A_314 = arith.mulf %parallel_loop3A_306, %parallel_loop3A_306 : vector<16xf32>
        %parallel_loop3A_315 = arith.addf %parallel_loop3A_298, %parallel_loop3A_314 : vector<16xf32>
        %parallel_loop3A_316 = vector.broadcast %parallel_loop3A_303 : i32 to vector<16xi32>
        %parallel_loop3A_317 = arith.addi %and3A_37, %parallel_loop3A_316 : vector<16xi32>
        %parallel_loop3A_318 = tpu.vector_load_idx %arg15[%parallel_loop3A_246, %parallel_loop3A_317] : memref<128x128xf32, #tpu.memory_space<vmem>>[vector<16xi32>, vector<16xi32>], vector<16xf32>,
        %parallel_loop3A_319 = tpu.vector_load_idx %arg11[%parallel_loop3A_246, %parallel_loop3A_317] : memref<128x128xf32, #tpu.memory_space<vmem>>[vector<16xi32>, vector<16xi32>], vector<16xf32>,
        %parallel_loop3A_320 = tpu.vector_load_idx %arg13[%parallel_loop3A_246, %parallel_loop3A_317] : memref<128x128xf32, #tpu.memory_space<vmem>>[vector<16xi32>, vector<16xi32>], vector<16xf32>,
        %parallel_loop3A_321 = arith.addf %parallel_loop3A_319, %parallel_loop3A_320 : vector<16xf32>
        %parallel_loop3A_322 = arith.mulf %parallel_loop3A_321, %parallel_loop3A_321 : vector<16xf32>
        %parallel_loop3A_323 = arith.addf %parallel_loop3A_299, %parallel_loop3A_322 : vector<16xf32>
        %parallel_loop3A_324 = arith.mulf %parallel_loop3A_321, %parallel_loop3A_318 : vector<16xf32>
        %parallel_loop3A_325 = arith.addf %parallel_loop3A_300, %parallel_loop3A_324 : vector<16xf32>
        %parallel_loop3A_326 = arith.mulf %parallel_loop3A_318, %parallel_loop3A_318 : vector<16xf32>
        %parallel_loop3A_327 = arith.addf %parallel_loop3A_301, %parallel_loop3A_326 : vector<16xf32>
        %parallel_loop3A_328 = vector.broadcast %parallel_loop3A_303 : i32 to vector<16xi32>
        %parallel_loop3A_329 = arith.addi %and3A_43, %parallel_loop3A_328 : vector<16xi32>
        %parallel_loop3A_330 = tpu.vector_load_idx %arg15[%parallel_loop3A_246, %parallel_loop3A_329] : memref<128x128xf32, #tpu.memory_space<vmem>>[vector<16xi32>, vector<16xi32>], vector<16xf32>,
        %parallel_loop3A_331 = tpu.vector_load_idx %arg11[%parallel_loop3A_246, %parallel_loop3A_329] : memref<128x128xf32, #tpu.memory_space<vmem>>[vector<16xi32>, vector<16xi32>], vector<16xf32>,
        %parallel_loop3A_332 = tpu.vector_load_idx %arg13[%parallel_loop3A_246, %parallel_loop3A_329] : memref<128x128xf32, #tpu.memory_space<vmem>>[vector<16xi32>, vector<16xi32>], vector<16xf32>,
        %parallel_loop3A_333 = arith.addf %parallel_loop3A_331, %parallel_loop3A_332 : vector<16xf32>
        %parallel_loop3A_334 = arith.mulf %parallel_loop3A_333, %parallel_loop3A_333 : vector<16xf32>
        %parallel_loop3A_335 = arith.addf %parallel_loop3A_311, %parallel_loop3A_334 : vector<16xf32>
        %parallel_loop3A_336 = arith.mulf %parallel_loop3A_333, %parallel_loop3A_330 : vector<16xf32>
        %parallel_loop3A_337 = arith.addf %parallel_loop3A_313, %parallel_loop3A_336 : vector<16xf32>
        %parallel_loop3A_338 = arith.mulf %parallel_loop3A_330, %parallel_loop3A_330 : vector<16xf32>
        %parallel_loop3A_339 = arith.addf %parallel_loop3A_315, %parallel_loop3A_338 : vector<16xf32>
        %parallel_loop3A_340 = vector.broadcast %parallel_loop3A_303 : i32 to vector<16xi32>
        %parallel_loop3A_341 = arith.addi %and3A_49, %parallel_loop3A_340 : vector<16xi32>
        %parallel_loop3A_342 = tpu.vector_load_idx %arg15[%parallel_loop3A_246, %parallel_loop3A_341] : memref<128x128xf32, #tpu.memory_space<vmem>>[vector<16xi32>, vector<16xi32>], vector<16xf32>,
        %parallel_loop3A_343 = tpu.vector_load_idx %arg11[%parallel_loop3A_246, %parallel_loop3A_341] : memref<128x128xf32, #tpu.memory_space<vmem>>[vector<16xi32>, vector<16xi32>], vector<16xf32>,
        %parallel_loop3A_344 = tpu.vector_load_idx %arg13[%parallel_loop3A_246, %parallel_loop3A_341] : memref<128x128xf32, #tpu.memory_space<vmem>>[vector<16xi32>, vector<16xi32>], vector<16xf32>,
        %parallel_loop3A_345 = arith.addf %parallel_loop3A_343, %parallel_loop3A_344 : vector<16xf32>
        %parallel_loop3A_346 = arith.mulf %parallel_loop3A_345, %parallel_loop3A_345 : vector<16xf32>
        %parallel_loop3A_347 = arith.addf %parallel_loop3A_323, %parallel_loop3A_346 : vector<16xf32>
        %parallel_loop3A_348 = arith.mulf %parallel_loop3A_345, %parallel_loop3A_342 : vector<16xf32>
        %parallel_loop3A_349 = arith.addf %parallel_loop3A_325, %parallel_loop3A_348 : vector<16xf32>
        %parallel_loop3A_350 = arith.mulf %parallel_loop3A_342, %parallel_loop3A_342 : vector<16xf32>
        %parallel_loop3A_351 = arith.addf %parallel_loop3A_327, %parallel_loop3A_350 : vector<16xf32>
        %parallel_loop3A_352 = vector.broadcast %parallel_loop3A_303 : i32 to vector<16xi32>
        %parallel_loop3A_353 = arith.addi %and3A_55, %parallel_loop3A_352 : vector<16xi32>
        %parallel_loop3A_354 = tpu.vector_load_idx %arg15[%parallel_loop3A_246, %parallel_loop3A_353] : memref<128x128xf32, #tpu.memory_space<vmem>>[vector<16xi32>, vector<16xi32>], vector<16xf32>,
        %parallel_loop3A_355 = tpu.vector_load_idx %arg11[%parallel_loop3A_246, %parallel_loop3A_353] : memref<128x128xf32, #tpu.memory_space<vmem>>[vector<16xi32>, vector<16xi32>], vector<16xf32>,
        %parallel_loop3A_356 = tpu.vector_load_idx %arg13[%parallel_loop3A_246, %parallel_loop3A_353] : memref<128x128xf32, #tpu.memory_space<vmem>>[vector<16xi32>, vector<16xi32>], vector<16xf32>,
        %parallel_loop3A_357 = arith.addf %parallel_loop3A_355, %parallel_loop3A_356 : vector<16xf32>
        %parallel_loop3A_358 = arith.mulf %parallel_loop3A_357, %parallel_loop3A_357 : vector<16xf32>
        %parallel_loop3A_359 = arith.addf %parallel_loop3A_335, %parallel_loop3A_358 : vector<16xf32>
        %parallel_loop3A_360 = arith.mulf %parallel_loop3A_357, %parallel_loop3A_354 : vector<16xf32>
        %parallel_loop3A_361 = arith.addf %parallel_loop3A_337, %parallel_loop3A_360 : vector<16xf32>
        %parallel_loop3A_362 = arith.mulf %parallel_loop3A_354, %parallel_loop3A_354 : vector<16xf32>
        %parallel_loop3A_363 = arith.addf %parallel_loop3A_339, %parallel_loop3A_362 : vector<16xf32>
        %parallel_loop3A_364 = vector.broadcast %parallel_loop3A_303 : i32 to vector<16xi32>
        %parallel_loop3A_365 = arith.addi %and3A_61, %parallel_loop3A_364 : vector<16xi32>
        %parallel_loop3A_366 = tpu.vector_load_idx %arg15[%parallel_loop3A_246, %parallel_loop3A_365] : memref<128x128xf32, #tpu.memory_space<vmem>>[vector<16xi32>, vector<16xi32>], vector<16xf32>,
        %parallel_loop3A_367 = tpu.vector_load_idx %arg11[%parallel_loop3A_246, %parallel_loop3A_365] : memref<128x128xf32, #tpu.memory_space<vmem>>[vector<16xi32>, vector<16xi32>], vector<16xf32>,
        %parallel_loop3A_368 = tpu.vector_load_idx %arg13[%parallel_loop3A_246, %parallel_loop3A_365] : memref<128x128xf32, #tpu.memory_space<vmem>>[vector<16xi32>, vector<16xi32>], vector<16xf32>,
        %parallel_loop3A_369 = arith.addf %parallel_loop3A_367, %parallel_loop3A_368 : vector<16xf32>
        %parallel_loop3A_370 = arith.mulf %parallel_loop3A_369, %parallel_loop3A_369 : vector<16xf32>
        %parallel_loop3A_371 = arith.addf %parallel_loop3A_347, %parallel_loop3A_370 : vector<16xf32>
        %parallel_loop3A_372 = arith.mulf %parallel_loop3A_369, %parallel_loop3A_366 : vector<16xf32>
        %parallel_loop3A_373 = arith.addf %parallel_loop3A_349, %parallel_loop3A_372 : vector<16xf32>
        %parallel_loop3A_374 = arith.mulf %parallel_loop3A_366, %parallel_loop3A_366 : vector<16xf32>
        %parallel_loop3A_375 = arith.addf %parallel_loop3A_351, %parallel_loop3A_374 : vector<16xf32>
        %parallel_loop3A_376 = vector.broadcast %parallel_loop3A_303 : i32 to vector<16xi32>
        %parallel_loop3A_377 = arith.addi %and3A_67, %parallel_loop3A_376 : vector<16xi32>
        %parallel_loop3A_378 = tpu.vector_load_idx %arg15[%parallel_loop3A_246, %parallel_loop3A_377] : memref<128x128xf32, #tpu.memory_space<vmem>>[vector<16xi32>, vector<16xi32>], vector<16xf32>,
        %parallel_loop3A_379 = tpu.vector_load_idx %arg11[%parallel_loop3A_246, %parallel_loop3A_377] : memref<128x128xf32, #tpu.memory_space<vmem>>[vector<16xi32>, vector<16xi32>], vector<16xf32>,
        %parallel_loop3A_380 = tpu.vector_load_idx %arg13[%parallel_loop3A_246, %parallel_loop3A_377] : memref<128x128xf32, #tpu.memory_space<vmem>>[vector<16xi32>, vector<16xi32>], vector<16xf32>,
        %parallel_loop3A_381 = arith.addf %parallel_loop3A_379, %parallel_loop3A_380 : vector<16xf32>
        %parallel_loop3A_382 = arith.mulf %parallel_loop3A_381, %parallel_loop3A_381 : vector<16xf32>
        %parallel_loop3A_383 = arith.addf %parallel_loop3A_359, %parallel_loop3A_382 : vector<16xf32>
        %parallel_loop3A_384 = arith.mulf %parallel_loop3A_381, %parallel_loop3A_378 : vector<16xf32>
        %parallel_loop3A_385 = arith.addf %parallel_loop3A_361, %parallel_loop3A_384 : vector<16xf32>
        %parallel_loop3A_386 = arith.mulf %parallel_loop3A_378, %parallel_loop3A_378 : vector<16xf32>
        %parallel_loop3A_387 = arith.addf %parallel_loop3A_363, %parallel_loop3A_386 : vector<16xf32>
        %parallel_loop3A_388 = vector.broadcast %parallel_loop3A_303 : i32 to vector<16xi32>
        %parallel_loop3A_389 = arith.addi %and3A_73, %parallel_loop3A_388 : vector<16xi32>
        %parallel_loop3A_390 = tpu.vector_load_idx %arg15[%parallel_loop3A_246, %parallel_loop3A_389] : memref<128x128xf32, #tpu.memory_space<vmem>>[vector<16xi32>, vector<16xi32>], vector<16xf32>,
        %parallel_loop3A_391 = tpu.vector_load_idx %arg11[%parallel_loop3A_246, %parallel_loop3A_389] : memref<128x128xf32, #tpu.memory_space<vmem>>[vector<16xi32>, vector<16xi32>], vector<16xf32>,
        %parallel_loop3A_392 = tpu.vector_load_idx %arg13[%parallel_loop3A_246, %parallel_loop3A_389] : memref<128x128xf32, #tpu.memory_space<vmem>>[vector<16xi32>, vector<16xi32>], vector<16xf32>,
        %parallel_loop3A_393 = arith.addf %parallel_loop3A_391, %parallel_loop3A_392 : vector<16xf32>
        %parallel_loop3A_394 = arith.mulf %parallel_loop3A_393, %parallel_loop3A_393 : vector<16xf32>
        %parallel_loop3A_395 = arith.addf %parallel_loop3A_371, %parallel_loop3A_394 : vector<16xf32>
        %parallel_loop3A_396 = arith.mulf %parallel_loop3A_393, %parallel_loop3A_390 : vector<16xf32>
        %parallel_loop3A_397 = arith.addf %parallel_loop3A_373, %parallel_loop3A_396 : vector<16xf32>
        %parallel_loop3A_398 = arith.mulf %parallel_loop3A_390, %parallel_loop3A_390 : vector<16xf32>
        %parallel_loop3A_399 = arith.addf %parallel_loop3A_375, %parallel_loop3A_398 : vector<16xf32>
        %parallel_loop3A_400 = vector.broadcast %parallel_loop3A_303 : i32 to vector<16xi32>
        %parallel_loop3A_401 = arith.addi %and3A_79, %parallel_loop3A_400 : vector<16xi32>
        %parallel_loop3A_402 = tpu.vector_load_idx %arg15[%parallel_loop3A_246, %parallel_loop3A_401] : memref<128x128xf32, #tpu.memory_space<vmem>>[vector<16xi32>, vector<16xi32>], vector<16xf32>,
        %parallel_loop3A_403 = tpu.vector_load_idx %arg11[%parallel_loop3A_246, %parallel_loop3A_401] : memref<128x128xf32, #tpu.memory_space<vmem>>[vector<16xi32>, vector<16xi32>], vector<16xf32>,
        %parallel_loop3A_404 = tpu.vector_load_idx %arg13[%parallel_loop3A_246, %parallel_loop3A_401] : memref<128x128xf32, #tpu.memory_space<vmem>>[vector<16xi32>, vector<16xi32>], vector<16xf32>,
        %parallel_loop3A_405 = arith.addf %parallel_loop3A_403, %parallel_loop3A_404 : vector<16xf32>
        %parallel_loop3A_406 = arith.mulf %parallel_loop3A_405, %parallel_loop3A_405 : vector<16xf32>
        %parallel_loop3A_407 = arith.addf %parallel_loop3A_383, %parallel_loop3A_406 : vector<16xf32>
        %parallel_loop3A_408 = arith.mulf %parallel_loop3A_405, %parallel_loop3A_402 : vector<16xf32>
        %parallel_loop3A_409 = arith.addf %parallel_loop3A_385, %parallel_loop3A_408 : vector<16xf32>
        %parallel_loop3A_410 = arith.mulf %parallel_loop3A_402, %parallel_loop3A_402 : vector<16xf32>
        %parallel_loop3A_411 = arith.addf %parallel_loop3A_387, %parallel_loop3A_410 : vector<16xf32>
        %parallel_loop3A_412 = vector.broadcast %parallel_loop3A_303 : i32 to vector<16xi32>
        %parallel_loop3A_413 = arith.addi %and3A_85, %parallel_loop3A_412 : vector<16xi32>
        %parallel_loop3A_414 = tpu.vector_load_idx %arg15[%parallel_loop3A_246, %parallel_loop3A_413] : memref<128x128xf32, #tpu.memory_space<vmem>>[vector<16xi32>, vector<16xi32>], vector<16xf32>,
        %parallel_loop3A_415 = tpu.vector_load_idx %arg11[%parallel_loop3A_246, %parallel_loop3A_413] : memref<128x128xf32, #tpu.memory_space<vmem>>[vector<16xi32>, vector<16xi32>], vector<16xf32>,
        %parallel_loop3A_416 = tpu.vector_load_idx %arg13[%parallel_loop3A_246, %parallel_loop3A_413] : memref<128x128xf32, #tpu.memory_space<vmem>>[vector<16xi32>, vector<16xi32>], vector<16xf32>,
        %parallel_loop3A_417 = arith.addf %parallel_loop3A_415, %parallel_loop3A_416 : vector<16xf32>
        %parallel_loop3A_418 = arith.mulf %parallel_loop3A_417, %parallel_loop3A_417 : vector<16xf32>
        %parallel_loop3A_419 = arith.addf %parallel_loop3A_395, %parallel_loop3A_418 : vector<16xf32>
        %parallel_loop3A_420 = arith.mulf %parallel_loop3A_417, %parallel_loop3A_414 : vector<16xf32>
        %parallel_loop3A_421 = arith.addf %parallel_loop3A_397, %parallel_loop3A_420 : vector<16xf32>
        %parallel_loop3A_422 = arith.mulf %parallel_loop3A_414, %parallel_loop3A_414 : vector<16xf32>
        %parallel_loop3A_423 = arith.addf %parallel_loop3A_399, %parallel_loop3A_422 : vector<16xf32>
        %parallel_loop3A_424 = vector.broadcast %parallel_loop3A_303 : i32 to vector<16xi32>
        %parallel_loop3A_425 = arith.addi %and3A_91, %parallel_loop3A_424 : vector<16xi32>
        %parallel_loop3A_426 = tpu.vector_load_idx %arg15[%parallel_loop3A_246, %parallel_loop3A_425] : memref<128x128xf32, #tpu.memory_space<vmem>>[vector<16xi32>, vector<16xi32>], vector<16xf32>,
        %parallel_loop3A_427 = tpu.vector_load_idx %arg11[%parallel_loop3A_246, %parallel_loop3A_425] : memref<128x128xf32, #tpu.memory_space<vmem>>[vector<16xi32>, vector<16xi32>], vector<16xf32>,
        %parallel_loop3A_428 = tpu.vector_load_idx %arg13[%parallel_loop3A_246, %parallel_loop3A_425] : memref<128x128xf32, #tpu.memory_space<vmem>>[vector<16xi32>, vector<16xi32>], vector<16xf32>,
        %parallel_loop3A_429 = arith.addf %parallel_loop3A_427, %parallel_loop3A_428 : vector<16xf32>
        %parallel_loop3A_430 = arith.mulf %parallel_loop3A_429, %parallel_loop3A_429 : vector<16xf32>
        %parallel_loop3A_431 = arith.addf %parallel_loop3A_407, %parallel_loop3A_430 : vector<16xf32>
        %parallel_loop3A_432 = arith.mulf %parallel_loop3A_429, %parallel_loop3A_426 : vector<16xf32>
        %parallel_loop3A_433 = arith.addf %parallel_loop3A_409, %parallel_loop3A_432 : vector<16xf32>
        %parallel_loop3A_434 = arith.mulf %parallel_loop3A_426, %parallel_loop3A_426 : vector<16xf32>
        %parallel_loop3A_435 = arith.addf %parallel_loop3A_411, %parallel_loop3A_434 : vector<16xf32>
        %parallel_loop3A_436 = vector.broadcast %parallel_loop3A_303 : i32 to vector<16xi32>
        %parallel_loop3A_437 = arith.addi %and3A_97, %parallel_loop3A_436 : vector<16xi32>
        %parallel_loop3A_438 = tpu.vector_load_idx %arg15[%parallel_loop3A_246, %parallel_loop3A_437] : memref<128x128xf32, #tpu.memory_space<vmem>>[vector<16xi32>, vector<16xi32>], vector<16xf32>,
        %parallel_loop3A_439 = tpu.vector_load_idx %arg11[%parallel_loop3A_246, %parallel_loop3A_437] : memref<128x128xf32, #tpu.memory_space<vmem>>[vector<16xi32>, vector<16xi32>], vector<16xf32>,
        %parallel_loop3A_440 = tpu.vector_load_idx %arg13[%parallel_loop3A_246, %parallel_loop3A_437] : memref<128x128xf32, #tpu.memory_space<vmem>>[vector<16xi32>, vector<16xi32>], vector<16xf32>,
        %parallel_loop3A_441 = arith.addf %parallel_loop3A_439, %parallel_loop3A_440 : vector<16xf32>
        %parallel_loop3A_442 = arith.mulf %parallel_loop3A_441, %parallel_loop3A_441 : vector<16xf32>
        %parallel_loop3A_443 = arith.addf %parallel_loop3A_419, %parallel_loop3A_442 : vector<16xf32>
        %parallel_loop3A_444 = arith.mulf %parallel_loop3A_441, %parallel_loop3A_438 : vector<16xf32>
        %parallel_loop3A_445 = arith.addf %parallel_loop3A_421, %parallel_loop3A_444 : vector<16xf32>
        %parallel_loop3A_446 = arith.mulf %parallel_loop3A_438, %parallel_loop3A_438 : vector<16xf32>
        %parallel_loop3A_447 = arith.addf %parallel_loop3A_423, %parallel_loop3A_446 : vector<16xf32>
        %parallel_loop3A_448 = vector.broadcast %parallel_loop3A_303 : i32 to vector<16xi32>
        %parallel_loop3A_449 = arith.addi %and3A_103, %parallel_loop3A_448 : vector<16xi32>
        %parallel_loop3A_450 = tpu.vector_load_idx %arg15[%parallel_loop3A_246, %parallel_loop3A_449] : memref<128x128xf32, #tpu.memory_space<vmem>>[vector<16xi32>, vector<16xi32>], vector<16xf32>,
        %parallel_loop3A_451 = tpu.vector_load_idx %arg11[%parallel_loop3A_246, %parallel_loop3A_449] : memref<128x128xf32, #tpu.memory_space<vmem>>[vector<16xi32>, vector<16xi32>], vector<16xf32>,
        %parallel_loop3A_452 = tpu.vector_load_idx %arg13[%parallel_loop3A_246, %parallel_loop3A_449] : memref<128x128xf32, #tpu.memory_space<vmem>>[vector<16xi32>, vector<16xi32>], vector<16xf32>,
        %parallel_loop3A_453 = arith.addf %parallel_loop3A_451, %parallel_loop3A_452 : vector<16xf32>
        %parallel_loop3A_454 = arith.mulf %parallel_loop3A_453, %parallel_loop3A_453 : vector<16xf32>
        %parallel_loop3A_455 = arith.addf %parallel_loop3A_431, %parallel_loop3A_454 : vector<16xf32>
        %parallel_loop3A_456 = arith.mulf %parallel_loop3A_453, %parallel_loop3A_450 : vector<16xf32>
        %parallel_loop3A_457 = arith.addf %parallel_loop3A_433, %parallel_loop3A_456 : vector<16xf32>
        %parallel_loop3A_458 = arith.mulf %parallel_loop3A_450, %parallel_loop3A_450 : vector<16xf32>
        %parallel_loop3A_459 = arith.addf %parallel_loop3A_435, %parallel_loop3A_458 : vector<16xf32>
        %parallel_loop3A_460 = vector.broadcast %parallel_loop3A_303 : i32 to vector<16xi32>
        %parallel_loop3A_461 = arith.addi %and3A_109, %parallel_loop3A_460 : vector<16xi32>
        %parallel_loop3A_462 = tpu.vector_load_idx %arg15[%parallel_loop3A_246, %parallel_loop3A_461] : memref<128x128xf32, #tpu.memory_space<vmem>>[vector<16xi32>, vector<16xi32>], vector<16xf32>,
        %parallel_loop3A_463 = tpu.vector_load_idx %arg11[%parallel_loop3A_246, %parallel_loop3A_461] : memref<128x128xf32, #tpu.memory_space<vmem>>[vector<16xi32>, vector<16xi32>], vector<16xf32>,
        %parallel_loop3A_464 = tpu.vector_load_idx %arg13[%parallel_loop3A_246, %parallel_loop3A_461] : memref<128x128xf32, #tpu.memory_space<vmem>>[vector<16xi32>, vector<16xi32>], vector<16xf32>,
        %parallel_loop3A_465 = arith.addf %parallel_loop3A_463, %parallel_loop3A_464 : vector<16xf32>
        %parallel_loop3A_466 = arith.mulf %parallel_loop3A_465, %parallel_loop3A_465 : vector<16xf32>
        %parallel_loop3A_467 = arith.addf %parallel_loop3A_443, %parallel_loop3A_466 : vector<16xf32>
        %parallel_loop3A_468 = arith.mulf %parallel_loop3A_465, %parallel_loop3A_462 : vector<16xf32>
        %parallel_loop3A_469 = arith.addf %parallel_loop3A_445, %parallel_loop3A_468 : vector<16xf32>
        %parallel_loop3A_470 = arith.mulf %parallel_loop3A_462, %parallel_loop3A_462 : vector<16xf32>
        %parallel_loop3A_471 = arith.addf %parallel_loop3A_447, %parallel_loop3A_470 : vector<16xf32>
        %parallel_loop3A_472 = vector.broadcast %parallel_loop3A_303 : i32 to vector<16xi32>
        %parallel_loop3A_473 = arith.addi %and3A_115, %parallel_loop3A_472 : vector<16xi32>
        %parallel_loop3A_474 = tpu.vector_load_idx %arg15[%parallel_loop3A_246, %parallel_loop3A_473] : memref<128x128xf32, #tpu.memory_space<vmem>>[vector<16xi32>, vector<16xi32>], vector<16xf32>,
        %parallel_loop3A_475 = tpu.vector_load_idx %arg11[%parallel_loop3A_246, %parallel_loop3A_473] : memref<128x128xf32, #tpu.memory_space<vmem>>[vector<16xi32>, vector<16xi32>], vector<16xf32>,
        %parallel_loop3A_476 = tpu.vector_load_idx %arg13[%parallel_loop3A_246, %parallel_loop3A_473] : memref<128x128xf32, #tpu.memory_space<vmem>>[vector<16xi32>, vector<16xi32>], vector<16xf32>,
        %parallel_loop3A_477 = arith.addf %parallel_loop3A_475, %parallel_loop3A_476 : vector<16xf32>
        %parallel_loop3A_478 = arith.mulf %parallel_loop3A_477, %parallel_loop3A_477 : vector<16xf32>
        %parallel_loop3A_479 = arith.addf %parallel_loop3A_455, %parallel_loop3A_478 : vector<16xf32>
        %parallel_loop3A_480 = arith.mulf %parallel_loop3A_477, %parallel_loop3A_474 : vector<16xf32>
        %parallel_loop3A_481 = arith.addf %parallel_loop3A_457, %parallel_loop3A_480 : vector<16xf32>
        %parallel_loop3A_482 = arith.mulf %parallel_loop3A_474, %parallel_loop3A_474 : vector<16xf32>
        %parallel_loop3A_483 = arith.addf %parallel_loop3A_459, %parallel_loop3A_482 : vector<16xf32>
        %parallel_loop3A_484 = vector.broadcast %parallel_loop3A_303 : i32 to vector<16xi32>
        %parallel_loop3A_485 = arith.addi %and3A_121, %parallel_loop3A_484 : vector<16xi32>
        %parallel_loop3A_486 = tpu.vector_load_idx %arg15[%parallel_loop3A_246, %parallel_loop3A_485] : memref<128x128xf32, #tpu.memory_space<vmem>>[vector<16xi32>, vector<16xi32>], vector<16xf32>,
        %parallel_loop3A_487 = tpu.vector_load_idx %arg11[%parallel_loop3A_246, %parallel_loop3A_485] : memref<128x128xf32, #tpu.memory_space<vmem>>[vector<16xi32>, vector<16xi32>], vector<16xf32>,
        %parallel_loop3A_488 = tpu.vector_load_idx %arg13[%parallel_loop3A_246, %parallel_loop3A_485] : memref<128x128xf32, #tpu.memory_space<vmem>>[vector<16xi32>, vector<16xi32>], vector<16xf32>,
        %parallel_loop3A_489 = arith.addf %parallel_loop3A_487, %parallel_loop3A_488 : vector<16xf32>
        %parallel_loop3A_490 = arith.mulf %parallel_loop3A_489, %parallel_loop3A_489 : vector<16xf32>
        %parallel_loop3A_491 = arith.addf %parallel_loop3A_467, %parallel_loop3A_490 : vector<16xf32>
        %parallel_loop3A_492 = arith.mulf %parallel_loop3A_489, %parallel_loop3A_486 : vector<16xf32>
        %parallel_loop3A_493 = arith.addf %parallel_loop3A_469, %parallel_loop3A_492 : vector<16xf32>
        %parallel_loop3A_494 = arith.mulf %parallel_loop3A_486, %parallel_loop3A_486 : vector<16xf32>
        %parallel_loop3A_495 = arith.addf %parallel_loop3A_471, %parallel_loop3A_494 : vector<16xf32>
        scf.yield %parallel_loop3A_479, %parallel_loop3A_481, %parallel_loop3A_483, %parallel_loop3A_491, %parallel_loop3A_493, %parallel_loop3A_495 : vector<16xf32>, vector<16xf32>, vector<16xf32>, vector<16xf32>, vector<16xf32>, vector<16xf32>
      } {sc.loop_unroll_factor = 2 : i64, sc.parallel_access}
      %parallel_loop3A_251 = arith.addf %parallel_loop3A_250#0, %parallel_loop3A_250#3 : vector<16xf32>
      %parallel_loop3A_252 = arith.addf %parallel_loop3A_250#1, %parallel_loop3A_250#4 : vector<16xf32>
      %parallel_loop3A_253 = arith.addf %parallel_loop3A_250#2, %parallel_loop3A_250#5 : vector<16xf32>
      %parallel_loop3A_254 = arith.addf %parallel_loop3A_242, %parallel_loop3A_251 : vector<16xf32>
      %parallel_loop3A_255 = arith.constant 2.000000e+00 : f32
      %parallel_loop3A_256 = vector.broadcast %parallel_loop3A_255 : f32 to vector<16xf32>
      %parallel_loop3A_257 = arith.mulf %parallel_loop3A_256, %parallel_loop3A_252 : vector<16xf32>
      %parallel_loop3A_258 = tpu.bitcast %parallel_loop3A_253 : vector<16xf32> -> vector<16xi32>
      %parallel_loop3A_259 = arith.constant 1 : i32
      %parallel_loop3A_260 = vector.broadcast %parallel_loop3A_259 : i32 to vector<16xi32>
      %parallel_loop3A_261 = arith.shrui %parallel_loop3A_258, %parallel_loop3A_260 : vector<16xi32>
      %parallel_loop3A_262 = arith.constant 1597463007 : i32
      %parallel_loop3A_263 = vector.broadcast %parallel_loop3A_262 : i32 to vector<16xi32>
      %parallel_loop3A_264 = arith.subi %parallel_loop3A_263, %parallel_loop3A_261 : vector<16xi32>
      %parallel_loop3A_265 = tpu.bitcast %parallel_loop3A_264 : vector<16xi32> -> vector<16xf32>
      %parallel_loop3A_266 = arith.constant 5.000000e-01 : f32
      %parallel_loop3A_267 = vector.broadcast %parallel_loop3A_266 : f32 to vector<16xf32>
      %parallel_loop3A_268 = arith.mulf %parallel_loop3A_267, %parallel_loop3A_253 : vector<16xf32>
      %parallel_loop3A_269 = arith.mulf %parallel_loop3A_268, %parallel_loop3A_265 : vector<16xf32>
      %parallel_loop3A_270 = arith.mulf %parallel_loop3A_269, %parallel_loop3A_265 : vector<16xf32>
      %parallel_loop3A_271 = arith.constant 1.500000e+00 : f32
      %parallel_loop3A_272 = vector.broadcast %parallel_loop3A_271 : f32 to vector<16xf32>
      %parallel_loop3A_273 = arith.subf %parallel_loop3A_272, %parallel_loop3A_270 : vector<16xf32>
      %parallel_loop3A_274 = arith.mulf %parallel_loop3A_265, %parallel_loop3A_273 : vector<16xf32>
      %parallel_loop3A_275 = arith.constant 5.000000e-01 : f32
      %parallel_loop3A_276 = vector.broadcast %parallel_loop3A_275 : f32 to vector<16xf32>
      %parallel_loop3A_277 = arith.mulf %parallel_loop3A_276, %parallel_loop3A_253 : vector<16xf32>
      %parallel_loop3A_278 = arith.mulf %parallel_loop3A_277, %parallel_loop3A_274 : vector<16xf32>
      %parallel_loop3A_279 = arith.mulf %parallel_loop3A_278, %parallel_loop3A_274 : vector<16xf32>
      %parallel_loop3A_280 = arith.constant 1.500000e+00 : f32
      %parallel_loop3A_281 = vector.broadcast %parallel_loop3A_280 : f32 to vector<16xf32>
      %parallel_loop3A_282 = arith.subf %parallel_loop3A_281, %parallel_loop3A_279 : vector<16xf32>
      %parallel_loop3A_283 = arith.mulf %parallel_loop3A_274, %parallel_loop3A_282 : vector<16xf32>
      %parallel_loop3A_284 = arith.constant 5.000000e-01 : f32
      %parallel_loop3A_285 = vector.broadcast %parallel_loop3A_284 : f32 to vector<16xf32>
      %parallel_loop3A_286 = arith.mulf %parallel_loop3A_285, %parallel_loop3A_253 : vector<16xf32>
      %parallel_loop3A_287 = arith.mulf %parallel_loop3A_286, %parallel_loop3A_283 : vector<16xf32>
      %parallel_loop3A_288 = arith.mulf %parallel_loop3A_287, %parallel_loop3A_283 : vector<16xf32>
      %parallel_loop3A_289 = arith.constant 1.500000e+00 : f32
      %parallel_loop3A_290 = vector.broadcast %parallel_loop3A_289 : f32 to vector<16xf32>
      %parallel_loop3A_291 = arith.subf %parallel_loop3A_290, %parallel_loop3A_288 : vector<16xf32>
      %parallel_loop3A_292 = arith.mulf %parallel_loop3A_283, %parallel_loop3A_291 : vector<16xf32>
      %parallel_loop3A_293 = arith.mulf %parallel_loop3A_257, %parallel_loop3A_292 : vector<16xf32>
      %parallel_loop3A_294 = arith.subf %parallel_loop3A_254, %parallel_loop3A_293 : vector<16xf32>
      scf.yield %parallel_loop3A_294 : vector<16xf32>
    } {sc.loop_unroll_factor = 1 : i64, sc.parallel_access}
    %dma_start3A_154 = arith.constant 256 : i32
    %dma_start3A_155 = tpu.memref_slice %arg9[%dma_start3A_154] : memref<512xi32, #tpu.memory_space<vmem>> -> memref<128xi32, #tpu.memory_space<vmem>>
    %dma_start3A_156 = arith.constant 0 : i32
    %dma_start3A_157 = arith.constant 0 : i32
    %dma_start3A_158 = tpu.memref_slice %arg5[%dma_start3A_156, %dma_start3A_157] : memref<100000x128xf32, #tpu.memory_space<hbm>> -> memref<100000x128xf32, #tpu.memory_space<hbm>>
    tpu.enqueue_indirect_dma source(%dma_start3A_158 : memref<100000x128xf32, #tpu.memory_space<hbm>>) target(%arg11 : memref<128x128xf32, #tpu.memory_space<vmem>>) offsets(%dma_start3A_155 : memref<128xi32, #tpu.memory_space<vmem>>) semaphore(%arg21 : memref<!tpu.dma_semaphore, #tpu.memory_space<semaphore_mem>>)
    %add3A_159 = arith.constant 256 : i32
    %add3A_160 = arith.addi %mul3A_2, %add3A_159 : i32
    %dma_start3A_161 = arith.constant 0 : i32
    %dma_start3A_162 = tpu.memref_slice %arg2[%add3A_160, %dma_start3A_161] : memref<16384x128xf32, #tpu.memory_space<hbm>> -> memref<128x128xf32, #tpu.memory_space<hbm>>
    %dma_start3A_163 = arith.constant 0 : i32
    %dma_start3A_164 = tpu.memref_slice %arg2[%add3A_160, %dma_start3A_163] : memref<16384x128xf32, #tpu.memory_space<hbm>> -> memref<128x128xf32, #tpu.memory_space<hbm>>
    tpu.enqueue_dma source(%dma_start3A_164 : memref<128x128xf32, #tpu.memory_space<hbm>>) target(%arg15 : memref<128x128xf32, #tpu.memory_space<vmem>>) target_semaphore(%arg22 : memref<!tpu.dma_semaphore, #tpu.memory_space<semaphore_mem>>)
    %dma_start3A_165 = arith.constant 256 : i32
    %dma_start3A_166 = tpu.memref_slice %arg10[%dma_start3A_165] : memref<512xi32, #tpu.memory_space<vmem>> -> memref<128xi32, #tpu.memory_space<vmem>>
    %dma_start3A_167 = arith.constant 0 : i32
    %dma_start3A_168 = arith.constant 0 : i32
    %dma_start3A_169 = tpu.memref_slice %arg19[%dma_start3A_167, %dma_start3A_168] : memref<1000x128xf32, #tpu.memory_space<vmem_shared>> -> memref<1000x128xf32, #tpu.memory_space<vmem_shared>>
    tpu.enqueue_indirect_dma source(%dma_start3A_169 : memref<1000x128xf32, #tpu.memory_space<vmem_shared>>) target(%arg13 : memref<128x128xf32, #tpu.memory_space<vmem>>) offsets(%dma_start3A_166 : memref<128xi32, #tpu.memory_space<vmem>>) semaphore(%arg23 : memref<!tpu.dma_semaphore, #tpu.memory_space<semaphore_mem>>)
    %dma_wait3A_170 = arith.constant 128 : i32
    %dma_wait3A_171 = tpu.memref_slice %arg9[%dma_wait3A_170] : memref<512xi32, #tpu.memory_space<vmem>> -> memref<128xi32, #tpu.memory_space<vmem>>
    %dma_wait3A_172 = arith.constant 0 : i32
    %dma_wait3A_173 = arith.constant 0 : i32
    %dma_wait3A_174 = tpu.memref_slice %arg5[%dma_wait3A_172, %dma_wait3A_173] : memref<100000x128xf32, #tpu.memory_space<hbm>> -> memref<100000x128xf32, #tpu.memory_space<hbm>>
    tpu.wait_indirect_dma semaphore(%arg24 : memref<!tpu.dma_semaphore, #tpu.memory_space<semaphore_mem>>) src(%dma_wait3A_174 : memref<100000x128xf32, #tpu.memory_space<hbm>>) dst(%arg12 : memref<128x128xf32, #tpu.memory_space<vmem>>)
    %dma_wait3A_175 = arith.constant 0 : i32
    %dma_wait3A_176 = tpu.memref_slice %arg2[%add3A_128, %dma_wait3A_175] : memref<16384x128xf32, #tpu.memory_space<hbm>> -> memref<128x128xf32, #tpu.memory_space<hbm>>
    %dma_wait3A_177 = arith.constant 0 : i32
    %dma_wait3A_178 = tpu.memref_slice %arg2[%add3A_128, %dma_wait3A_177] : memref<16384x128xf32, #tpu.memory_space<hbm>> -> memref<128x128xf32, #tpu.memory_space<hbm>>
    tpu.wait_dma2 semaphore(%arg25 : memref<!tpu.dma_semaphore, #tpu.memory_space<semaphore_mem>>) src(%dma_wait3A_178 : memref<128x128xf32, #tpu.memory_space<hbm>>) dst(%arg16 : memref<128x128xf32, #tpu.memory_space<vmem>>)
    %dma_wait3A_179 = arith.constant 128 : i32
    %dma_wait3A_180 = tpu.memref_slice %arg10[%dma_wait3A_179] : memref<512xi32, #tpu.memory_space<vmem>> -> memref<128xi32, #tpu.memory_space<vmem>>
    %dma_wait3A_181 = arith.constant 0 : i32
    %dma_wait3A_182 = arith.constant 0 : i32
    %dma_wait3A_183 = tpu.memref_slice %arg19[%dma_wait3A_181, %dma_wait3A_182] : memref<1000x128xf32, #tpu.memory_space<vmem_shared>> -> memref<1000x128xf32, #tpu.memory_space<vmem_shared>>
    tpu.wait_indirect_dma semaphore(%arg26 : memref<!tpu.dma_semaphore, #tpu.memory_space<semaphore_mem>>) src(%dma_wait3A_183 : memref<1000x128xf32, #tpu.memory_space<vmem_shared>>) dst(%arg14 : memref<128x128xf32, #tpu.memory_space<vmem>>)
    %parallel_loop3A_184 = arith.constant 0 : i32
    %parallel_loop3A_185 = arith.constant 8 : i32
    %parallel_loop3A_186 = arith.constant 1 : i32
    %parallel_loop3A_187 = scf.for %parallel_loop3A_241 = %parallel_loop3A_184 to %parallel_loop3A_185 step %parallel_loop3A_186 iter_args(%parallel_loop3A_242 = %parallel_loop3A_153) -> (vector<16xf32>)  : i32 {
      %parallel_loop3A_243 = arith.constant 16 : i32
      %parallel_loop3A_244 = arith.muli %parallel_loop3A_241, %parallel_loop3A_243 : i32
      %parallel_loop3A_245 = vector.broadcast %parallel_loop3A_244 : i32 to vector<16xi32>
      %parallel_loop3A_246 = arith.addi %parallel_loop3A_245, %iota3A : vector<16xi32>
      %parallel_loop3A_247 = arith.constant 0 : i32
      %parallel_loop3A_248 = arith.constant 8 : i32
      %parallel_loop3A_249 = arith.constant 1 : i32
      %parallel_loop3A_250:6 = scf.for %parallel_loop3A_295 = %parallel_loop3A_247 to %parallel_loop3A_248 step %parallel_loop3A_249 iter_args(%parallel_loop3A_296 = %broadcast_in_dim3A_26, %parallel_loop3A_297 = %broadcast_in_dim3A_26, %parallel_loop3A_298 = %broadcast_in_dim3A_26, %parallel_loop3A_299 = %broadcast_in_dim3A_26, %parallel_loop3A_300 = %broadcast_in_dim3A_26, %parallel_loop3A_301 = %broadcast_in_dim3A_26) -> (vector<16xf32>, vector<16xf32>, vector<16xf32>, vector<16xf32>, vector<16xf32>, vector<16xf32>)  : i32 {
        %parallel_loop3A_302 = arith.constant 16 : i32
        %parallel_loop3A_303 = arith.muli %parallel_loop3A_295, %parallel_loop3A_302 : i32
        %parallel_loop3A_304 = vector.broadcast %parallel_loop3A_303 : i32 to vector<16xi32>
        %parallel_loop3A_305 = arith.addi %and3A_31, %parallel_loop3A_304 : vector<16xi32>
        %parallel_loop3A_306 = tpu.vector_load_idx %arg16[%parallel_loop3A_246, %parallel_loop3A_305] : memref<128x128xf32, #tpu.memory_space<vmem>>[vector<16xi32>, vector<16xi32>], vector<16xf32>,
        %parallel_loop3A_307 = tpu.vector_load_idx %arg12[%parallel_loop3A_246, %parallel_loop3A_305] : memref<128x128xf32, #tpu.memory_space<vmem>>[vector<16xi32>, vector<16xi32>], vector<16xf32>,
        %parallel_loop3A_308 = tpu.vector_load_idx %arg14[%parallel_loop3A_246, %parallel_loop3A_305] : memref<128x128xf32, #tpu.memory_space<vmem>>[vector<16xi32>, vector<16xi32>], vector<16xf32>,
        %parallel_loop3A_309 = arith.addf %parallel_loop3A_307, %parallel_loop3A_308 : vector<16xf32>
        %parallel_loop3A_310 = arith.mulf %parallel_loop3A_309, %parallel_loop3A_309 : vector<16xf32>
        %parallel_loop3A_311 = arith.addf %parallel_loop3A_296, %parallel_loop3A_310 : vector<16xf32>
        %parallel_loop3A_312 = arith.mulf %parallel_loop3A_309, %parallel_loop3A_306 : vector<16xf32>
        %parallel_loop3A_313 = arith.addf %parallel_loop3A_297, %parallel_loop3A_312 : vector<16xf32>
        %parallel_loop3A_314 = arith.mulf %parallel_loop3A_306, %parallel_loop3A_306 : vector<16xf32>
        %parallel_loop3A_315 = arith.addf %parallel_loop3A_298, %parallel_loop3A_314 : vector<16xf32>
        %parallel_loop3A_316 = vector.broadcast %parallel_loop3A_303 : i32 to vector<16xi32>
        %parallel_loop3A_317 = arith.addi %and3A_37, %parallel_loop3A_316 : vector<16xi32>
        %parallel_loop3A_318 = tpu.vector_load_idx %arg16[%parallel_loop3A_246, %parallel_loop3A_317] : memref<128x128xf32, #tpu.memory_space<vmem>>[vector<16xi32>, vector<16xi32>], vector<16xf32>,
        %parallel_loop3A_319 = tpu.vector_load_idx %arg12[%parallel_loop3A_246, %parallel_loop3A_317] : memref<128x128xf32, #tpu.memory_space<vmem>>[vector<16xi32>, vector<16xi32>], vector<16xf32>,
        %parallel_loop3A_320 = tpu.vector_load_idx %arg14[%parallel_loop3A_246, %parallel_loop3A_317] : memref<128x128xf32, #tpu.memory_space<vmem>>[vector<16xi32>, vector<16xi32>], vector<16xf32>,
        %parallel_loop3A_321 = arith.addf %parallel_loop3A_319, %parallel_loop3A_320 : vector<16xf32>
        %parallel_loop3A_322 = arith.mulf %parallel_loop3A_321, %parallel_loop3A_321 : vector<16xf32>
        %parallel_loop3A_323 = arith.addf %parallel_loop3A_299, %parallel_loop3A_322 : vector<16xf32>
        %parallel_loop3A_324 = arith.mulf %parallel_loop3A_321, %parallel_loop3A_318 : vector<16xf32>
        %parallel_loop3A_325 = arith.addf %parallel_loop3A_300, %parallel_loop3A_324 : vector<16xf32>
        %parallel_loop3A_326 = arith.mulf %parallel_loop3A_318, %parallel_loop3A_318 : vector<16xf32>
        %parallel_loop3A_327 = arith.addf %parallel_loop3A_301, %parallel_loop3A_326 : vector<16xf32>
        %parallel_loop3A_328 = vector.broadcast %parallel_loop3A_303 : i32 to vector<16xi32>
        %parallel_loop3A_329 = arith.addi %and3A_43, %parallel_loop3A_328 : vector<16xi32>
        %parallel_loop3A_330 = tpu.vector_load_idx %arg16[%parallel_loop3A_246, %parallel_loop3A_329] : memref<128x128xf32, #tpu.memory_space<vmem>>[vector<16xi32>, vector<16xi32>], vector<16xf32>,
        %parallel_loop3A_331 = tpu.vector_load_idx %arg12[%parallel_loop3A_246, %parallel_loop3A_329] : memref<128x128xf32, #tpu.memory_space<vmem>>[vector<16xi32>, vector<16xi32>], vector<16xf32>,
        %parallel_loop3A_332 = tpu.vector_load_idx %arg14[%parallel_loop3A_246, %parallel_loop3A_329] : memref<128x128xf32, #tpu.memory_space<vmem>>[vector<16xi32>, vector<16xi32>], vector<16xf32>,
        %parallel_loop3A_333 = arith.addf %parallel_loop3A_331, %parallel_loop3A_332 : vector<16xf32>
        %parallel_loop3A_334 = arith.mulf %parallel_loop3A_333, %parallel_loop3A_333 : vector<16xf32>
        %parallel_loop3A_335 = arith.addf %parallel_loop3A_311, %parallel_loop3A_334 : vector<16xf32>
        %parallel_loop3A_336 = arith.mulf %parallel_loop3A_333, %parallel_loop3A_330 : vector<16xf32>
        %parallel_loop3A_337 = arith.addf %parallel_loop3A_313, %parallel_loop3A_336 : vector<16xf32>
        %parallel_loop3A_338 = arith.mulf %parallel_loop3A_330, %parallel_loop3A_330 : vector<16xf32>
        %parallel_loop3A_339 = arith.addf %parallel_loop3A_315, %parallel_loop3A_338 : vector<16xf32>
        %parallel_loop3A_340 = vector.broadcast %parallel_loop3A_303 : i32 to vector<16xi32>
        %parallel_loop3A_341 = arith.addi %and3A_49, %parallel_loop3A_340 : vector<16xi32>
        %parallel_loop3A_342 = tpu.vector_load_idx %arg16[%parallel_loop3A_246, %parallel_loop3A_341] : memref<128x128xf32, #tpu.memory_space<vmem>>[vector<16xi32>, vector<16xi32>], vector<16xf32>,
        %parallel_loop3A_343 = tpu.vector_load_idx %arg12[%parallel_loop3A_246, %parallel_loop3A_341] : memref<128x128xf32, #tpu.memory_space<vmem>>[vector<16xi32>, vector<16xi32>], vector<16xf32>,
        %parallel_loop3A_344 = tpu.vector_load_idx %arg14[%parallel_loop3A_246, %parallel_loop3A_341] : memref<128x128xf32, #tpu.memory_space<vmem>>[vector<16xi32>, vector<16xi32>], vector<16xf32>,
        %parallel_loop3A_345 = arith.addf %parallel_loop3A_343, %parallel_loop3A_344 : vector<16xf32>
        %parallel_loop3A_346 = arith.mulf %parallel_loop3A_345, %parallel_loop3A_345 : vector<16xf32>
        %parallel_loop3A_347 = arith.addf %parallel_loop3A_323, %parallel_loop3A_346 : vector<16xf32>
        %parallel_loop3A_348 = arith.mulf %parallel_loop3A_345, %parallel_loop3A_342 : vector<16xf32>
        %parallel_loop3A_349 = arith.addf %parallel_loop3A_325, %parallel_loop3A_348 : vector<16xf32>
        %parallel_loop3A_350 = arith.mulf %parallel_loop3A_342, %parallel_loop3A_342 : vector<16xf32>
        %parallel_loop3A_351 = arith.addf %parallel_loop3A_327, %parallel_loop3A_350 : vector<16xf32>
        %parallel_loop3A_352 = vector.broadcast %parallel_loop3A_303 : i32 to vector<16xi32>
        %parallel_loop3A_353 = arith.addi %and3A_55, %parallel_loop3A_352 : vector<16xi32>
        %parallel_loop3A_354 = tpu.vector_load_idx %arg16[%parallel_loop3A_246, %parallel_loop3A_353] : memref<128x128xf32, #tpu.memory_space<vmem>>[vector<16xi32>, vector<16xi32>], vector<16xf32>,
        %parallel_loop3A_355 = tpu.vector_load_idx %arg12[%parallel_loop3A_246, %parallel_loop3A_353] : memref<128x128xf32, #tpu.memory_space<vmem>>[vector<16xi32>, vector<16xi32>], vector<16xf32>,
        %parallel_loop3A_356 = tpu.vector_load_idx %arg14[%parallel_loop3A_246, %parallel_loop3A_353] : memref<128x128xf32, #tpu.memory_space<vmem>>[vector<16xi32>, vector<16xi32>], vector<16xf32>,
        %parallel_loop3A_357 = arith.addf %parallel_loop3A_355, %parallel_loop3A_356 : vector<16xf32>
        %parallel_loop3A_358 = arith.mulf %parallel_loop3A_357, %parallel_loop3A_357 : vector<16xf32>
        %parallel_loop3A_359 = arith.addf %parallel_loop3A_335, %parallel_loop3A_358 : vector<16xf32>
        %parallel_loop3A_360 = arith.mulf %parallel_loop3A_357, %parallel_loop3A_354 : vector<16xf32>
        %parallel_loop3A_361 = arith.addf %parallel_loop3A_337, %parallel_loop3A_360 : vector<16xf32>
        %parallel_loop3A_362 = arith.mulf %parallel_loop3A_354, %parallel_loop3A_354 : vector<16xf32>
        %parallel_loop3A_363 = arith.addf %parallel_loop3A_339, %parallel_loop3A_362 : vector<16xf32>
        %parallel_loop3A_364 = vector.broadcast %parallel_loop3A_303 : i32 to vector<16xi32>
        %parallel_loop3A_365 = arith.addi %and3A_61, %parallel_loop3A_364 : vector<16xi32>
        %parallel_loop3A_366 = tpu.vector_load_idx %arg16[%parallel_loop3A_246, %parallel_loop3A_365] : memref<128x128xf32, #tpu.memory_space<vmem>>[vector<16xi32>, vector<16xi32>], vector<16xf32>,
        %parallel_loop3A_367 = tpu.vector_load_idx %arg12[%parallel_loop3A_246, %parallel_loop3A_365] : memref<128x128xf32, #tpu.memory_space<vmem>>[vector<16xi32>, vector<16xi32>], vector<16xf32>,
        %parallel_loop3A_368 = tpu.vector_load_idx %arg14[%parallel_loop3A_246, %parallel_loop3A_365] : memref<128x128xf32, #tpu.memory_space<vmem>>[vector<16xi32>, vector<16xi32>], vector<16xf32>,
        %parallel_loop3A_369 = arith.addf %parallel_loop3A_367, %parallel_loop3A_368 : vector<16xf32>
        %parallel_loop3A_370 = arith.mulf %parallel_loop3A_369, %parallel_loop3A_369 : vector<16xf32>
        %parallel_loop3A_371 = arith.addf %parallel_loop3A_347, %parallel_loop3A_370 : vector<16xf32>
        %parallel_loop3A_372 = arith.mulf %parallel_loop3A_369, %parallel_loop3A_366 : vector<16xf32>
        %parallel_loop3A_373 = arith.addf %parallel_loop3A_349, %parallel_loop3A_372 : vector<16xf32>
        %parallel_loop3A_374 = arith.mulf %parallel_loop3A_366, %parallel_loop3A_366 : vector<16xf32>
        %parallel_loop3A_375 = arith.addf %parallel_loop3A_351, %parallel_loop3A_374 : vector<16xf32>
        %parallel_loop3A_376 = vector.broadcast %parallel_loop3A_303 : i32 to vector<16xi32>
        %parallel_loop3A_377 = arith.addi %and3A_67, %parallel_loop3A_376 : vector<16xi32>
        %parallel_loop3A_378 = tpu.vector_load_idx %arg16[%parallel_loop3A_246, %parallel_loop3A_377] : memref<128x128xf32, #tpu.memory_space<vmem>>[vector<16xi32>, vector<16xi32>], vector<16xf32>,
        %parallel_loop3A_379 = tpu.vector_load_idx %arg12[%parallel_loop3A_246, %parallel_loop3A_377] : memref<128x128xf32, #tpu.memory_space<vmem>>[vector<16xi32>, vector<16xi32>], vector<16xf32>,
        %parallel_loop3A_380 = tpu.vector_load_idx %arg14[%parallel_loop3A_246, %parallel_loop3A_377] : memref<128x128xf32, #tpu.memory_space<vmem>>[vector<16xi32>, vector<16xi32>], vector<16xf32>,
        %parallel_loop3A_381 = arith.addf %parallel_loop3A_379, %parallel_loop3A_380 : vector<16xf32>
        %parallel_loop3A_382 = arith.mulf %parallel_loop3A_381, %parallel_loop3A_381 : vector<16xf32>
        %parallel_loop3A_383 = arith.addf %parallel_loop3A_359, %parallel_loop3A_382 : vector<16xf32>
        %parallel_loop3A_384 = arith.mulf %parallel_loop3A_381, %parallel_loop3A_378 : vector<16xf32>
        %parallel_loop3A_385 = arith.addf %parallel_loop3A_361, %parallel_loop3A_384 : vector<16xf32>
        %parallel_loop3A_386 = arith.mulf %parallel_loop3A_378, %parallel_loop3A_378 : vector<16xf32>
        %parallel_loop3A_387 = arith.addf %parallel_loop3A_363, %parallel_loop3A_386 : vector<16xf32>
        %parallel_loop3A_388 = vector.broadcast %parallel_loop3A_303 : i32 to vector<16xi32>
        %parallel_loop3A_389 = arith.addi %and3A_73, %parallel_loop3A_388 : vector<16xi32>
        %parallel_loop3A_390 = tpu.vector_load_idx %arg16[%parallel_loop3A_246, %parallel_loop3A_389] : memref<128x128xf32, #tpu.memory_space<vmem>>[vector<16xi32>, vector<16xi32>], vector<16xf32>,
        %parallel_loop3A_391 = tpu.vector_load_idx %arg12[%parallel_loop3A_246, %parallel_loop3A_389] : memref<128x128xf32, #tpu.memory_space<vmem>>[vector<16xi32>, vector<16xi32>], vector<16xf32>,
        %parallel_loop3A_392 = tpu.vector_load_idx %arg14[%parallel_loop3A_246, %parallel_loop3A_389] : memref<128x128xf32, #tpu.memory_space<vmem>>[vector<16xi32>, vector<16xi32>], vector<16xf32>,
        %parallel_loop3A_393 = arith.addf %parallel_loop3A_391, %parallel_loop3A_392 : vector<16xf32>
        %parallel_loop3A_394 = arith.mulf %parallel_loop3A_393, %parallel_loop3A_393 : vector<16xf32>
        %parallel_loop3A_395 = arith.addf %parallel_loop3A_371, %parallel_loop3A_394 : vector<16xf32>
        %parallel_loop3A_396 = arith.mulf %parallel_loop3A_393, %parallel_loop3A_390 : vector<16xf32>
        %parallel_loop3A_397 = arith.addf %parallel_loop3A_373, %parallel_loop3A_396 : vector<16xf32>
        %parallel_loop3A_398 = arith.mulf %parallel_loop3A_390, %parallel_loop3A_390 : vector<16xf32>
        %parallel_loop3A_399 = arith.addf %parallel_loop3A_375, %parallel_loop3A_398 : vector<16xf32>
        %parallel_loop3A_400 = vector.broadcast %parallel_loop3A_303 : i32 to vector<16xi32>
        %parallel_loop3A_401 = arith.addi %and3A_79, %parallel_loop3A_400 : vector<16xi32>
        %parallel_loop3A_402 = tpu.vector_load_idx %arg16[%parallel_loop3A_246, %parallel_loop3A_401] : memref<128x128xf32, #tpu.memory_space<vmem>>[vector<16xi32>, vector<16xi32>], vector<16xf32>,
        %parallel_loop3A_403 = tpu.vector_load_idx %arg12[%parallel_loop3A_246, %parallel_loop3A_401] : memref<128x128xf32, #tpu.memory_space<vmem>>[vector<16xi32>, vector<16xi32>], vector<16xf32>,
        %parallel_loop3A_404 = tpu.vector_load_idx %arg14[%parallel_loop3A_246, %parallel_loop3A_401] : memref<128x128xf32, #tpu.memory_space<vmem>>[vector<16xi32>, vector<16xi32>], vector<16xf32>,
        %parallel_loop3A_405 = arith.addf %parallel_loop3A_403, %parallel_loop3A_404 : vector<16xf32>
        %parallel_loop3A_406 = arith.mulf %parallel_loop3A_405, %parallel_loop3A_405 : vector<16xf32>
        %parallel_loop3A_407 = arith.addf %parallel_loop3A_383, %parallel_loop3A_406 : vector<16xf32>
        %parallel_loop3A_408 = arith.mulf %parallel_loop3A_405, %parallel_loop3A_402 : vector<16xf32>
        %parallel_loop3A_409 = arith.addf %parallel_loop3A_385, %parallel_loop3A_408 : vector<16xf32>
        %parallel_loop3A_410 = arith.mulf %parallel_loop3A_402, %parallel_loop3A_402 : vector<16xf32>
        %parallel_loop3A_411 = arith.addf %parallel_loop3A_387, %parallel_loop3A_410 : vector<16xf32>
        %parallel_loop3A_412 = vector.broadcast %parallel_loop3A_303 : i32 to vector<16xi32>
        %parallel_loop3A_413 = arith.addi %and3A_85, %parallel_loop3A_412 : vector<16xi32>
        %parallel_loop3A_414 = tpu.vector_load_idx %arg16[%parallel_loop3A_246, %parallel_loop3A_413] : memref<128x128xf32, #tpu.memory_space<vmem>>[vector<16xi32>, vector<16xi32>], vector<16xf32>,
        %parallel_loop3A_415 = tpu.vector_load_idx %arg12[%parallel_loop3A_246, %parallel_loop3A_413] : memref<128x128xf32, #tpu.memory_space<vmem>>[vector<16xi32>, vector<16xi32>], vector<16xf32>,
        %parallel_loop3A_416 = tpu.vector_load_idx %arg14[%parallel_loop3A_246, %parallel_loop3A_413] : memref<128x128xf32, #tpu.memory_space<vmem>>[vector<16xi32>, vector<16xi32>], vector<16xf32>,
        %parallel_loop3A_417 = arith.addf %parallel_loop3A_415, %parallel_loop3A_416 : vector<16xf32>
        %parallel_loop3A_418 = arith.mulf %parallel_loop3A_417, %parallel_loop3A_417 : vector<16xf32>
        %parallel_loop3A_419 = arith.addf %parallel_loop3A_395, %parallel_loop3A_418 : vector<16xf32>
        %parallel_loop3A_420 = arith.mulf %parallel_loop3A_417, %parallel_loop3A_414 : vector<16xf32>
        %parallel_loop3A_421 = arith.addf %parallel_loop3A_397, %parallel_loop3A_420 : vector<16xf32>
        %parallel_loop3A_422 = arith.mulf %parallel_loop3A_414, %parallel_loop3A_414 : vector<16xf32>
        %parallel_loop3A_423 = arith.addf %parallel_loop3A_399, %parallel_loop3A_422 : vector<16xf32>
        %parallel_loop3A_424 = vector.broadcast %parallel_loop3A_303 : i32 to vector<16xi32>
        %parallel_loop3A_425 = arith.addi %and3A_91, %parallel_loop3A_424 : vector<16xi32>
        %parallel_loop3A_426 = tpu.vector_load_idx %arg16[%parallel_loop3A_246, %parallel_loop3A_425] : memref<128x128xf32, #tpu.memory_space<vmem>>[vector<16xi32>, vector<16xi32>], vector<16xf32>,
        %parallel_loop3A_427 = tpu.vector_load_idx %arg12[%parallel_loop3A_246, %parallel_loop3A_425] : memref<128x128xf32, #tpu.memory_space<vmem>>[vector<16xi32>, vector<16xi32>], vector<16xf32>,
        %parallel_loop3A_428 = tpu.vector_load_idx %arg14[%parallel_loop3A_246, %parallel_loop3A_425] : memref<128x128xf32, #tpu.memory_space<vmem>>[vector<16xi32>, vector<16xi32>], vector<16xf32>,
        %parallel_loop3A_429 = arith.addf %parallel_loop3A_427, %parallel_loop3A_428 : vector<16xf32>
        %parallel_loop3A_430 = arith.mulf %parallel_loop3A_429, %parallel_loop3A_429 : vector<16xf32>
        %parallel_loop3A_431 = arith.addf %parallel_loop3A_407, %parallel_loop3A_430 : vector<16xf32>
        %parallel_loop3A_432 = arith.mulf %parallel_loop3A_429, %parallel_loop3A_426 : vector<16xf32>
        %parallel_loop3A_433 = arith.addf %parallel_loop3A_409, %parallel_loop3A_432 : vector<16xf32>
        %parallel_loop3A_434 = arith.mulf %parallel_loop3A_426, %parallel_loop3A_426 : vector<16xf32>
        %parallel_loop3A_435 = arith.addf %parallel_loop3A_411, %parallel_loop3A_434 : vector<16xf32>
        %parallel_loop3A_436 = vector.broadcast %parallel_loop3A_303 : i32 to vector<16xi32>
        %parallel_loop3A_437 = arith.addi %and3A_97, %parallel_loop3A_436 : vector<16xi32>
        %parallel_loop3A_438 = tpu.vector_load_idx %arg16[%parallel_loop3A_246, %parallel_loop3A_437] : memref<128x128xf32, #tpu.memory_space<vmem>>[vector<16xi32>, vector<16xi32>], vector<16xf32>,
        %parallel_loop3A_439 = tpu.vector_load_idx %arg12[%parallel_loop3A_246, %parallel_loop3A_437] : memref<128x128xf32, #tpu.memory_space<vmem>>[vector<16xi32>, vector<16xi32>], vector<16xf32>,
        %parallel_loop3A_440 = tpu.vector_load_idx %arg14[%parallel_loop3A_246, %parallel_loop3A_437] : memref<128x128xf32, #tpu.memory_space<vmem>>[vector<16xi32>, vector<16xi32>], vector<16xf32>,
        %parallel_loop3A_441 = arith.addf %parallel_loop3A_439, %parallel_loop3A_440 : vector<16xf32>
        %parallel_loop3A_442 = arith.mulf %parallel_loop3A_441, %parallel_loop3A_441 : vector<16xf32>
        %parallel_loop3A_443 = arith.addf %parallel_loop3A_419, %parallel_loop3A_442 : vector<16xf32>
        %parallel_loop3A_444 = arith.mulf %parallel_loop3A_441, %parallel_loop3A_438 : vector<16xf32>
        %parallel_loop3A_445 = arith.addf %parallel_loop3A_421, %parallel_loop3A_444 : vector<16xf32>
        %parallel_loop3A_446 = arith.mulf %parallel_loop3A_438, %parallel_loop3A_438 : vector<16xf32>
        %parallel_loop3A_447 = arith.addf %parallel_loop3A_423, %parallel_loop3A_446 : vector<16xf32>
        %parallel_loop3A_448 = vector.broadcast %parallel_loop3A_303 : i32 to vector<16xi32>
        %parallel_loop3A_449 = arith.addi %and3A_103, %parallel_loop3A_448 : vector<16xi32>
        %parallel_loop3A_450 = tpu.vector_load_idx %arg16[%parallel_loop3A_246, %parallel_loop3A_449] : memref<128x128xf32, #tpu.memory_space<vmem>>[vector<16xi32>, vector<16xi32>], vector<16xf32>,
        %parallel_loop3A_451 = tpu.vector_load_idx %arg12[%parallel_loop3A_246, %parallel_loop3A_449] : memref<128x128xf32, #tpu.memory_space<vmem>>[vector<16xi32>, vector<16xi32>], vector<16xf32>,
        %parallel_loop3A_452 = tpu.vector_load_idx %arg14[%parallel_loop3A_246, %parallel_loop3A_449] : memref<128x128xf32, #tpu.memory_space<vmem>>[vector<16xi32>, vector<16xi32>], vector<16xf32>,
        %parallel_loop3A_453 = arith.addf %parallel_loop3A_451, %parallel_loop3A_452 : vector<16xf32>
        %parallel_loop3A_454 = arith.mulf %parallel_loop3A_453, %parallel_loop3A_453 : vector<16xf32>
        %parallel_loop3A_455 = arith.addf %parallel_loop3A_431, %parallel_loop3A_454 : vector<16xf32>
        %parallel_loop3A_456 = arith.mulf %parallel_loop3A_453, %parallel_loop3A_450 : vector<16xf32>
        %parallel_loop3A_457 = arith.addf %parallel_loop3A_433, %parallel_loop3A_456 : vector<16xf32>
        %parallel_loop3A_458 = arith.mulf %parallel_loop3A_450, %parallel_loop3A_450 : vector<16xf32>
        %parallel_loop3A_459 = arith.addf %parallel_loop3A_435, %parallel_loop3A_458 : vector<16xf32>
        %parallel_loop3A_460 = vector.broadcast %parallel_loop3A_303 : i32 to vector<16xi32>
        %parallel_loop3A_461 = arith.addi %and3A_109, %parallel_loop3A_460 : vector<16xi32>
        %parallel_loop3A_462 = tpu.vector_load_idx %arg16[%parallel_loop3A_246, %parallel_loop3A_461] : memref<128x128xf32, #tpu.memory_space<vmem>>[vector<16xi32>, vector<16xi32>], vector<16xf32>,
        %parallel_loop3A_463 = tpu.vector_load_idx %arg12[%parallel_loop3A_246, %parallel_loop3A_461] : memref<128x128xf32, #tpu.memory_space<vmem>>[vector<16xi32>, vector<16xi32>], vector<16xf32>,
        %parallel_loop3A_464 = tpu.vector_load_idx %arg14[%parallel_loop3A_246, %parallel_loop3A_461] : memref<128x128xf32, #tpu.memory_space<vmem>>[vector<16xi32>, vector<16xi32>], vector<16xf32>,
        %parallel_loop3A_465 = arith.addf %parallel_loop3A_463, %parallel_loop3A_464 : vector<16xf32>
        %parallel_loop3A_466 = arith.mulf %parallel_loop3A_465, %parallel_loop3A_465 : vector<16xf32>
        %parallel_loop3A_467 = arith.addf %parallel_loop3A_443, %parallel_loop3A_466 : vector<16xf32>
        %parallel_loop3A_468 = arith.mulf %parallel_loop3A_465, %parallel_loop3A_462 : vector<16xf32>
        %parallel_loop3A_469 = arith.addf %parallel_loop3A_445, %parallel_loop3A_468 : vector<16xf32>
        %parallel_loop3A_470 = arith.mulf %parallel_loop3A_462, %parallel_loop3A_462 : vector<16xf32>
        %parallel_loop3A_471 = arith.addf %parallel_loop3A_447, %parallel_loop3A_470 : vector<16xf32>
        %parallel_loop3A_472 = vector.broadcast %parallel_loop3A_303 : i32 to vector<16xi32>
        %parallel_loop3A_473 = arith.addi %and3A_115, %parallel_loop3A_472 : vector<16xi32>
        %parallel_loop3A_474 = tpu.vector_load_idx %arg16[%parallel_loop3A_246, %parallel_loop3A_473] : memref<128x128xf32, #tpu.memory_space<vmem>>[vector<16xi32>, vector<16xi32>], vector<16xf32>,
        %parallel_loop3A_475 = tpu.vector_load_idx %arg12[%parallel_loop3A_246, %parallel_loop3A_473] : memref<128x128xf32, #tpu.memory_space<vmem>>[vector<16xi32>, vector<16xi32>], vector<16xf32>,
        %parallel_loop3A_476 = tpu.vector_load_idx %arg14[%parallel_loop3A_246, %parallel_loop3A_473] : memref<128x128xf32, #tpu.memory_space<vmem>>[vector<16xi32>, vector<16xi32>], vector<16xf32>,
        %parallel_loop3A_477 = arith.addf %parallel_loop3A_475, %parallel_loop3A_476 : vector<16xf32>
        %parallel_loop3A_478 = arith.mulf %parallel_loop3A_477, %parallel_loop3A_477 : vector<16xf32>
        %parallel_loop3A_479 = arith.addf %parallel_loop3A_455, %parallel_loop3A_478 : vector<16xf32>
        %parallel_loop3A_480 = arith.mulf %parallel_loop3A_477, %parallel_loop3A_474 : vector<16xf32>
        %parallel_loop3A_481 = arith.addf %parallel_loop3A_457, %parallel_loop3A_480 : vector<16xf32>
        %parallel_loop3A_482 = arith.mulf %parallel_loop3A_474, %parallel_loop3A_474 : vector<16xf32>
        %parallel_loop3A_483 = arith.addf %parallel_loop3A_459, %parallel_loop3A_482 : vector<16xf32>
        %parallel_loop3A_484 = vector.broadcast %parallel_loop3A_303 : i32 to vector<16xi32>
        %parallel_loop3A_485 = arith.addi %and3A_121, %parallel_loop3A_484 : vector<16xi32>
        %parallel_loop3A_486 = tpu.vector_load_idx %arg16[%parallel_loop3A_246, %parallel_loop3A_485] : memref<128x128xf32, #tpu.memory_space<vmem>>[vector<16xi32>, vector<16xi32>], vector<16xf32>,
        %parallel_loop3A_487 = tpu.vector_load_idx %arg12[%parallel_loop3A_246, %parallel_loop3A_485] : memref<128x128xf32, #tpu.memory_space<vmem>>[vector<16xi32>, vector<16xi32>], vector<16xf32>,
        %parallel_loop3A_488 = tpu.vector_load_idx %arg14[%parallel_loop3A_246, %parallel_loop3A_485] : memref<128x128xf32, #tpu.memory_space<vmem>>[vector<16xi32>, vector<16xi32>], vector<16xf32>,
        %parallel_loop3A_489 = arith.addf %parallel_loop3A_487, %parallel_loop3A_488 : vector<16xf32>
        %parallel_loop3A_490 = arith.mulf %parallel_loop3A_489, %parallel_loop3A_489 : vector<16xf32>
        %parallel_loop3A_491 = arith.addf %parallel_loop3A_467, %parallel_loop3A_490 : vector<16xf32>
        %parallel_loop3A_492 = arith.mulf %parallel_loop3A_489, %parallel_loop3A_486 : vector<16xf32>
        %parallel_loop3A_493 = arith.addf %parallel_loop3A_469, %parallel_loop3A_492 : vector<16xf32>
        %parallel_loop3A_494 = arith.mulf %parallel_loop3A_486, %parallel_loop3A_486 : vector<16xf32>
        %parallel_loop3A_495 = arith.addf %parallel_loop3A_471, %parallel_loop3A_494 : vector<16xf32>
        scf.yield %parallel_loop3A_479, %parallel_loop3A_481, %parallel_loop3A_483, %parallel_loop3A_491, %parallel_loop3A_493, %parallel_loop3A_495 : vector<16xf32>, vector<16xf32>, vector<16xf32>, vector<16xf32>, vector<16xf32>, vector<16xf32>
      } {sc.loop_unroll_factor = 2 : i64, sc.parallel_access}
      %parallel_loop3A_251 = arith.addf %parallel_loop3A_250#0, %parallel_loop3A_250#3 : vector<16xf32>
      %parallel_loop3A_252 = arith.addf %parallel_loop3A_250#1, %parallel_loop3A_250#4 : vector<16xf32>
      %parallel_loop3A_253 = arith.addf %parallel_loop3A_250#2, %parallel_loop3A_250#5 : vector<16xf32>
      %parallel_loop3A_254 = arith.addf %parallel_loop3A_242, %parallel_loop3A_251 : vector<16xf32>
      %parallel_loop3A_255 = arith.constant 2.000000e+00 : f32
      %parallel_loop3A_256 = vector.broadcast %parallel_loop3A_255 : f32 to vector<16xf32>
      %parallel_loop3A_257 = arith.mulf %parallel_loop3A_256, %parallel_loop3A_252 : vector<16xf32>
      %parallel_loop3A_258 = tpu.bitcast %parallel_loop3A_253 : vector<16xf32> -> vector<16xi32>
      %parallel_loop3A_259 = arith.constant 1 : i32
      %parallel_loop3A_260 = vector.broadcast %parallel_loop3A_259 : i32 to vector<16xi32>
      %parallel_loop3A_261 = arith.shrui %parallel_loop3A_258, %parallel_loop3A_260 : vector<16xi32>
      %parallel_loop3A_262 = arith.constant 1597463007 : i32
      %parallel_loop3A_263 = vector.broadcast %parallel_loop3A_262 : i32 to vector<16xi32>
      %parallel_loop3A_264 = arith.subi %parallel_loop3A_263, %parallel_loop3A_261 : vector<16xi32>
      %parallel_loop3A_265 = tpu.bitcast %parallel_loop3A_264 : vector<16xi32> -> vector<16xf32>
      %parallel_loop3A_266 = arith.constant 5.000000e-01 : f32
      %parallel_loop3A_267 = vector.broadcast %parallel_loop3A_266 : f32 to vector<16xf32>
      %parallel_loop3A_268 = arith.mulf %parallel_loop3A_267, %parallel_loop3A_253 : vector<16xf32>
      %parallel_loop3A_269 = arith.mulf %parallel_loop3A_268, %parallel_loop3A_265 : vector<16xf32>
      %parallel_loop3A_270 = arith.mulf %parallel_loop3A_269, %parallel_loop3A_265 : vector<16xf32>
      %parallel_loop3A_271 = arith.constant 1.500000e+00 : f32
      %parallel_loop3A_272 = vector.broadcast %parallel_loop3A_271 : f32 to vector<16xf32>
      %parallel_loop3A_273 = arith.subf %parallel_loop3A_272, %parallel_loop3A_270 : vector<16xf32>
      %parallel_loop3A_274 = arith.mulf %parallel_loop3A_265, %parallel_loop3A_273 : vector<16xf32>
      %parallel_loop3A_275 = arith.constant 5.000000e-01 : f32
      %parallel_loop3A_276 = vector.broadcast %parallel_loop3A_275 : f32 to vector<16xf32>
      %parallel_loop3A_277 = arith.mulf %parallel_loop3A_276, %parallel_loop3A_253 : vector<16xf32>
      %parallel_loop3A_278 = arith.mulf %parallel_loop3A_277, %parallel_loop3A_274 : vector<16xf32>
      %parallel_loop3A_279 = arith.mulf %parallel_loop3A_278, %parallel_loop3A_274 : vector<16xf32>
      %parallel_loop3A_280 = arith.constant 1.500000e+00 : f32
      %parallel_loop3A_281 = vector.broadcast %parallel_loop3A_280 : f32 to vector<16xf32>
      %parallel_loop3A_282 = arith.subf %parallel_loop3A_281, %parallel_loop3A_279 : vector<16xf32>
      %parallel_loop3A_283 = arith.mulf %parallel_loop3A_274, %parallel_loop3A_282 : vector<16xf32>
      %parallel_loop3A_284 = arith.constant 5.000000e-01 : f32
      %parallel_loop3A_285 = vector.broadcast %parallel_loop3A_284 : f32 to vector<16xf32>
      %parallel_loop3A_286 = arith.mulf %parallel_loop3A_285, %parallel_loop3A_253 : vector<16xf32>
      %parallel_loop3A_287 = arith.mulf %parallel_loop3A_286, %parallel_loop3A_283 : vector<16xf32>
      %parallel_loop3A_288 = arith.mulf %parallel_loop3A_287, %parallel_loop3A_283 : vector<16xf32>
      %parallel_loop3A_289 = arith.constant 1.500000e+00 : f32
      %parallel_loop3A_290 = vector.broadcast %parallel_loop3A_289 : f32 to vector<16xf32>
      %parallel_loop3A_291 = arith.subf %parallel_loop3A_290, %parallel_loop3A_288 : vector<16xf32>
      %parallel_loop3A_292 = arith.mulf %parallel_loop3A_283, %parallel_loop3A_291 : vector<16xf32>
      %parallel_loop3A_293 = arith.mulf %parallel_loop3A_257, %parallel_loop3A_292 : vector<16xf32>
      %parallel_loop3A_294 = arith.subf %parallel_loop3A_254, %parallel_loop3A_293 : vector<16xf32>
      scf.yield %parallel_loop3A_294 : vector<16xf32>
    } {sc.loop_unroll_factor = 1 : i64, sc.parallel_access}
    %dma_start3A_188 = arith.constant 384 : i32
    %dma_start3A_189 = tpu.memref_slice %arg9[%dma_start3A_188] : memref<512xi32, #tpu.memory_space<vmem>> -> memref<128xi32, #tpu.memory_space<vmem>>
    %dma_start3A_190 = arith.constant 0 : i32
    %dma_start3A_191 = arith.constant 0 : i32
    %dma_start3A_192 = tpu.memref_slice %arg5[%dma_start3A_190, %dma_start3A_191] : memref<100000x128xf32, #tpu.memory_space<hbm>> -> memref<100000x128xf32, #tpu.memory_space<hbm>>
    tpu.enqueue_indirect_dma source(%dma_start3A_192 : memref<100000x128xf32, #tpu.memory_space<hbm>>) target(%arg12 : memref<128x128xf32, #tpu.memory_space<vmem>>) offsets(%dma_start3A_189 : memref<128xi32, #tpu.memory_space<vmem>>) semaphore(%arg24 : memref<!tpu.dma_semaphore, #tpu.memory_space<semaphore_mem>>)
    %add3A_193 = arith.constant 384 : i32
    %add3A_194 = arith.addi %mul3A_2, %add3A_193 : i32
    %dma_start3A_195 = arith.constant 0 : i32
    %dma_start3A_196 = tpu.memref_slice %arg2[%add3A_194, %dma_start3A_195] : memref<16384x128xf32, #tpu.memory_space<hbm>> -> memref<128x128xf32, #tpu.memory_space<hbm>>
    %dma_start3A_197 = arith.constant 0 : i32
    %dma_start3A_198 = tpu.memref_slice %arg2[%add3A_194, %dma_start3A_197] : memref<16384x128xf32, #tpu.memory_space<hbm>> -> memref<128x128xf32, #tpu.memory_space<hbm>>
    tpu.enqueue_dma source(%dma_start3A_198 : memref<128x128xf32, #tpu.memory_space<hbm>>) target(%arg16 : memref<128x128xf32, #tpu.memory_space<vmem>>) target_semaphore(%arg25 : memref<!tpu.dma_semaphore, #tpu.memory_space<semaphore_mem>>)
    %dma_start3A_199 = arith.constant 384 : i32
    %dma_start3A_200 = tpu.memref_slice %arg10[%dma_start3A_199] : memref<512xi32, #tpu.memory_space<vmem>> -> memref<128xi32, #tpu.memory_space<vmem>>
    %dma_start3A_201 = arith.constant 0 : i32
    %dma_start3A_202 = arith.constant 0 : i32
    %dma_start3A_203 = tpu.memref_slice %arg19[%dma_start3A_201, %dma_start3A_202] : memref<1000x128xf32, #tpu.memory_space<vmem_shared>> -> memref<1000x128xf32, #tpu.memory_space<vmem_shared>>
    tpu.enqueue_indirect_dma source(%dma_start3A_203 : memref<1000x128xf32, #tpu.memory_space<vmem_shared>>) target(%arg14 : memref<128x128xf32, #tpu.memory_space<vmem>>) offsets(%dma_start3A_200 : memref<128xi32, #tpu.memory_space<vmem>>) semaphore(%arg26 : memref<!tpu.dma_semaphore, #tpu.memory_space<semaphore_mem>>)
    %dma_wait3A_204 = arith.constant 256 : i32
    %dma_wait3A_205 = tpu.memref_slice %arg9[%dma_wait3A_204] : memref<512xi32, #tpu.memory_space<vmem>> -> memref<128xi32, #tpu.memory_space<vmem>>
    %dma_wait3A_206 = arith.constant 0 : i32
    %dma_wait3A_207 = arith.constant 0 : i32
    %dma_wait3A_208 = tpu.memref_slice %arg5[%dma_wait3A_206, %dma_wait3A_207] : memref<100000x128xf32, #tpu.memory_space<hbm>> -> memref<100000x128xf32, #tpu.memory_space<hbm>>
    tpu.wait_indirect_dma semaphore(%arg21 : memref<!tpu.dma_semaphore, #tpu.memory_space<semaphore_mem>>) src(%dma_wait3A_208 : memref<100000x128xf32, #tpu.memory_space<hbm>>) dst(%arg11 : memref<128x128xf32, #tpu.memory_space<vmem>>)
    %dma_wait3A_209 = arith.constant 0 : i32
    %dma_wait3A_210 = tpu.memref_slice %arg2[%add3A_160, %dma_wait3A_209] : memref<16384x128xf32, #tpu.memory_space<hbm>> -> memref<128x128xf32, #tpu.memory_space<hbm>>
    %dma_wait3A_211 = arith.constant 0 : i32
    %dma_wait3A_212 = tpu.memref_slice %arg2[%add3A_160, %dma_wait3A_211] : memref<16384x128xf32, #tpu.memory_space<hbm>> -> memref<128x128xf32, #tpu.memory_space<hbm>>
    tpu.wait_dma2 semaphore(%arg22 : memref<!tpu.dma_semaphore, #tpu.memory_space<semaphore_mem>>) src(%dma_wait3A_212 : memref<128x128xf32, #tpu.memory_space<hbm>>) dst(%arg15 : memref<128x128xf32, #tpu.memory_space<vmem>>)
    %dma_wait3A_213 = arith.constant 256 : i32
    %dma_wait3A_214 = tpu.memref_slice %arg10[%dma_wait3A_213] : memref<512xi32, #tpu.memory_space<vmem>> -> memref<128xi32, #tpu.memory_space<vmem>>
    %dma_wait3A_215 = arith.constant 0 : i32
    %dma_wait3A_216 = arith.constant 0 : i32
    %dma_wait3A_217 = tpu.memref_slice %arg19[%dma_wait3A_215, %dma_wait3A_216] : memref<1000x128xf32, #tpu.memory_space<vmem_shared>> -> memref<1000x128xf32, #tpu.memory_space<vmem_shared>>
    tpu.wait_indirect_dma semaphore(%arg23 : memref<!tpu.dma_semaphore, #tpu.memory_space<semaphore_mem>>) src(%dma_wait3A_217 : memref<1000x128xf32, #tpu.memory_space<vmem_shared>>) dst(%arg13 : memref<128x128xf32, #tpu.memory_space<vmem>>)
    %parallel_loop3A_218 = arith.constant 0 : i32
    %parallel_loop3A_219 = arith.constant 8 : i32
    %parallel_loop3A_220 = arith.constant 1 : i32
    %parallel_loop3A_221 = scf.for %parallel_loop3A_241 = %parallel_loop3A_218 to %parallel_loop3A_219 step %parallel_loop3A_220 iter_args(%parallel_loop3A_242 = %parallel_loop3A_187) -> (vector<16xf32>)  : i32 {
      %parallel_loop3A_243 = arith.constant 16 : i32
      %parallel_loop3A_244 = arith.muli %parallel_loop3A_241, %parallel_loop3A_243 : i32
      %parallel_loop3A_245 = vector.broadcast %parallel_loop3A_244 : i32 to vector<16xi32>
      %parallel_loop3A_246 = arith.addi %parallel_loop3A_245, %iota3A : vector<16xi32>
      %parallel_loop3A_247 = arith.constant 0 : i32
      %parallel_loop3A_248 = arith.constant 8 : i32
      %parallel_loop3A_249 = arith.constant 1 : i32
      %parallel_loop3A_250:6 = scf.for %parallel_loop3A_295 = %parallel_loop3A_247 to %parallel_loop3A_248 step %parallel_loop3A_249 iter_args(%parallel_loop3A_296 = %broadcast_in_dim3A_26, %parallel_loop3A_297 = %broadcast_in_dim3A_26, %parallel_loop3A_298 = %broadcast_in_dim3A_26, %parallel_loop3A_299 = %broadcast_in_dim3A_26, %parallel_loop3A_300 = %broadcast_in_dim3A_26, %parallel_loop3A_301 = %broadcast_in_dim3A_26) -> (vector<16xf32>, vector<16xf32>, vector<16xf32>, vector<16xf32>, vector<16xf32>, vector<16xf32>)  : i32 {
        %parallel_loop3A_302 = arith.constant 16 : i32
        %parallel_loop3A_303 = arith.muli %parallel_loop3A_295, %parallel_loop3A_302 : i32
        %parallel_loop3A_304 = vector.broadcast %parallel_loop3A_303 : i32 to vector<16xi32>
        %parallel_loop3A_305 = arith.addi %and3A_31, %parallel_loop3A_304 : vector<16xi32>
        %parallel_loop3A_306 = tpu.vector_load_idx %arg15[%parallel_loop3A_246, %parallel_loop3A_305] : memref<128x128xf32, #tpu.memory_space<vmem>>[vector<16xi32>, vector<16xi32>], vector<16xf32>,
        %parallel_loop3A_307 = tpu.vector_load_idx %arg11[%parallel_loop3A_246, %parallel_loop3A_305] : memref<128x128xf32, #tpu.memory_space<vmem>>[vector<16xi32>, vector<16xi32>], vector<16xf32>,
        %parallel_loop3A_308 = tpu.vector_load_idx %arg13[%parallel_loop3A_246, %parallel_loop3A_305] : memref<128x128xf32, #tpu.memory_space<vmem>>[vector<16xi32>, vector<16xi32>], vector<16xf32>,
        %parallel_loop3A_309 = arith.addf %parallel_loop3A_307, %parallel_loop3A_308 : vector<16xf32>
        %parallel_loop3A_310 = arith.mulf %parallel_loop3A_309, %parallel_loop3A_309 : vector<16xf32>
        %parallel_loop3A_311 = arith.addf %parallel_loop3A_296, %parallel_loop3A_310 : vector<16xf32>
        %parallel_loop3A_312 = arith.mulf %parallel_loop3A_309, %parallel_loop3A_306 : vector<16xf32>
        %parallel_loop3A_313 = arith.addf %parallel_loop3A_297, %parallel_loop3A_312 : vector<16xf32>
        %parallel_loop3A_314 = arith.mulf %parallel_loop3A_306, %parallel_loop3A_306 : vector<16xf32>
        %parallel_loop3A_315 = arith.addf %parallel_loop3A_298, %parallel_loop3A_314 : vector<16xf32>
        %parallel_loop3A_316 = vector.broadcast %parallel_loop3A_303 : i32 to vector<16xi32>
        %parallel_loop3A_317 = arith.addi %and3A_37, %parallel_loop3A_316 : vector<16xi32>
        %parallel_loop3A_318 = tpu.vector_load_idx %arg15[%parallel_loop3A_246, %parallel_loop3A_317] : memref<128x128xf32, #tpu.memory_space<vmem>>[vector<16xi32>, vector<16xi32>], vector<16xf32>,
        %parallel_loop3A_319 = tpu.vector_load_idx %arg11[%parallel_loop3A_246, %parallel_loop3A_317] : memref<128x128xf32, #tpu.memory_space<vmem>>[vector<16xi32>, vector<16xi32>], vector<16xf32>,
        %parallel_loop3A_320 = tpu.vector_load_idx %arg13[%parallel_loop3A_246, %parallel_loop3A_317] : memref<128x128xf32, #tpu.memory_space<vmem>>[vector<16xi32>, vector<16xi32>], vector<16xf32>,
        %parallel_loop3A_321 = arith.addf %parallel_loop3A_319, %parallel_loop3A_320 : vector<16xf32>
        %parallel_loop3A_322 = arith.mulf %parallel_loop3A_321, %parallel_loop3A_321 : vector<16xf32>
        %parallel_loop3A_323 = arith.addf %parallel_loop3A_299, %parallel_loop3A_322 : vector<16xf32>
        %parallel_loop3A_324 = arith.mulf %parallel_loop3A_321, %parallel_loop3A_318 : vector<16xf32>
        %parallel_loop3A_325 = arith.addf %parallel_loop3A_300, %parallel_loop3A_324 : vector<16xf32>
        %parallel_loop3A_326 = arith.mulf %parallel_loop3A_318, %parallel_loop3A_318 : vector<16xf32>
        %parallel_loop3A_327 = arith.addf %parallel_loop3A_301, %parallel_loop3A_326 : vector<16xf32>
        %parallel_loop3A_328 = vector.broadcast %parallel_loop3A_303 : i32 to vector<16xi32>
        %parallel_loop3A_329 = arith.addi %and3A_43, %parallel_loop3A_328 : vector<16xi32>
        %parallel_loop3A_330 = tpu.vector_load_idx %arg15[%parallel_loop3A_246, %parallel_loop3A_329] : memref<128x128xf32, #tpu.memory_space<vmem>>[vector<16xi32>, vector<16xi32>], vector<16xf32>,
        %parallel_loop3A_331 = tpu.vector_load_idx %arg11[%parallel_loop3A_246, %parallel_loop3A_329] : memref<128x128xf32, #tpu.memory_space<vmem>>[vector<16xi32>, vector<16xi32>], vector<16xf32>,
        %parallel_loop3A_332 = tpu.vector_load_idx %arg13[%parallel_loop3A_246, %parallel_loop3A_329] : memref<128x128xf32, #tpu.memory_space<vmem>>[vector<16xi32>, vector<16xi32>], vector<16xf32>,
        %parallel_loop3A_333 = arith.addf %parallel_loop3A_331, %parallel_loop3A_332 : vector<16xf32>
        %parallel_loop3A_334 = arith.mulf %parallel_loop3A_333, %parallel_loop3A_333 : vector<16xf32>
        %parallel_loop3A_335 = arith.addf %parallel_loop3A_311, %parallel_loop3A_334 : vector<16xf32>
        %parallel_loop3A_336 = arith.mulf %parallel_loop3A_333, %parallel_loop3A_330 : vector<16xf32>
        %parallel_loop3A_337 = arith.addf %parallel_loop3A_313, %parallel_loop3A_336 : vector<16xf32>
        %parallel_loop3A_338 = arith.mulf %parallel_loop3A_330, %parallel_loop3A_330 : vector<16xf32>
        %parallel_loop3A_339 = arith.addf %parallel_loop3A_315, %parallel_loop3A_338 : vector<16xf32>
        %parallel_loop3A_340 = vector.broadcast %parallel_loop3A_303 : i32 to vector<16xi32>
        %parallel_loop3A_341 = arith.addi %and3A_49, %parallel_loop3A_340 : vector<16xi32>
        %parallel_loop3A_342 = tpu.vector_load_idx %arg15[%parallel_loop3A_246, %parallel_loop3A_341] : memref<128x128xf32, #tpu.memory_space<vmem>>[vector<16xi32>, vector<16xi32>], vector<16xf32>,
        %parallel_loop3A_343 = tpu.vector_load_idx %arg11[%parallel_loop3A_246, %parallel_loop3A_341] : memref<128x128xf32, #tpu.memory_space<vmem>>[vector<16xi32>, vector<16xi32>], vector<16xf32>,
        %parallel_loop3A_344 = tpu.vector_load_idx %arg13[%parallel_loop3A_246, %parallel_loop3A_341] : memref<128x128xf32, #tpu.memory_space<vmem>>[vector<16xi32>, vector<16xi32>], vector<16xf32>,
        %parallel_loop3A_345 = arith.addf %parallel_loop3A_343, %parallel_loop3A_344 : vector<16xf32>
        %parallel_loop3A_346 = arith.mulf %parallel_loop3A_345, %parallel_loop3A_345 : vector<16xf32>
        %parallel_loop3A_347 = arith.addf %parallel_loop3A_323, %parallel_loop3A_346 : vector<16xf32>
        %parallel_loop3A_348 = arith.mulf %parallel_loop3A_345, %parallel_loop3A_342 : vector<16xf32>
        %parallel_loop3A_349 = arith.addf %parallel_loop3A_325, %parallel_loop3A_348 : vector<16xf32>
        %parallel_loop3A_350 = arith.mulf %parallel_loop3A_342, %parallel_loop3A_342 : vector<16xf32>
        %parallel_loop3A_351 = arith.addf %parallel_loop3A_327, %parallel_loop3A_350 : vector<16xf32>
        %parallel_loop3A_352 = vector.broadcast %parallel_loop3A_303 : i32 to vector<16xi32>
        %parallel_loop3A_353 = arith.addi %and3A_55, %parallel_loop3A_352 : vector<16xi32>
        %parallel_loop3A_354 = tpu.vector_load_idx %arg15[%parallel_loop3A_246, %parallel_loop3A_353] : memref<128x128xf32, #tpu.memory_space<vmem>>[vector<16xi32>, vector<16xi32>], vector<16xf32>,
        %parallel_loop3A_355 = tpu.vector_load_idx %arg11[%parallel_loop3A_246, %parallel_loop3A_353] : memref<128x128xf32, #tpu.memory_space<vmem>>[vector<16xi32>, vector<16xi32>], vector<16xf32>,
        %parallel_loop3A_356 = tpu.vector_load_idx %arg13[%parallel_loop3A_246, %parallel_loop3A_353] : memref<128x128xf32, #tpu.memory_space<vmem>>[vector<16xi32>, vector<16xi32>], vector<16xf32>,
        %parallel_loop3A_357 = arith.addf %parallel_loop3A_355, %parallel_loop3A_356 : vector<16xf32>
        %parallel_loop3A_358 = arith.mulf %parallel_loop3A_357, %parallel_loop3A_357 : vector<16xf32>
        %parallel_loop3A_359 = arith.addf %parallel_loop3A_335, %parallel_loop3A_358 : vector<16xf32>
        %parallel_loop3A_360 = arith.mulf %parallel_loop3A_357, %parallel_loop3A_354 : vector<16xf32>
        %parallel_loop3A_361 = arith.addf %parallel_loop3A_337, %parallel_loop3A_360 : vector<16xf32>
        %parallel_loop3A_362 = arith.mulf %parallel_loop3A_354, %parallel_loop3A_354 : vector<16xf32>
        %parallel_loop3A_363 = arith.addf %parallel_loop3A_339, %parallel_loop3A_362 : vector<16xf32>
        %parallel_loop3A_364 = vector.broadcast %parallel_loop3A_303 : i32 to vector<16xi32>
        %parallel_loop3A_365 = arith.addi %and3A_61, %parallel_loop3A_364 : vector<16xi32>
        %parallel_loop3A_366 = tpu.vector_load_idx %arg15[%parallel_loop3A_246, %parallel_loop3A_365] : memref<128x128xf32, #tpu.memory_space<vmem>>[vector<16xi32>, vector<16xi32>], vector<16xf32>,
        %parallel_loop3A_367 = tpu.vector_load_idx %arg11[%parallel_loop3A_246, %parallel_loop3A_365] : memref<128x128xf32, #tpu.memory_space<vmem>>[vector<16xi32>, vector<16xi32>], vector<16xf32>,
        %parallel_loop3A_368 = tpu.vector_load_idx %arg13[%parallel_loop3A_246, %parallel_loop3A_365] : memref<128x128xf32, #tpu.memory_space<vmem>>[vector<16xi32>, vector<16xi32>], vector<16xf32>,
        %parallel_loop3A_369 = arith.addf %parallel_loop3A_367, %parallel_loop3A_368 : vector<16xf32>
        %parallel_loop3A_370 = arith.mulf %parallel_loop3A_369, %parallel_loop3A_369 : vector<16xf32>
        %parallel_loop3A_371 = arith.addf %parallel_loop3A_347, %parallel_loop3A_370 : vector<16xf32>
        %parallel_loop3A_372 = arith.mulf %parallel_loop3A_369, %parallel_loop3A_366 : vector<16xf32>
        %parallel_loop3A_373 = arith.addf %parallel_loop3A_349, %parallel_loop3A_372 : vector<16xf32>
        %parallel_loop3A_374 = arith.mulf %parallel_loop3A_366, %parallel_loop3A_366 : vector<16xf32>
        %parallel_loop3A_375 = arith.addf %parallel_loop3A_351, %parallel_loop3A_374 : vector<16xf32>
        %parallel_loop3A_376 = vector.broadcast %parallel_loop3A_303 : i32 to vector<16xi32>
        %parallel_loop3A_377 = arith.addi %and3A_67, %parallel_loop3A_376 : vector<16xi32>
        %parallel_loop3A_378 = tpu.vector_load_idx %arg15[%parallel_loop3A_246, %parallel_loop3A_377] : memref<128x128xf32, #tpu.memory_space<vmem>>[vector<16xi32>, vector<16xi32>], vector<16xf32>,
        %parallel_loop3A_379 = tpu.vector_load_idx %arg11[%parallel_loop3A_246, %parallel_loop3A_377] : memref<128x128xf32, #tpu.memory_space<vmem>>[vector<16xi32>, vector<16xi32>], vector<16xf32>,
        %parallel_loop3A_380 = tpu.vector_load_idx %arg13[%parallel_loop3A_246, %parallel_loop3A_377] : memref<128x128xf32, #tpu.memory_space<vmem>>[vector<16xi32>, vector<16xi32>], vector<16xf32>,
        %parallel_loop3A_381 = arith.addf %parallel_loop3A_379, %parallel_loop3A_380 : vector<16xf32>
        %parallel_loop3A_382 = arith.mulf %parallel_loop3A_381, %parallel_loop3A_381 : vector<16xf32>
        %parallel_loop3A_383 = arith.addf %parallel_loop3A_359, %parallel_loop3A_382 : vector<16xf32>
        %parallel_loop3A_384 = arith.mulf %parallel_loop3A_381, %parallel_loop3A_378 : vector<16xf32>
        %parallel_loop3A_385 = arith.addf %parallel_loop3A_361, %parallel_loop3A_384 : vector<16xf32>
        %parallel_loop3A_386 = arith.mulf %parallel_loop3A_378, %parallel_loop3A_378 : vector<16xf32>
        %parallel_loop3A_387 = arith.addf %parallel_loop3A_363, %parallel_loop3A_386 : vector<16xf32>
        %parallel_loop3A_388 = vector.broadcast %parallel_loop3A_303 : i32 to vector<16xi32>
        %parallel_loop3A_389 = arith.addi %and3A_73, %parallel_loop3A_388 : vector<16xi32>
        %parallel_loop3A_390 = tpu.vector_load_idx %arg15[%parallel_loop3A_246, %parallel_loop3A_389] : memref<128x128xf32, #tpu.memory_space<vmem>>[vector<16xi32>, vector<16xi32>], vector<16xf32>,
        %parallel_loop3A_391 = tpu.vector_load_idx %arg11[%parallel_loop3A_246, %parallel_loop3A_389] : memref<128x128xf32, #tpu.memory_space<vmem>>[vector<16xi32>, vector<16xi32>], vector<16xf32>,
        %parallel_loop3A_392 = tpu.vector_load_idx %arg13[%parallel_loop3A_246, %parallel_loop3A_389] : memref<128x128xf32, #tpu.memory_space<vmem>>[vector<16xi32>, vector<16xi32>], vector<16xf32>,
        %parallel_loop3A_393 = arith.addf %parallel_loop3A_391, %parallel_loop3A_392 : vector<16xf32>
        %parallel_loop3A_394 = arith.mulf %parallel_loop3A_393, %parallel_loop3A_393 : vector<16xf32>
        %parallel_loop3A_395 = arith.addf %parallel_loop3A_371, %parallel_loop3A_394 : vector<16xf32>
        %parallel_loop3A_396 = arith.mulf %parallel_loop3A_393, %parallel_loop3A_390 : vector<16xf32>
        %parallel_loop3A_397 = arith.addf %parallel_loop3A_373, %parallel_loop3A_396 : vector<16xf32>
        %parallel_loop3A_398 = arith.mulf %parallel_loop3A_390, %parallel_loop3A_390 : vector<16xf32>
        %parallel_loop3A_399 = arith.addf %parallel_loop3A_375, %parallel_loop3A_398 : vector<16xf32>
        %parallel_loop3A_400 = vector.broadcast %parallel_loop3A_303 : i32 to vector<16xi32>
        %parallel_loop3A_401 = arith.addi %and3A_79, %parallel_loop3A_400 : vector<16xi32>
        %parallel_loop3A_402 = tpu.vector_load_idx %arg15[%parallel_loop3A_246, %parallel_loop3A_401] : memref<128x128xf32, #tpu.memory_space<vmem>>[vector<16xi32>, vector<16xi32>], vector<16xf32>,
        %parallel_loop3A_403 = tpu.vector_load_idx %arg11[%parallel_loop3A_246, %parallel_loop3A_401] : memref<128x128xf32, #tpu.memory_space<vmem>>[vector<16xi32>, vector<16xi32>], vector<16xf32>,
        %parallel_loop3A_404 = tpu.vector_load_idx %arg13[%parallel_loop3A_246, %parallel_loop3A_401] : memref<128x128xf32, #tpu.memory_space<vmem>>[vector<16xi32>, vector<16xi32>], vector<16xf32>,
        %parallel_loop3A_405 = arith.addf %parallel_loop3A_403, %parallel_loop3A_404 : vector<16xf32>
        %parallel_loop3A_406 = arith.mulf %parallel_loop3A_405, %parallel_loop3A_405 : vector<16xf32>
        %parallel_loop3A_407 = arith.addf %parallel_loop3A_383, %parallel_loop3A_406 : vector<16xf32>
        %parallel_loop3A_408 = arith.mulf %parallel_loop3A_405, %parallel_loop3A_402 : vector<16xf32>
        %parallel_loop3A_409 = arith.addf %parallel_loop3A_385, %parallel_loop3A_408 : vector<16xf32>
        %parallel_loop3A_410 = arith.mulf %parallel_loop3A_402, %parallel_loop3A_402 : vector<16xf32>
        %parallel_loop3A_411 = arith.addf %parallel_loop3A_387, %parallel_loop3A_410 : vector<16xf32>
        %parallel_loop3A_412 = vector.broadcast %parallel_loop3A_303 : i32 to vector<16xi32>
        %parallel_loop3A_413 = arith.addi %and3A_85, %parallel_loop3A_412 : vector<16xi32>
        %parallel_loop3A_414 = tpu.vector_load_idx %arg15[%parallel_loop3A_246, %parallel_loop3A_413] : memref<128x128xf32, #tpu.memory_space<vmem>>[vector<16xi32>, vector<16xi32>], vector<16xf32>,
        %parallel_loop3A_415 = tpu.vector_load_idx %arg11[%parallel_loop3A_246, %parallel_loop3A_413] : memref<128x128xf32, #tpu.memory_space<vmem>>[vector<16xi32>, vector<16xi32>], vector<16xf32>,
        %parallel_loop3A_416 = tpu.vector_load_idx %arg13[%parallel_loop3A_246, %parallel_loop3A_413] : memref<128x128xf32, #tpu.memory_space<vmem>>[vector<16xi32>, vector<16xi32>], vector<16xf32>,
        %parallel_loop3A_417 = arith.addf %parallel_loop3A_415, %parallel_loop3A_416 : vector<16xf32>
        %parallel_loop3A_418 = arith.mulf %parallel_loop3A_417, %parallel_loop3A_417 : vector<16xf32>
        %parallel_loop3A_419 = arith.addf %parallel_loop3A_395, %parallel_loop3A_418 : vector<16xf32>
        %parallel_loop3A_420 = arith.mulf %parallel_loop3A_417, %parallel_loop3A_414 : vector<16xf32>
        %parallel_loop3A_421 = arith.addf %parallel_loop3A_397, %parallel_loop3A_420 : vector<16xf32>
        %parallel_loop3A_422 = arith.mulf %parallel_loop3A_414, %parallel_loop3A_414 : vector<16xf32>
        %parallel_loop3A_423 = arith.addf %parallel_loop3A_399, %parallel_loop3A_422 : vector<16xf32>
        %parallel_loop3A_424 = vector.broadcast %parallel_loop3A_303 : i32 to vector<16xi32>
        %parallel_loop3A_425 = arith.addi %and3A_91, %parallel_loop3A_424 : vector<16xi32>
        %parallel_loop3A_426 = tpu.vector_load_idx %arg15[%parallel_loop3A_246, %parallel_loop3A_425] : memref<128x128xf32, #tpu.memory_space<vmem>>[vector<16xi32>, vector<16xi32>], vector<16xf32>,
        %parallel_loop3A_427 = tpu.vector_load_idx %arg11[%parallel_loop3A_246, %parallel_loop3A_425] : memref<128x128xf32, #tpu.memory_space<vmem>>[vector<16xi32>, vector<16xi32>], vector<16xf32>,
        %parallel_loop3A_428 = tpu.vector_load_idx %arg13[%parallel_loop3A_246, %parallel_loop3A_425] : memref<128x128xf32, #tpu.memory_space<vmem>>[vector<16xi32>, vector<16xi32>], vector<16xf32>,
        %parallel_loop3A_429 = arith.addf %parallel_loop3A_427, %parallel_loop3A_428 : vector<16xf32>
        %parallel_loop3A_430 = arith.mulf %parallel_loop3A_429, %parallel_loop3A_429 : vector<16xf32>
        %parallel_loop3A_431 = arith.addf %parallel_loop3A_407, %parallel_loop3A_430 : vector<16xf32>
        %parallel_loop3A_432 = arith.mulf %parallel_loop3A_429, %parallel_loop3A_426 : vector<16xf32>
        %parallel_loop3A_433 = arith.addf %parallel_loop3A_409, %parallel_loop3A_432 : vector<16xf32>
        %parallel_loop3A_434 = arith.mulf %parallel_loop3A_426, %parallel_loop3A_426 : vector<16xf32>
        %parallel_loop3A_435 = arith.addf %parallel_loop3A_411, %parallel_loop3A_434 : vector<16xf32>
        %parallel_loop3A_436 = vector.broadcast %parallel_loop3A_303 : i32 to vector<16xi32>
        %parallel_loop3A_437 = arith.addi %and3A_97, %parallel_loop3A_436 : vector<16xi32>
        %parallel_loop3A_438 = tpu.vector_load_idx %arg15[%parallel_loop3A_246, %parallel_loop3A_437] : memref<128x128xf32, #tpu.memory_space<vmem>>[vector<16xi32>, vector<16xi32>], vector<16xf32>,
        %parallel_loop3A_439 = tpu.vector_load_idx %arg11[%parallel_loop3A_246, %parallel_loop3A_437] : memref<128x128xf32, #tpu.memory_space<vmem>>[vector<16xi32>, vector<16xi32>], vector<16xf32>,
        %parallel_loop3A_440 = tpu.vector_load_idx %arg13[%parallel_loop3A_246, %parallel_loop3A_437] : memref<128x128xf32, #tpu.memory_space<vmem>>[vector<16xi32>, vector<16xi32>], vector<16xf32>,
        %parallel_loop3A_441 = arith.addf %parallel_loop3A_439, %parallel_loop3A_440 : vector<16xf32>
        %parallel_loop3A_442 = arith.mulf %parallel_loop3A_441, %parallel_loop3A_441 : vector<16xf32>
        %parallel_loop3A_443 = arith.addf %parallel_loop3A_419, %parallel_loop3A_442 : vector<16xf32>
        %parallel_loop3A_444 = arith.mulf %parallel_loop3A_441, %parallel_loop3A_438 : vector<16xf32>
        %parallel_loop3A_445 = arith.addf %parallel_loop3A_421, %parallel_loop3A_444 : vector<16xf32>
        %parallel_loop3A_446 = arith.mulf %parallel_loop3A_438, %parallel_loop3A_438 : vector<16xf32>
        %parallel_loop3A_447 = arith.addf %parallel_loop3A_423, %parallel_loop3A_446 : vector<16xf32>
        %parallel_loop3A_448 = vector.broadcast %parallel_loop3A_303 : i32 to vector<16xi32>
        %parallel_loop3A_449 = arith.addi %and3A_103, %parallel_loop3A_448 : vector<16xi32>
        %parallel_loop3A_450 = tpu.vector_load_idx %arg15[%parallel_loop3A_246, %parallel_loop3A_449] : memref<128x128xf32, #tpu.memory_space<vmem>>[vector<16xi32>, vector<16xi32>], vector<16xf32>,
        %parallel_loop3A_451 = tpu.vector_load_idx %arg11[%parallel_loop3A_246, %parallel_loop3A_449] : memref<128x128xf32, #tpu.memory_space<vmem>>[vector<16xi32>, vector<16xi32>], vector<16xf32>,
        %parallel_loop3A_452 = tpu.vector_load_idx %arg13[%parallel_loop3A_246, %parallel_loop3A_449] : memref<128x128xf32, #tpu.memory_space<vmem>>[vector<16xi32>, vector<16xi32>], vector<16xf32>,
        %parallel_loop3A_453 = arith.addf %parallel_loop3A_451, %parallel_loop3A_452 : vector<16xf32>
        %parallel_loop3A_454 = arith.mulf %parallel_loop3A_453, %parallel_loop3A_453 : vector<16xf32>
        %parallel_loop3A_455 = arith.addf %parallel_loop3A_431, %parallel_loop3A_454 : vector<16xf32>
        %parallel_loop3A_456 = arith.mulf %parallel_loop3A_453, %parallel_loop3A_450 : vector<16xf32>
        %parallel_loop3A_457 = arith.addf %parallel_loop3A_433, %parallel_loop3A_456 : vector<16xf32>
        %parallel_loop3A_458 = arith.mulf %parallel_loop3A_450, %parallel_loop3A_450 : vector<16xf32>
        %parallel_loop3A_459 = arith.addf %parallel_loop3A_435, %parallel_loop3A_458 : vector<16xf32>
        %parallel_loop3A_460 = vector.broadcast %parallel_loop3A_303 : i32 to vector<16xi32>
        %parallel_loop3A_461 = arith.addi %and3A_109, %parallel_loop3A_460 : vector<16xi32>
        %parallel_loop3A_462 = tpu.vector_load_idx %arg15[%parallel_loop3A_246, %parallel_loop3A_461] : memref<128x128xf32, #tpu.memory_space<vmem>>[vector<16xi32>, vector<16xi32>], vector<16xf32>,
        %parallel_loop3A_463 = tpu.vector_load_idx %arg11[%parallel_loop3A_246, %parallel_loop3A_461] : memref<128x128xf32, #tpu.memory_space<vmem>>[vector<16xi32>, vector<16xi32>], vector<16xf32>,
        %parallel_loop3A_464 = tpu.vector_load_idx %arg13[%parallel_loop3A_246, %parallel_loop3A_461] : memref<128x128xf32, #tpu.memory_space<vmem>>[vector<16xi32>, vector<16xi32>], vector<16xf32>,
        %parallel_loop3A_465 = arith.addf %parallel_loop3A_463, %parallel_loop3A_464 : vector<16xf32>
        %parallel_loop3A_466 = arith.mulf %parallel_loop3A_465, %parallel_loop3A_465 : vector<16xf32>
        %parallel_loop3A_467 = arith.addf %parallel_loop3A_443, %parallel_loop3A_466 : vector<16xf32>
        %parallel_loop3A_468 = arith.mulf %parallel_loop3A_465, %parallel_loop3A_462 : vector<16xf32>
        %parallel_loop3A_469 = arith.addf %parallel_loop3A_445, %parallel_loop3A_468 : vector<16xf32>
        %parallel_loop3A_470 = arith.mulf %parallel_loop3A_462, %parallel_loop3A_462 : vector<16xf32>
        %parallel_loop3A_471 = arith.addf %parallel_loop3A_447, %parallel_loop3A_470 : vector<16xf32>
        %parallel_loop3A_472 = vector.broadcast %parallel_loop3A_303 : i32 to vector<16xi32>
        %parallel_loop3A_473 = arith.addi %and3A_115, %parallel_loop3A_472 : vector<16xi32>
        %parallel_loop3A_474 = tpu.vector_load_idx %arg15[%parallel_loop3A_246, %parallel_loop3A_473] : memref<128x128xf32, #tpu.memory_space<vmem>>[vector<16xi32>, vector<16xi32>], vector<16xf32>,
        %parallel_loop3A_475 = tpu.vector_load_idx %arg11[%parallel_loop3A_246, %parallel_loop3A_473] : memref<128x128xf32, #tpu.memory_space<vmem>>[vector<16xi32>, vector<16xi32>], vector<16xf32>,
        %parallel_loop3A_476 = tpu.vector_load_idx %arg13[%parallel_loop3A_246, %parallel_loop3A_473] : memref<128x128xf32, #tpu.memory_space<vmem>>[vector<16xi32>, vector<16xi32>], vector<16xf32>,
        %parallel_loop3A_477 = arith.addf %parallel_loop3A_475, %parallel_loop3A_476 : vector<16xf32>
        %parallel_loop3A_478 = arith.mulf %parallel_loop3A_477, %parallel_loop3A_477 : vector<16xf32>
        %parallel_loop3A_479 = arith.addf %parallel_loop3A_455, %parallel_loop3A_478 : vector<16xf32>
        %parallel_loop3A_480 = arith.mulf %parallel_loop3A_477, %parallel_loop3A_474 : vector<16xf32>
        %parallel_loop3A_481 = arith.addf %parallel_loop3A_457, %parallel_loop3A_480 : vector<16xf32>
        %parallel_loop3A_482 = arith.mulf %parallel_loop3A_474, %parallel_loop3A_474 : vector<16xf32>
        %parallel_loop3A_483 = arith.addf %parallel_loop3A_459, %parallel_loop3A_482 : vector<16xf32>
        %parallel_loop3A_484 = vector.broadcast %parallel_loop3A_303 : i32 to vector<16xi32>
        %parallel_loop3A_485 = arith.addi %and3A_121, %parallel_loop3A_484 : vector<16xi32>
        %parallel_loop3A_486 = tpu.vector_load_idx %arg15[%parallel_loop3A_246, %parallel_loop3A_485] : memref<128x128xf32, #tpu.memory_space<vmem>>[vector<16xi32>, vector<16xi32>], vector<16xf32>,
        %parallel_loop3A_487 = tpu.vector_load_idx %arg11[%parallel_loop3A_246, %parallel_loop3A_485] : memref<128x128xf32, #tpu.memory_space<vmem>>[vector<16xi32>, vector<16xi32>], vector<16xf32>,
        %parallel_loop3A_488 = tpu.vector_load_idx %arg13[%parallel_loop3A_246, %parallel_loop3A_485] : memref<128x128xf32, #tpu.memory_space<vmem>>[vector<16xi32>, vector<16xi32>], vector<16xf32>,
        %parallel_loop3A_489 = arith.addf %parallel_loop3A_487, %parallel_loop3A_488 : vector<16xf32>
        %parallel_loop3A_490 = arith.mulf %parallel_loop3A_489, %parallel_loop3A_489 : vector<16xf32>
        %parallel_loop3A_491 = arith.addf %parallel_loop3A_467, %parallel_loop3A_490 : vector<16xf32>
        %parallel_loop3A_492 = arith.mulf %parallel_loop3A_489, %parallel_loop3A_486 : vector<16xf32>
        %parallel_loop3A_493 = arith.addf %parallel_loop3A_469, %parallel_loop3A_492 : vector<16xf32>
        %parallel_loop3A_494 = arith.mulf %parallel_loop3A_486, %parallel_loop3A_486 : vector<16xf32>
        %parallel_loop3A_495 = arith.addf %parallel_loop3A_471, %parallel_loop3A_494 : vector<16xf32>
        scf.yield %parallel_loop3A_479, %parallel_loop3A_481, %parallel_loop3A_483, %parallel_loop3A_491, %parallel_loop3A_493, %parallel_loop3A_495 : vector<16xf32>, vector<16xf32>, vector<16xf32>, vector<16xf32>, vector<16xf32>, vector<16xf32>
      } {sc.loop_unroll_factor = 2 : i64, sc.parallel_access}
      %parallel_loop3A_251 = arith.addf %parallel_loop3A_250#0, %parallel_loop3A_250#3 : vector<16xf32>
      %parallel_loop3A_252 = arith.addf %parallel_loop3A_250#1, %parallel_loop3A_250#4 : vector<16xf32>
      %parallel_loop3A_253 = arith.addf %parallel_loop3A_250#2, %parallel_loop3A_250#5 : vector<16xf32>
      %parallel_loop3A_254 = arith.addf %parallel_loop3A_242, %parallel_loop3A_251 : vector<16xf32>
      %parallel_loop3A_255 = arith.constant 2.000000e+00 : f32
      %parallel_loop3A_256 = vector.broadcast %parallel_loop3A_255 : f32 to vector<16xf32>
      %parallel_loop3A_257 = arith.mulf %parallel_loop3A_256, %parallel_loop3A_252 : vector<16xf32>
      %parallel_loop3A_258 = tpu.bitcast %parallel_loop3A_253 : vector<16xf32> -> vector<16xi32>
      %parallel_loop3A_259 = arith.constant 1 : i32
      %parallel_loop3A_260 = vector.broadcast %parallel_loop3A_259 : i32 to vector<16xi32>
      %parallel_loop3A_261 = arith.shrui %parallel_loop3A_258, %parallel_loop3A_260 : vector<16xi32>
      %parallel_loop3A_262 = arith.constant 1597463007 : i32
      %parallel_loop3A_263 = vector.broadcast %parallel_loop3A_262 : i32 to vector<16xi32>
      %parallel_loop3A_264 = arith.subi %parallel_loop3A_263, %parallel_loop3A_261 : vector<16xi32>
      %parallel_loop3A_265 = tpu.bitcast %parallel_loop3A_264 : vector<16xi32> -> vector<16xf32>
      %parallel_loop3A_266 = arith.constant 5.000000e-01 : f32
      %parallel_loop3A_267 = vector.broadcast %parallel_loop3A_266 : f32 to vector<16xf32>
      %parallel_loop3A_268 = arith.mulf %parallel_loop3A_267, %parallel_loop3A_253 : vector<16xf32>
      %parallel_loop3A_269 = arith.mulf %parallel_loop3A_268, %parallel_loop3A_265 : vector<16xf32>
      %parallel_loop3A_270 = arith.mulf %parallel_loop3A_269, %parallel_loop3A_265 : vector<16xf32>
      %parallel_loop3A_271 = arith.constant 1.500000e+00 : f32
      %parallel_loop3A_272 = vector.broadcast %parallel_loop3A_271 : f32 to vector<16xf32>
      %parallel_loop3A_273 = arith.subf %parallel_loop3A_272, %parallel_loop3A_270 : vector<16xf32>
      %parallel_loop3A_274 = arith.mulf %parallel_loop3A_265, %parallel_loop3A_273 : vector<16xf32>
      %parallel_loop3A_275 = arith.constant 5.000000e-01 : f32
      %parallel_loop3A_276 = vector.broadcast %parallel_loop3A_275 : f32 to vector<16xf32>
      %parallel_loop3A_277 = arith.mulf %parallel_loop3A_276, %parallel_loop3A_253 : vector<16xf32>
      %parallel_loop3A_278 = arith.mulf %parallel_loop3A_277, %parallel_loop3A_274 : vector<16xf32>
      %parallel_loop3A_279 = arith.mulf %parallel_loop3A_278, %parallel_loop3A_274 : vector<16xf32>
      %parallel_loop3A_280 = arith.constant 1.500000e+00 : f32
      %parallel_loop3A_281 = vector.broadcast %parallel_loop3A_280 : f32 to vector<16xf32>
      %parallel_loop3A_282 = arith.subf %parallel_loop3A_281, %parallel_loop3A_279 : vector<16xf32>
      %parallel_loop3A_283 = arith.mulf %parallel_loop3A_274, %parallel_loop3A_282 : vector<16xf32>
      %parallel_loop3A_284 = arith.constant 5.000000e-01 : f32
      %parallel_loop3A_285 = vector.broadcast %parallel_loop3A_284 : f32 to vector<16xf32>
      %parallel_loop3A_286 = arith.mulf %parallel_loop3A_285, %parallel_loop3A_253 : vector<16xf32>
      %parallel_loop3A_287 = arith.mulf %parallel_loop3A_286, %parallel_loop3A_283 : vector<16xf32>
      %parallel_loop3A_288 = arith.mulf %parallel_loop3A_287, %parallel_loop3A_283 : vector<16xf32>
      %parallel_loop3A_289 = arith.constant 1.500000e+00 : f32
      %parallel_loop3A_290 = vector.broadcast %parallel_loop3A_289 : f32 to vector<16xf32>
      %parallel_loop3A_291 = arith.subf %parallel_loop3A_290, %parallel_loop3A_288 : vector<16xf32>
      %parallel_loop3A_292 = arith.mulf %parallel_loop3A_283, %parallel_loop3A_291 : vector<16xf32>
      %parallel_loop3A_293 = arith.mulf %parallel_loop3A_257, %parallel_loop3A_292 : vector<16xf32>
      %parallel_loop3A_294 = arith.subf %parallel_loop3A_254, %parallel_loop3A_293 : vector<16xf32>
      scf.yield %parallel_loop3A_294 : vector<16xf32>
    } {sc.loop_unroll_factor = 1 : i64, sc.parallel_access}
    %dma_wait3A_222 = arith.constant 384 : i32
    %dma_wait3A_223 = tpu.memref_slice %arg9[%dma_wait3A_222] : memref<512xi32, #tpu.memory_space<vmem>> -> memref<128xi32, #tpu.memory_space<vmem>>
    %dma_wait3A_224 = arith.constant 0 : i32
    %dma_wait3A_225 = arith.constant 0 : i32
    %dma_wait3A_226 = tpu.memref_slice %arg5[%dma_wait3A_224, %dma_wait3A_225] : memref<100000x128xf32, #tpu.memory_space<hbm>> -> memref<100000x128xf32, #tpu.memory_space<hbm>>
    tpu.wait_indirect_dma semaphore(%arg24 : memref<!tpu.dma_semaphore, #tpu.memory_space<semaphore_mem>>) src(%dma_wait3A_226 : memref<100000x128xf32, #tpu.memory_space<hbm>>) dst(%arg12 : memref<128x128xf32, #tpu.memory_space<vmem>>)
    %dma_wait3A_227 = arith.constant 0 : i32
    %dma_wait3A_228 = tpu.memref_slice %arg2[%add3A_194, %dma_wait3A_227] : memref<16384x128xf32, #tpu.memory_space<hbm>> -> memref<128x128xf32, #tpu.memory_space<hbm>>
    %dma_wait3A_229 = arith.constant 0 : i32
    %dma_wait3A_230 = tpu.memref_slice %arg2[%add3A_194, %dma_wait3A_229] : memref<16384x128xf32, #tpu.memory_space<hbm>> -> memref<128x128xf32, #tpu.memory_space<hbm>>
    tpu.wait_dma2 semaphore(%arg25 : memref<!tpu.dma_semaphore, #tpu.memory_space<semaphore_mem>>) src(%dma_wait3A_230 : memref<128x128xf32, #tpu.memory_space<hbm>>) dst(%arg16 : memref<128x128xf32, #tpu.memory_space<vmem>>)
    %dma_wait3A_231 = arith.constant 384 : i32
    %dma_wait3A_232 = tpu.memref_slice %arg10[%dma_wait3A_231] : memref<512xi32, #tpu.memory_space<vmem>> -> memref<128xi32, #tpu.memory_space<vmem>>
    %dma_wait3A_233 = arith.constant 0 : i32
    %dma_wait3A_234 = arith.constant 0 : i32
    %dma_wait3A_235 = tpu.memref_slice %arg19[%dma_wait3A_233, %dma_wait3A_234] : memref<1000x128xf32, #tpu.memory_space<vmem_shared>> -> memref<1000x128xf32, #tpu.memory_space<vmem_shared>>
    tpu.wait_indirect_dma semaphore(%arg26 : memref<!tpu.dma_semaphore, #tpu.memory_space<semaphore_mem>>) src(%dma_wait3A_235 : memref<1000x128xf32, #tpu.memory_space<vmem_shared>>) dst(%arg14 : memref<128x128xf32, #tpu.memory_space<vmem>>)
    %parallel_loop3A_236 = arith.constant 0 : i32
    %parallel_loop3A_237 = arith.constant 8 : i32
    %parallel_loop3A_238 = arith.constant 1 : i32
    %parallel_loop3A_239 = scf.for %parallel_loop3A_241 = %parallel_loop3A_236 to %parallel_loop3A_237 step %parallel_loop3A_238 iter_args(%parallel_loop3A_242 = %parallel_loop3A_221) -> (vector<16xf32>)  : i32 {
      %parallel_loop3A_243 = arith.constant 16 : i32
      %parallel_loop3A_244 = arith.muli %parallel_loop3A_241, %parallel_loop3A_243 : i32
      %parallel_loop3A_245 = vector.broadcast %parallel_loop3A_244 : i32 to vector<16xi32>
      %parallel_loop3A_246 = arith.addi %parallel_loop3A_245, %iota3A : vector<16xi32>
      %parallel_loop3A_247 = arith.constant 0 : i32
      %parallel_loop3A_248 = arith.constant 8 : i32
      %parallel_loop3A_249 = arith.constant 1 : i32
      %parallel_loop3A_250:6 = scf.for %parallel_loop3A_295 = %parallel_loop3A_247 to %parallel_loop3A_248 step %parallel_loop3A_249 iter_args(%parallel_loop3A_296 = %broadcast_in_dim3A_26, %parallel_loop3A_297 = %broadcast_in_dim3A_26, %parallel_loop3A_298 = %broadcast_in_dim3A_26, %parallel_loop3A_299 = %broadcast_in_dim3A_26, %parallel_loop3A_300 = %broadcast_in_dim3A_26, %parallel_loop3A_301 = %broadcast_in_dim3A_26) -> (vector<16xf32>, vector<16xf32>, vector<16xf32>, vector<16xf32>, vector<16xf32>, vector<16xf32>)  : i32 {
        %parallel_loop3A_302 = arith.constant 16 : i32
        %parallel_loop3A_303 = arith.muli %parallel_loop3A_295, %parallel_loop3A_302 : i32
        %parallel_loop3A_304 = vector.broadcast %parallel_loop3A_303 : i32 to vector<16xi32>
        %parallel_loop3A_305 = arith.addi %and3A_31, %parallel_loop3A_304 : vector<16xi32>
        %parallel_loop3A_306 = tpu.vector_load_idx %arg16[%parallel_loop3A_246, %parallel_loop3A_305] : memref<128x128xf32, #tpu.memory_space<vmem>>[vector<16xi32>, vector<16xi32>], vector<16xf32>,
        %parallel_loop3A_307 = tpu.vector_load_idx %arg12[%parallel_loop3A_246, %parallel_loop3A_305] : memref<128x128xf32, #tpu.memory_space<vmem>>[vector<16xi32>, vector<16xi32>], vector<16xf32>,
        %parallel_loop3A_308 = tpu.vector_load_idx %arg14[%parallel_loop3A_246, %parallel_loop3A_305] : memref<128x128xf32, #tpu.memory_space<vmem>>[vector<16xi32>, vector<16xi32>], vector<16xf32>,
        %parallel_loop3A_309 = arith.addf %parallel_loop3A_307, %parallel_loop3A_308 : vector<16xf32>
        %parallel_loop3A_310 = arith.mulf %parallel_loop3A_309, %parallel_loop3A_309 : vector<16xf32>
        %parallel_loop3A_311 = arith.addf %parallel_loop3A_296, %parallel_loop3A_310 : vector<16xf32>
        %parallel_loop3A_312 = arith.mulf %parallel_loop3A_309, %parallel_loop3A_306 : vector<16xf32>
        %parallel_loop3A_313 = arith.addf %parallel_loop3A_297, %parallel_loop3A_312 : vector<16xf32>
        %parallel_loop3A_314 = arith.mulf %parallel_loop3A_306, %parallel_loop3A_306 : vector<16xf32>
        %parallel_loop3A_315 = arith.addf %parallel_loop3A_298, %parallel_loop3A_314 : vector<16xf32>
        %parallel_loop3A_316 = vector.broadcast %parallel_loop3A_303 : i32 to vector<16xi32>
        %parallel_loop3A_317 = arith.addi %and3A_37, %parallel_loop3A_316 : vector<16xi32>
        %parallel_loop3A_318 = tpu.vector_load_idx %arg16[%parallel_loop3A_246, %parallel_loop3A_317] : memref<128x128xf32, #tpu.memory_space<vmem>>[vector<16xi32>, vector<16xi32>], vector<16xf32>,
        %parallel_loop3A_319 = tpu.vector_load_idx %arg12[%parallel_loop3A_246, %parallel_loop3A_317] : memref<128x128xf32, #tpu.memory_space<vmem>>[vector<16xi32>, vector<16xi32>], vector<16xf32>,
        %parallel_loop3A_320 = tpu.vector_load_idx %arg14[%parallel_loop3A_246, %parallel_loop3A_317] : memref<128x128xf32, #tpu.memory_space<vmem>>[vector<16xi32>, vector<16xi32>], vector<16xf32>,
        %parallel_loop3A_321 = arith.addf %parallel_loop3A_319, %parallel_loop3A_320 : vector<16xf32>
        %parallel_loop3A_322 = arith.mulf %parallel_loop3A_321, %parallel_loop3A_321 : vector<16xf32>
        %parallel_loop3A_323 = arith.addf %parallel_loop3A_299, %parallel_loop3A_322 : vector<16xf32>
        %parallel_loop3A_324 = arith.mulf %parallel_loop3A_321, %parallel_loop3A_318 : vector<16xf32>
        %parallel_loop3A_325 = arith.addf %parallel_loop3A_300, %parallel_loop3A_324 : vector<16xf32>
        %parallel_loop3A_326 = arith.mulf %parallel_loop3A_318, %parallel_loop3A_318 : vector<16xf32>
        %parallel_loop3A_327 = arith.addf %parallel_loop3A_301, %parallel_loop3A_326 : vector<16xf32>
        %parallel_loop3A_328 = vector.broadcast %parallel_loop3A_303 : i32 to vector<16xi32>
        %parallel_loop3A_329 = arith.addi %and3A_43, %parallel_loop3A_328 : vector<16xi32>
        %parallel_loop3A_330 = tpu.vector_load_idx %arg16[%parallel_loop3A_246, %parallel_loop3A_329] : memref<128x128xf32, #tpu.memory_space<vmem>>[vector<16xi32>, vector<16xi32>], vector<16xf32>,
        %parallel_loop3A_331 = tpu.vector_load_idx %arg12[%parallel_loop3A_246, %parallel_loop3A_329] : memref<128x128xf32, #tpu.memory_space<vmem>>[vector<16xi32>, vector<16xi32>], vector<16xf32>,
        %parallel_loop3A_332 = tpu.vector_load_idx %arg14[%parallel_loop3A_246, %parallel_loop3A_329] : memref<128x128xf32, #tpu.memory_space<vmem>>[vector<16xi32>, vector<16xi32>], vector<16xf32>,
        %parallel_loop3A_333 = arith.addf %parallel_loop3A_331, %parallel_loop3A_332 : vector<16xf32>
        %parallel_loop3A_334 = arith.mulf %parallel_loop3A_333, %parallel_loop3A_333 : vector<16xf32>
        %parallel_loop3A_335 = arith.addf %parallel_loop3A_311, %parallel_loop3A_334 : vector<16xf32>
        %parallel_loop3A_336 = arith.mulf %parallel_loop3A_333, %parallel_loop3A_330 : vector<16xf32>
        %parallel_loop3A_337 = arith.addf %parallel_loop3A_313, %parallel_loop3A_336 : vector<16xf32>
        %parallel_loop3A_338 = arith.mulf %parallel_loop3A_330, %parallel_loop3A_330 : vector<16xf32>
        %parallel_loop3A_339 = arith.addf %parallel_loop3A_315, %parallel_loop3A_338 : vector<16xf32>
        %parallel_loop3A_340 = vector.broadcast %parallel_loop3A_303 : i32 to vector<16xi32>
        %parallel_loop3A_341 = arith.addi %and3A_49, %parallel_loop3A_340 : vector<16xi32>
        %parallel_loop3A_342 = tpu.vector_load_idx %arg16[%parallel_loop3A_246, %parallel_loop3A_341] : memref<128x128xf32, #tpu.memory_space<vmem>>[vector<16xi32>, vector<16xi32>], vector<16xf32>,
        %parallel_loop3A_343 = tpu.vector_load_idx %arg12[%parallel_loop3A_246, %parallel_loop3A_341] : memref<128x128xf32, #tpu.memory_space<vmem>>[vector<16xi32>, vector<16xi32>], vector<16xf32>,
        %parallel_loop3A_344 = tpu.vector_load_idx %arg14[%parallel_loop3A_246, %parallel_loop3A_341] : memref<128x128xf32, #tpu.memory_space<vmem>>[vector<16xi32>, vector<16xi32>], vector<16xf32>,
        %parallel_loop3A_345 = arith.addf %parallel_loop3A_343, %parallel_loop3A_344 : vector<16xf32>
        %parallel_loop3A_346 = arith.mulf %parallel_loop3A_345, %parallel_loop3A_345 : vector<16xf32>
        %parallel_loop3A_347 = arith.addf %parallel_loop3A_323, %parallel_loop3A_346 : vector<16xf32>
        %parallel_loop3A_348 = arith.mulf %parallel_loop3A_345, %parallel_loop3A_342 : vector<16xf32>
        %parallel_loop3A_349 = arith.addf %parallel_loop3A_325, %parallel_loop3A_348 : vector<16xf32>
        %parallel_loop3A_350 = arith.mulf %parallel_loop3A_342, %parallel_loop3A_342 : vector<16xf32>
        %parallel_loop3A_351 = arith.addf %parallel_loop3A_327, %parallel_loop3A_350 : vector<16xf32>
        %parallel_loop3A_352 = vector.broadcast %parallel_loop3A_303 : i32 to vector<16xi32>
        %parallel_loop3A_353 = arith.addi %and3A_55, %parallel_loop3A_352 : vector<16xi32>
        %parallel_loop3A_354 = tpu.vector_load_idx %arg16[%parallel_loop3A_246, %parallel_loop3A_353] : memref<128x128xf32, #tpu.memory_space<vmem>>[vector<16xi32>, vector<16xi32>], vector<16xf32>,
        %parallel_loop3A_355 = tpu.vector_load_idx %arg12[%parallel_loop3A_246, %parallel_loop3A_353] : memref<128x128xf32, #tpu.memory_space<vmem>>[vector<16xi32>, vector<16xi32>], vector<16xf32>,
        %parallel_loop3A_356 = tpu.vector_load_idx %arg14[%parallel_loop3A_246, %parallel_loop3A_353] : memref<128x128xf32, #tpu.memory_space<vmem>>[vector<16xi32>, vector<16xi32>], vector<16xf32>,
        %parallel_loop3A_357 = arith.addf %parallel_loop3A_355, %parallel_loop3A_356 : vector<16xf32>
        %parallel_loop3A_358 = arith.mulf %parallel_loop3A_357, %parallel_loop3A_357 : vector<16xf32>
        %parallel_loop3A_359 = arith.addf %parallel_loop3A_335, %parallel_loop3A_358 : vector<16xf32>
        %parallel_loop3A_360 = arith.mulf %parallel_loop3A_357, %parallel_loop3A_354 : vector<16xf32>
        %parallel_loop3A_361 = arith.addf %parallel_loop3A_337, %parallel_loop3A_360 : vector<16xf32>
        %parallel_loop3A_362 = arith.mulf %parallel_loop3A_354, %parallel_loop3A_354 : vector<16xf32>
        %parallel_loop3A_363 = arith.addf %parallel_loop3A_339, %parallel_loop3A_362 : vector<16xf32>
        %parallel_loop3A_364 = vector.broadcast %parallel_loop3A_303 : i32 to vector<16xi32>
        %parallel_loop3A_365 = arith.addi %and3A_61, %parallel_loop3A_364 : vector<16xi32>
        %parallel_loop3A_366 = tpu.vector_load_idx %arg16[%parallel_loop3A_246, %parallel_loop3A_365] : memref<128x128xf32, #tpu.memory_space<vmem>>[vector<16xi32>, vector<16xi32>], vector<16xf32>,
        %parallel_loop3A_367 = tpu.vector_load_idx %arg12[%parallel_loop3A_246, %parallel_loop3A_365] : memref<128x128xf32, #tpu.memory_space<vmem>>[vector<16xi32>, vector<16xi32>], vector<16xf32>,
        %parallel_loop3A_368 = tpu.vector_load_idx %arg14[%parallel_loop3A_246, %parallel_loop3A_365] : memref<128x128xf32, #tpu.memory_space<vmem>>[vector<16xi32>, vector<16xi32>], vector<16xf32>,
        %parallel_loop3A_369 = arith.addf %parallel_loop3A_367, %parallel_loop3A_368 : vector<16xf32>
        %parallel_loop3A_370 = arith.mulf %parallel_loop3A_369, %parallel_loop3A_369 : vector<16xf32>
        %parallel_loop3A_371 = arith.addf %parallel_loop3A_347, %parallel_loop3A_370 : vector<16xf32>
        %parallel_loop3A_372 = arith.mulf %parallel_loop3A_369, %parallel_loop3A_366 : vector<16xf32>
        %parallel_loop3A_373 = arith.addf %parallel_loop3A_349, %parallel_loop3A_372 : vector<16xf32>
        %parallel_loop3A_374 = arith.mulf %parallel_loop3A_366, %parallel_loop3A_366 : vector<16xf32>
        %parallel_loop3A_375 = arith.addf %parallel_loop3A_351, %parallel_loop3A_374 : vector<16xf32>
        %parallel_loop3A_376 = vector.broadcast %parallel_loop3A_303 : i32 to vector<16xi32>
        %parallel_loop3A_377 = arith.addi %and3A_67, %parallel_loop3A_376 : vector<16xi32>
        %parallel_loop3A_378 = tpu.vector_load_idx %arg16[%parallel_loop3A_246, %parallel_loop3A_377] : memref<128x128xf32, #tpu.memory_space<vmem>>[vector<16xi32>, vector<16xi32>], vector<16xf32>,
        %parallel_loop3A_379 = tpu.vector_load_idx %arg12[%parallel_loop3A_246, %parallel_loop3A_377] : memref<128x128xf32, #tpu.memory_space<vmem>>[vector<16xi32>, vector<16xi32>], vector<16xf32>,
        %parallel_loop3A_380 = tpu.vector_load_idx %arg14[%parallel_loop3A_246, %parallel_loop3A_377] : memref<128x128xf32, #tpu.memory_space<vmem>>[vector<16xi32>, vector<16xi32>], vector<16xf32>,
        %parallel_loop3A_381 = arith.addf %parallel_loop3A_379, %parallel_loop3A_380 : vector<16xf32>
        %parallel_loop3A_382 = arith.mulf %parallel_loop3A_381, %parallel_loop3A_381 : vector<16xf32>
        %parallel_loop3A_383 = arith.addf %parallel_loop3A_359, %parallel_loop3A_382 : vector<16xf32>
        %parallel_loop3A_384 = arith.mulf %parallel_loop3A_381, %parallel_loop3A_378 : vector<16xf32>
        %parallel_loop3A_385 = arith.addf %parallel_loop3A_361, %parallel_loop3A_384 : vector<16xf32>
        %parallel_loop3A_386 = arith.mulf %parallel_loop3A_378, %parallel_loop3A_378 : vector<16xf32>
        %parallel_loop3A_387 = arith.addf %parallel_loop3A_363, %parallel_loop3A_386 : vector<16xf32>
        %parallel_loop3A_388 = vector.broadcast %parallel_loop3A_303 : i32 to vector<16xi32>
        %parallel_loop3A_389 = arith.addi %and3A_73, %parallel_loop3A_388 : vector<16xi32>
        %parallel_loop3A_390 = tpu.vector_load_idx %arg16[%parallel_loop3A_246, %parallel_loop3A_389] : memref<128x128xf32, #tpu.memory_space<vmem>>[vector<16xi32>, vector<16xi32>], vector<16xf32>,
        %parallel_loop3A_391 = tpu.vector_load_idx %arg12[%parallel_loop3A_246, %parallel_loop3A_389] : memref<128x128xf32, #tpu.memory_space<vmem>>[vector<16xi32>, vector<16xi32>], vector<16xf32>,
        %parallel_loop3A_392 = tpu.vector_load_idx %arg14[%parallel_loop3A_246, %parallel_loop3A_389] : memref<128x128xf32, #tpu.memory_space<vmem>>[vector<16xi32>, vector<16xi32>], vector<16xf32>,
        %parallel_loop3A_393 = arith.addf %parallel_loop3A_391, %parallel_loop3A_392 : vector<16xf32>
        %parallel_loop3A_394 = arith.mulf %parallel_loop3A_393, %parallel_loop3A_393 : vector<16xf32>
        %parallel_loop3A_395 = arith.addf %parallel_loop3A_371, %parallel_loop3A_394 : vector<16xf32>
        %parallel_loop3A_396 = arith.mulf %parallel_loop3A_393, %parallel_loop3A_390 : vector<16xf32>
        %parallel_loop3A_397 = arith.addf %parallel_loop3A_373, %parallel_loop3A_396 : vector<16xf32>
        %parallel_loop3A_398 = arith.mulf %parallel_loop3A_390, %parallel_loop3A_390 : vector<16xf32>
        %parallel_loop3A_399 = arith.addf %parallel_loop3A_375, %parallel_loop3A_398 : vector<16xf32>
        %parallel_loop3A_400 = vector.broadcast %parallel_loop3A_303 : i32 to vector<16xi32>
        %parallel_loop3A_401 = arith.addi %and3A_79, %parallel_loop3A_400 : vector<16xi32>
        %parallel_loop3A_402 = tpu.vector_load_idx %arg16[%parallel_loop3A_246, %parallel_loop3A_401] : memref<128x128xf32, #tpu.memory_space<vmem>>[vector<16xi32>, vector<16xi32>], vector<16xf32>,
        %parallel_loop3A_403 = tpu.vector_load_idx %arg12[%parallel_loop3A_246, %parallel_loop3A_401] : memref<128x128xf32, #tpu.memory_space<vmem>>[vector<16xi32>, vector<16xi32>], vector<16xf32>,
        %parallel_loop3A_404 = tpu.vector_load_idx %arg14[%parallel_loop3A_246, %parallel_loop3A_401] : memref<128x128xf32, #tpu.memory_space<vmem>>[vector<16xi32>, vector<16xi32>], vector<16xf32>,
        %parallel_loop3A_405 = arith.addf %parallel_loop3A_403, %parallel_loop3A_404 : vector<16xf32>
        %parallel_loop3A_406 = arith.mulf %parallel_loop3A_405, %parallel_loop3A_405 : vector<16xf32>
        %parallel_loop3A_407 = arith.addf %parallel_loop3A_383, %parallel_loop3A_406 : vector<16xf32>
        %parallel_loop3A_408 = arith.mulf %parallel_loop3A_405, %parallel_loop3A_402 : vector<16xf32>
        %parallel_loop3A_409 = arith.addf %parallel_loop3A_385, %parallel_loop3A_408 : vector<16xf32>
        %parallel_loop3A_410 = arith.mulf %parallel_loop3A_402, %parallel_loop3A_402 : vector<16xf32>
        %parallel_loop3A_411 = arith.addf %parallel_loop3A_387, %parallel_loop3A_410 : vector<16xf32>
        %parallel_loop3A_412 = vector.broadcast %parallel_loop3A_303 : i32 to vector<16xi32>
        %parallel_loop3A_413 = arith.addi %and3A_85, %parallel_loop3A_412 : vector<16xi32>
        %parallel_loop3A_414 = tpu.vector_load_idx %arg16[%parallel_loop3A_246, %parallel_loop3A_413] : memref<128x128xf32, #tpu.memory_space<vmem>>[vector<16xi32>, vector<16xi32>], vector<16xf32>,
        %parallel_loop3A_415 = tpu.vector_load_idx %arg12[%parallel_loop3A_246, %parallel_loop3A_413] : memref<128x128xf32, #tpu.memory_space<vmem>>[vector<16xi32>, vector<16xi32>], vector<16xf32>,
        %parallel_loop3A_416 = tpu.vector_load_idx %arg14[%parallel_loop3A_246, %parallel_loop3A_413] : memref<128x128xf32, #tpu.memory_space<vmem>>[vector<16xi32>, vector<16xi32>], vector<16xf32>,
        %parallel_loop3A_417 = arith.addf %parallel_loop3A_415, %parallel_loop3A_416 : vector<16xf32>
        %parallel_loop3A_418 = arith.mulf %parallel_loop3A_417, %parallel_loop3A_417 : vector<16xf32>
        %parallel_loop3A_419 = arith.addf %parallel_loop3A_395, %parallel_loop3A_418 : vector<16xf32>
        %parallel_loop3A_420 = arith.mulf %parallel_loop3A_417, %parallel_loop3A_414 : vector<16xf32>
        %parallel_loop3A_421 = arith.addf %parallel_loop3A_397, %parallel_loop3A_420 : vector<16xf32>
        %parallel_loop3A_422 = arith.mulf %parallel_loop3A_414, %parallel_loop3A_414 : vector<16xf32>
        %parallel_loop3A_423 = arith.addf %parallel_loop3A_399, %parallel_loop3A_422 : vector<16xf32>
        %parallel_loop3A_424 = vector.broadcast %parallel_loop3A_303 : i32 to vector<16xi32>
        %parallel_loop3A_425 = arith.addi %and3A_91, %parallel_loop3A_424 : vector<16xi32>
        %parallel_loop3A_426 = tpu.vector_load_idx %arg16[%parallel_loop3A_246, %parallel_loop3A_425] : memref<128x128xf32, #tpu.memory_space<vmem>>[vector<16xi32>, vector<16xi32>], vector<16xf32>,
        %parallel_loop3A_427 = tpu.vector_load_idx %arg12[%parallel_loop3A_246, %parallel_loop3A_425] : memref<128x128xf32, #tpu.memory_space<vmem>>[vector<16xi32>, vector<16xi32>], vector<16xf32>,
        %parallel_loop3A_428 = tpu.vector_load_idx %arg14[%parallel_loop3A_246, %parallel_loop3A_425] : memref<128x128xf32, #tpu.memory_space<vmem>>[vector<16xi32>, vector<16xi32>], vector<16xf32>,
        %parallel_loop3A_429 = arith.addf %parallel_loop3A_427, %parallel_loop3A_428 : vector<16xf32>
        %parallel_loop3A_430 = arith.mulf %parallel_loop3A_429, %parallel_loop3A_429 : vector<16xf32>
        %parallel_loop3A_431 = arith.addf %parallel_loop3A_407, %parallel_loop3A_430 : vector<16xf32>
        %parallel_loop3A_432 = arith.mulf %parallel_loop3A_429, %parallel_loop3A_426 : vector<16xf32>
        %parallel_loop3A_433 = arith.addf %parallel_loop3A_409, %parallel_loop3A_432 : vector<16xf32>
        %parallel_loop3A_434 = arith.mulf %parallel_loop3A_426, %parallel_loop3A_426 : vector<16xf32>
        %parallel_loop3A_435 = arith.addf %parallel_loop3A_411, %parallel_loop3A_434 : vector<16xf32>
        %parallel_loop3A_436 = vector.broadcast %parallel_loop3A_303 : i32 to vector<16xi32>
        %parallel_loop3A_437 = arith.addi %and3A_97, %parallel_loop3A_436 : vector<16xi32>
        %parallel_loop3A_438 = tpu.vector_load_idx %arg16[%parallel_loop3A_246, %parallel_loop3A_437] : memref<128x128xf32, #tpu.memory_space<vmem>>[vector<16xi32>, vector<16xi32>], vector<16xf32>,
        %parallel_loop3A_439 = tpu.vector_load_idx %arg12[%parallel_loop3A_246, %parallel_loop3A_437] : memref<128x128xf32, #tpu.memory_space<vmem>>[vector<16xi32>, vector<16xi32>], vector<16xf32>,
        %parallel_loop3A_440 = tpu.vector_load_idx %arg14[%parallel_loop3A_246, %parallel_loop3A_437] : memref<128x128xf32, #tpu.memory_space<vmem>>[vector<16xi32>, vector<16xi32>], vector<16xf32>,
        %parallel_loop3A_441 = arith.addf %parallel_loop3A_439, %parallel_loop3A_440 : vector<16xf32>
        %parallel_loop3A_442 = arith.mulf %parallel_loop3A_441, %parallel_loop3A_441 : vector<16xf32>
        %parallel_loop3A_443 = arith.addf %parallel_loop3A_419, %parallel_loop3A_442 : vector<16xf32>
        %parallel_loop3A_444 = arith.mulf %parallel_loop3A_441, %parallel_loop3A_438 : vector<16xf32>
        %parallel_loop3A_445 = arith.addf %parallel_loop3A_421, %parallel_loop3A_444 : vector<16xf32>
        %parallel_loop3A_446 = arith.mulf %parallel_loop3A_438, %parallel_loop3A_438 : vector<16xf32>
        %parallel_loop3A_447 = arith.addf %parallel_loop3A_423, %parallel_loop3A_446 : vector<16xf32>
        %parallel_loop3A_448 = vector.broadcast %parallel_loop3A_303 : i32 to vector<16xi32>
        %parallel_loop3A_449 = arith.addi %and3A_103, %parallel_loop3A_448 : vector<16xi32>
        %parallel_loop3A_450 = tpu.vector_load_idx %arg16[%parallel_loop3A_246, %parallel_loop3A_449] : memref<128x128xf32, #tpu.memory_space<vmem>>[vector<16xi32>, vector<16xi32>], vector<16xf32>,
        %parallel_loop3A_451 = tpu.vector_load_idx %arg12[%parallel_loop3A_246, %parallel_loop3A_449] : memref<128x128xf32, #tpu.memory_space<vmem>>[vector<16xi32>, vector<16xi32>], vector<16xf32>,
        %parallel_loop3A_452 = tpu.vector_load_idx %arg14[%parallel_loop3A_246, %parallel_loop3A_449] : memref<128x128xf32, #tpu.memory_space<vmem>>[vector<16xi32>, vector<16xi32>], vector<16xf32>,
        %parallel_loop3A_453 = arith.addf %parallel_loop3A_451, %parallel_loop3A_452 : vector<16xf32>
        %parallel_loop3A_454 = arith.mulf %parallel_loop3A_453, %parallel_loop3A_453 : vector<16xf32>
        %parallel_loop3A_455 = arith.addf %parallel_loop3A_431, %parallel_loop3A_454 : vector<16xf32>
        %parallel_loop3A_456 = arith.mulf %parallel_loop3A_453, %parallel_loop3A_450 : vector<16xf32>
        %parallel_loop3A_457 = arith.addf %parallel_loop3A_433, %parallel_loop3A_456 : vector<16xf32>
        %parallel_loop3A_458 = arith.mulf %parallel_loop3A_450, %parallel_loop3A_450 : vector<16xf32>
        %parallel_loop3A_459 = arith.addf %parallel_loop3A_435, %parallel_loop3A_458 : vector<16xf32>
        %parallel_loop3A_460 = vector.broadcast %parallel_loop3A_303 : i32 to vector<16xi32>
        %parallel_loop3A_461 = arith.addi %and3A_109, %parallel_loop3A_460 : vector<16xi32>
        %parallel_loop3A_462 = tpu.vector_load_idx %arg16[%parallel_loop3A_246, %parallel_loop3A_461] : memref<128x128xf32, #tpu.memory_space<vmem>>[vector<16xi32>, vector<16xi32>], vector<16xf32>,
        %parallel_loop3A_463 = tpu.vector_load_idx %arg12[%parallel_loop3A_246, %parallel_loop3A_461] : memref<128x128xf32, #tpu.memory_space<vmem>>[vector<16xi32>, vector<16xi32>], vector<16xf32>,
        %parallel_loop3A_464 = tpu.vector_load_idx %arg14[%parallel_loop3A_246, %parallel_loop3A_461] : memref<128x128xf32, #tpu.memory_space<vmem>>[vector<16xi32>, vector<16xi32>], vector<16xf32>,
        %parallel_loop3A_465 = arith.addf %parallel_loop3A_463, %parallel_loop3A_464 : vector<16xf32>
        %parallel_loop3A_466 = arith.mulf %parallel_loop3A_465, %parallel_loop3A_465 : vector<16xf32>
        %parallel_loop3A_467 = arith.addf %parallel_loop3A_443, %parallel_loop3A_466 : vector<16xf32>
        %parallel_loop3A_468 = arith.mulf %parallel_loop3A_465, %parallel_loop3A_462 : vector<16xf32>
        %parallel_loop3A_469 = arith.addf %parallel_loop3A_445, %parallel_loop3A_468 : vector<16xf32>
        %parallel_loop3A_470 = arith.mulf %parallel_loop3A_462, %parallel_loop3A_462 : vector<16xf32>
        %parallel_loop3A_471 = arith.addf %parallel_loop3A_447, %parallel_loop3A_470 : vector<16xf32>
        %parallel_loop3A_472 = vector.broadcast %parallel_loop3A_303 : i32 to vector<16xi32>
        %parallel_loop3A_473 = arith.addi %and3A_115, %parallel_loop3A_472 : vector<16xi32>
        %parallel_loop3A_474 = tpu.vector_load_idx %arg16[%parallel_loop3A_246, %parallel_loop3A_473] : memref<128x128xf32, #tpu.memory_space<vmem>>[vector<16xi32>, vector<16xi32>], vector<16xf32>,
        %parallel_loop3A_475 = tpu.vector_load_idx %arg12[%parallel_loop3A_246, %parallel_loop3A_473] : memref<128x128xf32, #tpu.memory_space<vmem>>[vector<16xi32>, vector<16xi32>], vector<16xf32>,
        %parallel_loop3A_476 = tpu.vector_load_idx %arg14[%parallel_loop3A_246, %parallel_loop3A_473] : memref<128x128xf32, #tpu.memory_space<vmem>>[vector<16xi32>, vector<16xi32>], vector<16xf32>,
        %parallel_loop3A_477 = arith.addf %parallel_loop3A_475, %parallel_loop3A_476 : vector<16xf32>
        %parallel_loop3A_478 = arith.mulf %parallel_loop3A_477, %parallel_loop3A_477 : vector<16xf32>
        %parallel_loop3A_479 = arith.addf %parallel_loop3A_455, %parallel_loop3A_478 : vector<16xf32>
        %parallel_loop3A_480 = arith.mulf %parallel_loop3A_477, %parallel_loop3A_474 : vector<16xf32>
        %parallel_loop3A_481 = arith.addf %parallel_loop3A_457, %parallel_loop3A_480 : vector<16xf32>
        %parallel_loop3A_482 = arith.mulf %parallel_loop3A_474, %parallel_loop3A_474 : vector<16xf32>
        %parallel_loop3A_483 = arith.addf %parallel_loop3A_459, %parallel_loop3A_482 : vector<16xf32>
        %parallel_loop3A_484 = vector.broadcast %parallel_loop3A_303 : i32 to vector<16xi32>
        %parallel_loop3A_485 = arith.addi %and3A_121, %parallel_loop3A_484 : vector<16xi32>
        %parallel_loop3A_486 = tpu.vector_load_idx %arg16[%parallel_loop3A_246, %parallel_loop3A_485] : memref<128x128xf32, #tpu.memory_space<vmem>>[vector<16xi32>, vector<16xi32>], vector<16xf32>,
        %parallel_loop3A_487 = tpu.vector_load_idx %arg12[%parallel_loop3A_246, %parallel_loop3A_485] : memref<128x128xf32, #tpu.memory_space<vmem>>[vector<16xi32>, vector<16xi32>], vector<16xf32>,
        %parallel_loop3A_488 = tpu.vector_load_idx %arg14[%parallel_loop3A_246, %parallel_loop3A_485] : memref<128x128xf32, #tpu.memory_space<vmem>>[vector<16xi32>, vector<16xi32>], vector<16xf32>,
        %parallel_loop3A_489 = arith.addf %parallel_loop3A_487, %parallel_loop3A_488 : vector<16xf32>
        %parallel_loop3A_490 = arith.mulf %parallel_loop3A_489, %parallel_loop3A_489 : vector<16xf32>
        %parallel_loop3A_491 = arith.addf %parallel_loop3A_467, %parallel_loop3A_490 : vector<16xf32>
        %parallel_loop3A_492 = arith.mulf %parallel_loop3A_489, %parallel_loop3A_486 : vector<16xf32>
        %parallel_loop3A_493 = arith.addf %parallel_loop3A_469, %parallel_loop3A_492 : vector<16xf32>
        %parallel_loop3A_494 = arith.mulf %parallel_loop3A_486, %parallel_loop3A_486 : vector<16xf32>
        %parallel_loop3A_495 = arith.addf %parallel_loop3A_471, %parallel_loop3A_494 : vector<16xf32>
        scf.yield %parallel_loop3A_479, %parallel_loop3A_481, %parallel_loop3A_483, %parallel_loop3A_491, %parallel_loop3A_493, %parallel_loop3A_495 : vector<16xf32>, vector<16xf32>, vector<16xf32>, vector<16xf32>, vector<16xf32>, vector<16xf32>
      } {sc.loop_unroll_factor = 2 : i64, sc.parallel_access}
      %parallel_loop3A_251 = arith.addf %parallel_loop3A_250#0, %parallel_loop3A_250#3 : vector<16xf32>
      %parallel_loop3A_252 = arith.addf %parallel_loop3A_250#1, %parallel_loop3A_250#4 : vector<16xf32>
      %parallel_loop3A_253 = arith.addf %parallel_loop3A_250#2, %parallel_loop3A_250#5 : vector<16xf32>
      %parallel_loop3A_254 = arith.addf %parallel_loop3A_242, %parallel_loop3A_251 : vector<16xf32>
      %parallel_loop3A_255 = arith.constant 2.000000e+00 : f32
      %parallel_loop3A_256 = vector.broadcast %parallel_loop3A_255 : f32 to vector<16xf32>
      %parallel_loop3A_257 = arith.mulf %parallel_loop3A_256, %parallel_loop3A_252 : vector<16xf32>
      %parallel_loop3A_258 = tpu.bitcast %parallel_loop3A_253 : vector<16xf32> -> vector<16xi32>
      %parallel_loop3A_259 = arith.constant 1 : i32
      %parallel_loop3A_260 = vector.broadcast %parallel_loop3A_259 : i32 to vector<16xi32>
      %parallel_loop3A_261 = arith.shrui %parallel_loop3A_258, %parallel_loop3A_260 : vector<16xi32>
      %parallel_loop3A_262 = arith.constant 1597463007 : i32
      %parallel_loop3A_263 = vector.broadcast %parallel_loop3A_262 : i32 to vector<16xi32>
      %parallel_loop3A_264 = arith.subi %parallel_loop3A_263, %parallel_loop3A_261 : vector<16xi32>
      %parallel_loop3A_265 = tpu.bitcast %parallel_loop3A_264 : vector<16xi32> -> vector<16xf32>
      %parallel_loop3A_266 = arith.constant 5.000000e-01 : f32
      %parallel_loop3A_267 = vector.broadcast %parallel_loop3A_266 : f32 to vector<16xf32>
      %parallel_loop3A_268 = arith.mulf %parallel_loop3A_267, %parallel_loop3A_253 : vector<16xf32>
      %parallel_loop3A_269 = arith.mulf %parallel_loop3A_268, %parallel_loop3A_265 : vector<16xf32>
      %parallel_loop3A_270 = arith.mulf %parallel_loop3A_269, %parallel_loop3A_265 : vector<16xf32>
      %parallel_loop3A_271 = arith.constant 1.500000e+00 : f32
      %parallel_loop3A_272 = vector.broadcast %parallel_loop3A_271 : f32 to vector<16xf32>
      %parallel_loop3A_273 = arith.subf %parallel_loop3A_272, %parallel_loop3A_270 : vector<16xf32>
      %parallel_loop3A_274 = arith.mulf %parallel_loop3A_265, %parallel_loop3A_273 : vector<16xf32>
      %parallel_loop3A_275 = arith.constant 5.000000e-01 : f32
      %parallel_loop3A_276 = vector.broadcast %parallel_loop3A_275 : f32 to vector<16xf32>
      %parallel_loop3A_277 = arith.mulf %parallel_loop3A_276, %parallel_loop3A_253 : vector<16xf32>
      %parallel_loop3A_278 = arith.mulf %parallel_loop3A_277, %parallel_loop3A_274 : vector<16xf32>
      %parallel_loop3A_279 = arith.mulf %parallel_loop3A_278, %parallel_loop3A_274 : vector<16xf32>
      %parallel_loop3A_280 = arith.constant 1.500000e+00 : f32
      %parallel_loop3A_281 = vector.broadcast %parallel_loop3A_280 : f32 to vector<16xf32>
      %parallel_loop3A_282 = arith.subf %parallel_loop3A_281, %parallel_loop3A_279 : vector<16xf32>
      %parallel_loop3A_283 = arith.mulf %parallel_loop3A_274, %parallel_loop3A_282 : vector<16xf32>
      %parallel_loop3A_284 = arith.constant 5.000000e-01 : f32
      %parallel_loop3A_285 = vector.broadcast %parallel_loop3A_284 : f32 to vector<16xf32>
      %parallel_loop3A_286 = arith.mulf %parallel_loop3A_285, %parallel_loop3A_253 : vector<16xf32>
      %parallel_loop3A_287 = arith.mulf %parallel_loop3A_286, %parallel_loop3A_283 : vector<16xf32>
      %parallel_loop3A_288 = arith.mulf %parallel_loop3A_287, %parallel_loop3A_283 : vector<16xf32>
      %parallel_loop3A_289 = arith.constant 1.500000e+00 : f32
      %parallel_loop3A_290 = vector.broadcast %parallel_loop3A_289 : f32 to vector<16xf32>
      %parallel_loop3A_291 = arith.subf %parallel_loop3A_290, %parallel_loop3A_288 : vector<16xf32>
      %parallel_loop3A_292 = arith.mulf %parallel_loop3A_283, %parallel_loop3A_291 : vector<16xf32>
      %parallel_loop3A_293 = arith.mulf %parallel_loop3A_257, %parallel_loop3A_292 : vector<16xf32>
      %parallel_loop3A_294 = arith.subf %parallel_loop3A_254, %parallel_loop3A_293 : vector<16xf32>
      scf.yield %parallel_loop3A_294 : vector<16xf32>
    } {sc.loop_unroll_factor = 1 : i64, sc.parallel_access}
    %swap3A = arith.constant 0 : index
    %swap3A_240 = tpu.vector_load %arg20[%swap3A] {strides = array<i32>} : memref<16xf32, #tpu.memory_space<vmem>>, vector<16xf32>,
    tpu.vector_store %arg20[%swap3A], %parallel_loop3A_239 {strides = array<i32>} : memref<16xf32, #tpu.memory_space<vmem>>, vector<16xf32>,
    "tpu.region"() ({
      %run_scoped3A = tpu.sem_alloc : memref<!tpu.dma_semaphore, #tpu.memory_space<semaphore_mem>>
      %dma_start3A_241 = arith.constant 0 : i32
      %dma_start3A_242 = tpu.memref_slice %arg8[%add3A, %dma_start3A_241] : memref<32x16xf32, #tpu.memory_space<hbm>> -> memref<1x16xf32, #tpu.memory_space<hbm>>
      %dma_start3A_243 = tpu.memref_squeeze %dma_start3A_242 : memref<1x16xf32, #tpu.memory_space<hbm>> -> memref<16xf32, #tpu.memory_space<hbm>>
      %dma_start3A_244 = arith.constant 0 : i32
      %dma_start3A_245 = tpu.memref_slice %arg8[%add3A, %dma_start3A_244] : memref<32x16xf32, #tpu.memory_space<hbm>> -> memref<1x16xf32, #tpu.memory_space<hbm>>
      %dma_start3A_246 = tpu.memref_squeeze %dma_start3A_245 : memref<1x16xf32, #tpu.memory_space<hbm>> -> memref<16xf32, #tpu.memory_space<hbm>>
      tpu.enqueue_dma source(%arg20 : memref<16xf32, #tpu.memory_space<vmem>>) target(%dma_start3A_246 : memref<16xf32, #tpu.memory_space<hbm>>) target_semaphore(%run_scoped3A : memref<!tpu.dma_semaphore, #tpu.memory_space<semaphore_mem>>)
      %dma_wait3A_247 = arith.constant 0 : i32
      %dma_wait3A_248 = tpu.memref_slice %arg8[%add3A, %dma_wait3A_247] : memref<32x16xf32, #tpu.memory_space<hbm>> -> memref<1x16xf32, #tpu.memory_space<hbm>>
      %dma_wait3A_249 = tpu.memref_squeeze %dma_wait3A_248 : memref<1x16xf32, #tpu.memory_space<hbm>> -> memref<16xf32, #tpu.memory_space<hbm>>
      %dma_wait3A_250 = arith.constant 0 : i32
      %dma_wait3A_251 = tpu.memref_slice %arg8[%add3A, %dma_wait3A_250] : memref<32x16xf32, #tpu.memory_space<hbm>> -> memref<1x16xf32, #tpu.memory_space<hbm>>
      %dma_wait3A_252 = tpu.memref_squeeze %dma_wait3A_251 : memref<1x16xf32, #tpu.memory_space<hbm>> -> memref<16xf32, #tpu.memory_space<hbm>>
      tpu.wait_dma2 semaphore(%run_scoped3A : memref<!tpu.dma_semaphore, #tpu.memory_space<semaphore_mem>>) src(%arg20 : memref<16xf32, #tpu.memory_space<vmem>>) dst(%dma_wait3A_252 : memref<16xf32, #tpu.memory_space<hbm>>)
      tpu.yield
    }) : () -> ()
    return
  }
}

module attributes {stable_mosaic.version = 14 : i64} {
  func.func @_finish(%arg0: memref<32x16xf32, #tpu.memory_space<vmem>>, %arg1: memref<1x1xf32, #tpu.memory_space<vmem>>) attributes {dimension_semantics = [], scalar_prefetch = 0 : i64, scratch_operands = 0 : i64, tpu.core_type = #tpu.core_type<tc>} {
    %get3A = arith.constant 0 : index
    %get3A_0 = arith.constant 0 : index
    %get3A_1 = vector.load %arg0[%get3A, %get3A_0] : memref<32x16xf32, #tpu.memory_space<vmem>>, vector<32x16xf32>
    %reduce_sum3A = vector.shape_cast %get3A_1 : vector<32x16xf32> to vector<1x32x16xf32>
    %reduce_sum3A_2 = arith.constant dense<0.000000e+00> : vector<1xf32>
    %reduce_sum3A_3 = vector.multi_reduction <add>, %reduce_sum3A, %reduce_sum3A_2 [1, 2] : vector<1x32x16xf32> to vector<1xf32>
    %reduce_sum3A_4 = vector.shape_cast %reduce_sum3A_3 : vector<1xf32> to vector<1x1x1xf32>
    %reduce_sum3A_5 = vector.extract %reduce_sum3A_4[0, 0, 0] : f32 from vector<1x1x1xf32>
    %mul3A = arith.constant 6.10351563E-5 : f32
    %mul3A_6 = arith.mulf %reduce_sum3A_5, %mul3A : f32
    %add3A = arith.constant 1.000000e+00 : f32
    %add3A_7 = arith.addf %mul3A_6, %add3A : f32
    %broadcast_in_dim3A = vector.broadcast %add3A_7 : f32 to vector<1x1xf32>
    %swap3A = arith.constant 0 : index
    %swap3A_8 = arith.constant 0 : index
    %swap3A_9 = vector.load %arg1[%swap3A, %swap3A_8] : memref<1x1xf32, #tpu.memory_space<vmem>>, vector<1x1xf32>
    tpu.vector_store %arg1[%swap3A, %swap3A_8], %broadcast_in_dim3A {strides = array<i32>} : memref<1x1xf32, #tpu.memory_space<vmem>>, vector<1x1xf32>,
    return
  }
}

</mosaic_0001>

<sc_bundles>
// kernel: kernel.4.cloned.1.call-start
scs
__scs_entry_jumppad:
0x0: {  	(pc) =	sbr.rel $0x88, $3  }
0x1: {  	(tag) =	ssettag $0x0;
	lr =	simm.s32 $0x1  }
0x2: {  	[smem:$0x3F9B] =	sst lr;
	_ =	strace $0xD0000000  }
0x3: {  	_ = 	snop  }
0x4: {  	_ = 	snop  }
0x5: {  	_ = 	snop  }
0x6: {  	_ = 	snop  }
0x7: {  	_ = 	snop  }
__scs_overlays_trampoline_lowered:
0x8: {  	[smem:$0x3FAA] =	sst s0  }
0x9: {  	[smem:$0x3FAB] =	sst s1  }
0xa: {  	[smem:$0x3FAC] =	sst s2  }
0xb: {  	[smem:$0x3FAD] =	sst s3  }
0xc: {  	[smem:$0x3FAE] =	sst s4  }
0xd: {  	[smem:$0x3FAF] =	sst s5  }
0xe: {  	[smem:$0x3FB0] =	sst s6  }
0xf: {  	[smem:$0x3FB1] =	sst s7  }
0x10: {  	[smem:$0x3FB2] =	sst s8  }
0x11: {  	[smem:$0x3FB3] =	sst s9;
	s0 =	simm.s32 @!p0 $0x0  }
0x12: {  	s1 =	sld [smem:$0x3F99];
	s0 =	simm.s32 @p0 $0x1  }
0x13: {  	[smem:$0x3FB4] =	sst s0;
	s0 =	simm.s32 @!p1 $0x0  }
0x14: {  	s2 =	sld [smem:$0x3F98];
	s0 =	simm.s32 @p1 $0x1  }
0x15: {  	[smem:$0x3FB5] =	sst s0;
	s0 =	simm.s32 @!p2 $0x0  }
0x16: {  	s3 =	sld [smem:$0x3FDB];
	s0 =	simm.s32 @p2 $0x1  }
0x17: {  	s4 =	simm.s32 $0x1BF5;
	[smem:$0x3FB7] =	sst s0  }
0x18: {  	s0 =	sld [smem:$0x3F9A];
	_ =	swait.ge [sflag:s4], $0x0  }
0x19: {  	s7 =	sld [smem:$0x3F9B]  }
0x1a: {  	s8 =	sadd.s32 $0xFFFFE003, lr  }
0x1b: {  	s9 =	sadd.s32 $0xFFFFFEF7, lr;
	s5 =	simm.s32 $0xFFFFFFFF;
	p2 =	slt.u32 s8, $0xFFFFF086  }
0x1c: {  	p1 =	slt.u32 s9, $0xF7A;
	s5 =	simm.s32 @!p2 $0x0  }
0x1d: {  	s5 =	simm.s32 @p1 $0x1;
	p0 =	seq.s32 s7, s2  }
0x1e: {  	s7 =	smul.u32 @!p0 $0xF7A, s2;
	p2 =	seq.s32 @!p0 s5, $0x0  }
0x1f: {  	s9 =	smul.u32 $0xF7A, s1;
	s8 =	simm.s32 @!p0 $0x1BF5;
	p2 =	por !p2, p0  }
0x20: {  	[sflag:s8] =	ssyncset.s32 @!p0 $0xFFFFF086;
	s6 =	sadd.s32 @!p0 s3, s7;
	s7 =	simm.s32 @!p0 $0x108  }
0x21: {  	s3 =	sadd.s32 s3, s9;
	s6 =	sadd.s32 @!p0 $0x88, s6;
	s7 =	simm.s32 @p2 $0x1082  }
0x22: {  	[simem:s7], [sflag:s8] =	dma.local @!p0 [hbm:s6], $0xF7A  }
0x23: {  	s9 =	sor.u32 $0xD0000000, s2;
	s6 =	simm.s32 $0x108;
	_ =	swait.ge @!p0 [sflag:s8], $0x0  }
0x24: {  	s3 =	sadd.s32 $0x88, s3;
	s6 =	simm.s32 @!p1 $0x1082;
	[sflag:s4] =	ssyncset.s32 $0xFFFFF086  }
0x25: {  	[simem:s6], [sflag:s4] =	dma.local [hbm:s3], $0xF7A  }
0x26: {  	[smem:$0x3F9B] =	sst s1;
	(tag) =	ssettag s2;
	_ =	strace s9  }
0x27: {  	s1 =	sld [smem:$0x3FAB]  }
0x28: {  	s2 =	sld [smem:$0x3FAC]  }
0x29: {  	s4 =	sld [smem:$0x3FAE]  }
0x2a: {  	p0 =	seq.s32 s5, $0x0;
	s5 =	sld [smem:$0x3FAF]  }
0x2b: {  	s6 =	sld [smem:$0x3FB0]  }
0x2c: {  	s7 =	sld [smem:$0x3FB1]  }
0x2d: {  	s3 =	simm.s32 $0x108;
	s8 =	sld [smem:$0x3FB2]  }
0x2e: {  	s3 =	simm.s32 @!p0 $0x1082;
	s9 =	sld [smem:$0x3FB3]  }
0x2f: {  	lr =	sadd.s32 s0, s3;
	s0 =	sld [smem:$0x3FAA]  }
0x30: {  	s3 =	sld [smem:$0x3FAD]  }
0x31: {  	[smem:$0x3FB6] =	sst s10  }
0x32: {  	s10 =	sld [smem:$0x3FB4];
	_ =	sdelay $0x3  }
0x33: {  	p0 =	seq.s32 s10, $0x1;
	s10 =	sld [smem:$0x3FB6];
	_ =	sdelay $0x3  }
0x34: {  	[smem:$0x3FB6] =	sst s10  }
0x35: {  	s10 =	sld [smem:$0x3FB5];
	_ =	sdelay $0x3  }
0x36: {  	p1 =	seq.s32 s10, $0x1;
	s10 =	sld [smem:$0x3FB6];
	_ =	sdelay $0x3  }
0x37: {  	[smem:$0x3FB6] =	sst s10  }
0x38: {  	s10 =	sld [smem:$0x3FB7]  }
0x39: {  	_ = 	snop;
	(pc) =	sbr.ind lr, $3  }
0x3a: {  	_ = 	snop  }
0x3b: {  	_ = 	snop  }
0x3c: {  	p2 =	seq.s32 s10, $0x1;
	s10 =	sld [smem:$0x3FB6]  }
0x3d: {  	_ =	shalt  }
0x3e: {  	_ =	shalt  }
0x3f: {  	_ =	shalt  }
0x40: {  	_ =	shalt  }
0x41: {  	_ =	shalt  }
0x42: {  	_ =	shalt  }
0x43: {  	_ =	shalt  }
0x44: {  	_ =	shalt  }
0x45: {  	_ =	shalt  }
0x46: {  	_ =	shalt  }
0x47: {  	_ =	shalt  }
0x48: {  	_ =	shalt  }
0x49: {  	_ =	shalt  }
0x4a: {  	_ =	shalt  }
0x4b: {  	_ =	shalt  }
0x4c: {  	_ =	shalt  }
0x4d: {  	_ =	shalt  }
0x4e: {  	_ =	shalt  }
0x4f: {  	_ =	shalt  }
0x50: {  	_ =	shalt  }
0x51: {  	_ =	shalt  }
0x52: {  	_ =	shalt  }
0x53: {  	_ =	shalt  }
0x54: {  	_ =	shalt  }
0x55: {  	_ =	shalt  }
0x56: {  	_ =	shalt  }
0x57: {  	_ =	shalt  }
0x58: {  	_ =	shalt  }
0x59: {  	_ =	shalt  }
0x5a: {  	_ =	shalt  }
0x5b: {  	_ =	shalt  }
0x5c: {  	_ =	shalt  }
0x5d: {  	_ =	shalt  }
0x5e: {  	_ =	shalt  }
0x5f: {  	_ =	shalt  }
0x60: {  	_ =	shalt  }
0x61: {  	_ =	shalt  }
0x62: {  	_ =	shalt  }
0x63: {  	_ =	shalt  }
0x64: {  	_ =	shalt  }
0x65: {  	_ =	shalt  }
0x66: {  	_ =	shalt  }
0x67: {  	_ =	shalt  }
0x68: {  	_ =	shalt  }
0x69: {  	_ =	shalt  }
0x6a: {  	_ =	shalt  }
0x6b: {  	_ =	shalt  }
0x6c: {  	_ =	shalt  }
0x6d: {  	_ =	shalt  }
0x6e: {  	_ =	shalt  }
0x6f: {  	_ =	shalt  }
0x70: {  	_ =	shalt  }
0x71: {  	_ =	shalt  }
0x72: {  	_ =	shalt  }
0x73: {  	_ =	shalt  }
0x74: {  	_ =	shalt  }
0x75: {  	_ =	shalt  }
0x76: {  	_ =	shalt  }
0x77: {  	_ =	shalt  }
0x78: {  	_ =	shalt  }
0x79: {  	_ =	shalt  }
0x7a: {  	_ =	shalt  }
0x7b: {  	_ =	shalt  }
0x7c: {  	_ =	shalt  }
0x7d: {  	_ =	shalt  }
0x7e: {  	_ =	shalt  }
0x7f: {  	_ =	shalt  }
0x80: {  	_ =	shalt  }
0x81: {  	_ =	shalt  }
0x82: {  	_ =	shalt  }
0x83: {  	_ =	shalt  }
0x84: {  	_ =	shalt  }
0x85: {  	_ =	shalt  }
0x86: {  	_ =	shalt  }
0x87: {  	_ =	shalt  }
.Lfunc_end0:
.L_simem_size_0:
called_computation_lowered:
.L_overlay_start_0:
0x88: {  	s2 =	sld [smem:$0x3FD9]  }
0x89: {  	s3 =	sld [smem:$0x3FFE];
	_ =	sdelay $0x1  }
0x8a: {  	s1 =	srdreg.scid  }
0x8b: {  	s0 =	sand.u32 $0x1, s1  }
0x8c: {  	s17 =	sshll.u32 s0, $0xA;
	s2 =	sadd.s32 s3, s2  }
0x8d: {  	s2 =	sadd.s32 s2, s17  }
0x8e: {  	[smem:$0x3FC2] =	sst s2  }
0x8f: {  	_ = 	snop  }
0x90: {  	s2 =	sld [smem:$0x3FC9]  }
0x91: {  	s18 =	sld [smem:$0x3FC8]  }
0x92: {  	s4 =	sld [smem:$0x3FC7]  }
0x93: {  	s5 =	sld [smem:$0x3FC6]  }
0x94: {  	s6 =	sld [smem:$0x3FC5]  }
0x95: {  	s7 =	sld [smem:$0x3FC4];
	(tm) =	ssettm $0x1  }
0x96: {  	s8 =	sld [smem:$0x3FFB];
	_ =	sdelay $0x3  }
0x97: {  	_ =	strace s8  }
0x98: {  	s8 =	sld [smem:$0x3FFC];
	_ =	sdelay $0x3  }
0x99: {  	_ =	strace s8  }
0x9a: {  	s8 =	sld [smem:$0x3FFD];
	_ =	sdelay $0x3  }
0x9b: {  	_ =	strace s8  }
0x9c: {  	_ =	strace $0x8FFFFFFF  }
0x9d: {  	s19 =	sld [smem:$0x3FDB];
	_ =	sdelay $0x1  }
0x9e: {  	s9 =	simm.s32 $_scs_section_size  }
0x9f: {  	s10 =	simm.s32 $_size__tile_overlayer_lowered;
	s11 =	simm.s32 $_tile_overlayer_lowered  }
0xa0: {  	s22 =	simm.s32 $0x1BFF;
	s21 =	sshll.u32 s11, $0x1;
	s8 =	sadd.s32 s9, s19  }
0xa1: {  	s12 =	simm.s32 $0x0;
	s20 =	sshll.u32 s10, $0x1;
	s10 =	sadd.s32 s21, s8  }
0xa2: {  	[timem:s12], [sflag:s22] =	dma.local [hbm:s10], s20  }
0xa3: {  	_ =	swait.ge [sflag:s22], s20  }
0xa4: {  	s9 =	ssub.s32 $0x0, s20;
	[sflag:s22] =	ssyncset.done $0x0  }
0xa5: {  	[sflag:s22] =	ssyncadd.s32 s9;
	_ =	sdelay $0x1  }
0xa6: {  	s23 =	simm.s32 $0x1B8B  }
0xa7: {  	_ =	swait.ge [sflag:s23], $0x1  }
0xa8: {  	[sflag:s23] =	ssyncset.done $0x0  }
0xa9: {  	s25 =	simm.s32 $0x1B8E;
	s24 =	sld [smem:$0x3FFE];
	[sflag:s23] =	ssyncadd.s32 $0xFFFFFFFF  }
0xaa: {  	s26 =	simm.s32 $execute0_lowered;
	[smem:$0x3FD2] =	sst s25  }
0xab: {  	s10 =	sshll.u32 s26, $0x1;
	_ =	strace $0x80000046;
	[dreg:$0x1] =	wrdreg $0xFFFFFFFF  }
0xac: {  	s28 =	simm.s32 $_size_execute0_lowered;
	s8 =	sadd.s32 s8, s10;
	[dreg:$0x0] =	wrdreg $0x0  }
0xad: {  	s10 =	sshll.u32 s28, $0x1;
	[dreg:$0x2] =	wrdreg s8  }
0xae: {  	[dreg:$0x3] =	wrdreg s10  }
0xaf: {  	[dreg:$0x4] =	wrdreg $0xC0  }
0xb0: {  	_ =	task [dreg:s12], $0x5FFFF  }
0xb1: {  	[dreg:$0x1] =	wrdreg $0xFFFFFFFF  }
0xb2: {  	[dreg:$0x0] =	wrdreg $0x60  }
0xb3: {  	[dreg:$0x2] =	wrdreg s2  }
0xb4: {  	[dreg:$0x3] =	wrdreg s18  }
0xb5: {  	[dreg:$0x4] =	wrdreg s4  }
0xb6: {  	[dreg:$0x5] =	wrdreg s5  }
0xb7: {  	[dreg:$0x6] =	wrdreg s6  }
0xb8: {  	[dreg:$0x7] =	wrdreg s7  }
0xb9: {  	[dreg:$0x8] =	wrdreg s24  }
0xba: {  	[dreg:$0x9] =	wrdreg $0x1A4800  }
0xbb: {  	[dreg:$0xa] =	wrdreg $0x9  }
0xbc: {  	_ =	task.clear_ibuf [dreg:s12], $0xBFFFF;
	_ =	strace $0x90000046  }
0xbd: {  	s29 =	simm.s32 $0x9;
	_ =	strace $0x80000048  }
0xbe: {  	_ =	swait.ge [sflag:s29], $0x1  }
0xbf: {  	[sflag:s29] =	ssyncadd.s32 $0xFFFFFFFF  }
0xc0: {  	_ =	strace $0x90000048  }
0xc1: {  	_ =	sfence  }
0xc2: {  	s30 =	sld [smem:$0x0];
	_ =	sdelay $0x2  }
0xc3: {  	s31 =	sshll.u32 s1, $0xD;
	s1 =	sshrl.u32 s1, $0x2  }
0xc4: {  	s3 =	sand.u32 $0x4000, s31;
	s1 =	sadd.s32 s1, s30  }
0xc5: {  	s0 =	sor.u32 s3, s0;
	s1 =	sshll.u32 s1, $0x11  }
0xc6: {  	s0 =	sor.u32 s1, s0  }
0xc7: {  	s0 =	sadd.s32 $0x8F2B, s0  }
0xc8: {  	[sflag:s0] =	ssyncadd.remote.s32 $0x1  }
0xc9: {  	_ =	sfence.sel $0xFFFF  }
0xca: {  	[dreg:$0x0] =	wrdreg $0xFFFFFFFF;
	(pc) =	sbr.abs _section_cstart, $3  }
0xcb: {  	[dreg:$0x1] =	wrdreg $0xFFFFFFFF  }
0xcc: {  	_ =	task.clear_ibuf [dreg:s12], $0x2FFFF;
	_ =	strace $0x9FFFFFFF  }
0xcd: {  	(tm) =	ssettm $0x7FFFFFFF  }
tec
execute0_lowered:
.L_overlay_start_1:
0x0: {  	(tag) =	ssettag $0x1  }
0x1: {  	v0 =	vimm.s32 $0xFEDCBA9;
	v1 =	vlaneseq.u32;
	v42 =	vimm.s32 $0x87654321  }
0x2: {  	v2 =	vimm.s32 $0x10FEDCBA;
	v3 =	vimm.s32 $0x98765432;
	v4 =	vimm.s32 $0x210FEDCB  }
0x3: {  	v5 =	vimm.s32 $0xA9876543;
	v6 =	vimm.s32 $0x3210FEDC;
	v7 =	vimm.s32 $0xBA987654  }
0x4: {  	v11 =	vimm.s32 $0x43210FED;
	v12 =	vimm.s32 $0xCBA98765;
	v48 =	vimm.s32 $0x543210FE  }
0x5: {  	v49 =	vimm.s32 $0xDCBA9876;
	v13 =	vimm.s32 $0x6543210F;
	v14 =	vimm.s32 $0xEDCBA987  }
0x6: {  	v15 =	vimm.s32 $0xFEDCBA98;
	v16 =	vimm.s32 $0x76543210;
	v0 =	vunpack.c.l.s4.s8 v0  }
0x7: {  	v1 =	vmul.u32 $0x80, v1;
	v2 =	vunpack.c.l.s4.s8 v2;
	v3 =	vunpack.c.l.s4.s8 v3  }
0x8: {  	v4 =	vunpack.c.l.s4.s8 v4;
	v5 =	vunpack.c.l.s4.s8 v5;
	v6 =	vunpack.c.l.s4.s8 v6  }
0x9: {  	v7 =	vunpack.c.l.s4.s8 v7;
	v11 =	vunpack.c.l.s4.s8 v11;
	v44 =	vunpack.c.l.s4.s8 v12  }
0xa: {  	v12 =	vunpack.c.l.s4.s8 v49;
	v13 =	vunpack.c.l.s4.s8 v13;
	v14 =	vunpack.c.l.s4.s8 v14  }
0xb: {  	s1 =	rddreg [dreg:$0x0];
	v15 =	vunpack.c.l.s4.s8 v15;
	v16 =	vunpack.c.l.s4.s8 v16;
	v0 =	vunpack.c.0.s8.s32 v0  }
0xc: {  	s2 =	rddreg [dreg:$0x1];
	[tilespmem:$0x1FF00] =	vst v1;
	v1 =	vunpack.c.l.s4.s8 v42;
	v2 =	vunpack.c.0.s8.s32 v2;
	v3 =	vunpack.c.0.s8.s32 v3  }
0xd: {  	s3 =	rddreg [dreg:$0x2];
	v4 =	vunpack.c.0.s8.s32 v4;
	v5 =	vunpack.c.0.s8.s32 v5;
	v6 =	vunpack.c.0.s8.s32 v6  }
0xe: {  	s0 =	rddreg [dreg:$0x3];
	v7 =	vunpack.c.0.s8.s32 v7;
	v47 =	vunpack.c.0.s8.s32 v11;
	v1 =	vunpack.c.0.s8.s32 v1  }
0xf: {  	s6 =	rddreg [dreg:$0x4];
	v11 =	vunpack.c.l.s4.s8 v48;
	v12 =	vunpack.c.0.s8.s32 v12;
	v9 =	vcombine.low v3, v2  }
0x10: {  	s7 =	rddreg [dreg:$0x6];
	v13 =	vunpack.c.0.s8.s32 v13;
	v15 =	vunpack.c.0.s8.s32 v15;
	v8 =	vcombine.low v1, v0  }
0x11: {  	s5 =	srdreg.scid;
	s11 =	stileid.u32;
	v16 =	vunpack.c.0.s8.s32 v16;
	v10 =	vcombine.low v5, v4;
	v43 =	vand.u32 $0xF, v9  }
0x12: {  	s4 =	rddreg [dreg:$0x7];
	s8 =	sand.u32 $0x1, s5;
	s5 =	simm.s32 $0x0;
	v46 =	vcombine.low v7, v6;
	v11 =	vunpack.c.0.s8.s32 v11;
	[tilespmem:$0x1FF20] =	vst v43;
	v8 =	vand.u32 $0xF, v8  }
0x13: {  	s16 =	simm.s32 $0x7;
	s18 =	simm.s32 $0x80;
	[smem:$0x7FF] =	sst s5;
	v14 =	vunpack.c.0.s8.s32 v14;
	v15 =	vand.u32 $0xF, v15;
	v45 =	vand.u32 $0xF, v10;
	[tilespmem:$0x1FF10] =	vst v8  }
0x14: {  	s19 =	simm.s32 $0x400;
	s20 =	simm.s32 $0x10400;
	v51 =	vcombine.low v15, v16;
	v9 =	vand.u32 $0xF, v46;
	v17 =	vcombine.low v12, v11;
	_ =	strace $0x80000047;
	[tilespmem:$0x1FF30] =	vst v45  }
0x15: {  	s28 =	simm.s32 $0xC400;
	s29 =	simm.s32 $0x1;
	s30 =	simm.s32 $0x2;
	v18 =	vcombine.low v14, v13;
	[tilespmem:$0x1FF40] =	vst v9  }
0x16: {  	s31 =	simm.s32 $0x3;
	s9 =	sshll.u32 s11, $0x1;
	s11 =	sshll.u32 s11, $0x6;
	v0 =	vcombine.low v0, v1;
	v52 =	vand.u32 $0xF, v17;
	[tilespmem:$0x1FF60] =	vst v51  }
0x17: {  	s9 =	sor.u32 s8, s9;
	s21 =	ssub.s32 $0x2, s8;
	s23 =	smin.u32 s11, $0x3A8;
	v53 =	vcombine.low v2, v3;
	v55 =	vand.u32 $0xF, v18;
	[tilespmem:$0x1FF70] =	vst v52  }
0x18: {  	s10 =	sshll.u32 s9, $0x4;
	s8 =	sshrl.u32 s21, $0x1;
	s22 =	sshll.u32 s9, $0x6;
	v54 =	vcombine.low v4, v5;
	v0 =	vand.u32 $0xF, v0;
	[tilespmem:$0x1FF80] =	vst v55  }
0x19: {  	s24 =	sshll.u32 s9, $0xD;
	s25 =	sshll.u32 s23, $0x4;
	s26 =	sshll.u32 s23, $0x7;
	v56 =	vcombine.low v6, v7;
	v1 =	vand.u32 $0xF, v53;
	[tilespmem:$0x1FF90] =	vst v0  }
0x1a: {  	s23 =	simm.s32 $0x8400;
	s14 =	sadd.s32 s10, s7;
	s15 =	ssub.s32 s21, s8;
	v59 =	vcombine.low v13, v14;
	v60 =	vand.u32 $0xF, v54;
	v8 =	vunpack.c.0.s8.s32 v44;
	[tilespmem:$0x1FFA0] =	vst v1  }
0x1b: {  	s2 =	sadd.s32 s2, s22;
	s7 =	sadd.s32 s3, s22;
	s8 =	sadd.s32 s1, s24;
	v58 =	vcombine.low v11, v12;
	v61 =	vand.u32 $0xF, v56;
	[tilespmem:$0x1FFB0] =	vst v60  }
0x1c: {  	s9 =	sadd.s32 s6, s25;
	s10 =	sadd.s32 s26, s4;
	s22 =	simm.s32 $0x200;
	v63 =	vand.u32 $0xF, v59;
	[tilespmem:$0x1FFC0] =	vst v61;
	v50 =	vcombine.low v8, v47  }
0x1d: {  	s24 =	simm.s32 $0x4400;
	s25 =	simm.s32 $0x14400;
	s1 =	simm.s32 $0x4;
	v0 =	vand.u32 $0xF, v58;
	[tilespmem:$0x1FFF0] =	vst v63;
	v57 =	vcombine.low v47, v8  }
0x1e: {  	s21 =	simm.s32 $0x5;
	s26 =	simm.s32 $0x6;
	s11 =	sadd.s32 $0x800, s8;
	[tilespmem:$0x1FFE0] =	vst v0;
	v9 =	vand.u32 $0xF, v50  }
0x1f: {  	s12 =	sadd.s32 $0x1000, s8;
	s13 =	sadd.s32 $0x1800, s8;
	s14 =	sadd.s32 $0x600, s14;
	v62 =	vand.u32 $0xF, v57;
	[tilespmem:$0x1FF50] =	vst v9  }
0x20: {  	s15 =	smax.u32 s15, $0x1;
	[dreg:$0x9] =	wrdreg s2;
	s2 =	simm.s32 $0x0;
	[tilespmem:$0x1FFD0] =	vst v62  }
.LBB2_1:
0x21: {  	s3 =	rddreg [dreg:$0x9]  }
0x22: {  	[tilespmem:s5], [sflag:$0x7] =	stream.linear.gather [hbm4b:s3+s5], $0x200, $0x38;
	[tilespmem:$0x1C440] =	vst v63  }
0x23: {  	_ =	swait.ge [sflag:s16], $0x200  }
0x24: {  	[sflag:s16] =	ssyncset.done $0x0  }
0x25: {  	[sflag:s16] =	ssyncadd.s32 $0xFFFFFE00  }
0x26: {  	[tilespmem:s22], [sflag:$0x7] =	stream.linear.gather [hbm4b:s7+s5], $0x200, $0x38;
	[tilespmem:$0x1C440] =	vst v63  }
0x27: {  	_ =	swait.ge [sflag:s16], $0x200  }
0x28: {  	[sflag:s16] =	ssyncset.done $0x0  }
0x29: {  	[sflag:s16] =	ssyncadd.s32 $0xFFFFFE00  }
0x2a: {  	[tilespmem:s19], [sflag:$0x1] =	stream.indirect.gather [hbm4b:s0+s18], $0x80, s5, s18, $0xb8;
	[tilespmem:$0x1C440] =	vst v63  }
0x2b: {  	_ = 	snop  }
0x2c: {  	[tilespmem:s20], [sflag:$0x2] =	stream.linear.gather [hbm4b:s8+s5], $0x4000, $0x38;
	[tilespmem:$0x1C440] =	vst v63  }
0x2d: {  	s6 =	simm.s32 $0x18400;
	s17 =	rddreg [dreg:$0x5]  }
0x2e: {  	[tilespmem:s6], [sflag:$0x7] =	stream.linear.gather [hbm4b:s17+s5], $0x80, $0x38;
	[tilespmem:$0x1C440] =	vst v63  }
0x2f: {  	_ =	swait.ge [sflag:s16], $0x80  }
0x30: {  	[sflag:s16] =	ssyncset.done $0x0  }
0x31: {  	s17 =	simm.s32 $0x18480;
	[sflag:s16] =	ssyncadd.s32 $0xFFFFFF80  }
0x32: {  	[tilespmem:s17], [sflag:$0x7] =	stream.linear.gather [hbm4b:s9+s5], $0x2000, $0x38;
	[tilespmem:$0x1C440] =	vst v63  }
0x33: {  	_ =	swait.ge [sflag:s16], $0x2000  }
0x34: {  	[sflag:s16] =	ssyncset.done $0x0  }
0x35: {  	s3 =	simm.s32 $0x0;
	[sflag:s16] =	ssyncadd.s32 $0xFFFFE000  }
0x36: {  	s6 =	simm.s32 $0x200;
	v0 =	vld [tilespmem:s3+$0x18480]  }
.LBB2_2:
0x37: {  	p0 =	sne.s32 s6, $0x7E00;
	v1 =	vld [tilespmem:$0x18400];
	_ =	sdelay $0x4  }
0x38: {  	v0 =	vadd.f32 v1, v0;
	_ =	sdelay $0x1  }
0x39: {  	[tilespmem:s3+$0x18480] =	vst v0;
	v0 =	vld [tilespmem:s3+$0x18490]  }
0x3a: {  	v1 =	vld [tilespmem:$0x18410];
	_ =	sdelay $0x4  }
0x3b: {  	v0 =	vadd.f32 v1, v0;
	_ =	sdelay $0x1  }
0x3c: {  	[tilespmem:s3+$0x18490] =	vst v0;
	v0 =	vld [tilespmem:s3+$0x184A0]  }
0x3d: {  	v1 =	vld [tilespmem:$0x18420];
	_ =	sdelay $0x4  }
0x3e: {  	v0 =	vadd.f32 v1, v0;
	_ =	sdelay $0x1  }
0x3f: {  	[tilespmem:s3+$0x184A0] =	vst v0;
	v0 =	vld [tilespmem:s3+$0x184B0]  }
0x40: {  	v1 =	vld [tilespmem:$0x18430];
	_ =	sdelay $0x4  }
0x41: {  	v0 =	vadd.f32 v1, v0;
	_ =	sdelay $0x1  }
0x42: {  	[tilespmem:s3+$0x184B0] =	vst v0;
	v0 =	vld [tilespmem:s3+$0x184C0]  }
0x43: {  	v1 =	vld [tilespmem:$0x18440];
	_ =	sdelay $0x4  }
0x44: {  	v0 =	vadd.f32 v1, v0;
	_ =	sdelay $0x1  }
0x45: {  	[tilespmem:s3+$0x184C0] =	vst v0;
	v0 =	vld [tilespmem:s3+$0x184D0]  }
0x46: {  	v1 =	vld [tilespmem:$0x18450];
	_ =	sdelay $0x4  }
0x47: {  	v0 =	vadd.f32 v1, v0;
	_ =	sdelay $0x1  }
0x48: {  	[tilespmem:s3+$0x184D0] =	vst v0;
	v0 =	vld [tilespmem:s3+$0x184E0]  }
0x49: {  	v1 =	vld [tilespmem:$0x18460];
	_ =	sdelay $0x4  }
0x4a: {  	v0 =	vadd.f32 v1, v0;
	_ =	sdelay $0x1  }
0x4b: {  	[tilespmem:s3+$0x184E0] =	vst v0;
	v0 =	vld [tilespmem:s3+$0x184F0]  }
0x4c: {  	v1 =	vld [tilespmem:$0x18470];
	_ =	sdelay $0x2  }
.Ltmp0:
0x4d: {  	(pc) =	sbr.rel @p0 .LBB2_2-.Ltmp0, $4  }
0x4e: {  	_ = 	snop  }
0x4f: {  	v1 =	vadd.f32 v1, v0  }
0x50: {  	s17 =	sshra.s32 s6, $0x2  }
0x51: {  	s6 =	sadd.s32 $0x200, s6;
	v0 =	vld [tilespmem:s17+$0x18480];
	[tilespmem:s3+$0x184F0] =	vst v1;
	s3 =	smov.u32 s17  }
0x52: {  	v1 =	vld [tilespmem:$0x18400];
	_ =	sdelay $0x4  }
0x53: {  	v0 =	vadd.f32 v1, v0;
	_ =	sdelay $0x1  }
0x54: {  	[tilespmem:s3+$0x18480] =	vst v0;
	v0 =	vld [tilespmem:s3+$0x18490]  }
0x55: {  	v1 =	vld [tilespmem:$0x18410];
	_ =	sdelay $0x4  }
0x56: {  	v0 =	vadd.f32 v1, v0;
	_ =	sdelay $0x1  }
0x57: {  	[tilespmem:s3+$0x18490] =	vst v0;
	v0 =	vld [tilespmem:s3+$0x184A0]  }
0x58: {  	v1 =	vld [tilespmem:$0x18420];
	_ =	sdelay $0x4  }
0x59: {  	v0 =	vadd.f32 v1, v0;
	_ =	sdelay $0x1  }
0x5a: {  	[tilespmem:s3+$0x184A0] =	vst v0;
	v0 =	vld [tilespmem:s3+$0x184B0]  }
0x5b: {  	v1 =	vld [tilespmem:$0x18430];
	_ =	sdelay $0x4  }
0x5c: {  	v0 =	vadd.f32 v1, v0;
	_ =	sdelay $0x1  }
0x5d: {  	[tilespmem:s3+$0x184B0] =	vst v0;
	v0 =	vld [tilespmem:s3+$0x184C0]  }
0x5e: {  	v1 =	vld [tilespmem:$0x18440];
	_ =	sdelay $0x4  }
0x5f: {  	v0 =	vadd.f32 v1, v0;
	_ =	sdelay $0x1  }
0x60: {  	[tilespmem:s3+$0x184C0] =	vst v0;
	v0 =	vld [tilespmem:s3+$0x184D0]  }
0x61: {  	v1 =	vld [tilespmem:$0x18450];
	_ =	sdelay $0x4  }
0x62: {  	v0 =	vadd.f32 v1, v0;
	_ =	sdelay $0x1  }
0x63: {  	[tilespmem:s3+$0x184D0] =	vst v0;
	v0 =	vld [tilespmem:s3+$0x184E0]  }
0x64: {  	v1 =	vld [tilespmem:$0x18460];
	_ =	sdelay $0x4  }
0x65: {  	v0 =	vadd.f32 v1, v0;
	_ =	sdelay $0x1  }
0x66: {  	[tilespmem:s3+$0x184E0] =	vst v0;
	v0 =	vld [tilespmem:s3+$0x184F0]  }
0x67: {  	v1 =	vld [tilespmem:$0x18470];
	_ =	sdelay $0x4  }
0x68: {  	v0 =	vadd.f32 v1, v0;
	_ =	sdelay $0x1  }
0x69: {  	s17 =	simm.s32 $0x18480;
	[tilespmem:s3+$0x184F0] =	vst v0  }
0x6a: {  	[spmem:s10] =	stream.linear.scatter [tilespmem:s17], [sflag:$0x7], $0x2000, $0x38;
	[tilespmem:$0x1C440] =	vst v63  }
0x6b: {  	_ =	swait.ge [sflag:s16], $0x2000  }
0x6c: {  	[sflag:s16] =	ssyncset.done $0x0  }
0x6d: {  	[sflag:s16] =	ssyncadd.s32 $0xFFFFE000  }
0x6e: {  	[bflag:$0x0] =	sbarrier.arrive $0xFFFF  }
0x6f: {  	[tilespmem:s23], [sflag:$0x3] =	stream.indirect.gather [spmem:s4], $0x80, s22, s18, $0xb8;
	[tilespmem:$0x1C440] =	vst v63  }
0x70: {  	_ = 	snop  }
0x71: {  	[tilespmem:s24], [sflag:$0x4] =	stream.indirect.gather [hbm4b:s0+s18], $0x80, s18, s18, $0xb8;
	[tilespmem:$0x1C440] =	vst v63  }
0x72: {  	s3 =	simm.s32 $0x0  }
0x73: {  	[tilespmem:s25], [sflag:$0x5] =	stream.linear.gather [hbm4b:s11+s3], $0x4000, $0x38;
	[tilespmem:$0x1C440] =	vst v63  }
0x74: {  	s6 =	simm.s32 $0x280  }
0x75: {  	[tilespmem:s28], [sflag:$0x6] =	stream.indirect.gather [spmem:s4], $0x80, s6, s18, $0xb8;
	[tilespmem:$0x1C440] =	vst v63  }
0x76: {  	_ =	swait.ge [sflag:s29], $0x4000  }
0x77: {  	[sflag:s29] =	ssyncset.done $0x0  }
0x78: {  	[sflag:s29] =	ssyncadd.s32 $0xFFFFC000  }
0x79: {  	_ =	swait.ge [sflag:s30], $0x4000  }
0x7a: {  	[sflag:s30] =	ssyncset.done $0x0  }
0x7b: {  	[sflag:s30] =	ssyncadd.s32 $0xFFFFC000  }
0x7c: {  	_ =	swait.ge [sflag:s31], $0x4000  }
0x7d: {  	[sflag:s31] =	ssyncset.done $0x0  }
0x7e: {  	v0 =	vimm.f32 $0.0e+00;
	[sflag:s31] =	ssyncadd.s32 $0xFFFFC000  }
.LBB2_4:
0x7f: {  	v1 =	vld [tilespmem:$0x1FF00];
	_ =	sdelay $0x1  }
0x80: {  	s6 =	sshll.u32 s3, $0x4  }
0x81: {  	[tilespmem:$0x1FDF0] =	vst v0;
	v0 =	vmov s6  }
0x82: {  	v0 =	vshll.u32 v0, $0x7  }
0x83: {  	v1 =	vor.u32 v1, v0;
	v0 =	vld [tilespmem:$0x1FFF0];
	_ =	sdelay $0x4  }
0x84: {  	v15 =	vor.u32 v0, v1;
	v0 =	vlaneseq.u32  }
0x85: {  	v16 =	vor.u32 v0, v1;
	v0 =	vld [tilespmem:$0x1FF10];
	_ =	sdelay $0x4  }
0x86: {  	v18 =	vor.u32 v0, v1;
	v0 =	vld [tilespmem:$0x1FFC0];
	_ =	sdelay $0x4  }
0x87: {  	v19 =	vor.u32 v0, v1;
	v0 =	vld [tilespmem:$0x1FF20];
	_ =	sdelay $0x2  }
0x88: {  	v6 =	vld [tilespmem:$0x1FF40]  }
0x89: {  	v3 =	vld [tilespmem:$0x1FF30]  }
0x8a: {  	s22 =	simm.s32 $0x0;
	v20 =	vor.u32 v0, v1  }
0x8b: {  	v2 =	vor.u32 s22, v20;
	_ =	sdelay $0x1  }
0x8c: {  	v22 =	vor.u32 v6, v1;
	v6 =	vld [tilespmem:$0x1FF50]  }
0x8d: {  	v21 =	vor.u32 v3, v1  }
0x8e: {  	v3 =	vor.u32 s22, v21  }
0x8f: {  	v11 =	vld.idx.msk [tilespmem:v2+s19+$0x0], $0xffff  }
0x90: {  	v13 =	vld.idx.msk [tilespmem:v2+s23+$0x0], $0xffff  }
0x91: {  	v8 =	vor.u32 s22, v22;
	v23 =	vor.u32 v6, v1;
	v6 =	vld.idx.msk [tilespmem:v2+s20+$0x0], $0xffff  }
0x92: {  	v2 =	vld [tilespmem:$0x1FF70]  }
0x93: {  	v35 =	vld.idx.msk [tilespmem:v3+s19+$0x0], $0xffff  }
0x94: {  	v37 =	vld.idx.msk [tilespmem:v3+s23+$0x0], $0xffff  }
0x95: {  	v38 =	vld.idx.msk [tilespmem:v3+s20+$0x0], $0xffff  }
0x96: {  	v9 =	vor.u32 s22, v16;
	v39 =	vld.idx.msk [tilespmem:v8+s19+$0x0], $0xffff  }
0x97: {  	v30 =	vor.u32 s22, v23;
	v24 =	vor.u32 v2, v1;
	v2 =	vld [tilespmem:$0x1FF80]  }
0x98: {  	v40 =	vld.idx.msk [tilespmem:v8+s23+$0x0], $0xffff  }
0x99: {  	v3 =	vld.idx.msk [tilespmem:v8+s20+$0x0], $0xffff  }
0x9a: {  	v8 =	vld [tilespmem:$0x1FF60]  }
0x9b: {  	v4 =	vor.u32 s22, v18;
	v5 =	vld.idx.msk [tilespmem:v9+s23+$0x0], $0xffff  }
0x9c: {  	v42 =	vld.idx.msk [tilespmem:v30+s19+$0x0], $0xffff;
	v25 =	vor.u32 v2, v1  }
0x9d: {  	v43 =	vld.idx.msk [tilespmem:v30+s23+$0x0], $0xffff;
	v2 =	vor.u32 s22, v25  }
0x9e: {  	v44 =	vld.idx.msk [tilespmem:v30+s20+$0x0], $0xffff  }
0x9f: {  	v26 =	vor.u32 v8, v1;
	v8 =	vld [tilespmem:$0x1FF90]  }
0xa0: {  	v7 =	vld.idx.msk [tilespmem:v4+s23+$0x0], $0xffff  }
0xa1: {  	v14 =	vld.idx.msk [tilespmem:v4+s20+$0x0], $0xffff  }
0xa2: {  	v48 =	vld.idx.msk [tilespmem:v2+s19+$0x0], $0xffff  }
0xa3: {  	v46 =	vor.u32 s22, v26;
	v49 =	vld.idx.msk [tilespmem:v2+s23+$0x0], $0xffff  }
0xa4: {  	v50 =	vld.idx.msk [tilespmem:v2+s20+$0x0], $0xffff  }
0xa5: {  	v2 =	vld [tilespmem:$0x1FFB0]  }
0xa6: {  	v10 =	vor.u32 s22, v15;
	v27 =	vor.u32 v8, v1;
	v8 =	vld [tilespmem:$0x1FFA0]  }
0xa7: {  	v36 =	vor.u32 s22, v19;
	v4 =	vld.idx.msk [tilespmem:v4+s19+$0x0], $0xffff  }
0xa8: {  	v33 =	vor.u32 s22, v27;
	v51 =	vld.idx.msk [tilespmem:v46+s19+$0x0], $0xffff  }
0xa9: {  	v52 =	vld.idx.msk [tilespmem:v46+s23+$0x0], $0xffff;
	v41 =	vor.u32 s22, v24  }
0xaa: {  	v29 =	vor.u32 v2, v1;
	v2 =	vld [tilespmem:$0x1FFD0]  }
0xab: {  	v0 =	vld.idx.msk [tilespmem:v10+s20+$0x0], $0xffff  }
0xac: {  	v12 =	vld.idx.msk [tilespmem:v36+s23+$0x0], $0xffff  }
0xad: {  	v28 =	vor.u32 v8, v1;
	v53 =	vld.idx.msk [tilespmem:v33+s19+$0x0], $0xffff  }
0xae: {  	v8 =	vor.u32 s22, v28;
	v45 =	vld.idx.msk [tilespmem:v41+s19+$0x0], $0xffff  }
0xaf: {  	v30 =	vor.u32 v2, v1;
	v2 =	vld [tilespmem:$0x1FFE0]  }
0xb0: {  	v47 =	vld.idx.msk [tilespmem:v41+s23+$0x0], $0xffff  }
0xb1: {  	v55 =	vld.idx.msk [tilespmem:v33+s23+$0x0], $0xffff  }
0xb2: {  	v56 =	vld.idx.msk [tilespmem:v33+s20+$0x0], $0xffff;
	v54 =	vor.u32 s22, v29  }
0xb3: {  	v17 =	vimm.f32 $0.0e+00;
	v57 =	vld.idx.msk [tilespmem:v8+s19+$0x0], $0xffff  }
0xb4: {  	v42 =	vadd.f32 v43, v42;
	v58 =	vadd.f32 v13, v11;
	v13 =	vld.idx.msk [tilespmem:v8+s23+$0x0], $0xffff;
	v31 =	vor.u32 v2, v1  }
0xb5: {  	v43 =	vadd.f32 v47, v45;
	v47 =	vadd.f32 v49, v48;
	v48 =	vld.idx.msk [tilespmem:v36+s19+$0x0], $0xffff;
	v2 =	vor.u32 s22, v31  }
0xb6: {  	v35 =	vadd.f32 v37, v35;
	v63 =	vmul.f32 v38, v38;
	v32 =	vmul.f32 v44, v44;
	v41 =	vld.idx.msk [tilespmem:v41+s20+$0x0], $0xffff  }
0xb7: {  	v39 =	vadd.f32 v40, v39;
	v44 =	vmul.f32 v42, v44;
	v42 =	vmul.f32 v42, v42;
	v59 =	vld.idx.msk [tilespmem:v54+s19+$0x0], $0xffff  }
0xb8: {  	v4 =	vadd.f32 v7, v4;
	v51 =	vadd.f32 v52, v51;
	v37 =	vld.idx.msk [tilespmem:v54+s23+$0x0], $0xffff;
	v45 =	vor.u32 s22, v30  }
0xb9: {  	s17 =	simm.s32 $0x10;
	v52 =	vadd.f32 v55, v53;
	v55 =	vadd.f32 v13, v57;
	v53 =	vld.idx.msk [tilespmem:v54+s20+$0x0], $0xffff;
	v1 =	vmul.f32 v14, v14  }
0xba: {  	v40 =	vor.u32 s17, v21;
	v13 =	vadd.f32 v12, v48;
	v12 =	vmul.f32 v4, v14;
	v57 =	vld.idx.msk [tilespmem:v2+s19+$0x0], $0xffff;
	[tilespmem:$0x1FE00] =	vst v21  }
0xbb: {  	v61 =	vor.u32 s17, v18;
	v34 =	vmul.f32 v56, v56;
	v1 =	vadd.f32 v1, v17;
	v60 =	vld.idx.msk [tilespmem:v2+s23+$0x0], $0xffff;
	[tilespmem:$0x1FE10] =	vst v23  }
0xbc: {  	v4 =	vmul.f32 v4, v4;
	v12 =	vadd.f32 v12, v17;
	v14 =	vmul.f32 v35, v38;
	[tilespmem:$0x1FE20] =	vst v18  }
0xbd: {  	v37 =	vadd.f32 v37, v59;
	v59 =	vor.u32 s17, v23;
	v1 =	vadd.f32 v63, v1;
	v49 =	vld.idx.msk [tilespmem:v45+s20+$0x0], $0xffff  }
0xbe: {  	v4 =	vadd.f32 v4, v17;
	v35 =	vmul.f32 v35, v35;
	v14 =	vadd.f32 v14, v12;
	v48 =	vld.idx.msk [tilespmem:v45+s19+$0x0], $0xffff  }
0xbf: {  	v56 =	vmul.f32 v52, v56;
	v33 =	vmul.f32 v50, v50;
	v1 =	vadd.f32 v32, v1;
	v38 =	vld.idx.msk [tilespmem:v45+s23+$0x0], $0xffff  }
0xc0: {  	v50 =	vmul.f32 v47, v50;
	v4 =	vadd.f32 v35, v4;
	v14 =	vadd.f32 v44, v14;
	v46 =	vld.idx.msk [tilespmem:v46+s20+$0x0], $0xffff  }
0xc1: {  	v52 =	vmul.f32 v52, v52;
	v11 =	vmul.f32 v58, v58;
	v7 =	vadd.f32 v33, v1;
	v54 =	vld.idx.msk [tilespmem:v61+s20+$0x0], $0xffff  }
0xc2: {  	v4 =	vadd.f32 v42, v4;
	v14 =	vadd.f32 v50, v14;
	v50 =	vmul.f32 v37, v53;
	v12 =	vld.idx.msk [tilespmem:v59+s20+$0x0], $0xffff  }
0xc3: {  	v37 =	vmul.f32 v37, v37;
	v18 =	vmul.f32 v53, v53;
	v42 =	vld.idx.msk [tilespmem:v61+s23+$0x0], $0xffff;
	v63 =	vadd.f32 v34, v7  }
0xc4: {  	v1 =	vmul.f32 v58, v6;
	v58 =	vld.idx.msk [tilespmem:v61+s19+$0x0], $0xffff;
	v14 =	vadd.f32 v56, v14;
	v6 =	vmul.f32 v6, v6  }
0xc5: {  	v7 =	vadd.f32 v60, v57;
	v57 =	vld.idx.msk [tilespmem:v40+s20+$0x0], $0xffff;
	v45 =	vadd.f32 v18, v63;
	v62 =	vmul.f32 v49, v49  }
0xc6: {  	v63 =	vmul.f32 v0, v0;
	v18 =	vmul.f32 v47, v47;
	v38 =	vadd.f32 v38, v48;
	v48 =	vld.idx.msk [tilespmem:v10+s19+$0x0], $0xffff  }
0xc7: {  	v47 =	vmul.f32 v39, v39;
	v35 =	vadd.f32 v62, v45;
	v45 =	vld.idx.msk [tilespmem:v9+s19+$0x0], $0xffff;
	[tilespmem:$0x1FE30] =	vst v30  }
0xc8: {  	v53 =	vor.u32 s17, v25;
	v39 =	vmul.f32 v39, v3;
	v44 =	vadd.f32 v18, v4;
	v10 =	vld.idx.msk [tilespmem:v10+s23+$0x0], $0xffff;
	[tilespmem:$0x1FE40] =	vst v25  }
0xc9: {  	v3 =	vmul.f32 v3, v3;
	v34 =	vmul.f32 v54, v54;
	v42 =	vadd.f32 v42, v58;
	v9 =	vld.idx.msk [tilespmem:v9+s20+$0x0], $0xffff  }
0xca: {  	v58 =	vmul.f32 v43, v43;
	v43 =	vmul.f32 v43, v41;
	v44 =	vadd.f32 v52, v44;
	v52 =	vld.idx.msk [tilespmem:v40+s19+$0x0], $0xffff  }
0xcb: {  	v14 =	vadd.f32 v50, v14;
	v41 =	vmul.f32 v41, v41;
	v49 =	vmul.f32 v38, v49;
	v40 =	vld.idx.msk [tilespmem:v40+s23+$0x0], $0xffff  }
0xcc: {  	v4 =	vor.u32 s17, v30;
	v38 =	vmul.f32 v38, v38;
	v54 =	vmul.f32 v42, v54;
	v56 =	vld.idx.msk [tilespmem:v59+s19+$0x0], $0xffff;
	[tilespmem:$0x1FE50] =	vst v27  }
0xcd: {  	v25 =	vmul.f32 v12, v12;
	v35 =	vadd.f32 v63, v35;
	v18 =	vmul.f32 v57, v57;
	v59 =	vld.idx.msk [tilespmem:v59+s23+$0x0], $0xffff  }
0xce: {  	v14 =	vadd.f32 v49, v14;
	v37 =	vadd.f32 v37, v44;
	v44 =	vor.u32 s17, v27;
	v27 =	vld.idx.msk [tilespmem:v53+s19+$0x0], $0xffff  }
0xcf: {  	v49 =	vmul.f32 v51, v51;
	v51 =	vmul.f32 v51, v46;
	v30 =	vld.idx.msk [tilespmem:v53+s23+$0x0], $0xffff;
	v35 =	vadd.f32 v34, v35  }
0xd0: {  	v46 =	vmul.f32 v46, v46;
	[tilespmem:$0x1FE60] =	vst v29;
	v5 =	vadd.f32 v5, v45;
	v37 =	vadd.f32 v38, v37  }
0xd1: {  	v50 =	vld.idx.msk [tilespmem:v53+s20+$0x0], $0xffff;
	v35 =	vadd.f32 v18, v35;
	v10 =	vadd.f32 v10, v48;
	v18 =	vor.u32 s17, v29  }
0xd2: {  	v21 =	vld.idx.msk [tilespmem:v4+s20+$0x0], $0xffff;
	v29 =	vmul.f32 v55, v55;
	v63 =	vmul.f32 v9, v9;
	v40 =	vadd.f32 v40, v52  }
0xd3: {  	v9 =	vmul.f32 v5, v9;
	v5 =	vmul.f32 v5, v5;
	v48 =	vadd.f32 v25, v35;
	v52 =	vld.idx.msk [tilespmem:v44+s20+$0x0], $0xffff  }
0xd4: {  	v0 =	vmul.f32 v10, v0;
	v53 =	vadd.f32 v59, v56;
	v25 =	vld.idx.msk [tilespmem:v44+s19+$0x0], $0xffff;
	v59 =	vadd.f32 v30, v27  }
0xd5: {  	v44 =	vld.idx.msk [tilespmem:v44+s23+$0x0], $0xffff;
	[tilespmem:$0x1FE70] =	vst v16;
	v27 =	vor.u32 s17, v16;
	v35 =	vadd.f32 v63, v17;
	v5 =	vadd.f32 v5, v17  }
0xd6: {  	v10 =	vmul.f32 v10, v10;
	v8 =	vld.idx.msk [tilespmem:v8+s20+$0x0], $0xffff;
	v57 =	vmul.f32 v40, v57;
	v9 =	vadd.f32 v9, v17  }
0xd7: {  	v40 =	vmul.f32 v40, v40;
	v6 =	vadd.f32 v6, v35;
	v5 =	vadd.f32 v11, v5;
	v11 =	vld.idx.msk [tilespmem:v18+s19+$0x0], $0xffff  }
0xd8: {  	v0 =	vadd.f32 v0, v14;
	v14 =	vmul.f32 v50, v50;
	v10 =	vadd.f32 v10, v37;
	v38 =	vld.idx.msk [tilespmem:v18+s23+$0x0], $0xffff  }
0xd9: {  	v32 =	vor.u32 s17, v20;
	v12 =	vmul.f32 v53, v12;
	v3 =	vadd.f32 v3, v6;
	v6 =	vld.idx.msk [tilespmem:v18+s20+$0x0], $0xffff;
	[tilespmem:$0x1FE80] =	vst v24  }
0xda: {  	v35 =	vor.u32 s17, v22;
	v1 =	vadd.f32 v1, v9;
	v14 =	vadd.f32 v14, v48;
	v36 =	vld.idx.msk [tilespmem:v36+s20+$0x0], $0xffff;
	[tilespmem:$0x1FE90] =	vst v20  }
0xdb: {  	v0 =	vadd.f32 v54, v0;
	v56 =	vadd.f32 v44, v25;
	v30 =	vmul.f32 v52, v52;
	v33 =	vld.idx.msk [tilespmem:v27+s19+$0x0], $0xffff  }
0xdc: {  	v5 =	vadd.f32 v47, v5;
	v1 =	vadd.f32 v39, v1;
	v34 =	vld.idx.msk [tilespmem:v27+s23+$0x0], $0xffff;
	[tilespmem:$0x1FEA0] =	vst v22  }
0xdd: {  	v16 =	vor.u32 s17, v26;
	v55 =	vmul.f32 v55, v8;
	v3 =	vadd.f32 v41, v3;
	v2 =	vld.idx.msk [tilespmem:v2+s20+$0x0], $0xffff;
	[tilespmem:$0x1FEB0] =	vst v26  }
0xde: {  	v8 =	vmul.f32 v8, v8;
	v0 =	vadd.f32 v57, v0;
	v14 =	vadd.f32 v30, v14;
	v60 =	vld.idx.msk [tilespmem:v32+s23+$0x0], $0xffff  }
0xdf: {  	v41 =	vor.u32 s17, v24;
	v5 =	vadd.f32 v58, v5;
	v3 =	vadd.f32 v46, v3;
	v62 =	vld.idx.msk [tilespmem:v35+s19+$0x0], $0xffff  }
0xe0: {  	v18 =	vadd.f32 v38, v11;
	v0 =	vadd.f32 v12, v0;
	v24 =	vld.idx.msk [tilespmem:v35+s23+$0x0], $0xffff;
	v11 =	vmul.f32 v6, v6  }
0xe1: {  	v3 =	vadd.f32 v8, v3;
	v8 =	vmul.f32 v13, v13;
	v61 =	vmul.f32 v13, v36;
	v13 =	vld.idx.msk [tilespmem:v27+s20+$0x0], $0xffff  }
0xe2: {  	v12 =	vmul.f32 v59, v50;
	v11 =	vadd.f32 v11, v14;
	v14 =	vld.idx.msk [tilespmem:v32+s19+$0x0], $0xffff;
	[tilespmem:$0x1FEC0] =	vst v15  }
0xe3: {  	v25 =	vor.u32 s17, v15;
	v58 =	vmul.f32 v21, v21;
	v5 =	vadd.f32 v49, v5;
	[tilespmem:$0x1FED0] =	vst v28  }
0xe4: {  	v1 =	vadd.f32 v43, v1;
	v0 =	vadd.f32 v12, v0;
	v36 =	vmul.f32 v36, v36;
	v26 =	vld.idx.msk [tilespmem:v41+s19+$0x0], $0xffff  }
0xe5: {  	v5 =	vadd.f32 v29, v5;
	v47 =	vadd.f32 v34, v33;
	v63 =	vmul.f32 v2, v2;
	v27 =	vld.idx.msk [tilespmem:v41+s23+$0x0], $0xffff  }
0xe6: {  	v3 =	vadd.f32 v36, v3;
	v45 =	vmul.f32 v7, v2;
	v2 =	vmul.f32 v7, v7;
	v7 =	vld.idx.msk [tilespmem:v16+s19+$0x0], $0xffff  }
0xe7: {  	v15 =	vor.u32 s17, v28;
	v5 =	vadd.f32 v8, v5;
	v9 =	vld.idx.msk [tilespmem:v16+s23+$0x0], $0xffff;
	v11 =	vadd.f32 v58, v11  }
0xe8: {  	v29 =	vld.idx.msk [tilespmem:v32+s20+$0x0], $0xffff;
	v32 =	vmul.f32 v53, v53;
	v28 =	vadd.f32 v24, v62;
	v3 =	vadd.f32 v63, v3  }
0xe9: {  	v39 =	vld.idx.msk [tilespmem:v25+s20+$0x0], $0xffff;
	v2 =	vadd.f32 v2, v5;
	v5 =	vmul.f32 v47, v47;
	v8 =	vmul.f32 v13, v13  }
0xea: {  	v33 =	vld.idx.msk [tilespmem:v4+s19+$0x0], $0xffff;
	v63 =	vmul.f32 v56, v56;
	v49 =	vmul.f32 v47, v13;
	v13 =	vadd.f32 v51, v1  }
0xeb: {  	v4 =	vld.idx.msk [tilespmem:v4+s23+$0x0], $0xffff;
	v14 =	vadd.f32 v60, v14;
	v3 =	vadd.f32 v8, v3;
	v8 =	vmul.f32 v42, v42  }
0xec: {  	v51 =	vmul.f32 v18, v18;
	v2 =	vadd.f32 v5, v2;
	v30 =	vld.idx.msk [tilespmem:v15+s23+$0x0], $0xffff;
	v37 =	vadd.f32 v27, v26  }
0xed: {  	v60 =	vor.u32 s17, v31;
	v5 =	vmul.f32 v14, v14;
	v8 =	vadd.f32 v8, v10;
	v10 =	vld.idx.msk [tilespmem:v15+s19+$0x0], $0xffff;
	[tilespmem:$0x1FEE0] =	vst v19  }
0xee: {  	v34 =	vadd.f32 v9, v7;
	v7 =	vor.u32 s17, v19;
	v57 =	vadd.f32 v55, v13;
	v9 =	vld.idx.msk [tilespmem:v35+s20+$0x0], $0xffff;
	[tilespmem:$0x1FEF0] =	vst v31  }
0xef: {  	v2 =	vadd.f32 v5, v2;
	v5 =	vmul.f32 v28, v28;
	v8 =	vadd.f32 v40, v8;
	v41 =	vld.idx.msk [tilespmem:v41+s20+$0x0], $0xffff  }
0xf0: {  	v13 =	vadd.f32 v4, v33;
	v36 =	vmul.f32 v37, v37;
	v42 =	vmul.f32 v34, v34;
	v1 =	vld.idx.msk [tilespmem:v16+s20+$0x0], $0xffff  }
0xf1: {  	v38 =	vld.idx.msk [tilespmem:v25+s19+$0x0], $0xffff;
	v2 =	vadd.f32 v5, v2;
	v35 =	vadd.f32 v32, v8;
	v8 =	vmul.f32 v56, v52  }
0xf2: {  	v62 =	vld.idx.msk [tilespmem:v25+s23+$0x0], $0xffff;
	v52 =	vadd.f32 v61, v57;
	v5 =	vadd.f32 v30, v10;
	v10 =	vmul.f32 v29, v29  }
0xf3: {  	v40 =	vld.idx.msk [tilespmem:v60+s19+$0x0], $0xffff;
	v4 =	vadd.f32 v36, v2;
	v12 =	vadd.f32 v8, v0;
	v0 =	vmul.f32 v39, v39  }
0xf4: {  	v46 =	vld.idx.msk [tilespmem:v60+s23+$0x0], $0xffff;
	v2 =	vmul.f32 v18, v6;
	v58 =	vadd.f32 v10, v3;
	v10 =	vmul.f32 v59, v59  }
0xf5: {  	v6 =	vld.idx.msk [tilespmem:v7+s20+$0x0], $0xffff;
	v3 =	vmul.f32 v14, v29;
	v44 =	vadd.f32 v0, v11;
	v11 =	vmul.f32 v9, v9  }
0xf6: {  	v8 =	vld.idx.msk [tilespmem:v7+s19+$0x0], $0xffff;
	v48 =	vmul.f32 v5, v5;
	v0 =	vmul.f32 v28, v9;
	v14 =	vadd.f32 v10, v35  }
0xf7: {  	v9 =	vmul.f32 v41, v41;
	v10 =	vld.idx.msk [tilespmem:v7+s23+$0x0], $0xffff;
	v7 =	vmul.f32 v34, v1;
	v53 =	vadd.f32 v11, v58  }
0xf8: {  	s22 =	simm.s32 $0x30;
	s17 =	simm.s32 $0x0;
	v11 =	vmul.f32 v37, v41;
	v41 =	vld.idx.msk [tilespmem:v15+s20+$0x0], $0xffff;
	v54 =	vadd.f32 v63, v14;
	v14 =	vadd.f32 v62, v38  }
.LBB2_5:
0xf9: {  	v15 =	vld [tilespmem:$0x1FE80]  }
0xfa: {  	v26 =	vld [tilespmem:$0x1FE30]  }
0xfb: {  	v57 =	vld [tilespmem:$0x1FE70]  }
0xfc: {  	v29 =	vld [tilespmem:$0x1FEE0]  }
0xfd: {  	v30 =	vld [tilespmem:$0x1FEC0]  }
0xfe: {  	v33 =	vld [tilespmem:$0x1FE20];
	v2 =	vadd.f32 v2, v12;
	v55 =	vmul.f32 v13, v21  }
0xff: {  	v1 =	vmul.f32 v1, v1;
	v35 =	vld [tilespmem:$0x1FE90];
	v42 =	vadd.f32 v42, v4;
	v52 =	vadd.f32 v45, v52  }
0x100: {  	v24 =	vld [tilespmem:$0x1FE00];
	v12 =	vmul.f32 v13, v13;
	v31 =	vadd.f32 v55, v2;
	v2 =	vadd.f32 v9, v53  }
0x101: {  	s6 =	sadd.s32 $0xFFFFFFF0, s22;
	v36 =	vld [tilespmem:$0x1FEB0];
	v52 =	vadd.f32 v49, v52;
	v8 =	vadd.f32 v10, v8;
	v25 =	vor.u32 s22, v26  }
0x102: {  	v13 =	vld.idx.msk [tilespmem:v60+s20+$0x0], $0xffff;
	v10 =	vmul.f32 v14, v39;
	v43 =	vor.u32 s6, v29;
	v50 =	vor.u32 s6, v30  }
0x103: {  	v1 =	vadd.f32 v1, v2;
	v2 =	vmul.f32 v41, v41;
	v52 =	vadd.f32 v3, v52;
	v3 =	vld [tilespmem:$0x1FEA0]  }
0x104: {  	v51 =	vadd.f32 v51, v54;
	v47 =	vor.u32 s6, v57;
	v54 =	vadd.f32 v10, v31;
	v31 =	vld [tilespmem:$0x1FE10]  }
0x105: {  	v16 =	vor.u32 s22, v15;
	v4 =	vor.u32 s6, v33;
	v1 =	vadd.f32 v2, v1;
	v2 =	vld [tilespmem:$0x1FE40]  }
0x106: {  	[tilespmem:$0x1FDA0] =	vst v16;
	v16 =	vld.idx.msk [tilespmem:v25+s20+$0x0], $0xffff  }
0x107: {  	v61 =	vld.idx.msk [tilespmem:v43+s20+$0x0], $0xffff  }
0x108: {  	v58 =	vor.u32 s6, v35;
	v45 =	vld.idx.msk [tilespmem:v50+s20+$0x0], $0xffff  }
0x109: {  	v38 =	vadd.f32 v46, v40;
	v46 =	vmul.f32 v5, v41;
	v5 =	vld.idx.msk [tilespmem:v47+s23+$0x0], $0xffff  }
0x10a: {  	v28 =	vmul.f32 v14, v14;
	v14 =	vor.u32 s6, v24;
	v49 =	vld.idx.msk [tilespmem:v4+s23+$0x0], $0xffff  }
0x10b: {  	v9 =	vld.idx.msk [tilespmem:v43+s23+$0x0], $0xffff  }
0x10c: {  	v12 =	vadd.f32 v12, v51;
	v56 =	vmul.f32 v6, v6;
	v59 =	vmul.f32 v8, v6;
	v6 =	vld.idx.msk [tilespmem:v4+s20+$0x0], $0xffff  }
0x10d: {  	v42 =	vadd.f32 v48, v42;
	v8 =	vmul.f32 v8, v8;
	v10 =	vld.idx.msk [tilespmem:v58+s19+$0x0], $0xffff  }
0x10e: {  	v53 =	vadd.f32 v28, v12;
	[tilespmem:$0x1FDD0] =	vst v25;
	v0 =	vadd.f32 v0, v52;
	v63 =	vld.idx.msk [tilespmem:v58+s23+$0x0], $0xffff;
	v25 =	vor.u32 s6, v3  }
0x10f: {  	v34 =	vor.u32 s6, v15;
	v62 =	vmul.f32 v38, v38;
	v8 =	vadd.f32 v8, v42;
	v27 =	vld.idx.msk [tilespmem:v14+s19+$0x0], $0xffff  }
0x110: {  	v12 =	vmul.f32 v13, v13;
	v1 =	vadd.f32 v56, v1;
	v0 =	vadd.f32 v11, v0;
	v11 =	vld.idx.msk [tilespmem:v14+s23+$0x0], $0xffff  }
0x111: {  	v17 =	vld.idx.msk [tilespmem:v58+s20+$0x0], $0xffff  }
0x112: {  	v48 =	vor.u32 s6, v36;
	v55 =	vadd.f32 v12, v1;
	v1 =	vadd.f32 v62, v8;
	v8 =	vld.idx.msk [tilespmem:v14+s20+$0x0], $0xffff  }
0x113: {  	v32 =	vld.idx.msk [tilespmem:v25+s19+$0x0], $0xffff  }
0x114: {  	v28 =	vor.u32 s6, v31;
	v0 =	vadd.f32 v7, v0;
	v7 =	vadd.f32 v63, v10;
	v10 =	vld.idx.msk [tilespmem:v25+s23+$0x0], $0xffff  }
0x115: {  	v63 =	vld.idx.msk [tilespmem:v34+s19+$0x0], $0xffff  }
0x116: {  	v0 =	vadd.f32 v46, v0;
	[tilespmem:$0x1FD60] =	vst v5;
	v5 =	vld [tilespmem:$0x1FE50]  }
0x117: {  	v14 =	vadd.f32 v11, v27;
	v27 =	vld.idx.msk [tilespmem:v48+s19+$0x0], $0xffff  }
0x118: {  	v62 =	vor.u32 s6, v2;
	v0 =	vadd.f32 v59, v0;
	v59 =	vld.idx.msk [tilespmem:v48+s20+$0x0], $0xffff  }
0x119: {  	v60 =	vld.idx.msk [tilespmem:v28+s19+$0x0], $0xffff  }
0x11a: {  	v13 =	vmul.f32 v38, v13;
	[tilespmem:$0x1FD50] =	vst v16;
	v11 =	vld.idx.msk [tilespmem:v28+s23+$0x0], $0xffff  }
0x11b: {  	v40 =	vld [tilespmem:$0x1FD50]  }
0x11c: {  	v0 =	vadd.f32 v13, v0;
	v13 =	vld.idx.msk [tilespmem:v28+s20+$0x0], $0xffff  }
0x11d: {  	[tilespmem:$0x1FD70] =	vst v1;
	v1 =	vmul.f32 v7, v7;
	v38 =	vld.idx.msk [tilespmem:v62+s20+$0x0], $0xffff  }
0x11e: {  	v28 =	vld.idx.msk [tilespmem:v48+s23+$0x0], $0xffff  }
0x11f: {  	[tilespmem:$0x1FD80] =	vst v1;
	v1 =	vmul.f32 v7, v17;
	v7 =	vld.idx.msk [tilespmem:v25+s20+$0x0], $0xffff  }
0x120: {  	v25 =	vld.idx.msk [tilespmem:v62+s19+$0x0], $0xffff;
	v58 =	vor.u32 s6, v5  }
0x121: {  	v15 =	vadd.f32 v11, v60;
	v11 =	vld.idx.msk [tilespmem:v62+s23+$0x0], $0xffff  }
0x122: {  	v12 =	vmul.f32 v14, v8;
	[tilespmem:$0x1FD90] =	vst v0;
	v0 =	vmul.f32 v8, v8;
	v8 =	vadd.f32 v10, v32;
	v32 =	vld [tilespmem:$0x1FED0]  }
0x123: {  	v10 =	vld.idx.msk [tilespmem:v34+s23+$0x0], $0xffff  }
0x124: {  	[tilespmem:$0x1FDB0] =	vst v1;
	v56 =	vmul.f32 v8, v8;
	v1 =	vmul.f32 v8, v7;
	v8 =	vld.idx.msk [tilespmem:v34+s20+$0x0], $0xffff  }
0x125: {  	v52 =	vmul.f32 v6, v6;
	v62 =	vld.idx.msk [tilespmem:v58+s19+$0x0], $0xffff  }
0x126: {  	v24 =	vor.u32 s22, v24;
	v18 =	vadd.f32 v11, v25;
	v11 =	vld.idx.msk [tilespmem:v58+s23+$0x0], $0xffff  }
0x127: {  	v44 =	vadd.f32 v52, v44;
	v60 =	vor.u32 s6, v32;
	[tilespmem:$0x1FDC0] =	vst v1;
	v1 =	vld [tilespmem:$0x1FE60]  }
0x128: {  	v25 =	vld.idx.msk [tilespmem:v58+s20+$0x0], $0xffff  }
0x129: {  	v0 =	vadd.f32 v0, v44;
	v16 =	vmul.f32 v15, v13;
	v13 =	vmul.f32 v13, v13;
	v58 =	vld.idx.msk [tilespmem:v4+s19+$0x0], $0xffff  }
0x12a: {  	v42 =	vadd.f32 v28, v27;
	v28 =	vld [tilespmem:$0x1FEF0]  }
0x12b: {  	v33 =	vor.u32 s22, v33;
	v10 =	vadd.f32 v10, v63;
	v0 =	vadd.f32 v13, v0;
	v13 =	vld.idx.msk [tilespmem:v24+s20+$0x0], $0xffff  }
0x12c: {  	v19 =	vld.idx.msk [tilespmem:v60+s19+$0x0], $0xffff;
	v63 =	vor.u32 s6, v1  }
0x12d: {  	v51 =	vmul.f32 v10, v10;
	v10 =	vmul.f32 v10, v8;
	v34 =	vld.idx.msk [tilespmem:v60+s23+$0x0], $0xffff;
	v21 =	vadd.f32 v11, v62  }
0x12e: {  	v44 =	vor.u32 s22, v29;
	v62 =	vld.idx.msk [tilespmem:v60+s20+$0x0], $0xffff;
	v29 =	vadd.f32 v49, v58  }
0x12f: {  	[tilespmem:$0x1FDE0] =	vst v10;
	v10 =	vor.u32 s6, v28;
	v23 =	vmul.f32 v25, v25;
	v22 =	vmul.f32 v21, v25;
	v25 =	vld.idx.msk [tilespmem:v43+s19+$0x0], $0xffff  }
0x130: {  	v49 =	vmul.f32 v29, v29;
	v6 =	vmul.f32 v29, v6;
	v29 =	vld.idx.msk [tilespmem:v33+s20+$0x0], $0xffff  }
0x131: {  	v20 =	vld.idx.msk [tilespmem:v63+s19+$0x0], $0xffff  }
0x132: {  	v26 =	vor.u32 s6, v26;
	v11 =	vld.idx.msk [tilespmem:v63+s23+$0x0], $0xffff  }
0x133: {  	v63 =	vld.idx.msk [tilespmem:v63+s20+$0x0], $0xffff  }
0x134: {  	v27 =	vld.idx.msk [tilespmem:v10+s19+$0x0], $0xffff  }
0x135: {  	v60 =	vor.u32 s22, v28;
	v28 =	vld.idx.msk [tilespmem:v10+s23+$0x0], $0xffff  }
0x136: {  	v10 =	vld.idx.msk [tilespmem:v10+s20+$0x0], $0xffff  }
0x137: {  	v48 =	vmul.f32 v38, v38;
	v4 =	vadd.f32 v11, v20;
	v20 =	vor.u32 s22, v31;
	v31 =	vld.idx.msk [tilespmem:v26+s19+$0x0], $0xffff  }
0x138: {  	v11 =	vadd.f32 v9, v25;
	v25 =	vld.idx.msk [tilespmem:v26+s23+$0x0], $0xffff  }
0x139: {  	v19 =	vadd.f32 v34, v19;
	v34 =	vadd.f32 v48, v0;
	v0 =	vor.u32 s22, v36;
	v26 =	vld.idx.msk [tilespmem:v26+s20+$0x0], $0xffff  }
0x13a: {  	v36 =	vadd.f32 v28, v27;
	v28 =	vor.u32 s22, v2;
	v2 =	vadd.f32 v49, v53;
	v53 =	vld.idx.msk [tilespmem:v33+s23+$0x0], $0xffff  }
0x13b: {  	v9 =	vor.u32 s22, v3;
	v3 =	vadd.f32 v6, v54;
	v54 =	vld.idx.msk [tilespmem:v47+s19+$0x0], $0xffff  }
0x13c: {  	v52 =	vor.u32 s22, v30;
	v14 =	vmul.f32 v14, v14;
	v47 =	vld.idx.msk [tilespmem:v47+s20+$0x0], $0xffff  }
0x13d: {  	v43 =	vor.u32 s22, v32;
	v23 =	vadd.f32 v23, v34;
	v32 =	vmul.f32 v63, v63;
	v49 =	vld.idx.msk [tilespmem:v24+s19+$0x0], $0xffff  }
0x13e: {  	v15 =	vmul.f32 v15, v15;
	v30 =	vmul.f32 v4, v63;
	v63 =	vor.u32 s22, v35;
	v35 =	vld.idx.msk [tilespmem:v20+s19+$0x0], $0xffff  }
0x13f: {  	v37 =	vmul.f32 v18, v38;
	v58 =	vor.u32 s22, v1;
	v23 =	vadd.f32 v32, v23;
	v27 =	vld.idx.msk [tilespmem:v20+s23+$0x0], $0xffff  }
0x140: {  	v39 =	vmul.f32 v19, v19;
	v2 =	vadd.f32 v14, v2;
	v38 =	vld.idx.msk [tilespmem:v20+s20+$0x0], $0xffff;
	v25 =	vadd.f32 v25, v31  }
0x141: {  	v3 =	vadd.f32 v12, v3;
	v14 =	vmul.f32 v45, v45;
	v31 =	vld.idx.msk [tilespmem:v50+s19+$0x0], $0xffff;
	v6 =	vmul.f32 v26, v26  }
0x142: {  	v2 =	vadd.f32 v15, v2;
	v15 =	vmul.f32 v18, v18;
	v32 =	vld.idx.msk [tilespmem:v28+s20+$0x0], $0xffff;
	v26 =	vmul.f32 v25, v26  }
0x143: {  	v12 =	vmul.f32 v25, v25;
	v6 =	vadd.f32 v6, v23;
	v23 =	vld.idx.msk [tilespmem:v33+s19+$0x0], $0xffff;
	v25 =	vor.u32 s22, v5  }
0x144: {  	v46 =	vmul.f32 v19, v62;
	v3 =	vadd.f32 v16, v3;
	v2 =	vadd.f32 v15, v2;
	v5 =	vld [tilespmem:$0x1FD60]  }
0x145: {  	v15 =	vmul.f32 v21, v21;
	v33 =	vld.idx.msk [tilespmem:v50+s23+$0x0], $0xffff;
	v6 =	vadd.f32 v14, v6;
	v14 =	vmul.f32 v29, v29  }
0x146: {  	v19 =	vmul.f32 v4, v4;
	v4 =	vmul.f32 v11, v11;
	v3 =	vadd.f32 v37, v3;
	v50 =	vld.idx.msk [tilespmem:v28+s19+$0x0], $0xffff  }
0x147: {  	v48 =	vmul.f32 v11, v61;
	v2 =	vadd.f32 v15, v2;
	v6 =	vadd.f32 v14, v6;
	v14 =	vld.idx.msk [tilespmem:v24+s23+$0x0], $0xffff  }
0x148: {  	v11 =	vmul.f32 v61, v61;
	v61 =	vor.u32 s22, v57;
	v3 =	vadd.f32 v22, v3;
	v22 =	vld.idx.msk [tilespmem:v25+s20+$0x0], $0xffff  }
0x149: {  	v1 =	vmul.f32 v17, v17;
	v2 =	vadd.f32 v19, v2;
	v54 =	vadd.f32 v5, v54;
	v5 =	vld [tilespmem:$0x1FD70]  }
0x14a: {  	v37 =	vmul.f32 v47, v47;
	v23 =	vadd.f32 v53, v23;
	v16 =	vadd.f32 v33, v31;
	v53 =	vld.idx.msk [tilespmem:v28+s23+$0x0], $0xffff  }
0x14b: {  	v21 =	vmul.f32 v13, v13;
	v3 =	vadd.f32 v30, v3;
	v12 =	vadd.f32 v12, v2;
	v34 =	vld.idx.msk [tilespmem:v25+s23+$0x0], $0xffff  }
0x14c: {  	v31 =	vadd.f32 v37, v55;
	v2 =	vmul.f32 v16, v45;
	v45 =	vld.idx.msk [tilespmem:v25+s19+$0x0], $0xffff;
	v57 =	vmul.f32 v54, v54  }
0x14d: {  	v6 =	vadd.f32 v21, v6;
	v21 =	vmul.f32 v38, v38;
	v18 =	vmul.f32 v54, v47;
	v54 =	vld.idx.msk [tilespmem:v61+s23+$0x0], $0xffff  }
0x14e: {  	v3 =	vadd.f32 v26, v3;
	v47 =	vadd.f32 v57, v5;
	v5 =	vld [tilespmem:$0x1FD80]  }
0x14f: {  	v7 =	vmul.f32 v7, v7;
	v1 =	vadd.f32 v1, v31;
	v6 =	vadd.f32 v21, v6;
	v21 =	vld.idx.msk [tilespmem:v58+s20+$0x0], $0xffff  }
0x150: {  	v8 =	vmul.f32 v8, v8;
	v14 =	vadd.f32 v14, v49;
	v49 =	vld.idx.msk [tilespmem:v58+s19+$0x0], $0xffff  }
0x151: {  	v15 =	vmul.f32 v32, v32;
	v2 =	vadd.f32 v2, v3;
	v3 =	vld.idx.msk [tilespmem:v61+s20+$0x0], $0xffff;
	v1 =	vadd.f32 v7, v1  }
0x152: {  	v37 =	vmul.f32 v23, v23;
	v23 =	vmul.f32 v23, v29;
	v7 =	vld.idx.msk [tilespmem:v61+s19+$0x0], $0xffff  }
0x153: {  	v1 =	vadd.f32 v8, v1;
	v8 =	vmul.f32 v59, v59;
	v26 =	vadd.f32 v5, v47;
	v5 =	vld [tilespmem:$0x1FD90]  }
0x154: {  	v61 =	vld.idx.msk [tilespmem:v9+s20+$0x0], $0xffff;
	v19 =	vadd.f32 v53, v50;
	v50 =	vmul.f32 v22, v22;
	v6 =	vadd.f32 v15, v6  }
0x155: {  	v57 =	vld.idx.msk [tilespmem:v63+s19+$0x0], $0xffff;
	v1 =	vadd.f32 v8, v1;
	v8 =	vmul.f32 v62, v62  }
0x156: {  	v2 =	vadd.f32 v23, v2;
	v23 =	vld.idx.msk [tilespmem:v63+s23+$0x0], $0xffff;
	v6 =	vadd.f32 v50, v6;
	v55 =	vmul.f32 v21, v21  }
0x157: {  	v20 =	vmul.f32 v40, v40;
	v53 =	vld.idx.msk [tilespmem:v58+s23+$0x0], $0xffff;
	v17 =	vadd.f32 v34, v45;
	v1 =	vadd.f32 v8, v1  }
0x158: {  	v45 =	vmul.f32 v36, v10;
	v6 =	vadd.f32 v55, v6;
	v18 =	vadd.f32 v18, v5;
	v5 =	vld [tilespmem:$0x1FDA0]  }
0x159: {  	v62 =	vld.idx.msk [tilespmem:v9+s19+$0x0], $0xffff;
	v7 =	vadd.f32 v54, v7;
	v8 =	vmul.f32 v16, v16;
	v58 =	vadd.f32 v56, v26  }
0x15a: {  	v10 =	vmul.f32 v10, v10;
	v9 =	vld.idx.msk [tilespmem:v9+s23+$0x0], $0xffff;
	v1 =	vadd.f32 v11, v1;
	v20 =	vadd.f32 v20, v6  }
0x15b: {  	v41 =	vmul.f32 v42, v42;
	v54 =	vld.idx.msk [tilespmem:v0+s19+$0x0], $0xffff;
	v8 =	vadd.f32 v8, v12;
	v12 =	vadd.f32 v23, v57  }
0x15c: {  	v57 =	vld [tilespmem:$0x1FDD0];
	v24 =	vadd.f32 v51, v58;
	v6 =	vadd.f32 v10, v1;
	v10 =	vmul.f32 v3, v3  }
0x15d: {  	v27 =	vadd.f32 v27, v35;
	v1 =	vld.idx.msk [tilespmem:v0+s20+$0x0], $0xffff  }
0x15e: {  	v30 =	vadd.f32 v41, v24;
	v6 =	vadd.f32 v10, v6;
	v10 =	vld.idx.msk [tilespmem:v0+s23+$0x0], $0xffff  }
0x15f: {  	v13 =	vmul.f32 v14, v13;
	v0 =	vld [tilespmem:$0x1FDB0]  }
0x160: {  	v42 =	vmul.f32 v42, v59;
	v15 =	vmul.f32 v27, v27;
	v16 =	vadd.f32 v39, v30;
	v35 =	vld.idx.msk [tilespmem:v5+s20+$0x0], $0xffff  }
0x161: {  	v27 =	vmul.f32 v27, v38;
	v14 =	vmul.f32 v14, v14;
	v11 =	vadd.f32 v13, v2;
	v13 =	vld.idx.msk [tilespmem:v5+s19+$0x0], $0xffff  }
0x162: {  	v28 =	vadd.f32 v53, v49;
	v4 =	vadd.f32 v4, v16;
	v53 =	vld.idx.msk [tilespmem:v5+s23+$0x0], $0xffff;
	v5 =	vmul.f32 v36, v36  }
0x163: {  	v49 =	vmul.f32 v7, v3;
	v3 =	vadd.f32 v9, v62;
	v8 =	vadd.f32 v37, v8  }
0x164: {  	v55 =	vld.idx.msk [tilespmem:v43+s23+$0x0], $0xffff;
	v7 =	vmul.f32 v7, v7;
	v11 =	vadd.f32 v27, v11;
	v4 =	vadd.f32 v5, v4  }
0x165: {  	v59 =	vmul.f32 v19, v32;
	v23 =	vld.idx.msk [tilespmem:v43+s19+$0x0], $0xffff;
	v8 =	vadd.f32 v14, v8;
	v18 =	vadd.f32 v0, v18  }
0x166: {  	v0 =	vmul.f32 v3, v61;
	v4 =	vadd.f32 v7, v4;
	v7 =	vmul.f32 v3, v3;
	v3 =	vld [tilespmem:$0x1FDC0]  }
0x167: {  	v19 =	vmul.f32 v19, v19;
	v11 =	vadd.f32 v59, v11;
	v59 =	vld [tilespmem:$0x1FDE0];
	v15 =	vadd.f32 v15, v8  }
0x168: {  	v2 =	vmul.f32 v28, v21;
	v21 =	vmul.f32 v12, v12;
	v5 =	vld.idx.msk [tilespmem:v63+s20+$0x0], $0xffff  }
0x169: {  	v22 =	vmul.f32 v17, v22;
	v17 =	vmul.f32 v17, v17;
	v39 =	vld.idx.msk [tilespmem:v52+s20+$0x0], $0xffff;
	v15 =	vadd.f32 v19, v15  }
0x16a: {  	v51 =	vmul.f32 v28, v28;
	v56 =	vadd.f32 v53, v13;
	v13 =	vld.idx.msk [tilespmem:v57+s19+$0x0], $0xffff;
	v4 =	vadd.f32 v21, v4  }
0x16b: {  	v14 =	vmul.f32 v61, v61;
	v10 =	vadd.f32 v10, v54;
	v21 =	vld.idx.msk [tilespmem:v57+s23+$0x0], $0xffff;
	v3 =	vadd.f32 v3, v18  }
0x16c: {  	v41 =	vld.idx.msk [tilespmem:v43+s20+$0x0], $0xffff;
	v54 =	vadd.f32 v17, v15;
	v58 =	vmul.f32 v56, v56;
	v4 =	vadd.f32 v7, v4  }
0x16d: {  	s17 =	sadd.s32 $0x2, s17;
	v61 =	vld.idx.msk [tilespmem:v52+s19+$0x0], $0xffff;
	v9 =	vmul.f32 v35, v35;
	v62 =	vmul.f32 v5, v5;
	v26 =	vadd.f32 v59, v3  }
0x16e: {  	p0 =	slt.u32 s17, $0x6;
	v63 =	vld.idx.msk [tilespmem:v52+s23+$0x0], $0xffff;
	v4 =	vadd.f32 v58, v4;
	v3 =	vmul.f32 v12, v5;
	v5 =	vadd.f32 v55, v23  }
.Ltmp1:
0x16f: {  	v8 =	vld.idx.msk [tilespmem:v44+s19+$0x0], $0xffff;
	v7 =	vmul.f32 v10, v1;
	v12 =	vadd.f32 v22, v11;
	v26 =	vadd.f32 v42, v26;
	(pc) =	sbr.rel @p0 .LBB2_5-.Ltmp1, $4  }
0x170: {  	v11 =	vmul.f32 v39, v39;
	v23 =	vadd.f32 v62, v6;
	v6 =	vld.idx.msk [tilespmem:v44+s20+$0x0], $0xffff;
	v13 =	vadd.f32 v21, v13  }
0x171: {  	v21 =	vmov v40;
	v40 =	vld.idx.msk [tilespmem:v60+s19+$0x0], $0xffff;
	v42 =	vmul.f32 v10, v10;
	v22 =	vadd.f32 v46, v26  }
0x172: {  	v10 =	vld.idx.msk [tilespmem:v44+s23+$0x0], $0xffff;
	v44 =	vadd.f32 v11, v20;
	v53 =	vadd.f32 v14, v23;
	v11 =	vmul.f32 v56, v35  }
0x173: {  	s22 =	sadd.s32 $0x20, s22;
	v14 =	vadd.f32 v63, v61;
	v46 =	vld.idx.msk [tilespmem:v60+s23+$0x0], $0xffff;
	v52 =	vadd.f32 v48, v22;
	v48 =	vmul.f32 v5, v5  }
0x174: {  	_ =	sdelay $0x2  }
0x175: {  	v9 =	vadd.f32 v9, v53;
	v1 =	vmul.f32 v1, v1  }
0x176: {  	v15 =	vld.idx.msk [tilespmem:v60+s20+$0x0], $0xffff  }
0x177: {  	v38 =	vmul.f32 v41, v41;
	v1 =	vadd.f32 v1, v9;
	_ =	sdelay $0x1  }
0x178: {  	v16 =	vmul.f32 v6, v6;
	v1 =	vadd.f32 v38, v1;
	_ =	sdelay $0x1  }
0x179: {  	v43 =	vmul.f32 v15, v15;
	v1 =	vadd.f32 v16, v1;
	_ =	sdelay $0x1  }
0x17a: {  	v1 =	vadd.f32 v43, v1;
	_ =	sdelay $0x1  }
0x17b: {  	v1 =	vadd.f32 v44, v1;
	_ =	sdelay $0x1  }
0x17c: {  	v47 =	vshrl.u32 v1, $0x1;
	v1 =	vmul.f32 $5.000000000e-01, v1  }
0x17d: {  	v9 =	vsub.s32 $0x5F3759DF, v47  }
0x17e: {  	v50 =	vmul.f32 v9, v1;
	_ =	sdelay $0x1  }
0x17f: {  	v17 =	vadd.f32 v45, v52;
	v16 =	vmul.f32 v9, v50;
	_ =	sdelay $0x1  }
0x180: {  	v17 =	vadd.f32 v49, v17;
	v16 =	vsub.f32 $1.500000000e+00, v16;
	_ =	sdelay $0x1  }
0x181: {  	v3 =	vadd.f32 v3, v17;
	v9 =	vmul.f32 v9, v16;
	_ =	sdelay $0x1  }
0x182: {  	v0 =	vadd.f32 v0, v3;
	v3 =	vmul.f32 v9, v1;
	_ =	sdelay $0x1  }
0x183: {  	v3 =	vmul.f32 v3, v9;
	_ =	sdelay $0x1  }
0x184: {  	v4 =	vadd.f32 v42, v4;
	v3 =	vsub.f32 $1.500000000e+00, v3  }
0x185: {  	v53 =	vmul.f32 v13, v21;
	v55 =	vadd.f32 v51, v54;
	v0 =	vadd.f32 v11, v0  }
0x186: {  	v2 =	vadd.f32 v2, v12;
	v56 =	vmul.f32 v13, v13;
	v3 =	vmul.f32 v3, v9  }
0x187: {  	v5 =	vmul.f32 v5, v41;
	v8 =	vadd.f32 v10, v8;
	v0 =	vadd.f32 v7, v0  }
0x188: {  	v60 =	vmul.f32 v14, v39;
	v4 =	vadd.f32 v48, v4;
	v1 =	vmul.f32 v3, v1  }
0x189: {  	v57 =	vadd.f32 v46, v40;
	v59 =	vmul.f32 v8, v6;
	v0 =	vadd.f32 v5, v0  }
0x18a: {  	v2 =	vadd.f32 v53, v2;
	v62 =	vadd.f32 v56, v55;
	v1 =	vmul.f32 v1, v3  }
0x18b: {  	v8 =	vmul.f32 v8, v8;
	v61 =	vmul.f32 v57, v15;
	v0 =	vadd.f32 v59, v0  }
0x18c: {  	v58 =	vmul.f32 v14, v14;
	v2 =	vadd.f32 v60, v2;
	v1 =	vsub.f32 $1.500000000e+00, v1  }
0x18d: {  	v4 =	vadd.f32 v8, v4;
	v7 =	vmul.f32 v57, v57;
	v0 =	vadd.f32 v61, v0  }
0x18e: {  	v63 =	vadd.f32 v58, v62;
	v1 =	vmul.f32 v1, v3;
	v3 =	vld [tilespmem:$0x1FDF0]  }
0x18f: {  	s3 =	sadd.s32 $0x1, s3;
	v4 =	vadd.f32 v7, v4;
	v0 =	vadd.f32 v2, v0  }
0x190: {  	p0 =	sne.s32 s3, $0x8  }
.Ltmp2:
0x191: {  	v2 =	vadd.f32 v63, v4;
	v0 =	vadd.f32 v0, v0;
	(pc) =	sbr.rel @p0 .LBB2_4-.Ltmp2, $3  }
0x192: {  	_ = 	snop  }
0x193: {  	v0 =	vmul.f32 v1, v0;
	v2 =	vadd.f32 v2, v3;
	_ =	sdelay $0x1  }
0x194: {  	v0 =	vsub.f32 v2, v0  }
0x195: {  	s3 =	simm.s32 $0x100  }
0x196: {  	[tilespmem:s19], [sflag:$0x1] =	stream.indirect.gather [hbm4b:s0+s18], $0x80, s3, s18, $0xb8;
	[tilespmem:$0x1C440] =	vst v63  }
0x197: {  	s3 =	simm.s32 $0x0  }
0x198: {  	[tilespmem:s20], [sflag:$0x2] =	stream.linear.gather [hbm4b:s12+s3], $0x4000, $0x38;
	[tilespmem:$0x1C440] =	vst v63  }
0x199: {  	s6 =	simm.s32 $0x300  }
0x19a: {  	[tilespmem:s23], [sflag:$0x3] =	stream.indirect.gather [spmem:s4], $0x80, s6, s18, $0xb8;
	[tilespmem:$0x1C440] =	vst v63  }
0x19b: {  	_ =	swait.ge [sflag:s1], $0x4000  }
0x19c: {  	[sflag:s1] =	ssyncset.done $0x0  }
0x19d: {  	[sflag:s1] =	ssyncadd.s32 $0xFFFFC000  }
0x19e: {  	_ =	swait.ge [sflag:s21], $0x4000  }
0x19f: {  	[sflag:s21] =	ssyncset.done $0x0  }
0x1a0: {  	[sflag:s21] =	ssyncadd.s32 $0xFFFFC000  }
0x1a1: {  	_ =	swait.ge [sflag:s26], $0x4000  }
0x1a2: {  	[sflag:s26] =	ssyncset.done $0x0  }
0x1a3: {  	[sflag:s26] =	ssyncadd.s32 $0xFFFFC000  }
.LBB2_8:
0x1a4: {  	v1 =	vld [tilespmem:$0x1FF00]  }
0x1a5: {  	v4 =	vld [tilespmem:$0x1FF40]  }
0x1a6: {  	s6 =	sshll.u32 s3, $0x4;
	v7 =	vld [tilespmem:$0x1FF70]  }
0x1a7: {  	[tilespmem:$0x1FDF0] =	vst v0;
	v0 =	vmov s6  }
0x1a8: {  	v5 =	vld [tilespmem:$0x1FF50];
	v0 =	vshll.u32 v0, $0x7  }
0x1a9: {  	v2 =	vor.u32 v1, v0;
	v0 =	vld [tilespmem:$0x1FFF0]  }
0x1aa: {  	v1 =	vld [tilespmem:$0x1FF30]  }
0x1ab: {  	s22 =	simm.s32 $0x0;
	v25 =	vor.u32 v4, v2;
	v27 =	vor.u32 v7, v2;
	v7 =	vld [tilespmem:$0x1FF60]  }
0x1ac: {  	v16 =	vor.u32 s22, v25  }
0x1ad: {  	v26 =	vor.u32 v5, v2  }
0x1ae: {  	v18 =	vld [tilespmem:$0x1FFD0];
	v5 =	vor.u32 s22, v26;
	v19 =	vor.u32 v0, v2;
	v0 =	vlaneseq.u32  }
0x1af: {  	v20 =	vor.u32 v0, v2;
	v0 =	vld [tilespmem:$0x1FF10]  }
0x1b0: {  	v24 =	vor.u32 v1, v2;
	v29 =	vor.u32 v7, v2;
	v7 =	vld [tilespmem:$0x1FF90]  }
0x1b1: {  	v1 =	vor.u32 s22, v24;
	v37 =	vld.idx.msk [tilespmem:v16+s24+$0x0], $0xffff  }
0x1b2: {  	v38 =	vld.idx.msk [tilespmem:v16+s28+$0x0], $0xffff  }
0x1b3: {  	v39 =	vld.idx.msk [tilespmem:v5+s24+$0x0], $0xffff  }
0x1b4: {  	v40 =	vld.idx.msk [tilespmem:v5+s28+$0x0], $0xffff  }
0x1b5: {  	v10 =	vor.u32 s22, v27;
	v41 =	vld.idx.msk [tilespmem:v5+s25+$0x0], $0xffff  }
0x1b6: {  	v17 =	vld.idx.msk [tilespmem:v1+s24+$0x0], $0xffff  }
0x1b7: {  	v34 =	vld.idx.msk [tilespmem:v1+s28+$0x0], $0xffff  }
0x1b8: {  	v36 =	vld.idx.msk [tilespmem:v1+s25+$0x0], $0xffff  }
0x1b9: {  	v9 =	vor.u32 s22, v20;
	v1 =	vld [tilespmem:$0x1FF80]  }
0x1ba: {  	v42 =	vld.idx.msk [tilespmem:v10+s24+$0x0], $0xffff;
	v5 =	vor.u32 s22, v29  }
0x1bb: {  	v43 =	vld.idx.msk [tilespmem:v10+s28+$0x0], $0xffff  }
0x1bc: {  	v21 =	vor.u32 v0, v2;
	v0 =	vld [tilespmem:$0x1FFC0]  }
0x1bd: {  	v30 =	vor.u32 v7, v2;
	v7 =	vld [tilespmem:$0x1FFA0];
	v8 =	vor.u32 s22, v21  }
0x1be: {  	v6 =	vld.idx.msk [tilespmem:v9+s28+$0x0], $0xffff;
	v28 =	vor.u32 v1, v2  }
0x1bf: {  	v47 =	vld.idx.msk [tilespmem:v5+s24+$0x0], $0xffff;
	v1 =	vor.u32 s22, v28  }
0x1c0: {  	v48 =	vld.idx.msk [tilespmem:v5+s28+$0x0], $0xffff  }
0x1c1: {  	v22 =	vor.u32 v0, v2;
	v0 =	vld [tilespmem:$0x1FF20]  }
0x1c2: {  	v13 =	vld.idx.msk [tilespmem:v8+s28+$0x0], $0xffff  }
0x1c3: {  	v32 =	vor.u32 s22, v30;
	v15 =	vld.idx.msk [tilespmem:v8+s25+$0x0], $0xffff  }
0x1c4: {  	v44 =	vld.idx.msk [tilespmem:v1+s24+$0x0], $0xffff  }
0x1c5: {  	v45 =	vld.idx.msk [tilespmem:v1+s28+$0x0], $0xffff  }
0x1c6: {  	v46 =	vld.idx.msk [tilespmem:v1+s25+$0x0], $0xffff  }
0x1c7: {  	v1 =	vld [tilespmem:$0x1FFB0]  }
0x1c8: {  	v3 =	vor.u32 s22, v19;
	v49 =	vld.idx.msk [tilespmem:v32+s24+$0x0], $0xffff  }
0x1c9: {  	v31 =	vor.u32 v7, v2;
	v35 =	vor.u32 s22, v22;
	v51 =	vld.idx.msk [tilespmem:v32+s28+$0x0], $0xffff  }
0x1ca: {  	v7 =	vor.u32 s22, v31;
	v52 =	vld.idx.msk [tilespmem:v32+s25+$0x0], $0xffff  }
0x1cb: {  	v8 =	vld.idx.msk [tilespmem:v8+s24+$0x0], $0xffff  }
0x1cc: {  	v23 =	vor.u32 v0, v2;
	v33 =	vor.u32 v1, v2;
	v1 =	vld [tilespmem:$0x1FFE0]  }
0x1cd: {  	v0 =	vld.idx.msk [tilespmem:v3+s25+$0x0], $0xffff;
	v11 =	vor.u32 s22, v23  }
0x1ce: {  	v14 =	vld.idx.msk [tilespmem:v35+s28+$0x0], $0xffff  }
0x1cf: {  	v53 =	vld.idx.msk [tilespmem:v7+s24+$0x0], $0xffff;
	v50 =	vor.u32 s22, v33  }
0x1d0: {  	v54 =	vld.idx.msk [tilespmem:v7+s28+$0x0], $0xffff  }
0x1d1: {  	v17 =	vadd.f32 v34, v17;
	v34 =	vadd.f32 v38, v37;
	v37 =	vld.idx.msk [tilespmem:v35+s24+$0x0], $0xffff;
	v32 =	vor.u32 v1, v2  }
0x1d2: {  	v4 =	vld.idx.msk [tilespmem:v11+s24+$0x0], $0xffff;
	v1 =	vor.u32 s22, v32  }
0x1d3: {  	v18 =	vor.u32 v18, v2;
	v12 =	vld.idx.msk [tilespmem:v11+s28+$0x0], $0xffff  }
0x1d4: {  	v58 =	vor.u32 s22, v18;
	v55 =	vld.idx.msk [tilespmem:v50+s24+$0x0], $0xffff  }
0x1d5: {  	v2 =	vld.idx.msk [tilespmem:v50+s28+$0x0], $0xffff  }
0x1d6: {  	v60 =	vmul.f32 v41, v41;
	v38 =	vadd.f32 v40, v39;
	v50 =	vld.idx.msk [tilespmem:v50+s25+$0x0], $0xffff  }
0x1d7: {  	v40 =	vadd.f32 v43, v42;
	v47 =	vadd.f32 v48, v47;
	v56 =	vmul.f32 v15, v15;
	v43 =	vld.idx.msk [tilespmem:v1+s24+$0x0], $0xffff  }
0x1d8: {  	v48 =	vadd.f32 v51, v49;
	v13 =	vadd.f32 v13, v8;
	v61 =	vld.idx.msk [tilespmem:v1+s28+$0x0], $0xffff;
	[tilespmem:$0x1FC50] =	vst v24  }
0x1d9: {  	s17 =	simm.s32 $0x10;
	v42 =	vadd.f32 v45, v44;
	v57 =	vadd.f32 v12, v4;
	v4 =	vimm.f32 $0.0e+00;
	v62 =	vld.idx.msk [tilespmem:v58+s24+$0x0], $0xffff  }
0x1da: {  	v49 =	vor.u32 s17, v24;
	v12 =	vmul.f32 v36, v36;
	v59 =	vadd.f32 v56, v4;
	v63 =	vld.idx.msk [tilespmem:v58+s28+$0x0], $0xffff;
	[tilespmem:$0x1FC60] =	vst v21  }
0x1db: {  	v8 =	vadd.f32 v14, v37;
	v14 =	vmul.f32 v13, v13;
	v13 =	vmul.f32 v13, v15;
	[tilespmem:$0x1FC70] =	vst v26  }
0x1dc: {  	v44 =	vmul.f32 v46, v46;
	v36 =	vmul.f32 v17, v36;
	v39 =	vadd.f32 v12, v59;
	v58 =	vld.idx.msk [tilespmem:v58+s25+$0x0], $0xffff  }
0x1dd: {  	v13 =	vadd.f32 v13, v4;
	v12 =	vadd.f32 v54, v53;
	v24 =	vor.u32 s17, v21;
	v59 =	vld.idx.msk [tilespmem:v11+s25+$0x0], $0xffff  }
0x1de: {  	v39 =	vadd.f32 v60, v39;
	v54 =	vadd.f32 v2, v55;
	v55 =	vor.u32 s17, v26;
	v16 =	vld.idx.msk [tilespmem:v16+s25+$0x0], $0xffff  }
0x1df: {  	v17 =	vmul.f32 v17, v17;
	v14 =	vadd.f32 v14, v4;
	v37 =	vld.idx.msk [tilespmem:v49+s25+$0x0], $0xffff  }
0x1e0: {  	v13 =	vadd.f32 v36, v13;
	v11 =	vadd.f32 v44, v39;
	v44 =	vmul.f32 v52, v52;
	v36 =	vld.idx.msk [tilespmem:v3+s24+$0x0], $0xffff  }
0x1e1: {  	v41 =	vmul.f32 v38, v41;
	v56 =	vmul.f32 v38, v38;
	v14 =	vadd.f32 v17, v14;
	v26 =	vld.idx.msk [tilespmem:v9+s24+$0x0], $0xffff  }
0x1e2: {  	v15 =	vmul.f32 v50, v50;
	v11 =	vadd.f32 v44, v11;
	v39 =	vld.idx.msk [tilespmem:v24+s25+$0x0], $0xffff  }
0x1e3: {  	v60 =	vmul.f32 v0, v0;
	v14 =	vadd.f32 v56, v14;
	v13 =	vadd.f32 v41, v13;
	v44 =	vld.idx.msk [tilespmem:v55+s24+$0x0], $0xffff  }
0x1e4: {  	v50 =	vmul.f32 v54, v50;
	v2 =	vadd.f32 v61, v43;
	v15 =	vadd.f32 v15, v11;
	v11 =	vld.idx.msk [tilespmem:v55+s25+$0x0], $0xffff  }
0x1e5: {  	v61 =	vmul.f32 v42, v46;
	v42 =	vmul.f32 v42, v42;
	v43 =	vadd.f32 v63, v62;
	v62 =	vld.idx.msk [tilespmem:v24+s28+$0x0], $0xffff  }
0x1e6: {  	v63 =	vld.idx.msk [tilespmem:v24+s24+$0x0], $0xffff;
	v24 =	vmul.f32 v48, v52;
	v48 =	vmul.f32 v48, v48;
	[tilespmem:$0x1FC80] =	vst v28;
	v28 =	vor.u32 s17, v28  }
0x1e7: {  	v51 =	vmul.f32 v58, v58;
	v14 =	vadd.f32 v42, v14;
	v13 =	vadd.f32 v61, v13  }
0x1e8: {  	v56 =	vld.idx.msk [tilespmem:v3+s28+$0x0], $0xffff;
	[tilespmem:$0x1FC90] =	vst v27;
	v3 =	vor.u32 s17, v27;
	v61 =	vmul.f32 v54, v54;
	v54 =	vmul.f32 v57, v59  }
0x1e9: {  	v6 =	vadd.f32 v6, v26;
	v38 =	vld.idx.msk [tilespmem:v55+s28+$0x0], $0xffff;
	v26 =	vmul.f32 v43, v58;
	v43 =	vmul.f32 v43, v43  }
0x1ea: {  	v53 =	vld.idx.msk [tilespmem:v9+s25+$0x0], $0xffff;
	v55 =	vmul.f32 v34, v16;
	v16 =	vmul.f32 v16, v16;
	v15 =	vadd.f32 v51, v15  }
0x1eb: {  	[tilespmem:$0x1FCA0] =	vst v18;
	v14 =	vadd.f32 v48, v14;
	v13 =	vadd.f32 v24, v13;
	v24 =	vmul.f32 v57, v57  }
0x1ec: {  	v9 =	vor.u32 s17, v18;
	v57 =	vmul.f32 v59, v59;
	v17 =	vadd.f32 v62, v63;
	v62 =	vld.idx.msk [tilespmem:v49+s24+$0x0], $0xffff;
	[tilespmem:$0x1FCB0] =	vst v30  }
0x1ed: {  	v21 =	vmul.f32 v39, v39;
	v15 =	vadd.f32 v60, v15;
	v63 =	vor.u32 s17, v30;
	v18 =	vld.idx.msk [tilespmem:v49+s28+$0x0], $0xffff  }
0x1ee: {  	v60 =	vmul.f32 v37, v37;
	v14 =	vadd.f32 v61, v14;
	v13 =	vadd.f32 v50, v13;
	v42 =	vld.idx.msk [tilespmem:v28+s25+$0x0], $0xffff  }
0x1ef: {  	v30 =	vmul.f32 v34, v34;
	v36 =	vadd.f32 v56, v36;
	v27 =	vld.idx.msk [tilespmem:v28+s24+$0x0], $0xffff;
	v15 =	vadd.f32 v21, v15  }
0x1f0: {  	v45 =	vld.idx.msk [tilespmem:v28+s28+$0x0], $0xffff;
	v21 =	vmul.f32 v11, v11;
	v28 =	vmul.f32 v53, v53;
	v14 =	vadd.f32 v43, v14  }
0x1f1: {  	v10 =	vld.idx.msk [tilespmem:v10+s25+$0x0], $0xffff;
	v13 =	vadd.f32 v26, v13;
	v38 =	vadd.f32 v38, v44;
	v39 =	vmul.f32 v17, v39  }
0x1f2: {  	v59 =	vor.u32 s17, v33;
	v0 =	vmul.f32 v36, v0;
	v41 =	vadd.f32 v18, v62;
	v18 =	vld.idx.msk [tilespmem:v63+s25+$0x0], $0xffff;
	[tilespmem:$0x1FCC0] =	vst v33  }
0x1f3: {  	v17 =	vmul.f32 v17, v17;
	v36 =	vmul.f32 v36, v36;
	v15 =	vadd.f32 v60, v15;
	v60 =	vld.idx.msk [tilespmem:v63+s24+$0x0], $0xffff  }
0x1f4: {  	v58 =	vadd.f32 v28, v4;
	v11 =	vmul.f32 v38, v11;
	v0 =	vadd.f32 v0, v13;
	v46 =	vld.idx.msk [tilespmem:v63+s28+$0x0], $0xffff  }
0x1f5: {  	v13 =	vmul.f32 v40, v40;
	v14 =	vadd.f32 v36, v14;
	v15 =	vadd.f32 v21, v15;
	v21 =	vld.idx.msk [tilespmem:v9+s25+$0x0], $0xffff  }
0x1f6: {  	v48 =	vadd.f32 v57, v58;
	v61 =	vmul.f32 v42, v42;
	v45 =	vadd.f32 v45, v27;
	v5 =	vld.idx.msk [tilespmem:v5+s25+$0x0], $0xffff  }
0x1f7: {  	v51 =	vor.u32 s17, v23;
	v62 =	vmul.f32 v6, v53;
	v6 =	vmul.f32 v6, v6;
	v7 =	vld.idx.msk [tilespmem:v7+s25+$0x0], $0xffff;
	[tilespmem:$0x1FCD0] =	vst v20  }
0x1f8: {  	v40 =	vmul.f32 v40, v10;
	v63 =	vor.u32 s17, v20;
	v0 =	vadd.f32 v39, v0;
	v53 =	vld.idx.msk [tilespmem:v59+s25+$0x0], $0xffff  }
0x1f9: {  	v10 =	vmul.f32 v10, v10;
	v14 =	vadd.f32 v17, v14;
	v6 =	vadd.f32 v6, v4;
	v50 =	vld.idx.msk [tilespmem:v59+s28+$0x0], $0xffff  }
0x1fa: {  	v27 =	vmul.f32 v47, v47;
	v15 =	vadd.f32 v61, v15;
	v16 =	vadd.f32 v16, v48;
	v35 =	vld.idx.msk [tilespmem:v35+s25+$0x0], $0xffff  }
0x1fb: {  	v4 =	vadd.f32 v62, v4;
	v37 =	vmul.f32 v41, v37;
	v6 =	vadd.f32 v24, v6;
	v24 =	vld.idx.msk [tilespmem:v59+s24+$0x0], $0xffff  }
0x1fc: {  	v10 =	vadd.f32 v10, v16;
	[tilespmem:$0x1FCE0] =	vst v23;
	v47 =	vmul.f32 v47, v5;
	v5 =	vmul.f32 v5, v5  }
0x1fd: {  	v26 =	vmul.f32 v18, v18;
	v6 =	vadd.f32 v30, v6;
	v28 =	vld.idx.msk [tilespmem:v63+s24+$0x0], $0xffff;
	v30 =	vmul.f32 v12, v12  }
0x1fe: {  	v20 =	vmul.f32 v12, v7;
	v12 =	vld.idx.msk [tilespmem:v63+s28+$0x0], $0xffff;
	[tilespmem:$0x1FCF0] =	vst v25;
	v5 =	vadd.f32 v5, v10;
	v10 =	vor.u32 s17, v25  }
0x1ff: {  	v0 =	vadd.f32 v37, v0;
	v4 =	vadd.f32 v54, v4;
	v1 =	vld.idx.msk [tilespmem:v1+s25+$0x0], $0xffff;
	[tilespmem:$0x1FD00] =	vst v29  }
0x200: {  	v15 =	vadd.f32 v26, v15;
	v6 =	vadd.f32 v13, v6;
	v13 =	vmul.f32 v53, v53;
	v52 =	vld.idx.msk [tilespmem:v63+s25+$0x0], $0xffff  }
0x201: {  	v46 =	vadd.f32 v46, v60;
	v7 =	vmul.f32 v7, v7;
	v60 =	vmul.f32 v21, v21;
	v61 =	vld.idx.msk [tilespmem:v51+s28+$0x0], $0xffff  }
0x202: {  	v49 =	vadd.f32 v50, v24;
	v50 =	vor.u32 s17, v29;
	v13 =	vadd.f32 v13, v15;
	v15 =	vld.idx.msk [tilespmem:v51+s24+$0x0], $0xffff  }
0x203: {  	v0 =	vadd.f32 v11, v0;
	v24 =	vor.u32 s17, v31;
	v5 =	vadd.f32 v7, v5;
	v62 =	vld.idx.msk [tilespmem:v10+s24+$0x0], $0xffff  }
0x204: {  	v7 =	vmul.f32 v8, v35;
	v6 =	vadd.f32 v27, v6;
	v23 =	vld.idx.msk [tilespmem:v10+s28+$0x0], $0xffff;
	[tilespmem:$0x1FD10] =	vst v31  }
0x205: {  	v35 =	vmul.f32 v35, v35;
	v16 =	vadd.f32 v60, v13;
	v13 =	vld.idx.msk [tilespmem:v3+s24+$0x0], $0xffff;
	[tilespmem:$0x1FD20] =	vst v19  }
0x206: {  	v4 =	vadd.f32 v55, v4;
	v8 =	vmul.f32 v8, v8;
	v6 =	vadd.f32 v30, v6;
	v26 =	vld.idx.msk [tilespmem:v3+s28+$0x0], $0xffff  }
0x207: {  	v12 =	vadd.f32 v12, v28;
	v5 =	vadd.f32 v35, v5;
	v63 =	vmul.f32 v1, v1;
	v27 =	vld.idx.msk [tilespmem:v50+s28+$0x0], $0xffff  }
0x208: {  	v44 =	vmul.f32 v2, v1;
	v6 =	vadd.f32 v8, v6;
	v8 =	vor.u32 s17, v19;
	v29 =	vld.idx.msk [tilespmem:v24+s24+$0x0], $0xffff  }
0x209: {  	v1 =	vmul.f32 v2, v2;
	v25 =	vmul.f32 v52, v52;
	v5 =	vadd.f32 v63, v5;
	v33 =	vld.idx.msk [tilespmem:v9+s24+$0x0], $0xffff  }
0x20a: {  	v41 =	vmul.f32 v41, v41;
	v4 =	vadd.f32 v40, v4;
	v15 =	vadd.f32 v61, v15;
	v9 =	vld.idx.msk [tilespmem:v9+s28+$0x0], $0xffff  }
0x20b: {  	v11 =	vmul.f32 v12, v12;
	v2 =	vadd.f32 v25, v5;
	v5 =	vld.idx.msk [tilespmem:v50+s24+$0x0], $0xffff;
	v1 =	vadd.f32 v1, v6  }
0x20c: {  	v14 =	vadd.f32 v41, v14;
	v4 =	vadd.f32 v47, v4;
	v31 =	vmul.f32 v38, v38;
	v6 =	vld.idx.msk [tilespmem:v51+s25+$0x0], $0xffff  }
0x20d: {  	v35 =	vadd.f32 v23, v62;
	v1 =	vadd.f32 v11, v1;
	v11 =	vmul.f32 v15, v15;
	v38 =	vld.idx.msk [tilespmem:v8+s25+$0x0], $0xffff  }
0x20e: {  	v34 =	vor.u32 s17, v22;
	v28 =	vmul.f32 v45, v42;
	v30 =	vadd.f32 v26, v13;
	v13 =	vld.idx.msk [tilespmem:v24+s28+$0x0], $0xffff;
	[tilespmem:$0x1FD30] =	vst v22  }
0x20f: {  	v59 =	vor.u32 s17, v32;
	v1 =	vadd.f32 v11, v1;
	v11 =	vmul.f32 v35, v35;
	v10 =	vld.idx.msk [tilespmem:v10+s25+$0x0], $0xffff;
	[tilespmem:$0x1FD40] =	vst v32  }
0x210: {  	v0 =	vadd.f32 v28, v0;
	v48 =	vmul.f32 v12, v52;
	v61 =	vadd.f32 v20, v4;
	v56 =	vld.idx.msk [tilespmem:v3+s25+$0x0], $0xffff  }
0x211: {  	v36 =	vadd.f32 v27, v5;
	v11 =	vadd.f32 v11, v1;
	v3 =	vmul.f32 v46, v18;
	v1 =	vld.idx.msk [tilespmem:v50+s25+$0x0], $0xffff  }
0x212: {  	v14 =	vadd.f32 v31, v14;
	v51 =	vadd.f32 v7, v61;
	v57 =	vmul.f32 v30, v30;
	v60 =	vld.idx.msk [tilespmem:v8+s24+$0x0], $0xffff  }
0x213: {  	v63 =	vld.idx.msk [tilespmem:v8+s28+$0x0], $0xffff;
	v50 =	vmul.f32 v49, v49;
	v41 =	vmul.f32 v36, v36;
	v12 =	vadd.f32 v3, v0  }
0x214: {  	v8 =	vld.idx.msk [tilespmem:v34+s24+$0x0], $0xffff;
	v0 =	vmul.f32 v38, v38;
	v5 =	vadd.f32 v13, v29;
	v13 =	vmul.f32 v6, v6  }
0x215: {  	v39 =	vld.idx.msk [tilespmem:v59+s24+$0x0], $0xffff;
	v3 =	vmul.f32 v15, v6;
	v4 =	vadd.f32 v57, v11;
	v15 =	vmul.f32 v46, v46  }
0x216: {  	v40 =	vld.idx.msk [tilespmem:v24+s25+$0x0], $0xffff;
	v43 =	vadd.f32 v0, v16;
	v62 =	vadd.f32 v13, v2;
	v2 =	vmul.f32 v45, v45  }
0x217: {  	v6 =	vld.idx.msk [tilespmem:v34+s25+$0x0], $0xffff;
	v0 =	vmul.f32 v35, v10;
	v11 =	vmul.f32 v10, v10;
	v13 =	vadd.f32 v9, v33  }
0x218: {  	v10 =	vld.idx.msk [tilespmem:v34+s28+$0x0], $0xffff;
	v9 =	vmul.f32 v56, v56;
	v7 =	vmul.f32 v36, v1;
	v14 =	vadd.f32 v2, v14  }
0x219: {  	v36 =	vmovc v21;
	v47 =	vmul.f32 v5, v5;
	v2 =	vmul.f32 v49, v53;
	v52 =	vadd.f32 v11, v62  }
0x21a: {  	s22 =	simm.s32 $0x30;
	s17 =	simm.s32 $0x0;
	v45 =	vld.idx.msk [tilespmem:v59+s28+$0x0], $0xffff;
	v11 =	vmul.f32 v30, v56;
	v53 =	vadd.f32 v15, v14;
	v14 =	vadd.f32 v63, v60  }
.LBB2_9:
0x21b: {  	v18 =	vld [tilespmem:$0x1FC90]  }
0x21c: {  	v24 =	vld [tilespmem:$0x1FCA0]  }
0x21d: {  	v54 =	vld [tilespmem:$0x1FCD0]  }
0x21e: {  	v27 =	vld [tilespmem:$0x1FD30]  }
0x21f: {  	v28 =	vld [tilespmem:$0x1FD20]  }
0x220: {  	v33 =	vld [tilespmem:$0x1FC60]  }
0x221: {  	v34 =	vld [tilespmem:$0x1FCE0]  }
0x222: {  	v23 =	vld [tilespmem:$0x1FC50];
	v56 =	vadd.f32 v50, v53  }
0x223: {  	s6 =	sadd.s32 $0xFFFFFFF0, s22;
	v55 =	vld [tilespmem:$0x1FCF0];
	v2 =	vadd.f32 v2, v12;
	v12 =	vmul.f32 v13, v13;
	v19 =	vor.u32 s22, v24  }
0x224: {  	v29 =	vld [tilespmem:$0x1FC70];
	v57 =	vadd.f32 v44, v51;
	v42 =	vor.u32 s6, v27  }
0x225: {  	v12 =	vadd.f32 v12, v56;
	v56 =	vld [tilespmem:$0x1FD00];
	v49 =	vor.u32 s6, v28  }
0x226: {  	v62 =	vadd.f32 v48, v57;
	v57 =	vld [tilespmem:$0x1FCC0];
	v15 =	vor.u32 s22, v18;
	v46 =	vor.u32 s6, v54  }
0x227: {  	v17 =	vadd.f32 v41, v4;
	v4 =	vor.u32 s6, v33;
	[tilespmem:$0x1FC00] =	vst v15;
	v15 =	vmul.f32 v13, v36;
	v13 =	vld.idx.msk [tilespmem:v59+s25+$0x0], $0xffff  }
0x228: {  	v53 =	vld.idx.msk [tilespmem:v19+s25+$0x0], $0xffff  }
0x229: {  	v61 =	vor.u32 s6, v34;
	v60 =	vld.idx.msk [tilespmem:v42+s25+$0x0], $0xffff  }
0x22a: {  	v58 =	vmul.f32 v14, v14;
	v8 =	vadd.f32 v10, v8;
	v44 =	vld.idx.msk [tilespmem:v49+s25+$0x0], $0xffff  }
0x22b: {  	v10 =	vmul.f32 v14, v38;
	v14 =	vor.u32 s6, v23;
	v59 =	vmul.f32 v5, v40;
	v5 =	vld.idx.msk [tilespmem:v46+s28+$0x0], $0xffff  }
0x22c: {  	v1 =	vmul.f32 v1, v1;
	v17 =	vadd.f32 v47, v17;
	v15 =	vadd.f32 v15, v2;
	v36 =	vld.idx.msk [tilespmem:v4+s28+$0x0], $0xffff  }
0x22d: {  	v16 =	vmul.f32 v6, v6;
	v47 =	vadd.f32 v3, v62;
	v63 =	vmul.f32 v8, v6;
	v6 =	vld.idx.msk [tilespmem:v4+s25+$0x0], $0xffff  }
0x22e: {  	v37 =	vadd.f32 v45, v39;
	v8 =	vmul.f32 v8, v8;
	v3 =	vadd.f32 v10, v15;
	v10 =	vld.idx.msk [tilespmem:v61+s24+$0x0], $0xffff  }
0x22f: {  	v21 =	vor.u32 s6, v55;
	v0 =	vadd.f32 v0, v47;
	v2 =	vadd.f32 v9, v52;
	v15 =	vld.idx.msk [tilespmem:v61+s28+$0x0], $0xffff  }
0x230: {  	v25 =	vor.u32 s6, v29;
	v20 =	vmul.f32 v37, v37;
	v8 =	vadd.f32 v8, v17;
	v22 =	vld.idx.msk [tilespmem:v14+s24+$0x0], $0xffff  }
0x231: {  	v0 =	vadd.f32 v11, v0;
	v1 =	vadd.f32 v1, v2;
	v2 =	vmul.f32 v40, v40;
	v11 =	vld.idx.msk [tilespmem:v14+s28+$0x0], $0xffff  }
0x232: {  	[tilespmem:$0x1FC30] =	vst v19;
	v19 =	vld.idx.msk [tilespmem:v61+s25+$0x0], $0xffff  }
0x233: {  	v52 =	vadd.f32 v20, v8;
	v8 =	vld.idx.msk [tilespmem:v14+s25+$0x0], $0xffff;
	v1 =	vadd.f32 v2, v1  }
0x234: {  	v26 =	vld.idx.msk [tilespmem:v21+s24+$0x0], $0xffff;
	v0 =	vadd.f32 v7, v0;
	v2 =	vadd.f32 v58, v12  }
0x235: {  	v30 =	vld.idx.msk [tilespmem:v25+s24+$0x0], $0xffff;
	v12 =	vmul.f32 v13, v13;
	v1 =	vadd.f32 v16, v1;
	v7 =	vadd.f32 v15, v10  }
0x236: {  	v35 =	vor.u32 s6, v56;
	v13 =	vmul.f32 v37, v13;
	v0 =	vadd.f32 v59, v0;
	v10 =	vld.idx.msk [tilespmem:v21+s28+$0x0], $0xffff  }
0x237: {  	v14 =	vadd.f32 v11, v22;
	v11 =	vld.idx.msk [tilespmem:v25+s28+$0x0], $0xffff;
	v50 =	vadd.f32 v12, v1;
	v1 =	vmul.f32 v7, v7  }
0x238: {  	[tilespmem:$0x1FBD0] =	vst v5;
	v0 =	vadd.f32 v63, v0;
	v5 =	vmul.f32 v7, v19;
	v7 =	vld.idx.msk [tilespmem:v21+s25+$0x0], $0xffff  }
0x239: {  	v15 =	vor.u32 s6, v18;
	[tilespmem:$0x1FBE0] =	vst v1;
	v1 =	vld [tilespmem:$0x1FC80]  }
0x23a: {  	v0 =	vadd.f32 v13, v0;
	v13 =	vld.idx.msk [tilespmem:v25+s25+$0x0], $0xffff  }
0x23b: {  	v25 =	vld.idx.msk [tilespmem:v35+s24+$0x0], $0xffff  }
0x23c: {  	v47 =	vmul.f32 v6, v6;
	v12 =	vmul.f32 v14, v8;
	[tilespmem:$0x1FC10] =	vst v5;
	v5 =	vld [tilespmem:$0x1FCB0]  }
0x23d: {  	[tilespmem:$0x1FBF0] =	vst v0;
	v0 =	vmul.f32 v8, v8;
	v8 =	vadd.f32 v10, v26;
	v26 =	vld.idx.msk [tilespmem:v35+s28+$0x0], $0xffff  }
0x23e: {  	v43 =	vadd.f32 v47, v43;
	v32 =	vld.idx.msk [tilespmem:v15+s24+$0x0], $0xffff;
	v31 =	vor.u32 s6, v1  }
0x23f: {  	v10 =	vld.idx.msk [tilespmem:v15+s28+$0x0], $0xffff;
	v48 =	vmul.f32 v8, v8;
	v8 =	vmul.f32 v8, v7  }
0x240: {  	v0 =	vadd.f32 v0, v43;
	v43 =	vor.u32 s22, v27;
	v27 =	vld.idx.msk [tilespmem:v4+s24+$0x0], $0xffff  }
0x241: {  	[tilespmem:$0x1FC20] =	vst v8;
	v8 =	vld.idx.msk [tilespmem:v15+s25+$0x0], $0xffff  }
0x242: {  	v16 =	vadd.f32 v26, v25;
	v26 =	vld [tilespmem:$0x1FD40]  }
0x243: {  	v21 =	vld.idx.msk [tilespmem:v31+s24+$0x0], $0xffff  }
0x244: {  	v62 =	vor.u32 s6, v57;
	v63 =	vadd.f32 v11, v30;
	v11 =	vld.idx.msk [tilespmem:v31+s28+$0x0], $0xffff  }
0x245: {  	v17 =	vld.idx.msk [tilespmem:v31+s25+$0x0], $0xffff  }
0x246: {  	v23 =	vor.u32 s22, v23;
	v10 =	vadd.f32 v10, v32;
	v31 =	vld [tilespmem:$0x1FD10]  }
0x247: {  	v9 =	vld.idx.msk [tilespmem:v42+s28+$0x0], $0xffff;
	v22 =	vor.u32 s6, v5  }
0x248: {  	v58 =	vld.idx.msk [tilespmem:v35+s25+$0x0], $0xffff;
	v40 =	vmul.f32 v10, v10;
	v10 =	vmul.f32 v10, v8  }
0x249: {  	v20 =	vld.idx.msk [tilespmem:v62+s24+$0x0], $0xffff;
	v15 =	vmul.f32 v63, v13;
	v13 =	vmul.f32 v13, v13  }
0x24a: {  	v47 =	vld.idx.msk [tilespmem:v42+s24+$0x0], $0xffff;
	[tilespmem:$0x1FC40] =	vst v10;
	v10 =	vor.u32 s6, v26  }
0x24b: {  	v0 =	vadd.f32 v13, v0;
	v13 =	vld.idx.msk [tilespmem:v23+s25+$0x0], $0xffff;
	v27 =	vadd.f32 v36, v27;
	v59 =	vor.u32 s6, v31  }
0x24c: {  	v61 =	vld.idx.msk [tilespmem:v22+s24+$0x0], $0xffff  }
0x24d: {  	v6 =	vmul.f32 v27, v6;
	v18 =	vadd.f32 v11, v21;
	v11 =	vld.idx.msk [tilespmem:v22+s28+$0x0], $0xffff  }
0x24e: {  	v37 =	vld.idx.msk [tilespmem:v22+s25+$0x0], $0xffff  }
0x24f: {  	v3 =	vadd.f32 v6, v3;
	v25 =	vld.idx.msk [tilespmem:v10+s24+$0x0], $0xffff  }
0x250: {  	v30 =	vld.idx.msk [tilespmem:v59+s24+$0x0], $0xffff  }
0x251: {  	v3 =	vadd.f32 v12, v3;
	v32 =	vld.idx.msk [tilespmem:v59+s28+$0x0], $0xffff  }
0x252: {  	v35 =	vmul.f32 v18, v17;
	v17 =	vmul.f32 v17, v17;
	v21 =	vadd.f32 v11, v61;
	v11 =	vld.idx.msk [tilespmem:v62+s28+$0x0], $0xffff  }
0x253: {  	v24 =	vor.u32 s6, v24;
	v39 =	vmul.f32 v16, v16;
	v3 =	vadd.f32 v15, v3;
	v62 =	vld.idx.msk [tilespmem:v62+s25+$0x0], $0xffff  }
0x254: {  	v41 =	vmul.f32 v16, v58;
	v22 =	vmul.f32 v37, v37;
	v17 =	vadd.f32 v17, v0;
	v61 =	vld.idx.msk [tilespmem:v59+s25+$0x0], $0xffff  }
0x255: {  	v3 =	vadd.f32 v35, v3;
	v59 =	vor.u32 s22, v26;
	v26 =	vld.idx.msk [tilespmem:v10+s28+$0x0], $0xffff;
	v16 =	vmul.f32 v21, v37  }
0x256: {  	v33 =	vor.u32 s22, v33;
	v10 =	vld.idx.msk [tilespmem:v10+s25+$0x0], $0xffff;
	v17 =	vadd.f32 v22, v17;
	v22 =	vor.u32 s22, v5  }
0x257: {  	v42 =	vor.u32 s22, v31;
	v5 =	vld [tilespmem:$0x1FBD0];
	v3 =	vadd.f32 v16, v3;
	v51 =	vadd.f32 v32, v30  }
0x258: {  	v4 =	vadd.f32 v11, v20;
	v20 =	vor.u32 s22, v29;
	v30 =	vld.idx.msk [tilespmem:v24+s24+$0x0], $0xffff;
	v31 =	vmul.f32 v62, v62  }
0x259: {  	v11 =	vadd.f32 v9, v47;
	v32 =	vld.idx.msk [tilespmem:v24+s28+$0x0], $0xffff;
	v38 =	vmul.f32 v51, v51;
	v45 =	vmul.f32 v51, v61  }
0x25a: {  	v24 =	vld.idx.msk [tilespmem:v24+s25+$0x0], $0xffff;
	v51 =	vor.u32 s22, v28;
	v28 =	vmul.f32 v4, v4;
	v29 =	vmul.f32 v4, v62  }
0x25b: {  	v16 =	vld.idx.msk [tilespmem:v22+s25+$0x0], $0xffff;
	v62 =	vor.u32 s22, v56;
	v4 =	vmul.f32 v11, v11;
	v47 =	vmul.f32 v11, v60  }
0x25c: {  	v11 =	vmul.f32 v60, v60;
	v60 =	vor.u32 s22, v54;
	v54 =	vmul.f32 v27, v27;
	v27 =	vld.idx.msk [tilespmem:v33+s25+$0x0], $0xffff  }
0x25d: {  	v56 =	vadd.f32 v26, v25;
	v26 =	vor.u32 s22, v1;
	v1 =	vmul.f32 v19, v19;
	v19 =	vld.idx.msk [tilespmem:v23+s24+$0x0], $0xffff  }
0x25e: {  	v2 =	vadd.f32 v54, v2;
	v54 =	vmul.f32 v63, v63;
	v63 =	vld.idx.msk [tilespmem:v46+s24+$0x0], $0xffff  }
0x25f: {  	v0 =	vor.u32 s22, v34;
	v34 =	vld.idx.msk [tilespmem:v20+s24+$0x0], $0xffff  }
0x260: {  	v25 =	vld.idx.msk [tilespmem:v20+s28+$0x0], $0xffff  }
0x261: {  	v37 =	vld.idx.msk [tilespmem:v20+s25+$0x0], $0xffff  }
0x262: {  	v9 =	vor.u32 s22, v55;
	v55 =	vor.u32 s22, v57;
	v57 =	vadd.f32 v32, v30;
	v30 =	vld.idx.msk [tilespmem:v49+s24+$0x0], $0xffff  }
0x263: {  	v14 =	vmul.f32 v14, v14;
	v32 =	vld.idx.msk [tilespmem:v33+s28+$0x0], $0xffff  }
0x264: {  	v17 =	vadd.f32 v31, v17;
	v6 =	vmul.f32 v24, v24;
	v49 =	vld.idx.msk [tilespmem:v49+s28+$0x0], $0xffff  }
0x265: {  	v2 =	vadd.f32 v14, v2;
	v14 =	vmul.f32 v44, v44;
	v31 =	vld.idx.msk [tilespmem:v26+s25+$0x0], $0xffff  }
0x266: {  	v24 =	vmul.f32 v57, v24;
	v12 =	vmul.f32 v57, v57;
	v6 =	vadd.f32 v6, v17;
	v57 =	vld.idx.msk [tilespmem:v33+s24+$0x0], $0xffff  }
0x267: {  	v15 =	vmul.f32 v18, v18;
	v33 =	vld.idx.msk [tilespmem:v46+s25+$0x0], $0xffff;
	v2 =	vadd.f32 v54, v2  }
0x268: {  	v6 =	vadd.f32 v14, v6;
	v46 =	vadd.f32 v5, v63;
	v5 =	vld [tilespmem:$0x1FBE0]  }
0x269: {  	v14 =	vmul.f32 v27, v27;
	v2 =	vadd.f32 v15, v2;
	v15 =	vmul.f32 v21, v21;
	v21 =	vld.idx.msk [tilespmem:v55+s25+$0x0], $0xffff  }
0x26a: {  	v25 =	vadd.f32 v25, v34;
	v34 =	vld.idx.msk [tilespmem:v42+s28+$0x0], $0xffff  }
0x26b: {  	v36 =	vmov v53;
	v3 =	vadd.f32 v29, v3;
	v6 =	vadd.f32 v14, v6;
	v14 =	vld.idx.msk [tilespmem:v23+s28+$0x0], $0xffff  }
0x26c: {  	v20 =	vmul.f32 v53, v53;
	v53 =	vmul.f32 v13, v13;
	v17 =	vadd.f32 v32, v57;
	v57 =	vld.idx.msk [tilespmem:v26+s24+$0x0], $0xffff  }
0x26d: {  	v54 =	vmul.f32 v37, v37;
	v18 =	vadd.f32 v49, v30;
	v63 =	vmul.f32 v46, v46;
	v26 =	vld.idx.msk [tilespmem:v26+s28+$0x0], $0xffff  }
0x26e: {  	v49 =	vmul.f32 v33, v33;
	v46 =	vmul.f32 v46, v33;
	v33 =	vld.idx.msk [tilespmem:v42+s24+$0x0], $0xffff;
	v6 =	vadd.f32 v53, v6  }
0x26f: {  	v3 =	vadd.f32 v24, v3;
	v2 =	vadd.f32 v15, v2;
	v53 =	vld.idx.msk [tilespmem:v22+s24+$0x0], $0xffff;
	v24 =	vmul.f32 v17, v17  }
0x270: {  	v17 =	vmul.f32 v17, v27;
	v27 =	vld.idx.msk [tilespmem:v55+s24+$0x0], $0xffff;
	v6 =	vadd.f32 v54, v6;
	v54 =	vadd.f32 v63, v52  }
0x271: {  	v30 =	vadd.f32 v49, v50;
	v49 =	vld.idx.msk [tilespmem:v60+s28+$0x0], $0xffff  }
0x272: {  	v2 =	vadd.f32 v28, v2;
	v28 =	vadd.f32 v5, v54;
	v5 =	vld [tilespmem:$0x1FBF0]  }
0x273: {  	v7 =	vmul.f32 v7, v7;
	v15 =	vmul.f32 v31, v31;
	v63 =	vld.idx.msk [tilespmem:v55+s28+$0x0], $0xffff  }
0x274: {  	v12 =	vadd.f32 v12, v2;
	v2 =	vmul.f32 v18, v44;
	v44 =	vld.idx.msk [tilespmem:v22+s28+$0x0], $0xffff;
	v1 =	vadd.f32 v1, v30  }
0x275: {  	v8 =	vmul.f32 v8, v8;
	v52 =	vld.idx.msk [tilespmem:v0+s24+$0x0], $0xffff;
	v14 =	vadd.f32 v14, v19;
	v23 =	vadd.f32 v26, v57  }
0x276: {  	v57 =	vmul.f32 v16, v16;
	v6 =	vadd.f32 v15, v6;
	v54 =	vld.idx.msk [tilespmem:v0+s28+$0x0], $0xffff;
	v1 =	vadd.f32 v7, v1  }
0x277: {  	v50 =	vmul.f32 v21, v21;
	v2 =	vadd.f32 v2, v3;
	v22 =	vadd.f32 v46, v5;
	v5 =	vld [tilespmem:$0x1FC00]  }
0x278: {  	v7 =	vld.idx.msk [tilespmem:v60+s24+$0x0], $0xffff;
	v6 =	vadd.f32 v57, v6;
	v1 =	vadd.f32 v8, v1;
	v8 =	vmul.f32 v58, v58  }
0x279: {  	v15 =	vmul.f32 v25, v25;
	v3 =	vld.idx.msk [tilespmem:v60+s25+$0x0], $0xffff;
	v19 =	vadd.f32 v44, v53;
	v53 =	vadd.f32 v48, v28  }
0x27a: {  	v57 =	vld.idx.msk [tilespmem:v9+s25+$0x0], $0xffff;
	v2 =	vadd.f32 v17, v2;
	v1 =	vadd.f32 v8, v1;
	v8 =	vmul.f32 v61, v61  }
0x27b: {  	v13 =	vmul.f32 v14, v13;
	v58 =	vld.idx.msk [tilespmem:v9+s24+$0x0], $0xffff;
	v27 =	vadd.f32 v63, v27;
	v26 =	vadd.f32 v40, v53  }
0x27c: {  	v9 =	vld.idx.msk [tilespmem:v9+s28+$0x0], $0xffff;
	v44 =	vmul.f32 v56, v10;
	v6 =	vadd.f32 v50, v6;
	v1 =	vadd.f32 v8, v1  }
0x27d: {  	v63 =	vld.idx.msk [tilespmem:v62+s24+$0x0], $0xffff;
	v10 =	vmul.f32 v10, v10;
	v7 =	vadd.f32 v49, v7;
	v60 =	vadd.f32 v39, v26  }
0x27e: {  	v20 =	vadd.f32 v20, v6;
	v53 =	vld [tilespmem:$0x1FC30];
	v8 =	vmul.f32 v18, v18;
	v1 =	vadd.f32 v11, v1  }
0x27f: {  	v25 =	vmul.f32 v25, v37;
	v11 =	vadd.f32 v13, v2;
	v18 =	vadd.f32 v38, v60;
	v26 =	vld.idx.msk [tilespmem:v5+s25+$0x0], $0xffff  }
0x280: {  	v14 =	vmul.f32 v14, v14;
	v8 =	vadd.f32 v8, v12;
	v6 =	vadd.f32 v10, v1;
	v13 =	vld.idx.msk [tilespmem:v5+s24+$0x0], $0xffff  }
0x281: {  	v10 =	vmul.f32 v3, v3;
	v4 =	vadd.f32 v4, v18;
	v61 =	vld.idx.msk [tilespmem:v5+s28+$0x0], $0xffff;
	v5 =	vmul.f32 v56, v56  }
0x282: {  	v48 =	vmul.f32 v7, v3;
	v3 =	vadd.f32 v9, v58;
	v9 =	vld [tilespmem:$0x1FC10];
	v8 =	vadd.f32 v24, v8  }
0x283: {  	v7 =	vmul.f32 v7, v7;
	v6 =	vadd.f32 v10, v6;
	v10 =	vld.idx.msk [tilespmem:v62+s28+$0x0], $0xffff;
	v4 =	vadd.f32 v5, v4  }
0x284: {  	v55 =	vmul.f32 v23, v31;
	v11 =	vadd.f32 v25, v11;
	v8 =	vadd.f32 v14, v8;
	v5 =	vld.idx.msk [tilespmem:v0+s25+$0x0], $0xffff  }
0x285: {  	v0 =	vmul.f32 v3, v57;
	v4 =	vadd.f32 v7, v4;
	v7 =	vmul.f32 v3, v3;
	v3 =	vld [tilespmem:$0x1FC20]  }
0x286: {  	v23 =	vmul.f32 v23, v23;
	v50 =	vmul.f32 v27, v27;
	v12 =	vadd.f32 v54, v52;
	v56 =	vld [tilespmem:$0x1FC40]  }
0x287: {  	v16 =	vmul.f32 v19, v16;
	v11 =	vadd.f32 v55, v11;
	v55 =	vld.idx.msk [tilespmem:v53+s28+$0x0], $0xffff;
	v15 =	vadd.f32 v15, v8  }
0x288: {  	v32 =	vmul.f32 v12, v12;
	v30 =	vadd.f32 v9, v22;
	v35 =	vadd.f32 v61, v13;
	v13 =	vld.idx.msk [tilespmem:v53+s24+$0x0], $0xffff  }
0x289: {  	v38 =	vld.idx.msk [tilespmem:v51+s25+$0x0], $0xffff;
	v15 =	vadd.f32 v23, v15;
	v10 =	vadd.f32 v10, v63;
	v63 =	vmul.f32 v19, v19  }
0x28a: {  	v2 =	vmul.f32 v27, v21;
	v60 =	vld.idx.msk [tilespmem:v51+s28+$0x0], $0xffff;
	v4 =	vadd.f32 v32, v4;
	v3 =	vadd.f32 v3, v30  }
0x28b: {  	v1 =	vld.idx.msk [tilespmem:v62+s25+$0x0], $0xffff;
	v14 =	vmul.f32 v57, v57;
	v58 =	vmul.f32 v5, v5;
	v53 =	vadd.f32 v63, v15  }
0x28c: {  	s17 =	sadd.s32 $0x2, s17;
	v57 =	vld.idx.msk [tilespmem:v51+s24+$0x0], $0xffff;
	v54 =	vmul.f32 v35, v35;
	v4 =	vadd.f32 v7, v4;
	v28 =	vadd.f32 v56, v3  }
0x28d: {  	p0 =	slt.u32 s17, $0x6;
	v40 =	vld.idx.msk [tilespmem:v42+s25+$0x0], $0xffff;
	v9 =	vmul.f32 v26, v26;
	v62 =	vadd.f32 v58, v6;
	v13 =	vadd.f32 v55, v13  }
.Ltmp3:
0x28e: {  	v39 =	vld.idx.msk [tilespmem:v59+s24+$0x0], $0xffff;
	v4 =	vadd.f32 v54, v4;
	v3 =	vmul.f32 v12, v5;
	v28 =	vadd.f32 v41, v28;
	(pc) =	sbr.rel @p0 .LBB2_9-.Ltmp3, $4  }
0x28f: {  	v8 =	vld.idx.msk [tilespmem:v43+s24+$0x0], $0xffff;
	v5 =	vadd.f32 v34, v33;
	v12 =	vadd.f32 v16, v11;
	v11 =	vmul.f32 v38, v38  }
0x290: {  	v7 =	vmul.f32 v10, v1;
	v6 =	vld.idx.msk [tilespmem:v43+s25+$0x0], $0xffff;
	v52 =	vadd.f32 v14, v62;
	v61 =	vadd.f32 v45, v28  }
0x291: {  	v14 =	vadd.f32 v60, v57;
	v41 =	vmul.f32 v10, v10;
	v10 =	vld.idx.msk [tilespmem:v43+s28+$0x0], $0xffff;
	v43 =	vadd.f32 v11, v20  }
0x292: {  	s22 =	sadd.s32 $0x20, s22;
	v11 =	vmul.f32 v35, v26;
	v45 =	vld.idx.msk [tilespmem:v59+s28+$0x0], $0xffff;
	v51 =	vadd.f32 v47, v61;
	v47 =	vmul.f32 v5, v5  }
0x293: {  	_ =	sdelay $0x2  }
0x294: {  	v9 =	vadd.f32 v9, v52;
	v1 =	vmul.f32 v1, v1  }
0x295: {  	v15 =	vld.idx.msk [tilespmem:v59+s25+$0x0], $0xffff  }
0x296: {  	v42 =	vmul.f32 v40, v40;
	v1 =	vadd.f32 v1, v9;
	_ =	sdelay $0x1  }
0x297: {  	v16 =	vmul.f32 v6, v6;
	v1 =	vadd.f32 v42, v1;
	_ =	sdelay $0x1  }
0x298: {  	v46 =	vmul.f32 v15, v15;
	v1 =	vadd.f32 v16, v1;
	_ =	sdelay $0x1  }
0x299: {  	v1 =	vadd.f32 v46, v1;
	_ =	sdelay $0x1  }
0x29a: {  	v1 =	vadd.f32 v43, v1;
	_ =	sdelay $0x1  }
0x29b: {  	v49 =	vshrl.u32 v1, $0x1;
	v1 =	vmul.f32 $5.000000000e-01, v1  }
0x29c: {  	v9 =	vsub.s32 $0x5F3759DF, v49  }
0x29d: {  	v52 =	vmul.f32 v9, v1;
	_ =	sdelay $0x1  }
0x29e: {  	v17 =	vadd.f32 v44, v51;
	v16 =	vmul.f32 v9, v52;
	_ =	sdelay $0x1  }
0x29f: {  	v17 =	vadd.f32 v48, v17;
	v16 =	vsub.f32 $1.500000000e+00, v16;
	_ =	sdelay $0x1  }
0x2a0: {  	v3 =	vadd.f32 v3, v17;
	v9 =	vmul.f32 v9, v16;
	_ =	sdelay $0x1  }
0x2a1: {  	v0 =	vadd.f32 v0, v3;
	v3 =	vmul.f32 v9, v1;
	_ =	sdelay $0x1  }
0x2a2: {  	v3 =	vmul.f32 v3, v9;
	_ =	sdelay $0x1  }
0x2a3: {  	v4 =	vadd.f32 v41, v4;
	v3 =	vsub.f32 $1.500000000e+00, v3  }
0x2a4: {  	v54 =	vmul.f32 v13, v36;
	v55 =	vadd.f32 v50, v53;
	v0 =	vadd.f32 v11, v0  }
0x2a5: {  	v2 =	vadd.f32 v2, v12;
	v56 =	vmul.f32 v13, v13;
	v3 =	vmul.f32 v3, v9  }
0x2a6: {  	v5 =	vmul.f32 v5, v40;
	v8 =	vadd.f32 v10, v8;
	v0 =	vadd.f32 v7, v0  }
0x2a7: {  	v60 =	vmul.f32 v14, v38;
	v4 =	vadd.f32 v47, v4;
	v1 =	vmul.f32 v3, v1  }
0x2a8: {  	v57 =	vadd.f32 v45, v39;
	v59 =	vmul.f32 v8, v6;
	v0 =	vadd.f32 v5, v0  }
0x2a9: {  	v2 =	vadd.f32 v54, v2;
	v62 =	vadd.f32 v56, v55;
	v1 =	vmul.f32 v1, v3  }
0x2aa: {  	v8 =	vmul.f32 v8, v8;
	v61 =	vmul.f32 v57, v15;
	v0 =	vadd.f32 v59, v0  }
0x2ab: {  	v58 =	vmul.f32 v14, v14;
	v2 =	vadd.f32 v60, v2;
	v1 =	vsub.f32 $1.500000000e+00, v1  }
0x2ac: {  	v4 =	vadd.f32 v8, v4;
	v7 =	vmul.f32 v57, v57;
	v0 =	vadd.f32 v61, v0  }
0x2ad: {  	v63 =	vadd.f32 v58, v62;
	v1 =	vmul.f32 v1, v3;
	v3 =	vld [tilespmem:$0x1FDF0]  }
0x2ae: {  	s3 =	sadd.s32 $0x1, s3;
	v4 =	vadd.f32 v7, v4;
	v0 =	vadd.f32 v2, v0  }
0x2af: {  	p0 =	sne.s32 s3, $0x8  }
.Ltmp4:
0x2b0: {  	v2 =	vadd.f32 v63, v4;
	v0 =	vadd.f32 v0, v0;
	(pc) =	sbr.rel @p0 .LBB2_8-.Ltmp4, $3  }
0x2b1: {  	_ = 	snop  }
0x2b2: {  	v0 =	vmul.f32 v1, v0;
	v2 =	vadd.f32 v2, v3;
	_ =	sdelay $0x1  }
0x2b3: {  	v0 =	vsub.f32 v2, v0  }
0x2b4: {  	s3 =	simm.s32 $0x180  }
0x2b5: {  	[tilespmem:s24], [sflag:$0x4] =	stream.indirect.gather [hbm4b:s0+s18], $0x80, s3, s18, $0xb8;
	[tilespmem:$0x1C440] =	vst v63  }
0x2b6: {  	s3 =	simm.s32 $0x0  }
0x2b7: {  	[tilespmem:s25], [sflag:$0x5] =	stream.linear.gather [hbm4b:s13+s3], $0x4000, $0x38;
	[tilespmem:$0x1C440] =	vst v63  }
0x2b8: {  	s6 =	simm.s32 $0x380  }
0x2b9: {  	[tilespmem:s28], [sflag:$0x6] =	stream.indirect.gather [spmem:s4], $0x80, s6, s18, $0xb8;
	[tilespmem:$0x1C440] =	vst v63  }
0x2ba: {  	_ =	swait.ge [sflag:s29], $0x4000  }
0x2bb: {  	[sflag:s29] =	ssyncset.done $0x0  }
0x2bc: {  	[sflag:s29] =	ssyncadd.s32 $0xFFFFC000  }
0x2bd: {  	_ =	swait.ge [sflag:s30], $0x4000  }
0x2be: {  	[sflag:s30] =	ssyncset.done $0x0  }
0x2bf: {  	[sflag:s30] =	ssyncadd.s32 $0xFFFFC000  }
0x2c0: {  	_ =	swait.ge [sflag:s31], $0x4000  }
0x2c1: {  	[sflag:s31] =	ssyncset.done $0x0  }
0x2c2: {  	[sflag:s31] =	ssyncadd.s32 $0xFFFFC000  }
.LBB2_12:
0x2c3: {  	v1 =	vld [tilespmem:$0x1FF00]  }
0x2c4: {  	v4 =	vld [tilespmem:$0x1FF40]  }
0x2c5: {  	s6 =	sshll.u32 s3, $0x4;
	v7 =	vld [tilespmem:$0x1FF70]  }
0x2c6: {  	[tilespmem:$0x1FDF0] =	vst v0;
	v0 =	vmov s6  }
0x2c7: {  	v5 =	vld [tilespmem:$0x1FF50];
	v0 =	vshll.u32 v0, $0x7  }
0x2c8: {  	v2 =	vor.u32 v1, v0;
	v0 =	vld [tilespmem:$0x1FFF0]  }
0x2c9: {  	v1 =	vld [tilespmem:$0x1FF30]  }
0x2ca: {  	s22 =	simm.s32 $0x0;
	v25 =	vor.u32 v4, v2;
	v27 =	vor.u32 v7, v2;
	v7 =	vld [tilespmem:$0x1FF60]  }
0x2cb: {  	v16 =	vor.u32 s22, v25  }
0x2cc: {  	v26 =	vor.u32 v5, v2  }
0x2cd: {  	v18 =	vld [tilespmem:$0x1FFD0];
	v5 =	vor.u32 s22, v26;
	v19 =	vor.u32 v0, v2;
	v0 =	vlaneseq.u32  }
0x2ce: {  	v20 =	vor.u32 v0, v2;
	v0 =	vld [tilespmem:$0x1FF10]  }
0x2cf: {  	v24 =	vor.u32 v1, v2;
	v29 =	vor.u32 v7, v2;
	v7 =	vld [tilespmem:$0x1FF90]  }
0x2d0: {  	v1 =	vor.u32 s22, v24;
	v37 =	vld.idx.msk [tilespmem:v16+s19+$0x0], $0xffff  }
0x2d1: {  	v38 =	vld.idx.msk [tilespmem:v16+s23+$0x0], $0xffff  }
0x2d2: {  	v39 =	vld.idx.msk [tilespmem:v5+s19+$0x0], $0xffff  }
0x2d3: {  	v40 =	vld.idx.msk [tilespmem:v5+s23+$0x0], $0xffff  }
0x2d4: {  	v10 =	vor.u32 s22, v27;
	v41 =	vld.idx.msk [tilespmem:v5+s20+$0x0], $0xffff  }
0x2d5: {  	v17 =	vld.idx.msk [tilespmem:v1+s19+$0x0], $0xffff  }
0x2d6: {  	v34 =	vld.idx.msk [tilespmem:v1+s23+$0x0], $0xffff  }
0x2d7: {  	v36 =	vld.idx.msk [tilespmem:v1+s20+$0x0], $0xffff  }
0x2d8: {  	v9 =	vor.u32 s22, v20;
	v1 =	vld [tilespmem:$0x1FF80]  }
0x2d9: {  	v42 =	vld.idx.msk [tilespmem:v10+s19+$0x0], $0xffff;
	v5 =	vor.u32 s22, v29  }
0x2da: {  	v43 =	vld.idx.msk [tilespmem:v10+s23+$0x0], $0xffff  }
0x2db: {  	v21 =	vor.u32 v0, v2;
	v0 =	vld [tilespmem:$0x1FFC0]  }
0x2dc: {  	v30 =	vor.u32 v7, v2;
	v7 =	vld [tilespmem:$0x1FFA0];
	v8 =	vor.u32 s22, v21  }
0x2dd: {  	v6 =	vld.idx.msk [tilespmem:v9+s23+$0x0], $0xffff;
	v28 =	vor.u32 v1, v2  }
0x2de: {  	v47 =	vld.idx.msk [tilespmem:v5+s19+$0x0], $0xffff;
	v1 =	vor.u32 s22, v28  }
0x2df: {  	v48 =	vld.idx.msk [tilespmem:v5+s23+$0x0], $0xffff  }
0x2e0: {  	v22 =	vor.u32 v0, v2;
	v0 =	vld [tilespmem:$0x1FF20]  }
0x2e1: {  	v13 =	vld.idx.msk [tilespmem:v8+s23+$0x0], $0xffff  }
0x2e2: {  	v32 =	vor.u32 s22, v30;
	v15 =	vld.idx.msk [tilespmem:v8+s20+$0x0], $0xffff  }
0x2e3: {  	v44 =	vld.idx.msk [tilespmem:v1+s19+$0x0], $0xffff  }
0x2e4: {  	v45 =	vld.idx.msk [tilespmem:v1+s23+$0x0], $0xffff  }
0x2e5: {  	v46 =	vld.idx.msk [tilespmem:v1+s20+$0x0], $0xffff  }
0x2e6: {  	v1 =	vld [tilespmem:$0x1FFB0]  }
0x2e7: {  	v3 =	vor.u32 s22, v19;
	v49 =	vld.idx.msk [tilespmem:v32+s19+$0x0], $0xffff  }
0x2e8: {  	v31 =	vor.u32 v7, v2;
	v35 =	vor.u32 s22, v22;
	v51 =	vld.idx.msk [tilespmem:v32+s23+$0x0], $0xffff  }
0x2e9: {  	v7 =	vor.u32 s22, v31;
	v52 =	vld.idx.msk [tilespmem:v32+s20+$0x0], $0xffff  }
0x2ea: {  	v8 =	vld.idx.msk [tilespmem:v8+s19+$0x0], $0xffff  }
0x2eb: {  	v23 =	vor.u32 v0, v2;
	v33 =	vor.u32 v1, v2;
	v1 =	vld [tilespmem:$0x1FFE0]  }
0x2ec: {  	v0 =	vld.idx.msk [tilespmem:v3+s20+$0x0], $0xffff;
	v11 =	vor.u32 s22, v23  }
0x2ed: {  	v14 =	vld.idx.msk [tilespmem:v35+s23+$0x0], $0xffff  }
0x2ee: {  	v53 =	vld.idx.msk [tilespmem:v7+s19+$0x0], $0xffff;
	v50 =	vor.u32 s22, v33  }
0x2ef: {  	v54 =	vld.idx.msk [tilespmem:v7+s23+$0x0], $0xffff  }
0x2f0: {  	v17 =	vadd.f32 v34, v17;
	v34 =	vadd.f32 v38, v37;
	v37 =	vld.idx.msk [tilespmem:v35+s19+$0x0], $0xffff;
	v32 =	vor.u32 v1, v2  }
0x2f1: {  	v4 =	vld.idx.msk [tilespmem:v11+s19+$0x0], $0xffff;
	v1 =	vor.u32 s22, v32  }
0x2f2: {  	v18 =	vor.u32 v18, v2;
	v12 =	vld.idx.msk [tilespmem:v11+s23+$0x0], $0xffff  }
0x2f3: {  	v58 =	vor.u32 s22, v18;
	v55 =	vld.idx.msk [tilespmem:v50+s19+$0x0], $0xffff  }
0x2f4: {  	v2 =	vld.idx.msk [tilespmem:v50+s23+$0x0], $0xffff  }
0x2f5: {  	v60 =	vmul.f32 v41, v41;
	v38 =	vadd.f32 v40, v39;
	v50 =	vld.idx.msk [tilespmem:v50+s20+$0x0], $0xffff  }
0x2f6: {  	v40 =	vadd.f32 v43, v42;
	v47 =	vadd.f32 v48, v47;
	v56 =	vmul.f32 v15, v15;
	v43 =	vld.idx.msk [tilespmem:v1+s19+$0x0], $0xffff  }
0x2f7: {  	v48 =	vadd.f32 v51, v49;
	v13 =	vadd.f32 v13, v8;
	v61 =	vld.idx.msk [tilespmem:v1+s23+$0x0], $0xffff;
	[tilespmem:$0x1FAD0] =	vst v24  }
0x2f8: {  	s17 =	simm.s32 $0x10;
	v42 =	vadd.f32 v45, v44;
	v57 =	vadd.f32 v12, v4;
	v4 =	vimm.f32 $0.0e+00;
	v62 =	vld.idx.msk [tilespmem:v58+s19+$0x0], $0xffff  }
0x2f9: {  	v49 =	vor.u32 s17, v24;
	v12 =	vmul.f32 v36, v36;
	v59 =	vadd.f32 v56, v4;
	v63 =	vld.idx.msk [tilespmem:v58+s23+$0x0], $0xffff;
	[tilespmem:$0x1FAE0] =	vst v21  }
0x2fa: {  	v8 =	vadd.f32 v14, v37;
	v14 =	vmul.f32 v13, v13;
	v13 =	vmul.f32 v13, v15;
	[tilespmem:$0x1FAF0] =	vst v26  }
0x2fb: {  	v44 =	vmul.f32 v46, v46;
	v36 =	vmul.f32 v17, v36;
	v39 =	vadd.f32 v12, v59;
	v58 =	vld.idx.msk [tilespmem:v58+s20+$0x0], $0xffff  }
0x2fc: {  	v13 =	vadd.f32 v13, v4;
	v12 =	vadd.f32 v54, v53;
	v24 =	vor.u32 s17, v21;
	v59 =	vld.idx.msk [tilespmem:v11+s20+$0x0], $0xffff  }
0x2fd: {  	v39 =	vadd.f32 v60, v39;
	v54 =	vadd.f32 v2, v55;
	v55 =	vor.u32 s17, v26;
	v16 =	vld.idx.msk [tilespmem:v16+s20+$0x0], $0xffff  }
0x2fe: {  	v17 =	vmul.f32 v17, v17;
	v14 =	vadd.f32 v14, v4;
	v37 =	vld.idx.msk [tilespmem:v49+s20+$0x0], $0xffff  }
0x2ff: {  	v13 =	vadd.f32 v36, v13;
	v11 =	vadd.f32 v44, v39;
	v44 =	vmul.f32 v52, v52;
	v36 =	vld.idx.msk [tilespmem:v3+s19+$0x0], $0xffff  }
0x300: {  	v41 =	vmul.f32 v38, v41;
	v56 =	vmul.f32 v38, v38;
	v14 =	vadd.f32 v17, v14;
	v26 =	vld.idx.msk [tilespmem:v9+s19+$0x0], $0xffff  }
0x301: {  	v15 =	vmul.f32 v50, v50;
	v11 =	vadd.f32 v44, v11;
	v39 =	vld.idx.msk [tilespmem:v24+s20+$0x0], $0xffff  }
0x302: {  	v60 =	vmul.f32 v0, v0;
	v14 =	vadd.f32 v56, v14;
	v13 =	vadd.f32 v41, v13;
	v44 =	vld.idx.msk [tilespmem:v55+s19+$0x0], $0xffff  }
0x303: {  	v50 =	vmul.f32 v54, v50;
	v2 =	vadd.f32 v61, v43;
	v15 =	vadd.f32 v15, v11;
	v11 =	vld.idx.msk [tilespmem:v55+s20+$0x0], $0xffff  }
0x304: {  	v61 =	vmul.f32 v42, v46;
	v42 =	vmul.f32 v42, v42;
	v43 =	vadd.f32 v63, v62;
	v62 =	vld.idx.msk [tilespmem:v24+s23+$0x0], $0xffff  }
0x305: {  	v63 =	vld.idx.msk [tilespmem:v24+s19+$0x0], $0xffff;
	v24 =	vmul.f32 v48, v52;
	v48 =	vmul.f32 v48, v48;
	[tilespmem:$0x1FB00] =	vst v28;
	v28 =	vor.u32 s17, v28  }
0x306: {  	v51 =	vmul.f32 v58, v58;
	v14 =	vadd.f32 v42, v14;
	v13 =	vadd.f32 v61, v13  }
0x307: {  	v56 =	vld.idx.msk [tilespmem:v3+s23+$0x0], $0xffff;
	[tilespmem:$0x1FB10] =	vst v27;
	v3 =	vor.u32 s17, v27;
	v61 =	vmul.f32 v54, v54;
	v54 =	vmul.f32 v57, v59  }
0x308: {  	v6 =	vadd.f32 v6, v26;
	v38 =	vld.idx.msk [tilespmem:v55+s23+$0x0], $0xffff;
	v26 =	vmul.f32 v43, v58;
	v43 =	vmul.f32 v43, v43  }
0x309: {  	v53 =	vld.idx.msk [tilespmem:v9+s20+$0x0], $0xffff;
	v55 =	vmul.f32 v34, v16;
	v16 =	vmul.f32 v16, v16;
	v15 =	vadd.f32 v51, v15  }
0x30a: {  	[tilespmem:$0x1FB20] =	vst v18;
	v14 =	vadd.f32 v48, v14;
	v13 =	vadd.f32 v24, v13;
	v24 =	vmul.f32 v57, v57  }
0x30b: {  	v9 =	vor.u32 s17, v18;
	v57 =	vmul.f32 v59, v59;
	v17 =	vadd.f32 v62, v63;
	v62 =	vld.idx.msk [tilespmem:v49+s19+$0x0], $0xffff;
	[tilespmem:$0x1FB30] =	vst v30  }
0x30c: {  	v21 =	vmul.f32 v39, v39;
	v15 =	vadd.f32 v60, v15;
	v63 =	vor.u32 s17, v30;
	v18 =	vld.idx.msk [tilespmem:v49+s23+$0x0], $0xffff  }
0x30d: {  	v60 =	vmul.f32 v37, v37;
	v14 =	vadd.f32 v61, v14;
	v13 =	vadd.f32 v50, v13;
	v42 =	vld.idx.msk [tilespmem:v28+s20+$0x0], $0xffff  }
0x30e: {  	v30 =	vmul.f32 v34, v34;
	v36 =	vadd.f32 v56, v36;
	v27 =	vld.idx.msk [tilespmem:v28+s19+$0x0], $0xffff;
	v15 =	vadd.f32 v21, v15  }
0x30f: {  	v45 =	vld.idx.msk [tilespmem:v28+s23+$0x0], $0xffff;
	v21 =	vmul.f32 v11, v11;
	v28 =	vmul.f32 v53, v53;
	v14 =	vadd.f32 v43, v14  }
0x310: {  	v10 =	vld.idx.msk [tilespmem:v10+s20+$0x0], $0xffff;
	v13 =	vadd.f32 v26, v13;
	v38 =	vadd.f32 v38, v44;
	v39 =	vmul.f32 v17, v39  }
0x311: {  	v59 =	vor.u32 s17, v33;
	v0 =	vmul.f32 v36, v0;
	v41 =	vadd.f32 v18, v62;
	v18 =	vld.idx.msk [tilespmem:v63+s20+$0x0], $0xffff;
	[tilespmem:$0x1FB40] =	vst v33  }
0x312: {  	v17 =	vmul.f32 v17, v17;
	v36 =	vmul.f32 v36, v36;
	v15 =	vadd.f32 v60, v15;
	v60 =	vld.idx.msk [tilespmem:v63+s19+$0x0], $0xffff  }
0x313: {  	v58 =	vadd.f32 v28, v4;
	v11 =	vmul.f32 v38, v11;
	v0 =	vadd.f32 v0, v13;
	v46 =	vld.idx.msk [tilespmem:v63+s23+$0x0], $0xffff  }
0x314: {  	v13 =	vmul.f32 v40, v40;
	v14 =	vadd.f32 v36, v14;
	v15 =	vadd.f32 v21, v15;
	v21 =	vld.idx.msk [tilespmem:v9+s20+$0x0], $0xffff  }
0x315: {  	v48 =	vadd.f32 v57, v58;
	v61 =	vmul.f32 v42, v42;
	v45 =	vadd.f32 v45, v27;
	v5 =	vld.idx.msk [tilespmem:v5+s20+$0x0], $0xffff  }
0x316: {  	v51 =	vor.u32 s17, v23;
	v62 =	vmul.f32 v6, v53;
	v6 =	vmul.f32 v6, v6;
	v7 =	vld.idx.msk [tilespmem:v7+s20+$0x0], $0xffff;
	[tilespmem:$0x1FB50] =	vst v20  }
0x317: {  	v40 =	vmul.f32 v40, v10;
	v63 =	vor.u32 s17, v20;
	v0 =	vadd.f32 v39, v0;
	v53 =	vld.idx.msk [tilespmem:v59+s20+$0x0], $0xffff  }
0x318: {  	v10 =	vmul.f32 v10, v10;
	v14 =	vadd.f32 v17, v14;
	v6 =	vadd.f32 v6, v4;
	v50 =	vld.idx.msk [tilespmem:v59+s23+$0x0], $0xffff  }
0x319: {  	v27 =	vmul.f32 v47, v47;
	v15 =	vadd.f32 v61, v15;
	v16 =	vadd.f32 v16, v48;
	v35 =	vld.idx.msk [tilespmem:v35+s20+$0x0], $0xffff  }
0x31a: {  	v4 =	vadd.f32 v62, v4;
	v37 =	vmul.f32 v41, v37;
	v6 =	vadd.f32 v24, v6;
	v24 =	vld.idx.msk [tilespmem:v59+s19+$0x0], $0xffff  }
0x31b: {  	v10 =	vadd.f32 v10, v16;
	[tilespmem:$0x1FB60] =	vst v23;
	v47 =	vmul.f32 v47, v5;
	v5 =	vmul.f32 v5, v5  }
0x31c: {  	v26 =	vmul.f32 v18, v18;
	v6 =	vadd.f32 v30, v6;
	v28 =	vld.idx.msk [tilespmem:v63+s19+$0x0], $0xffff;
	v30 =	vmul.f32 v12, v12  }
0x31d: {  	v20 =	vmul.f32 v12, v7;
	v12 =	vld.idx.msk [tilespmem:v63+s23+$0x0], $0xffff;
	[tilespmem:$0x1FB70] =	vst v25;
	v5 =	vadd.f32 v5, v10;
	v10 =	vor.u32 s17, v25  }
0x31e: {  	v0 =	vadd.f32 v37, v0;
	v4 =	vadd.f32 v54, v4;
	v1 =	vld.idx.msk [tilespmem:v1+s20+$0x0], $0xffff;
	[tilespmem:$0x1FB80] =	vst v29  }
0x31f: {  	v15 =	vadd.f32 v26, v15;
	v6 =	vadd.f32 v13, v6;
	v13 =	vmul.f32 v53, v53;
	v52 =	vld.idx.msk [tilespmem:v63+s20+$0x0], $0xffff  }
0x320: {  	v46 =	vadd.f32 v46, v60;
	v7 =	vmul.f32 v7, v7;
	v60 =	vmul.f32 v21, v21;
	v61 =	vld.idx.msk [tilespmem:v51+s23+$0x0], $0xffff  }
0x321: {  	v49 =	vadd.f32 v50, v24;
	v50 =	vor.u32 s17, v29;
	v13 =	vadd.f32 v13, v15;
	v15 =	vld.idx.msk [tilespmem:v51+s19+$0x0], $0xffff  }
0x322: {  	v0 =	vadd.f32 v11, v0;
	v24 =	vor.u32 s17, v31;
	v5 =	vadd.f32 v7, v5;
	v62 =	vld.idx.msk [tilespmem:v10+s19+$0x0], $0xffff  }
0x323: {  	v7 =	vmul.f32 v8, v35;
	v6 =	vadd.f32 v27, v6;
	v23 =	vld.idx.msk [tilespmem:v10+s23+$0x0], $0xffff;
	[tilespmem:$0x1FB90] =	vst v31  }
0x324: {  	v35 =	vmul.f32 v35, v35;
	v16 =	vadd.f32 v60, v13;
	v13 =	vld.idx.msk [tilespmem:v3+s19+$0x0], $0xffff;
	[tilespmem:$0x1FBA0] =	vst v19  }
0x325: {  	v4 =	vadd.f32 v55, v4;
	v8 =	vmul.f32 v8, v8;
	v6 =	vadd.f32 v30, v6;
	v26 =	vld.idx.msk [tilespmem:v3+s23+$0x0], $0xffff  }
0x326: {  	v12 =	vadd.f32 v12, v28;
	v5 =	vadd.f32 v35, v5;
	v63 =	vmul.f32 v1, v1;
	v27 =	vld.idx.msk [tilespmem:v50+s23+$0x0], $0xffff  }
0x327: {  	v44 =	vmul.f32 v2, v1;
	v6 =	vadd.f32 v8, v6;
	v8 =	vor.u32 s17, v19;
	v29 =	vld.idx.msk [tilespmem:v24+s19+$0x0], $0xffff  }
0x328: {  	v1 =	vmul.f32 v2, v2;
	v25 =	vmul.f32 v52, v52;
	v5 =	vadd.f32 v63, v5;
	v33 =	vld.idx.msk [tilespmem:v9+s19+$0x0], $0xffff  }
0x329: {  	v41 =	vmul.f32 v41, v41;
	v4 =	vadd.f32 v40, v4;
	v15 =	vadd.f32 v61, v15;
	v9 =	vld.idx.msk [tilespmem:v9+s23+$0x0], $0xffff  }
0x32a: {  	v11 =	vmul.f32 v12, v12;
	v2 =	vadd.f32 v25, v5;
	v5 =	vld.idx.msk [tilespmem:v50+s19+$0x0], $0xffff;
	v1 =	vadd.f32 v1, v6  }
0x32b: {  	v14 =	vadd.f32 v41, v14;
	v4 =	vadd.f32 v47, v4;
	v31 =	vmul.f32 v38, v38;
	v6 =	vld.idx.msk [tilespmem:v51+s20+$0x0], $0xffff  }
0x32c: {  	v35 =	vadd.f32 v23, v62;
	v1 =	vadd.f32 v11, v1;
	v11 =	vmul.f32 v15, v15;
	v38 =	vld.idx.msk [tilespmem:v8+s20+$0x0], $0xffff  }
0x32d: {  	v34 =	vor.u32 s17, v22;
	v28 =	vmul.f32 v45, v42;
	v30 =	vadd.f32 v26, v13;
	v13 =	vld.idx.msk [tilespmem:v24+s23+$0x0], $0xffff;
	[tilespmem:$0x1FBB0] =	vst v22  }
0x32e: {  	v59 =	vor.u32 s17, v32;
	v1 =	vadd.f32 v11, v1;
	v11 =	vmul.f32 v35, v35;
	v10 =	vld.idx.msk [tilespmem:v10+s20+$0x0], $0xffff;
	[tilespmem:$0x1FBC0] =	vst v32  }
0x32f: {  	v0 =	vadd.f32 v28, v0;
	v48 =	vmul.f32 v12, v52;
	v61 =	vadd.f32 v20, v4;
	v56 =	vld.idx.msk [tilespmem:v3+s20+$0x0], $0xffff  }
0x330: {  	v36 =	vadd.f32 v27, v5;
	v11 =	vadd.f32 v11, v1;
	v3 =	vmul.f32 v46, v18;
	v1 =	vld.idx.msk [tilespmem:v50+s20+$0x0], $0xffff  }
0x331: {  	v14 =	vadd.f32 v31, v14;
	v51 =	vadd.f32 v7, v61;
	v57 =	vmul.f32 v30, v30;
	v60 =	vld.idx.msk [tilespmem:v8+s19+$0x0], $0xffff  }
0x332: {  	v63 =	vld.idx.msk [tilespmem:v8+s23+$0x0], $0xffff;
	v50 =	vmul.f32 v49, v49;
	v41 =	vmul.f32 v36, v36;
	v12 =	vadd.f32 v3, v0  }
0x333: {  	v8 =	vld.idx.msk [tilespmem:v34+s19+$0x0], $0xffff;
	v0 =	vmul.f32 v38, v38;
	v5 =	vadd.f32 v13, v29;
	v13 =	vmul.f32 v6, v6  }
0x334: {  	v39 =	vld.idx.msk [tilespmem:v59+s19+$0x0], $0xffff;
	v3 =	vmul.f32 v15, v6;
	v4 =	vadd.f32 v57, v11;
	v15 =	vmul.f32 v46, v46  }
0x335: {  	v40 =	vld.idx.msk [tilespmem:v24+s20+$0x0], $0xffff;
	v43 =	vadd.f32 v0, v16;
	v62 =	vadd.f32 v13, v2;
	v2 =	vmul.f32 v45, v45  }
0x336: {  	v6 =	vld.idx.msk [tilespmem:v34+s20+$0x0], $0xffff;
	v0 =	vmul.f32 v35, v10;
	v11 =	vmul.f32 v10, v10;
	v13 =	vadd.f32 v9, v33  }
0x337: {  	v10 =	vld.idx.msk [tilespmem:v34+s23+$0x0], $0xffff;
	v9 =	vmul.f32 v56, v56;
	v7 =	vmul.f32 v36, v1;
	v14 =	vadd.f32 v2, v14  }
0x338: {  	v36 =	vmovc v21;
	v47 =	vmul.f32 v5, v5;
	v2 =	vmul.f32 v49, v53;
	v52 =	vadd.f32 v11, v62  }
0x339: {  	s22 =	simm.s32 $0x30;
	s17 =	simm.s32 $0x0;
	v45 =	vld.idx.msk [tilespmem:v59+s23+$0x0], $0xffff;
	v11 =	vmul.f32 v30, v56;
	v53 =	vadd.f32 v15, v14;
	v14 =	vadd.f32 v63, v60  }
.LBB2_13:
0x33a: {  	v18 =	vld [tilespmem:$0x1FB10]  }
0x33b: {  	v24 =	vld [tilespmem:$0x1FB20]  }
0x33c: {  	v54 =	vld [tilespmem:$0x1FB50]  }
0x33d: {  	v27 =	vld [tilespmem:$0x1FBB0]  }
0x33e: {  	v28 =	vld [tilespmem:$0x1FBA0]  }
0x33f: {  	v33 =	vld [tilespmem:$0x1FAE0]  }
0x340: {  	v34 =	vld [tilespmem:$0x1FB60]  }
0x341: {  	v23 =	vld [tilespmem:$0x1FAD0];
	v56 =	vadd.f32 v50, v53  }
0x342: {  	s6 =	sadd.s32 $0xFFFFFFF0, s22;
	v55 =	vld [tilespmem:$0x1FB70];
	v2 =	vadd.f32 v2, v12;
	v12 =	vmul.f32 v13, v13;
	v19 =	vor.u32 s22, v24  }
0x343: {  	v29 =	vld [tilespmem:$0x1FAF0];
	v57 =	vadd.f32 v44, v51;
	v42 =	vor.u32 s6, v27  }
0x344: {  	v12 =	vadd.f32 v12, v56;
	v56 =	vld [tilespmem:$0x1FB80];
	v49 =	vor.u32 s6, v28  }
0x345: {  	v62 =	vadd.f32 v48, v57;
	v57 =	vld [tilespmem:$0x1FB40];
	v15 =	vor.u32 s22, v18;
	v46 =	vor.u32 s6, v54  }
0x346: {  	v17 =	vadd.f32 v41, v4;
	v4 =	vor.u32 s6, v33;
	[tilespmem:$0x1FA80] =	vst v15;
	v15 =	vmul.f32 v13, v36;
	v13 =	vld.idx.msk [tilespmem:v59+s20+$0x0], $0xffff  }
0x347: {  	v53 =	vld.idx.msk [tilespmem:v19+s20+$0x0], $0xffff  }
0x348: {  	v61 =	vor.u32 s6, v34;
	v60 =	vld.idx.msk [tilespmem:v42+s20+$0x0], $0xffff  }
0x349: {  	v58 =	vmul.f32 v14, v14;
	v8 =	vadd.f32 v10, v8;
	v44 =	vld.idx.msk [tilespmem:v49+s20+$0x0], $0xffff  }
0x34a: {  	v10 =	vmul.f32 v14, v38;
	v14 =	vor.u32 s6, v23;
	v59 =	vmul.f32 v5, v40;
	v5 =	vld.idx.msk [tilespmem:v46+s23+$0x0], $0xffff  }
0x34b: {  	v1 =	vmul.f32 v1, v1;
	v17 =	vadd.f32 v47, v17;
	v15 =	vadd.f32 v15, v2;
	v36 =	vld.idx.msk [tilespmem:v4+s23+$0x0], $0xffff  }
0x34c: {  	v16 =	vmul.f32 v6, v6;
	v47 =	vadd.f32 v3, v62;
	v63 =	vmul.f32 v8, v6;
	v6 =	vld.idx.msk [tilespmem:v4+s20+$0x0], $0xffff  }
0x34d: {  	v37 =	vadd.f32 v45, v39;
	v8 =	vmul.f32 v8, v8;
	v3 =	vadd.f32 v10, v15;
	v10 =	vld.idx.msk [tilespmem:v61+s19+$0x0], $0xffff  }
0x34e: {  	v21 =	vor.u32 s6, v55;
	v0 =	vadd.f32 v0, v47;
	v2 =	vadd.f32 v9, v52;
	v15 =	vld.idx.msk [tilespmem:v61+s23+$0x0], $0xffff  }
0x34f: {  	v25 =	vor.u32 s6, v29;
	v20 =	vmul.f32 v37, v37;
	v8 =	vadd.f32 v8, v17;
	v22 =	vld.idx.msk [tilespmem:v14+s19+$0x0], $0xffff  }
0x350: {  	v0 =	vadd.f32 v11, v0;
	v1 =	vadd.f32 v1, v2;
	v2 =	vmul.f32 v40, v40;
	v11 =	vld.idx.msk [tilespmem:v14+s23+$0x0], $0xffff  }
0x351: {  	[tilespmem:$0x1FAB0] =	vst v19;
	v19 =	vld.idx.msk [tilespmem:v61+s20+$0x0], $0xffff  }
0x352: {  	v52 =	vadd.f32 v20, v8;
	v8 =	vld.idx.msk [tilespmem:v14+s20+$0x0], $0xffff;
	v1 =	vadd.f32 v2, v1  }
0x353: {  	v26 =	vld.idx.msk [tilespmem:v21+s19+$0x0], $0xffff;
	v0 =	vadd.f32 v7, v0;
	v2 =	vadd.f32 v58, v12  }
0x354: {  	v30 =	vld.idx.msk [tilespmem:v25+s19+$0x0], $0xffff;
	v12 =	vmul.f32 v13, v13;
	v1 =	vadd.f32 v16, v1;
	v7 =	vadd.f32 v15, v10  }
0x355: {  	v35 =	vor.u32 s6, v56;
	v13 =	vmul.f32 v37, v13;
	v0 =	vadd.f32 v59, v0;
	v10 =	vld.idx.msk [tilespmem:v21+s23+$0x0], $0xffff  }
0x356: {  	v14 =	vadd.f32 v11, v22;
	v11 =	vld.idx.msk [tilespmem:v25+s23+$0x0], $0xffff;
	v50 =	vadd.f32 v12, v1;
	v1 =	vmul.f32 v7, v7  }
0x357: {  	[tilespmem:$0x1FA50] =	vst v5;
	v0 =	vadd.f32 v63, v0;
	v5 =	vmul.f32 v7, v19;
	v7 =	vld.idx.msk [tilespmem:v21+s20+$0x0], $0xffff  }
0x358: {  	v15 =	vor.u32 s6, v18;
	[tilespmem:$0x1FA60] =	vst v1;
	v1 =	vld [tilespmem:$0x1FB00]  }
0x359: {  	v0 =	vadd.f32 v13, v0;
	v13 =	vld.idx.msk [tilespmem:v25+s20+$0x0], $0xffff  }
0x35a: {  	v25 =	vld.idx.msk [tilespmem:v35+s19+$0x0], $0xffff  }
0x35b: {  	v47 =	vmul.f32 v6, v6;
	v12 =	vmul.f32 v14, v8;
	[tilespmem:$0x1FA90] =	vst v5;
	v5 =	vld [tilespmem:$0x1FB30]  }
0x35c: {  	[tilespmem:$0x1FA70] =	vst v0;
	v0 =	vmul.f32 v8, v8;
	v8 =	vadd.f32 v10, v26;
	v26 =	vld.idx.msk [tilespmem:v35+s23+$0x0], $0xffff  }
0x35d: {  	v43 =	vadd.f32 v47, v43;
	v32 =	vld.idx.msk [tilespmem:v15+s19+$0x0], $0xffff;
	v31 =	vor.u32 s6, v1  }
0x35e: {  	v10 =	vld.idx.msk [tilespmem:v15+s23+$0x0], $0xffff;
	v48 =	vmul.f32 v8, v8;
	v8 =	vmul.f32 v8, v7  }
0x35f: {  	v0 =	vadd.f32 v0, v43;
	v43 =	vor.u32 s22, v27;
	v27 =	vld.idx.msk [tilespmem:v4+s19+$0x0], $0xffff  }
0x360: {  	[tilespmem:$0x1FAA0] =	vst v8;
	v8 =	vld.idx.msk [tilespmem:v15+s20+$0x0], $0xffff  }
0x361: {  	v16 =	vadd.f32 v26, v25;
	v26 =	vld [tilespmem:$0x1FBC0]  }
0x362: {  	v21 =	vld.idx.msk [tilespmem:v31+s19+$0x0], $0xffff  }
0x363: {  	v62 =	vor.u32 s6, v57;
	v63 =	vadd.f32 v11, v30;
	v11 =	vld.idx.msk [tilespmem:v31+s23+$0x0], $0xffff  }
0x364: {  	v17 =	vld.idx.msk [tilespmem:v31+s20+$0x0], $0xffff  }
0x365: {  	v23 =	vor.u32 s22, v23;
	v10 =	vadd.f32 v10, v32;
	v31 =	vld [tilespmem:$0x1FB90]  }
0x366: {  	v9 =	vld.idx.msk [tilespmem:v42+s23+$0x0], $0xffff;
	v22 =	vor.u32 s6, v5  }
0x367: {  	v58 =	vld.idx.msk [tilespmem:v35+s20+$0x0], $0xffff;
	v40 =	vmul.f32 v10, v10;
	v10 =	vmul.f32 v10, v8  }
0x368: {  	v20 =	vld.idx.msk [tilespmem:v62+s19+$0x0], $0xffff;
	v15 =	vmul.f32 v63, v13;
	v13 =	vmul.f32 v13, v13  }
0x369: {  	v47 =	vld.idx.msk [tilespmem:v42+s19+$0x0], $0xffff;
	[tilespmem:$0x1FAC0] =	vst v10;
	v10 =	vor.u32 s6, v26  }
0x36a: {  	v0 =	vadd.f32 v13, v0;
	v13 =	vld.idx.msk [tilespmem:v23+s20+$0x0], $0xffff;
	v27 =	vadd.f32 v36, v27;
	v59 =	vor.u32 s6, v31  }
0x36b: {  	v61 =	vld.idx.msk [tilespmem:v22+s19+$0x0], $0xffff  }
0x36c: {  	v6 =	vmul.f32 v27, v6;
	v18 =	vadd.f32 v11, v21;
	v11 =	vld.idx.msk [tilespmem:v22+s23+$0x0], $0xffff  }
0x36d: {  	v37 =	vld.idx.msk [tilespmem:v22+s20+$0x0], $0xffff  }
0x36e: {  	v3 =	vadd.f32 v6, v3;
	v25 =	vld.idx.msk [tilespmem:v10+s19+$0x0], $0xffff  }
0x36f: {  	v30 =	vld.idx.msk [tilespmem:v59+s19+$0x0], $0xffff  }
0x370: {  	v3 =	vadd.f32 v12, v3;
	v32 =	vld.idx.msk [tilespmem:v59+s23+$0x0], $0xffff  }
0x371: {  	v35 =	vmul.f32 v18, v17;
	v17 =	vmul.f32 v17, v17;
	v21 =	vadd.f32 v11, v61;
	v11 =	vld.idx.msk [tilespmem:v62+s23+$0x0], $0xffff  }
0x372: {  	v24 =	vor.u32 s6, v24;
	v39 =	vmul.f32 v16, v16;
	v3 =	vadd.f32 v15, v3;
	v62 =	vld.idx.msk [tilespmem:v62+s20+$0x0], $0xffff  }
0x373: {  	v41 =	vmul.f32 v16, v58;
	v22 =	vmul.f32 v37, v37;
	v17 =	vadd.f32 v17, v0;
	v61 =	vld.idx.msk [tilespmem:v59+s20+$0x0], $0xffff  }
0x374: {  	v3 =	vadd.f32 v35, v3;
	v59 =	vor.u32 s22, v26;
	v26 =	vld.idx.msk [tilespmem:v10+s23+$0x0], $0xffff;
	v16 =	vmul.f32 v21, v37  }
0x375: {  	v33 =	vor.u32 s22, v33;
	v10 =	vld.idx.msk [tilespmem:v10+s20+$0x0], $0xffff;
	v17 =	vadd.f32 v22, v17;
	v22 =	vor.u32 s22, v5  }
0x376: {  	v42 =	vor.u32 s22, v31;
	v5 =	vld [tilespmem:$0x1FA50];
	v3 =	vadd.f32 v16, v3;
	v51 =	vadd.f32 v32, v30  }
0x377: {  	v4 =	vadd.f32 v11, v20;
	v20 =	vor.u32 s22, v29;
	v30 =	vld.idx.msk [tilespmem:v24+s19+$0x0], $0xffff;
	v31 =	vmul.f32 v62, v62  }
0x378: {  	v11 =	vadd.f32 v9, v47;
	v32 =	vld.idx.msk [tilespmem:v24+s23+$0x0], $0xffff;
	v38 =	vmul.f32 v51, v51;
	v45 =	vmul.f32 v51, v61  }
0x379: {  	v24 =	vld.idx.msk [tilespmem:v24+s20+$0x0], $0xffff;
	v51 =	vor.u32 s22, v28;
	v28 =	vmul.f32 v4, v4;
	v29 =	vmul.f32 v4, v62  }
0x37a: {  	v16 =	vld.idx.msk [tilespmem:v22+s20+$0x0], $0xffff;
	v62 =	vor.u32 s22, v56;
	v4 =	vmul.f32 v11, v11;
	v47 =	vmul.f32 v11, v60  }
0x37b: {  	v11 =	vmul.f32 v60, v60;
	v60 =	vor.u32 s22, v54;
	v54 =	vmul.f32 v27, v27;
	v27 =	vld.idx.msk [tilespmem:v33+s20+$0x0], $0xffff  }
0x37c: {  	v56 =	vadd.f32 v26, v25;
	v26 =	vor.u32 s22, v1;
	v1 =	vmul.f32 v19, v19;
	v19 =	vld.idx.msk [tilespmem:v23+s19+$0x0], $0xffff  }
0x37d: {  	v2 =	vadd.f32 v54, v2;
	v54 =	vmul.f32 v63, v63;
	v63 =	vld.idx.msk [tilespmem:v46+s19+$0x0], $0xffff  }
0x37e: {  	v0 =	vor.u32 s22, v34;
	v34 =	vld.idx.msk [tilespmem:v20+s19+$0x0], $0xffff  }
0x37f: {  	v25 =	vld.idx.msk [tilespmem:v20+s23+$0x0], $0xffff  }
0x380: {  	v37 =	vld.idx.msk [tilespmem:v20+s20+$0x0], $0xffff  }
0x381: {  	v9 =	vor.u32 s22, v55;
	v55 =	vor.u32 s22, v57;
	v57 =	vadd.f32 v32, v30;
	v30 =	vld.idx.msk [tilespmem:v49+s19+$0x0], $0xffff  }
0x382: {  	v14 =	vmul.f32 v14, v14;
	v32 =	vld.idx.msk [tilespmem:v33+s23+$0x0], $0xffff  }
0x383: {  	v17 =	vadd.f32 v31, v17;
	v6 =	vmul.f32 v24, v24;
	v49 =	vld.idx.msk [tilespmem:v49+s23+$0x0], $0xffff  }
0x384: {  	v2 =	vadd.f32 v14, v2;
	v14 =	vmul.f32 v44, v44;
	v31 =	vld.idx.msk [tilespmem:v26+s20+$0x0], $0xffff  }
0x385: {  	v24 =	vmul.f32 v57, v24;
	v12 =	vmul.f32 v57, v57;
	v6 =	vadd.f32 v6, v17;
	v57 =	vld.idx.msk [tilespmem:v33+s19+$0x0], $0xffff  }
0x386: {  	v15 =	vmul.f32 v18, v18;
	v33 =	vld.idx.msk [tilespmem:v46+s20+$0x0], $0xffff;
	v2 =	vadd.f32 v54, v2  }
0x387: {  	v6 =	vadd.f32 v14, v6;
	v46 =	vadd.f32 v5, v63;
	v5 =	vld [tilespmem:$0x1FA60]  }
0x388: {  	v14 =	vmul.f32 v27, v27;
	v2 =	vadd.f32 v15, v2;
	v15 =	vmul.f32 v21, v21;
	v21 =	vld.idx.msk [tilespmem:v55+s20+$0x0], $0xffff  }
0x389: {  	v25 =	vadd.f32 v25, v34;
	v34 =	vld.idx.msk [tilespmem:v42+s23+$0x0], $0xffff  }
0x38a: {  	v36 =	vmov v53;
	v3 =	vadd.f32 v29, v3;
	v6 =	vadd.f32 v14, v6;
	v14 =	vld.idx.msk [tilespmem:v23+s23+$0x0], $0xffff  }
0x38b: {  	v20 =	vmul.f32 v53, v53;
	v53 =	vmul.f32 v13, v13;
	v17 =	vadd.f32 v32, v57;
	v57 =	vld.idx.msk [tilespmem:v26+s19+$0x0], $0xffff  }
0x38c: {  	v54 =	vmul.f32 v37, v37;
	v18 =	vadd.f32 v49, v30;
	v63 =	vmul.f32 v46, v46;
	v26 =	vld.idx.msk [tilespmem:v26+s23+$0x0], $0xffff  }
0x38d: {  	v49 =	vmul.f32 v33, v33;
	v46 =	vmul.f32 v46, v33;
	v33 =	vld.idx.msk [tilespmem:v42+s19+$0x0], $0xffff;
	v6 =	vadd.f32 v53, v6  }
0x38e: {  	v3 =	vadd.f32 v24, v3;
	v2 =	vadd.f32 v15, v2;
	v53 =	vld.idx.msk [tilespmem:v22+s19+$0x0], $0xffff;
	v24 =	vmul.f32 v17, v17  }
0x38f: {  	v17 =	vmul.f32 v17, v27;
	v27 =	vld.idx.msk [tilespmem:v55+s19+$0x0], $0xffff;
	v6 =	vadd.f32 v54, v6;
	v54 =	vadd.f32 v63, v52  }
0x390: {  	v30 =	vadd.f32 v49, v50;
	v49 =	vld.idx.msk [tilespmem:v60+s23+$0x0], $0xffff  }
0x391: {  	v2 =	vadd.f32 v28, v2;
	v28 =	vadd.f32 v5, v54;
	v5 =	vld [tilespmem:$0x1FA70]  }
0x392: {  	v7 =	vmul.f32 v7, v7;
	v15 =	vmul.f32 v31, v31;
	v63 =	vld.idx.msk [tilespmem:v55+s23+$0x0], $0xffff  }
0x393: {  	v12 =	vadd.f32 v12, v2;
	v2 =	vmul.f32 v18, v44;
	v44 =	vld.idx.msk [tilespmem:v22+s23+$0x0], $0xffff;
	v1 =	vadd.f32 v1, v30  }
0x394: {  	v8 =	vmul.f32 v8, v8;
	v52 =	vld.idx.msk [tilespmem:v0+s19+$0x0], $0xffff;
	v14 =	vadd.f32 v14, v19;
	v23 =	vadd.f32 v26, v57  }
0x395: {  	v57 =	vmul.f32 v16, v16;
	v6 =	vadd.f32 v15, v6;
	v54 =	vld.idx.msk [tilespmem:v0+s23+$0x0], $0xffff;
	v1 =	vadd.f32 v7, v1  }
0x396: {  	v50 =	vmul.f32 v21, v21;
	v2 =	vadd.f32 v2, v3;
	v22 =	vadd.f32 v46, v5;
	v5 =	vld [tilespmem:$0x1FA80]  }
0x397: {  	v7 =	vld.idx.msk [tilespmem:v60+s19+$0x0], $0xffff;
	v6 =	vadd.f32 v57, v6;
	v1 =	vadd.f32 v8, v1;
	v8 =	vmul.f32 v58, v58  }
0x398: {  	v15 =	vmul.f32 v25, v25;
	v3 =	vld.idx.msk [tilespmem:v60+s20+$0x0], $0xffff;
	v19 =	vadd.f32 v44, v53;
	v53 =	vadd.f32 v48, v28  }
0x399: {  	v57 =	vld.idx.msk [tilespmem:v9+s20+$0x0], $0xffff;
	v2 =	vadd.f32 v17, v2;
	v1 =	vadd.f32 v8, v1;
	v8 =	vmul.f32 v61, v61  }
0x39a: {  	v13 =	vmul.f32 v14, v13;
	v58 =	vld.idx.msk [tilespmem:v9+s19+$0x0], $0xffff;
	v27 =	vadd.f32 v63, v27;
	v26 =	vadd.f32 v40, v53  }
0x39b: {  	v9 =	vld.idx.msk [tilespmem:v9+s23+$0x0], $0xffff;
	v44 =	vmul.f32 v56, v10;
	v6 =	vadd.f32 v50, v6;
	v1 =	vadd.f32 v8, v1  }
0x39c: {  	v63 =	vld.idx.msk [tilespmem:v62+s19+$0x0], $0xffff;
	v10 =	vmul.f32 v10, v10;
	v7 =	vadd.f32 v49, v7;
	v60 =	vadd.f32 v39, v26  }
0x39d: {  	v20 =	vadd.f32 v20, v6;
	v53 =	vld [tilespmem:$0x1FAB0];
	v8 =	vmul.f32 v18, v18;
	v1 =	vadd.f32 v11, v1  }
0x39e: {  	v25 =	vmul.f32 v25, v37;
	v11 =	vadd.f32 v13, v2;
	v18 =	vadd.f32 v38, v60;
	v26 =	vld.idx.msk [tilespmem:v5+s20+$0x0], $0xffff  }
0x39f: {  	v14 =	vmul.f32 v14, v14;
	v8 =	vadd.f32 v8, v12;
	v6 =	vadd.f32 v10, v1;
	v13 =	vld.idx.msk [tilespmem:v5+s19+$0x0], $0xffff  }
0x3a0: {  	v10 =	vmul.f32 v3, v3;
	v4 =	vadd.f32 v4, v18;
	v61 =	vld.idx.msk [tilespmem:v5+s23+$0x0], $0xffff;
	v5 =	vmul.f32 v56, v56  }
0x3a1: {  	v48 =	vmul.f32 v7, v3;
	v3 =	vadd.f32 v9, v58;
	v9 =	vld [tilespmem:$0x1FA90];
	v8 =	vadd.f32 v24, v8  }
0x3a2: {  	v7 =	vmul.f32 v7, v7;
	v6 =	vadd.f32 v10, v6;
	v10 =	vld.idx.msk [tilespmem:v62+s23+$0x0], $0xffff;
	v4 =	vadd.f32 v5, v4  }
0x3a3: {  	v55 =	vmul.f32 v23, v31;
	v11 =	vadd.f32 v25, v11;
	v8 =	vadd.f32 v14, v8;
	v5 =	vld.idx.msk [tilespmem:v0+s20+$0x0], $0xffff  }
0x3a4: {  	v0 =	vmul.f32 v3, v57;
	v4 =	vadd.f32 v7, v4;
	v7 =	vmul.f32 v3, v3;
	v3 =	vld [tilespmem:$0x1FAA0]  }
0x3a5: {  	v23 =	vmul.f32 v23, v23;
	v50 =	vmul.f32 v27, v27;
	v12 =	vadd.f32 v54, v52;
	v56 =	vld [tilespmem:$0x1FAC0]  }
0x3a6: {  	v16 =	vmul.f32 v19, v16;
	v11 =	vadd.f32 v55, v11;
	v55 =	vld.idx.msk [tilespmem:v53+s23+$0x0], $0xffff;
	v15 =	vadd.f32 v15, v8  }
0x3a7: {  	v32 =	vmul.f32 v12, v12;
	v30 =	vadd.f32 v9, v22;
	v35 =	vadd.f32 v61, v13;
	v13 =	vld.idx.msk [tilespmem:v53+s19+$0x0], $0xffff  }
0x3a8: {  	v38 =	vld.idx.msk [tilespmem:v51+s20+$0x0], $0xffff;
	v15 =	vadd.f32 v23, v15;
	v10 =	vadd.f32 v10, v63;
	v63 =	vmul.f32 v19, v19  }
0x3a9: {  	v2 =	vmul.f32 v27, v21;
	v60 =	vld.idx.msk [tilespmem:v51+s23+$0x0], $0xffff;
	v4 =	vadd.f32 v32, v4;
	v3 =	vadd.f32 v3, v30  }
0x3aa: {  	v1 =	vld.idx.msk [tilespmem:v62+s20+$0x0], $0xffff;
	v14 =	vmul.f32 v57, v57;
	v58 =	vmul.f32 v5, v5;
	v53 =	vadd.f32 v63, v15  }
0x3ab: {  	s17 =	sadd.s32 $0x2, s17;
	v57 =	vld.idx.msk [tilespmem:v51+s19+$0x0], $0xffff;
	v54 =	vmul.f32 v35, v35;
	v4 =	vadd.f32 v7, v4;
	v28 =	vadd.f32 v56, v3  }
0x3ac: {  	p0 =	slt.u32 s17, $0x6;
	v40 =	vld.idx.msk [tilespmem:v42+s20+$0x0], $0xffff;
	v9 =	vmul.f32 v26, v26;
	v62 =	vadd.f32 v58, v6;
	v13 =	vadd.f32 v55, v13  }
.Ltmp5:
0x3ad: {  	v39 =	vld.idx.msk [tilespmem:v59+s19+$0x0], $0xffff;
	v4 =	vadd.f32 v54, v4;
	v3 =	vmul.f32 v12, v5;
	v28 =	vadd.f32 v41, v28;
	(pc) =	sbr.rel @p0 .LBB2_13-.Ltmp5, $4  }
0x3ae: {  	v8 =	vld.idx.msk [tilespmem:v43+s19+$0x0], $0xffff;
	v5 =	vadd.f32 v34, v33;
	v12 =	vadd.f32 v16, v11;
	v11 =	vmul.f32 v38, v38  }
0x3af: {  	v7 =	vmul.f32 v10, v1;
	v6 =	vld.idx.msk [tilespmem:v43+s20+$0x0], $0xffff;
	v52 =	vadd.f32 v14, v62;
	v61 =	vadd.f32 v45, v28  }
0x3b0: {  	v14 =	vadd.f32 v60, v57;
	v41 =	vmul.f32 v10, v10;
	v10 =	vld.idx.msk [tilespmem:v43+s23+$0x0], $0xffff;
	v43 =	vadd.f32 v11, v20  }
0x3b1: {  	s22 =	sadd.s32 $0x20, s22;
	v11 =	vmul.f32 v35, v26;
	v45 =	vld.idx.msk [tilespmem:v59+s23+$0x0], $0xffff;
	v51 =	vadd.f32 v47, v61;
	v47 =	vmul.f32 v5, v5  }
0x3b2: {  	_ =	sdelay $0x2  }
0x3b3: {  	v9 =	vadd.f32 v9, v52;
	v1 =	vmul.f32 v1, v1  }
0x3b4: {  	v15 =	vld.idx.msk [tilespmem:v59+s20+$0x0], $0xffff  }
0x3b5: {  	v42 =	vmul.f32 v40, v40;
	v1 =	vadd.f32 v1, v9;
	_ =	sdelay $0x1  }
0x3b6: {  	v16 =	vmul.f32 v6, v6;
	v1 =	vadd.f32 v42, v1;
	_ =	sdelay $0x1  }
0x3b7: {  	v46 =	vmul.f32 v15, v15;
	v1 =	vadd.f32 v16, v1;
	_ =	sdelay $0x1  }
0x3b8: {  	v1 =	vadd.f32 v46, v1;
	_ =	sdelay $0x1  }
0x3b9: {  	v1 =	vadd.f32 v43, v1;
	_ =	sdelay $0x1  }
0x3ba: {  	v49 =	vshrl.u32 v1, $0x1;
	v1 =	vmul.f32 $5.000000000e-01, v1  }
0x3bb: {  	v9 =	vsub.s32 $0x5F3759DF, v49  }
0x3bc: {  	v52 =	vmul.f32 v9, v1;
	_ =	sdelay $0x1  }
0x3bd: {  	v17 =	vadd.f32 v44, v51;
	v16 =	vmul.f32 v9, v52;
	_ =	sdelay $0x1  }
0x3be: {  	v17 =	vadd.f32 v48, v17;
	v16 =	vsub.f32 $1.500000000e+00, v16;
	_ =	sdelay $0x1  }
0x3bf: {  	v3 =	vadd.f32 v3, v17;
	v9 =	vmul.f32 v9, v16;
	_ =	sdelay $0x1  }
0x3c0: {  	v0 =	vadd.f32 v0, v3;
	v3 =	vmul.f32 v9, v1;
	_ =	sdelay $0x1  }
0x3c1: {  	v3 =	vmul.f32 v3, v9;
	_ =	sdelay $0x1  }
0x3c2: {  	v4 =	vadd.f32 v41, v4;
	v3 =	vsub.f32 $1.500000000e+00, v3  }
0x3c3: {  	v54 =	vmul.f32 v13, v36;
	v55 =	vadd.f32 v50, v53;
	v0 =	vadd.f32 v11, v0  }
0x3c4: {  	v2 =	vadd.f32 v2, v12;
	v56 =	vmul.f32 v13, v13;
	v3 =	vmul.f32 v3, v9  }
0x3c5: {  	v5 =	vmul.f32 v5, v40;
	v8 =	vadd.f32 v10, v8;
	v0 =	vadd.f32 v7, v0  }
0x3c6: {  	v60 =	vmul.f32 v14, v38;
	v4 =	vadd.f32 v47, v4;
	v1 =	vmul.f32 v3, v1  }
0x3c7: {  	v57 =	vadd.f32 v45, v39;
	v59 =	vmul.f32 v8, v6;
	v0 =	vadd.f32 v5, v0  }
0x3c8: {  	v2 =	vadd.f32 v54, v2;
	v62 =	vadd.f32 v56, v55;
	v1 =	vmul.f32 v1, v3  }
0x3c9: {  	v8 =	vmul.f32 v8, v8;
	v61 =	vmul.f32 v57, v15;
	v0 =	vadd.f32 v59, v0  }
0x3ca: {  	v58 =	vmul.f32 v14, v14;
	v2 =	vadd.f32 v60, v2;
	v1 =	vsub.f32 $1.500000000e+00, v1  }
0x3cb: {  	v4 =	vadd.f32 v8, v4;
	v7 =	vmul.f32 v57, v57;
	v0 =	vadd.f32 v61, v0  }
0x3cc: {  	v63 =	vadd.f32 v58, v62;
	v1 =	vmul.f32 v1, v3;
	v3 =	vld [tilespmem:$0x1FDF0]  }
0x3cd: {  	s3 =	sadd.s32 $0x1, s3;
	v4 =	vadd.f32 v7, v4;
	v0 =	vadd.f32 v2, v0  }
0x3ce: {  	p0 =	sne.s32 s3, $0x8  }
.Ltmp6:
0x3cf: {  	v2 =	vadd.f32 v63, v4;
	v0 =	vadd.f32 v0, v0;
	(pc) =	sbr.rel @p0 .LBB2_12-.Ltmp6, $3  }
0x3d0: {  	_ = 	snop  }
0x3d1: {  	v0 =	vmul.f32 v1, v0;
	v2 =	vadd.f32 v2, v3;
	_ =	sdelay $0x1  }
0x3d2: {  	v0 =	vsub.f32 v2, v0  }
0x3d3: {  	_ =	swait.ge [sflag:s1], $0x4000  }
0x3d4: {  	[sflag:s1] =	ssyncset.done $0x0  }
0x3d5: {  	[sflag:s1] =	ssyncadd.s32 $0xFFFFC000  }
0x3d6: {  	_ =	swait.ge [sflag:s21], $0x4000  }
0x3d7: {  	[sflag:s21] =	ssyncset.done $0x0  }
0x3d8: {  	[sflag:s21] =	ssyncadd.s32 $0xFFFFC000  }
0x3d9: {  	_ =	swait.ge [sflag:s26], $0x4000  }
0x3da: {  	[sflag:s26] =	ssyncset.done $0x0  }
0x3db: {  	s3 =	simm.s32 $0x0;
	[sflag:s26] =	ssyncadd.s32 $0xFFFFC000  }
.LBB2_16:
0x3dc: {  	v1 =	vld [tilespmem:$0x1FF00]  }
0x3dd: {  	v4 =	vld [tilespmem:$0x1FF40]  }
0x3de: {  	s6 =	sshll.u32 s3, $0x4;
	v7 =	vld [tilespmem:$0x1FF70]  }
0x3df: {  	[tilespmem:$0x1FDF0] =	vst v0;
	v0 =	vmov s6  }
0x3e0: {  	v5 =	vld [tilespmem:$0x1FF50];
	v0 =	vshll.u32 v0, $0x7  }
0x3e1: {  	v2 =	vor.u32 v1, v0;
	v0 =	vld [tilespmem:$0x1FFF0]  }
0x3e2: {  	v1 =	vld [tilespmem:$0x1FF30]  }
0x3e3: {  	s22 =	simm.s32 $0x0;
	v25 =	vor.u32 v4, v2;
	v27 =	vor.u32 v7, v2;
	v7 =	vld [tilespmem:$0x1FF60]  }
0x3e4: {  	v16 =	vor.u32 s22, v25  }
0x3e5: {  	v26 =	vor.u32 v5, v2  }
0x3e6: {  	v18 =	vld [tilespmem:$0x1FFD0];
	v5 =	vor.u32 s22, v26;
	v19 =	vor.u32 v0, v2;
	v0 =	vlaneseq.u32  }
0x3e7: {  	v20 =	vor.u32 v0, v2;
	v0 =	vld [tilespmem:$0x1FF10]  }
0x3e8: {  	v24 =	vor.u32 v1, v2;
	v29 =	vor.u32 v7, v2;
	v7 =	vld [tilespmem:$0x1FF90]  }
0x3e9: {  	v1 =	vor.u32 s22, v24;
	v37 =	vld.idx.msk [tilespmem:v16+s24+$0x0], $0xffff  }
0x3ea: {  	v38 =	vld.idx.msk [tilespmem:v16+s28+$0x0], $0xffff  }
0x3eb: {  	v39 =	vld.idx.msk [tilespmem:v5+s24+$0x0], $0xffff  }
0x3ec: {  	v40 =	vld.idx.msk [tilespmem:v5+s28+$0x0], $0xffff  }
0x3ed: {  	v10 =	vor.u32 s22, v27;
	v41 =	vld.idx.msk [tilespmem:v5+s25+$0x0], $0xffff  }
0x3ee: {  	v17 =	vld.idx.msk [tilespmem:v1+s24+$0x0], $0xffff  }
0x3ef: {  	v34 =	vld.idx.msk [tilespmem:v1+s28+$0x0], $0xffff  }
0x3f0: {  	v36 =	vld.idx.msk [tilespmem:v1+s25+$0x0], $0xffff  }
0x3f1: {  	v9 =	vor.u32 s22, v20;
	v1 =	vld [tilespmem:$0x1FF80]  }
0x3f2: {  	v42 =	vld.idx.msk [tilespmem:v10+s24+$0x0], $0xffff;
	v5 =	vor.u32 s22, v29  }
0x3f3: {  	v43 =	vld.idx.msk [tilespmem:v10+s28+$0x0], $0xffff  }
0x3f4: {  	v21 =	vor.u32 v0, v2;
	v0 =	vld [tilespmem:$0x1FFC0]  }
0x3f5: {  	v30 =	vor.u32 v7, v2;
	v7 =	vld [tilespmem:$0x1FFA0];
	v8 =	vor.u32 s22, v21  }
0x3f6: {  	v6 =	vld.idx.msk [tilespmem:v9+s28+$0x0], $0xffff;
	v28 =	vor.u32 v1, v2  }
0x3f7: {  	v47 =	vld.idx.msk [tilespmem:v5+s24+$0x0], $0xffff;
	v1 =	vor.u32 s22, v28  }
0x3f8: {  	v48 =	vld.idx.msk [tilespmem:v5+s28+$0x0], $0xffff  }
0x3f9: {  	v22 =	vor.u32 v0, v2;
	v0 =	vld [tilespmem:$0x1FF20]  }
0x3fa: {  	v13 =	vld.idx.msk [tilespmem:v8+s28+$0x0], $0xffff  }
0x3fb: {  	v32 =	vor.u32 s22, v30;
	v15 =	vld.idx.msk [tilespmem:v8+s25+$0x0], $0xffff  }
0x3fc: {  	v44 =	vld.idx.msk [tilespmem:v1+s24+$0x0], $0xffff  }
0x3fd: {  	v45 =	vld.idx.msk [tilespmem:v1+s28+$0x0], $0xffff  }
0x3fe: {  	v46 =	vld.idx.msk [tilespmem:v1+s25+$0x0], $0xffff  }
0x3ff: {  	v1 =	vld [tilespmem:$0x1FFB0]  }
0x400: {  	v3 =	vor.u32 s22, v19;
	v49 =	vld.idx.msk [tilespmem:v32+s24+$0x0], $0xffff  }
0x401: {  	v31 =	vor.u32 v7, v2;
	v35 =	vor.u32 s22, v22;
	v51 =	vld.idx.msk [tilespmem:v32+s28+$0x0], $0xffff  }
0x402: {  	v7 =	vor.u32 s22, v31;
	v52 =	vld.idx.msk [tilespmem:v32+s25+$0x0], $0xffff  }
0x403: {  	v8 =	vld.idx.msk [tilespmem:v8+s24+$0x0], $0xffff  }
0x404: {  	v23 =	vor.u32 v0, v2;
	v33 =	vor.u32 v1, v2;
	v1 =	vld [tilespmem:$0x1FFE0]  }
0x405: {  	v0 =	vld.idx.msk [tilespmem:v3+s25+$0x0], $0xffff;
	v11 =	vor.u32 s22, v23  }
0x406: {  	v14 =	vld.idx.msk [tilespmem:v35+s28+$0x0], $0xffff  }
0x407: {  	v53 =	vld.idx.msk [tilespmem:v7+s24+$0x0], $0xffff;
	v50 =	vor.u32 s22, v33  }
0x408: {  	v54 =	vld.idx.msk [tilespmem:v7+s28+$0x0], $0xffff  }
0x409: {  	v17 =	vadd.f32 v34, v17;
	v34 =	vadd.f32 v38, v37;
	v37 =	vld.idx.msk [tilespmem:v35+s24+$0x0], $0xffff;
	v32 =	vor.u32 v1, v2  }
0x40a: {  	v4 =	vld.idx.msk [tilespmem:v11+s24+$0x0], $0xffff;
	v1 =	vor.u32 s22, v32  }
0x40b: {  	v18 =	vor.u32 v18, v2;
	v12 =	vld.idx.msk [tilespmem:v11+s28+$0x0], $0xffff  }
0x40c: {  	v58 =	vor.u32 s22, v18;
	v55 =	vld.idx.msk [tilespmem:v50+s24+$0x0], $0xffff  }
0x40d: {  	v2 =	vld.idx.msk [tilespmem:v50+s28+$0x0], $0xffff  }
0x40e: {  	v60 =	vmul.f32 v41, v41;
	v38 =	vadd.f32 v40, v39;
	v50 =	vld.idx.msk [tilespmem:v50+s25+$0x0], $0xffff  }
0x40f: {  	v40 =	vadd.f32 v43, v42;
	v47 =	vadd.f32 v48, v47;
	v56 =	vmul.f32 v15, v15;
	v43 =	vld.idx.msk [tilespmem:v1+s24+$0x0], $0xffff  }
0x410: {  	v48 =	vadd.f32 v51, v49;
	v13 =	vadd.f32 v13, v8;
	v61 =	vld.idx.msk [tilespmem:v1+s28+$0x0], $0xffff;
	[tilespmem:$0x1F950] =	vst v24  }
0x411: {  	s17 =	simm.s32 $0x10;
	v42 =	vadd.f32 v45, v44;
	v57 =	vadd.f32 v12, v4;
	v4 =	vimm.f32 $0.0e+00;
	v62 =	vld.idx.msk [tilespmem:v58+s24+$0x0], $0xffff  }
0x412: {  	v49 =	vor.u32 s17, v24;
	v12 =	vmul.f32 v36, v36;
	v59 =	vadd.f32 v56, v4;
	v63 =	vld.idx.msk [tilespmem:v58+s28+$0x0], $0xffff;
	[tilespmem:$0x1F960] =	vst v21  }
0x413: {  	v8 =	vadd.f32 v14, v37;
	v14 =	vmul.f32 v13, v13;
	v13 =	vmul.f32 v13, v15;
	[tilespmem:$0x1F970] =	vst v26  }
0x414: {  	v44 =	vmul.f32 v46, v46;
	v36 =	vmul.f32 v17, v36;
	v39 =	vadd.f32 v12, v59;
	v58 =	vld.idx.msk [tilespmem:v58+s25+$0x0], $0xffff  }
0x415: {  	v13 =	vadd.f32 v13, v4;
	v12 =	vadd.f32 v54, v53;
	v24 =	vor.u32 s17, v21;
	v59 =	vld.idx.msk [tilespmem:v11+s25+$0x0], $0xffff  }
0x416: {  	v39 =	vadd.f32 v60, v39;
	v54 =	vadd.f32 v2, v55;
	v55 =	vor.u32 s17, v26;
	v16 =	vld.idx.msk [tilespmem:v16+s25+$0x0], $0xffff  }
0x417: {  	v17 =	vmul.f32 v17, v17;
	v14 =	vadd.f32 v14, v4;
	v37 =	vld.idx.msk [tilespmem:v49+s25+$0x0], $0xffff  }
0x418: {  	v13 =	vadd.f32 v36, v13;
	v11 =	vadd.f32 v44, v39;
	v44 =	vmul.f32 v52, v52;
	v36 =	vld.idx.msk [tilespmem:v3+s24+$0x0], $0xffff  }
0x419: {  	v41 =	vmul.f32 v38, v41;
	v56 =	vmul.f32 v38, v38;
	v14 =	vadd.f32 v17, v14;
	v26 =	vld.idx.msk [tilespmem:v9+s24+$0x0], $0xffff  }
0x41a: {  	v15 =	vmul.f32 v50, v50;
	v11 =	vadd.f32 v44, v11;
	v39 =	vld.idx.msk [tilespmem:v24+s25+$0x0], $0xffff  }
0x41b: {  	v60 =	vmul.f32 v0, v0;
	v14 =	vadd.f32 v56, v14;
	v13 =	vadd.f32 v41, v13;
	v44 =	vld.idx.msk [tilespmem:v55+s24+$0x0], $0xffff  }
0x41c: {  	v50 =	vmul.f32 v54, v50;
	v2 =	vadd.f32 v61, v43;
	v15 =	vadd.f32 v15, v11;
	v11 =	vld.idx.msk [tilespmem:v55+s25+$0x0], $0xffff  }
0x41d: {  	v61 =	vmul.f32 v42, v46;
	v42 =	vmul.f32 v42, v42;
	v43 =	vadd.f32 v63, v62;
	v62 =	vld.idx.msk [tilespmem:v24+s28+$0x0], $0xffff  }
0x41e: {  	v63 =	vld.idx.msk [tilespmem:v24+s24+$0x0], $0xffff;
	v24 =	vmul.f32 v48, v52;
	v48 =	vmul.f32 v48, v48;
	[tilespmem:$0x1F980] =	vst v28;
	v28 =	vor.u32 s17, v28  }
0x41f: {  	v51 =	vmul.f32 v58, v58;
	v14 =	vadd.f32 v42, v14;
	v13 =	vadd.f32 v61, v13  }
0x420: {  	v56 =	vld.idx.msk [tilespmem:v3+s28+$0x0], $0xffff;
	[tilespmem:$0x1F990] =	vst v27;
	v3 =	vor.u32 s17, v27;
	v61 =	vmul.f32 v54, v54;
	v54 =	vmul.f32 v57, v59  }
0x421: {  	v6 =	vadd.f32 v6, v26;
	v38 =	vld.idx.msk [tilespmem:v55+s28+$0x0], $0xffff;
	v26 =	vmul.f32 v43, v58;
	v43 =	vmul.f32 v43, v43  }
0x422: {  	v53 =	vld.idx.msk [tilespmem:v9+s25+$0x0], $0xffff;
	v55 =	vmul.f32 v34, v16;
	v16 =	vmul.f32 v16, v16;
	v15 =	vadd.f32 v51, v15  }
0x423: {  	[tilespmem:$0x1F9A0] =	vst v18;
	v14 =	vadd.f32 v48, v14;
	v13 =	vadd.f32 v24, v13;
	v24 =	vmul.f32 v57, v57  }
0x424: {  	v9 =	vor.u32 s17, v18;
	v57 =	vmul.f32 v59, v59;
	v17 =	vadd.f32 v62, v63;
	v62 =	vld.idx.msk [tilespmem:v49+s24+$0x0], $0xffff;
	[tilespmem:$0x1F9B0] =	vst v30  }
0x425: {  	v21 =	vmul.f32 v39, v39;
	v15 =	vadd.f32 v60, v15;
	v63 =	vor.u32 s17, v30;
	v18 =	vld.idx.msk [tilespmem:v49+s28+$0x0], $0xffff  }
0x426: {  	v60 =	vmul.f32 v37, v37;
	v14 =	vadd.f32 v61, v14;
	v13 =	vadd.f32 v50, v13;
	v42 =	vld.idx.msk [tilespmem:v28+s25+$0x0], $0xffff  }
0x427: {  	v30 =	vmul.f32 v34, v34;
	v36 =	vadd.f32 v56, v36;
	v27 =	vld.idx.msk [tilespmem:v28+s24+$0x0], $0xffff;
	v15 =	vadd.f32 v21, v15  }
0x428: {  	v45 =	vld.idx.msk [tilespmem:v28+s28+$0x0], $0xffff;
	v21 =	vmul.f32 v11, v11;
	v28 =	vmul.f32 v53, v53;
	v14 =	vadd.f32 v43, v14  }
0x429: {  	v10 =	vld.idx.msk [tilespmem:v10+s25+$0x0], $0xffff;
	v13 =	vadd.f32 v26, v13;
	v38 =	vadd.f32 v38, v44;
	v39 =	vmul.f32 v17, v39  }
0x42a: {  	v59 =	vor.u32 s17, v33;
	v0 =	vmul.f32 v36, v0;
	v41 =	vadd.f32 v18, v62;
	v18 =	vld.idx.msk [tilespmem:v63+s25+$0x0], $0xffff;
	[tilespmem:$0x1F9C0] =	vst v33  }
0x42b: {  	v17 =	vmul.f32 v17, v17;
	v36 =	vmul.f32 v36, v36;
	v15 =	vadd.f32 v60, v15;
	v60 =	vld.idx.msk [tilespmem:v63+s24+$0x0], $0xffff  }
0x42c: {  	v58 =	vadd.f32 v28, v4;
	v11 =	vmul.f32 v38, v11;
	v0 =	vadd.f32 v0, v13;
	v46 =	vld.idx.msk [tilespmem:v63+s28+$0x0], $0xffff  }
0x42d: {  	v13 =	vmul.f32 v40, v40;
	v14 =	vadd.f32 v36, v14;
	v15 =	vadd.f32 v21, v15;
	v21 =	vld.idx.msk [tilespmem:v9+s25+$0x0], $0xffff  }
0x42e: {  	v48 =	vadd.f32 v57, v58;
	v61 =	vmul.f32 v42, v42;
	v45 =	vadd.f32 v45, v27;
	v5 =	vld.idx.msk [tilespmem:v5+s25+$0x0], $0xffff  }
0x42f: {  	v51 =	vor.u32 s17, v23;
	v62 =	vmul.f32 v6, v53;
	v6 =	vmul.f32 v6, v6;
	v7 =	vld.idx.msk [tilespmem:v7+s25+$0x0], $0xffff;
	[tilespmem:$0x1F9D0] =	vst v20  }
0x430: {  	v40 =	vmul.f32 v40, v10;
	v63 =	vor.u32 s17, v20;
	v0 =	vadd.f32 v39, v0;
	v53 =	vld.idx.msk [tilespmem:v59+s25+$0x0], $0xffff  }
0x431: {  	v10 =	vmul.f32 v10, v10;
	v14 =	vadd.f32 v17, v14;
	v6 =	vadd.f32 v6, v4;
	v50 =	vld.idx.msk [tilespmem:v59+s28+$0x0], $0xffff  }
0x432: {  	v27 =	vmul.f32 v47, v47;
	v15 =	vadd.f32 v61, v15;
	v16 =	vadd.f32 v16, v48;
	v35 =	vld.idx.msk [tilespmem:v35+s25+$0x0], $0xffff  }
0x433: {  	v4 =	vadd.f32 v62, v4;
	v37 =	vmul.f32 v41, v37;
	v6 =	vadd.f32 v24, v6;
	v24 =	vld.idx.msk [tilespmem:v59+s24+$0x0], $0xffff  }
0x434: {  	v10 =	vadd.f32 v10, v16;
	[tilespmem:$0x1F9E0] =	vst v23;
	v47 =	vmul.f32 v47, v5;
	v5 =	vmul.f32 v5, v5  }
0x435: {  	v26 =	vmul.f32 v18, v18;
	v6 =	vadd.f32 v30, v6;
	v28 =	vld.idx.msk [tilespmem:v63+s24+$0x0], $0xffff;
	v30 =	vmul.f32 v12, v12  }
0x436: {  	v20 =	vmul.f32 v12, v7;
	v12 =	vld.idx.msk [tilespmem:v63+s28+$0x0], $0xffff;
	[tilespmem:$0x1F9F0] =	vst v25;
	v5 =	vadd.f32 v5, v10;
	v10 =	vor.u32 s17, v25  }
0x437: {  	v0 =	vadd.f32 v37, v0;
	v4 =	vadd.f32 v54, v4;
	v1 =	vld.idx.msk [tilespmem:v1+s25+$0x0], $0xffff;
	[tilespmem:$0x1FA00] =	vst v29  }
0x438: {  	v15 =	vadd.f32 v26, v15;
	v6 =	vadd.f32 v13, v6;
	v13 =	vmul.f32 v53, v53;
	v52 =	vld.idx.msk [tilespmem:v63+s25+$0x0], $0xffff  }
0x439: {  	v46 =	vadd.f32 v46, v60;
	v7 =	vmul.f32 v7, v7;
	v60 =	vmul.f32 v21, v21;
	v61 =	vld.idx.msk [tilespmem:v51+s28+$0x0], $0xffff  }
0x43a: {  	v49 =	vadd.f32 v50, v24;
	v50 =	vor.u32 s17, v29;
	v13 =	vadd.f32 v13, v15;
	v15 =	vld.idx.msk [tilespmem:v51+s24+$0x0], $0xffff  }
0x43b: {  	v0 =	vadd.f32 v11, v0;
	v24 =	vor.u32 s17, v31;
	v5 =	vadd.f32 v7, v5;
	v62 =	vld.idx.msk [tilespmem:v10+s24+$0x0], $0xffff  }
0x43c: {  	v7 =	vmul.f32 v8, v35;
	v6 =	vadd.f32 v27, v6;
	v23 =	vld.idx.msk [tilespmem:v10+s28+$0x0], $0xffff;
	[tilespmem:$0x1FA10] =	vst v31  }
0x43d: {  	v35 =	vmul.f32 v35, v35;
	v16 =	vadd.f32 v60, v13;
	v13 =	vld.idx.msk [tilespmem:v3+s24+$0x0], $0xffff;
	[tilespmem:$0x1FA20] =	vst v19  }
0x43e: {  	v4 =	vadd.f32 v55, v4;
	v8 =	vmul.f32 v8, v8;
	v6 =	vadd.f32 v30, v6;
	v26 =	vld.idx.msk [tilespmem:v3+s28+$0x0], $0xffff  }
0x43f: {  	v12 =	vadd.f32 v12, v28;
	v5 =	vadd.f32 v35, v5;
	v63 =	vmul.f32 v1, v1;
	v27 =	vld.idx.msk [tilespmem:v50+s28+$0x0], $0xffff  }
0x440: {  	v44 =	vmul.f32 v2, v1;
	v6 =	vadd.f32 v8, v6;
	v8 =	vor.u32 s17, v19;
	v29 =	vld.idx.msk [tilespmem:v24+s24+$0x0], $0xffff  }
0x441: {  	v1 =	vmul.f32 v2, v2;
	v25 =	vmul.f32 v52, v52;
	v5 =	vadd.f32 v63, v5;
	v33 =	vld.idx.msk [tilespmem:v9+s24+$0x0], $0xffff  }
0x442: {  	v41 =	vmul.f32 v41, v41;
	v4 =	vadd.f32 v40, v4;
	v15 =	vadd.f32 v61, v15;
	v9 =	vld.idx.msk [tilespmem:v9+s28+$0x0], $0xffff  }
0x443: {  	v11 =	vmul.f32 v12, v12;
	v2 =	vadd.f32 v25, v5;
	v5 =	vld.idx.msk [tilespmem:v50+s24+$0x0], $0xffff;
	v1 =	vadd.f32 v1, v6  }
0x444: {  	v14 =	vadd.f32 v41, v14;
	v4 =	vadd.f32 v47, v4;
	v31 =	vmul.f32 v38, v38;
	v6 =	vld.idx.msk [tilespmem:v51+s25+$0x0], $0xffff  }
0x445: {  	v35 =	vadd.f32 v23, v62;
	v1 =	vadd.f32 v11, v1;
	v11 =	vmul.f32 v15, v15;
	v38 =	vld.idx.msk [tilespmem:v8+s25+$0x0], $0xffff  }
0x446: {  	v34 =	vor.u32 s17, v22;
	v28 =	vmul.f32 v45, v42;
	v30 =	vadd.f32 v26, v13;
	v13 =	vld.idx.msk [tilespmem:v24+s28+$0x0], $0xffff;
	[tilespmem:$0x1FA30] =	vst v22  }
0x447: {  	v59 =	vor.u32 s17, v32;
	v1 =	vadd.f32 v11, v1;
	v11 =	vmul.f32 v35, v35;
	v10 =	vld.idx.msk [tilespmem:v10+s25+$0x0], $0xffff;
	[tilespmem:$0x1FA40] =	vst v32  }
0x448: {  	v0 =	vadd.f32 v28, v0;
	v48 =	vmul.f32 v12, v52;
	v61 =	vadd.f32 v20, v4;
	v56 =	vld.idx.msk [tilespmem:v3+s25+$0x0], $0xffff  }
0x449: {  	v36 =	vadd.f32 v27, v5;
	v11 =	vadd.f32 v11, v1;
	v3 =	vmul.f32 v46, v18;
	v1 =	vld.idx.msk [tilespmem:v50+s25+$0x0], $0xffff  }
0x44a: {  	v14 =	vadd.f32 v31, v14;
	v51 =	vadd.f32 v7, v61;
	v57 =	vmul.f32 v30, v30;
	v60 =	vld.idx.msk [tilespmem:v8+s24+$0x0], $0xffff  }
0x44b: {  	v63 =	vld.idx.msk [tilespmem:v8+s28+$0x0], $0xffff;
	v50 =	vmul.f32 v49, v49;
	v41 =	vmul.f32 v36, v36;
	v12 =	vadd.f32 v3, v0  }
0x44c: {  	v8 =	vld.idx.msk [tilespmem:v34+s24+$0x0], $0xffff;
	v0 =	vmul.f32 v38, v38;
	v5 =	vadd.f32 v13, v29;
	v13 =	vmul.f32 v6, v6  }
0x44d: {  	v39 =	vld.idx.msk [tilespmem:v59+s24+$0x0], $0xffff;
	v3 =	vmul.f32 v15, v6;
	v4 =	vadd.f32 v57, v11;
	v15 =	vmul.f32 v46, v46  }
0x44e: {  	v40 =	vld.idx.msk [tilespmem:v24+s25+$0x0], $0xffff;
	v43 =	vadd.f32 v0, v16;
	v62 =	vadd.f32 v13, v2;
	v2 =	vmul.f32 v45, v45  }
0x44f: {  	v6 =	vld.idx.msk [tilespmem:v34+s25+$0x0], $0xffff;
	v0 =	vmul.f32 v35, v10;
	v11 =	vmul.f32 v10, v10;
	v13 =	vadd.f32 v9, v33  }
0x450: {  	v10 =	vld.idx.msk [tilespmem:v34+s28+$0x0], $0xffff;
	v9 =	vmul.f32 v56, v56;
	v7 =	vmul.f32 v36, v1;
	v14 =	vadd.f32 v2, v14  }
0x451: {  	v36 =	vmovc v21;
	v47 =	vmul.f32 v5, v5;
	v2 =	vmul.f32 v49, v53;
	v52 =	vadd.f32 v11, v62  }
0x452: {  	s22 =	simm.s32 $0x30;
	s17 =	simm.s32 $0x0;
	v45 =	vld.idx.msk [tilespmem:v59+s28+$0x0], $0xffff;
	v11 =	vmul.f32 v30, v56;
	v53 =	vadd.f32 v15, v14;
	v14 =	vadd.f32 v63, v60  }
.LBB2_17:
0x453: {  	v18 =	vld [tilespmem:$0x1F990]  }
0x454: {  	v24 =	vld [tilespmem:$0x1F9A0]  }
0x455: {  	v54 =	vld [tilespmem:$0x1F9D0]  }
0x456: {  	v27 =	vld [tilespmem:$0x1FA30]  }
0x457: {  	v28 =	vld [tilespmem:$0x1FA20]  }
0x458: {  	v33 =	vld [tilespmem:$0x1F960]  }
0x459: {  	v34 =	vld [tilespmem:$0x1F9E0]  }
0x45a: {  	v23 =	vld [tilespmem:$0x1F950];
	v56 =	vadd.f32 v50, v53  }
0x45b: {  	s6 =	sadd.s32 $0xFFFFFFF0, s22;
	v55 =	vld [tilespmem:$0x1F9F0];
	v2 =	vadd.f32 v2, v12;
	v12 =	vmul.f32 v13, v13;
	v19 =	vor.u32 s22, v24  }
0x45c: {  	v29 =	vld [tilespmem:$0x1F970];
	v57 =	vadd.f32 v44, v51;
	v42 =	vor.u32 s6, v27  }
0x45d: {  	v12 =	vadd.f32 v12, v56;
	v56 =	vld [tilespmem:$0x1FA00];
	v49 =	vor.u32 s6, v28  }
0x45e: {  	v62 =	vadd.f32 v48, v57;
	v57 =	vld [tilespmem:$0x1F9C0];
	v15 =	vor.u32 s22, v18;
	v46 =	vor.u32 s6, v54  }
0x45f: {  	v17 =	vadd.f32 v41, v4;
	v4 =	vor.u32 s6, v33;
	[tilespmem:$0x1F900] =	vst v15;
	v15 =	vmul.f32 v13, v36;
	v13 =	vld.idx.msk [tilespmem:v59+s25+$0x0], $0xffff  }
0x460: {  	v53 =	vld.idx.msk [tilespmem:v19+s25+$0x0], $0xffff  }
0x461: {  	v61 =	vor.u32 s6, v34;
	v60 =	vld.idx.msk [tilespmem:v42+s25+$0x0], $0xffff  }
0x462: {  	v58 =	vmul.f32 v14, v14;
	v8 =	vadd.f32 v10, v8;
	v44 =	vld.idx.msk [tilespmem:v49+s25+$0x0], $0xffff  }
0x463: {  	v10 =	vmul.f32 v14, v38;
	v14 =	vor.u32 s6, v23;
	v59 =	vmul.f32 v5, v40;
	v5 =	vld.idx.msk [tilespmem:v46+s28+$0x0], $0xffff  }
0x464: {  	v1 =	vmul.f32 v1, v1;
	v17 =	vadd.f32 v47, v17;
	v15 =	vadd.f32 v15, v2;
	v36 =	vld.idx.msk [tilespmem:v4+s28+$0x0], $0xffff  }
0x465: {  	v16 =	vmul.f32 v6, v6;
	v47 =	vadd.f32 v3, v62;
	v63 =	vmul.f32 v8, v6;
	v6 =	vld.idx.msk [tilespmem:v4+s25+$0x0], $0xffff  }
0x466: {  	v37 =	vadd.f32 v45, v39;
	v8 =	vmul.f32 v8, v8;
	v3 =	vadd.f32 v10, v15;
	v10 =	vld.idx.msk [tilespmem:v61+s24+$0x0], $0xffff  }
0x467: {  	v21 =	vor.u32 s6, v55;
	v0 =	vadd.f32 v0, v47;
	v2 =	vadd.f32 v9, v52;
	v15 =	vld.idx.msk [tilespmem:v61+s28+$0x0], $0xffff  }
0x468: {  	v25 =	vor.u32 s6, v29;
	v20 =	vmul.f32 v37, v37;
	v8 =	vadd.f32 v8, v17;
	v22 =	vld.idx.msk [tilespmem:v14+s24+$0x0], $0xffff  }
0x469: {  	v0 =	vadd.f32 v11, v0;
	v1 =	vadd.f32 v1, v2;
	v2 =	vmul.f32 v40, v40;
	v11 =	vld.idx.msk [tilespmem:v14+s28+$0x0], $0xffff  }
0x46a: {  	[tilespmem:$0x1F930] =	vst v19;
	v19 =	vld.idx.msk [tilespmem:v61+s25+$0x0], $0xffff  }
0x46b: {  	v52 =	vadd.f32 v20, v8;
	v8 =	vld.idx.msk [tilespmem:v14+s25+$0x0], $0xffff;
	v1 =	vadd.f32 v2, v1  }
0x46c: {  	v26 =	vld.idx.msk [tilespmem:v21+s24+$0x0], $0xffff;
	v0 =	vadd.f32 v7, v0;
	v2 =	vadd.f32 v58, v12  }
0x46d: {  	v30 =	vld.idx.msk [tilespmem:v25+s24+$0x0], $0xffff;
	v12 =	vmul.f32 v13, v13;
	v1 =	vadd.f32 v16, v1;
	v7 =	vadd.f32 v15, v10  }
0x46e: {  	v35 =	vor.u32 s6, v56;
	v13 =	vmul.f32 v37, v13;
	v0 =	vadd.f32 v59, v0;
	v10 =	vld.idx.msk [tilespmem:v21+s28+$0x0], $0xffff  }
0x46f: {  	v14 =	vadd.f32 v11, v22;
	v11 =	vld.idx.msk [tilespmem:v25+s28+$0x0], $0xffff;
	v50 =	vadd.f32 v12, v1;
	v1 =	vmul.f32 v7, v7  }
0x470: {  	[tilespmem:$0x1F8D0] =	vst v5;
	v0 =	vadd.f32 v63, v0;
	v5 =	vmul.f32 v7, v19;
	v7 =	vld.idx.msk [tilespmem:v21+s25+$0x0], $0xffff  }
0x471: {  	v15 =	vor.u32 s6, v18;
	[tilespmem:$0x1F8E0] =	vst v1;
	v1 =	vld [tilespmem:$0x1F980]  }
0x472: {  	v0 =	vadd.f32 v13, v0;
	v13 =	vld.idx.msk [tilespmem:v25+s25+$0x0], $0xffff  }
0x473: {  	v25 =	vld.idx.msk [tilespmem:v35+s24+$0x0], $0xffff  }
0x474: {  	v47 =	vmul.f32 v6, v6;
	v12 =	vmul.f32 v14, v8;
	[tilespmem:$0x1F910] =	vst v5;
	v5 =	vld [tilespmem:$0x1F9B0]  }
0x475: {  	[tilespmem:$0x1F8F0] =	vst v0;
	v0 =	vmul.f32 v8, v8;
	v8 =	vadd.f32 v10, v26;
	v26 =	vld.idx.msk [tilespmem:v35+s28+$0x0], $0xffff  }
0x476: {  	v43 =	vadd.f32 v47, v43;
	v32 =	vld.idx.msk [tilespmem:v15+s24+$0x0], $0xffff;
	v31 =	vor.u32 s6, v1  }
0x477: {  	v10 =	vld.idx.msk [tilespmem:v15+s28+$0x0], $0xffff;
	v48 =	vmul.f32 v8, v8;
	v8 =	vmul.f32 v8, v7  }
0x478: {  	v0 =	vadd.f32 v0, v43;
	v43 =	vor.u32 s22, v27;
	v27 =	vld.idx.msk [tilespmem:v4+s24+$0x0], $0xffff  }
0x479: {  	[tilespmem:$0x1F920] =	vst v8;
	v8 =	vld.idx.msk [tilespmem:v15+s25+$0x0], $0xffff  }
0x47a: {  	v16 =	vadd.f32 v26, v25;
	v26 =	vld [tilespmem:$0x1FA40]  }
0x47b: {  	v21 =	vld.idx.msk [tilespmem:v31+s24+$0x0], $0xffff  }
0x47c: {  	v62 =	vor.u32 s6, v57;
	v63 =	vadd.f32 v11, v30;
	v11 =	vld.idx.msk [tilespmem:v31+s28+$0x0], $0xffff  }
0x47d: {  	v17 =	vld.idx.msk [tilespmem:v31+s25+$0x0], $0xffff  }
0x47e: {  	v23 =	vor.u32 s22, v23;
	v10 =	vadd.f32 v10, v32;
	v31 =	vld [tilespmem:$0x1FA10]  }
0x47f: {  	v9 =	vld.idx.msk [tilespmem:v42+s28+$0x0], $0xffff;
	v22 =	vor.u32 s6, v5  }
0x480: {  	v58 =	vld.idx.msk [tilespmem:v35+s25+$0x0], $0xffff;
	v40 =	vmul.f32 v10, v10;
	v10 =	vmul.f32 v10, v8  }
0x481: {  	v20 =	vld.idx.msk [tilespmem:v62+s24+$0x0], $0xffff;
	v15 =	vmul.f32 v63, v13;
	v13 =	vmul.f32 v13, v13  }
0x482: {  	v47 =	vld.idx.msk [tilespmem:v42+s24+$0x0], $0xffff;
	[tilespmem:$0x1F940] =	vst v10;
	v10 =	vor.u32 s6, v26  }
0x483: {  	v0 =	vadd.f32 v13, v0;
	v13 =	vld.idx.msk [tilespmem:v23+s25+$0x0], $0xffff;
	v27 =	vadd.f32 v36, v27;
	v59 =	vor.u32 s6, v31  }
0x484: {  	v61 =	vld.idx.msk [tilespmem:v22+s24+$0x0], $0xffff  }
0x485: {  	v6 =	vmul.f32 v27, v6;
	v18 =	vadd.f32 v11, v21;
	v11 =	vld.idx.msk [tilespmem:v22+s28+$0x0], $0xffff  }
0x486: {  	v37 =	vld.idx.msk [tilespmem:v22+s25+$0x0], $0xffff  }
0x487: {  	v3 =	vadd.f32 v6, v3;
	v25 =	vld.idx.msk [tilespmem:v10+s24+$0x0], $0xffff  }
0x488: {  	v30 =	vld.idx.msk [tilespmem:v59+s24+$0x0], $0xffff  }
0x489: {  	v3 =	vadd.f32 v12, v3;
	v32 =	vld.idx.msk [tilespmem:v59+s28+$0x0], $0xffff  }
0x48a: {  	v35 =	vmul.f32 v18, v17;
	v17 =	vmul.f32 v17, v17;
	v21 =	vadd.f32 v11, v61;
	v11 =	vld.idx.msk [tilespmem:v62+s28+$0x0], $0xffff  }
0x48b: {  	v24 =	vor.u32 s6, v24;
	v39 =	vmul.f32 v16, v16;
	v3 =	vadd.f32 v15, v3;
	v62 =	vld.idx.msk [tilespmem:v62+s25+$0x0], $0xffff  }
0x48c: {  	v41 =	vmul.f32 v16, v58;
	v22 =	vmul.f32 v37, v37;
	v17 =	vadd.f32 v17, v0;
	v61 =	vld.idx.msk [tilespmem:v59+s25+$0x0], $0xffff  }
0x48d: {  	v3 =	vadd.f32 v35, v3;
	v59 =	vor.u32 s22, v26;
	v26 =	vld.idx.msk [tilespmem:v10+s28+$0x0], $0xffff;
	v16 =	vmul.f32 v21, v37  }
0x48e: {  	v33 =	vor.u32 s22, v33;
	v10 =	vld.idx.msk [tilespmem:v10+s25+$0x0], $0xffff;
	v17 =	vadd.f32 v22, v17;
	v22 =	vor.u32 s22, v5  }
0x48f: {  	v42 =	vor.u32 s22, v31;
	v5 =	vld [tilespmem:$0x1F8D0];
	v3 =	vadd.f32 v16, v3;
	v51 =	vadd.f32 v32, v30  }
0x490: {  	v4 =	vadd.f32 v11, v20;
	v20 =	vor.u32 s22, v29;
	v30 =	vld.idx.msk [tilespmem:v24+s24+$0x0], $0xffff;
	v31 =	vmul.f32 v62, v62  }
0x491: {  	v11 =	vadd.f32 v9, v47;
	v32 =	vld.idx.msk [tilespmem:v24+s28+$0x0], $0xffff;
	v38 =	vmul.f32 v51, v51;
	v45 =	vmul.f32 v51, v61  }
0x492: {  	v24 =	vld.idx.msk [tilespmem:v24+s25+$0x0], $0xffff;
	v51 =	vor.u32 s22, v28;
	v28 =	vmul.f32 v4, v4;
	v29 =	vmul.f32 v4, v62  }
0x493: {  	v16 =	vld.idx.msk [tilespmem:v22+s25+$0x0], $0xffff;
	v62 =	vor.u32 s22, v56;
	v4 =	vmul.f32 v11, v11;
	v47 =	vmul.f32 v11, v60  }
0x494: {  	v11 =	vmul.f32 v60, v60;
	v60 =	vor.u32 s22, v54;
	v54 =	vmul.f32 v27, v27;
	v27 =	vld.idx.msk [tilespmem:v33+s25+$0x0], $0xffff  }
0x495: {  	v56 =	vadd.f32 v26, v25;
	v26 =	vor.u32 s22, v1;
	v1 =	vmul.f32 v19, v19;
	v19 =	vld.idx.msk [tilespmem:v23+s24+$0x0], $0xffff  }
0x496: {  	v2 =	vadd.f32 v54, v2;
	v54 =	vmul.f32 v63, v63;
	v63 =	vld.idx.msk [tilespmem:v46+s24+$0x0], $0xffff  }
0x497: {  	v0 =	vor.u32 s22, v34;
	v34 =	vld.idx.msk [tilespmem:v20+s24+$0x0], $0xffff  }
0x498: {  	v25 =	vld.idx.msk [tilespmem:v20+s28+$0x0], $0xffff  }
0x499: {  	v37 =	vld.idx.msk [tilespmem:v20+s25+$0x0], $0xffff  }
0x49a: {  	v9 =	vor.u32 s22, v55;
	v55 =	vor.u32 s22, v57;
	v57 =	vadd.f32 v32, v30;
	v30 =	vld.idx.msk [tilespmem:v49+s24+$0x0], $0xffff  }
0x49b: {  	v14 =	vmul.f32 v14, v14;
	v32 =	vld.idx.msk [tilespmem:v33+s28+$0x0], $0xffff  }
0x49c: {  	v17 =	vadd.f32 v31, v17;
	v6 =	vmul.f32 v24, v24;
	v49 =	vld.idx.msk [tilespmem:v49+s28+$0x0], $0xffff  }
0x49d: {  	v2 =	vadd.f32 v14, v2;
	v14 =	vmul.f32 v44, v44;
	v31 =	vld.idx.msk [tilespmem:v26+s25+$0x0], $0xffff  }
0x49e: {  	v24 =	vmul.f32 v57, v24;
	v12 =	vmul.f32 v57, v57;
	v6 =	vadd.f32 v6, v17;
	v57 =	vld.idx.msk [tilespmem:v33+s24+$0x0], $0xffff  }
0x49f: {  	v15 =	vmul.f32 v18, v18;
	v33 =	vld.idx.msk [tilespmem:v46+s25+$0x0], $0xffff;
	v2 =	vadd.f32 v54, v2  }
0x4a0: {  	v6 =	vadd.f32 v14, v6;
	v46 =	vadd.f32 v5, v63;
	v5 =	vld [tilespmem:$0x1F8E0]  }
0x4a1: {  	v14 =	vmul.f32 v27, v27;
	v2 =	vadd.f32 v15, v2;
	v15 =	vmul.f32 v21, v21;
	v21 =	vld.idx.msk [tilespmem:v55+s25+$0x0], $0xffff  }
0x4a2: {  	v25 =	vadd.f32 v25, v34;
	v34 =	vld.idx.msk [tilespmem:v42+s28+$0x0], $0xffff  }
0x4a3: {  	v36 =	vmov v53;
	v3 =	vadd.f32 v29, v3;
	v6 =	vadd.f32 v14, v6;
	v14 =	vld.idx.msk [tilespmem:v23+s28+$0x0], $0xffff  }
0x4a4: {  	v20 =	vmul.f32 v53, v53;
	v53 =	vmul.f32 v13, v13;
	v17 =	vadd.f32 v32, v57;
	v57 =	vld.idx.msk [tilespmem:v26+s24+$0x0], $0xffff  }
0x4a5: {  	v54 =	vmul.f32 v37, v37;
	v18 =	vadd.f32 v49, v30;
	v63 =	vmul.f32 v46, v46;
	v26 =	vld.idx.msk [tilespmem:v26+s28+$0x0], $0xffff  }
0x4a6: {  	v49 =	vmul.f32 v33, v33;
	v46 =	vmul.f32 v46, v33;
	v33 =	vld.idx.msk [tilespmem:v42+s24+$0x0], $0xffff;
	v6 =	vadd.f32 v53, v6  }
0x4a7: {  	v3 =	vadd.f32 v24, v3;
	v2 =	vadd.f32 v15, v2;
	v53 =	vld.idx.msk [tilespmem:v22+s24+$0x0], $0xffff;
	v24 =	vmul.f32 v17, v17  }
0x4a8: {  	v17 =	vmul.f32 v17, v27;
	v27 =	vld.idx.msk [tilespmem:v55+s24+$0x0], $0xffff;
	v6 =	vadd.f32 v54, v6;
	v54 =	vadd.f32 v63, v52  }
0x4a9: {  	v30 =	vadd.f32 v49, v50;
	v49 =	vld.idx.msk [tilespmem:v60+s28+$0x0], $0xffff  }
0x4aa: {  	v2 =	vadd.f32 v28, v2;
	v28 =	vadd.f32 v5, v54;
	v5 =	vld [tilespmem:$0x1F8F0]  }
0x4ab: {  	v7 =	vmul.f32 v7, v7;
	v15 =	vmul.f32 v31, v31;
	v63 =	vld.idx.msk [tilespmem:v55+s28+$0x0], $0xffff  }
0x4ac: {  	v12 =	vadd.f32 v12, v2;
	v2 =	vmul.f32 v18, v44;
	v44 =	vld.idx.msk [tilespmem:v22+s28+$0x0], $0xffff;
	v1 =	vadd.f32 v1, v30  }
0x4ad: {  	v8 =	vmul.f32 v8, v8;
	v52 =	vld.idx.msk [tilespmem:v0+s24+$0x0], $0xffff;
	v14 =	vadd.f32 v14, v19;
	v23 =	vadd.f32 v26, v57  }
0x4ae: {  	v57 =	vmul.f32 v16, v16;
	v6 =	vadd.f32 v15, v6;
	v54 =	vld.idx.msk [tilespmem:v0+s28+$0x0], $0xffff;
	v1 =	vadd.f32 v7, v1  }
0x4af: {  	v50 =	vmul.f32 v21, v21;
	v2 =	vadd.f32 v2, v3;
	v22 =	vadd.f32 v46, v5;
	v5 =	vld [tilespmem:$0x1F900]  }
0x4b0: {  	v7 =	vld.idx.msk [tilespmem:v60+s24+$0x0], $0xffff;
	v6 =	vadd.f32 v57, v6;
	v1 =	vadd.f32 v8, v1;
	v8 =	vmul.f32 v58, v58  }
0x4b1: {  	v15 =	vmul.f32 v25, v25;
	v3 =	vld.idx.msk [tilespmem:v60+s25+$0x0], $0xffff;
	v19 =	vadd.f32 v44, v53;
	v53 =	vadd.f32 v48, v28  }
0x4b2: {  	v57 =	vld.idx.msk [tilespmem:v9+s25+$0x0], $0xffff;
	v2 =	vadd.f32 v17, v2;
	v1 =	vadd.f32 v8, v1;
	v8 =	vmul.f32 v61, v61  }
0x4b3: {  	v13 =	vmul.f32 v14, v13;
	v58 =	vld.idx.msk [tilespmem:v9+s24+$0x0], $0xffff;
	v27 =	vadd.f32 v63, v27;
	v26 =	vadd.f32 v40, v53  }
0x4b4: {  	v9 =	vld.idx.msk [tilespmem:v9+s28+$0x0], $0xffff;
	v44 =	vmul.f32 v56, v10;
	v6 =	vadd.f32 v50, v6;
	v1 =	vadd.f32 v8, v1  }
0x4b5: {  	v63 =	vld.idx.msk [tilespmem:v62+s24+$0x0], $0xffff;
	v10 =	vmul.f32 v10, v10;
	v7 =	vadd.f32 v49, v7;
	v60 =	vadd.f32 v39, v26  }
0x4b6: {  	v20 =	vadd.f32 v20, v6;
	v53 =	vld [tilespmem:$0x1F930];
	v8 =	vmul.f32 v18, v18;
	v1 =	vadd.f32 v11, v1  }
0x4b7: {  	v25 =	vmul.f32 v25, v37;
	v11 =	vadd.f32 v13, v2;
	v18 =	vadd.f32 v38, v60;
	v26 =	vld.idx.msk [tilespmem:v5+s25+$0x0], $0xffff  }
0x4b8: {  	v14 =	vmul.f32 v14, v14;
	v8 =	vadd.f32 v8, v12;
	v6 =	vadd.f32 v10, v1;
	v13 =	vld.idx.msk [tilespmem:v5+s24+$0x0], $0xffff  }
0x4b9: {  	v10 =	vmul.f32 v3, v3;
	v4 =	vadd.f32 v4, v18;
	v61 =	vld.idx.msk [tilespmem:v5+s28+$0x0], $0xffff;
	v5 =	vmul.f32 v56, v56  }
0x4ba: {  	v48 =	vmul.f32 v7, v3;
	v3 =	vadd.f32 v9, v58;
	v9 =	vld [tilespmem:$0x1F910];
	v8 =	vadd.f32 v24, v8  }
0x4bb: {  	v7 =	vmul.f32 v7, v7;
	v6 =	vadd.f32 v10, v6;
	v10 =	vld.idx.msk [tilespmem:v62+s28+$0x0], $0xffff;
	v4 =	vadd.f32 v5, v4  }
0x4bc: {  	v55 =	vmul.f32 v23, v31;
	v11 =	vadd.f32 v25, v11;
	v8 =	vadd.f32 v14, v8;
	v5 =	vld.idx.msk [tilespmem:v0+s25+$0x0], $0xffff  }
0x4bd: {  	v0 =	vmul.f32 v3, v57;
	v4 =	vadd.f32 v7, v4;
	v7 =	vmul.f32 v3, v3;
	v3 =	vld [tilespmem:$0x1F920]  }
0x4be: {  	v23 =	vmul.f32 v23, v23;
	v50 =	vmul.f32 v27, v27;
	v12 =	vadd.f32 v54, v52;
	v56 =	vld [tilespmem:$0x1F940]  }
0x4bf: {  	v16 =	vmul.f32 v19, v16;
	v11 =	vadd.f32 v55, v11;
	v55 =	vld.idx.msk [tilespmem:v53+s28+$0x0], $0xffff;
	v15 =	vadd.f32 v15, v8  }
0x4c0: {  	v32 =	vmul.f32 v12, v12;
	v30 =	vadd.f32 v9, v22;
	v35 =	vadd.f32 v61, v13;
	v13 =	vld.idx.msk [tilespmem:v53+s24+$0x0], $0xffff  }
0x4c1: {  	v38 =	vld.idx.msk [tilespmem:v51+s25+$0x0], $0xffff;
	v15 =	vadd.f32 v23, v15;
	v10 =	vadd.f32 v10, v63;
	v63 =	vmul.f32 v19, v19  }
0x4c2: {  	v2 =	vmul.f32 v27, v21;
	v60 =	vld.idx.msk [tilespmem:v51+s28+$0x0], $0xffff;
	v4 =	vadd.f32 v32, v4;
	v3 =	vadd.f32 v3, v30  }
0x4c3: {  	v1 =	vld.idx.msk [tilespmem:v62+s25+$0x0], $0xffff;
	v14 =	vmul.f32 v57, v57;
	v58 =	vmul.f32 v5, v5;
	v53 =	vadd.f32 v63, v15  }
0x4c4: {  	s17 =	sadd.s32 $0x2, s17;
	v57 =	vld.idx.msk [tilespmem:v51+s24+$0x0], $0xffff;
	v54 =	vmul.f32 v35, v35;
	v4 =	vadd.f32 v7, v4;
	v28 =	vadd.f32 v56, v3  }
0x4c5: {  	p0 =	slt.u32 s17, $0x6;
	v40 =	vld.idx.msk [tilespmem:v42+s25+$0x0], $0xffff;
	v9 =	vmul.f32 v26, v26;
	v62 =	vadd.f32 v58, v6;
	v13 =	vadd.f32 v55, v13  }
.Ltmp7:
0x4c6: {  	v39 =	vld.idx.msk [tilespmem:v59+s24+$0x0], $0xffff;
	v4 =	vadd.f32 v54, v4;
	v3 =	vmul.f32 v12, v5;
	v28 =	vadd.f32 v41, v28;
	(pc) =	sbr.rel @p0 .LBB2_17-.Ltmp7, $4  }
0x4c7: {  	v8 =	vld.idx.msk [tilespmem:v43+s24+$0x0], $0xffff;
	v5 =	vadd.f32 v34, v33;
	v12 =	vadd.f32 v16, v11;
	v11 =	vmul.f32 v38, v38  }
0x4c8: {  	v7 =	vmul.f32 v10, v1;
	v6 =	vld.idx.msk [tilespmem:v43+s25+$0x0], $0xffff;
	v52 =	vadd.f32 v14, v62;
	v61 =	vadd.f32 v45, v28  }
0x4c9: {  	v14 =	vadd.f32 v60, v57;
	v41 =	vmul.f32 v10, v10;
	v10 =	vld.idx.msk [tilespmem:v43+s28+$0x0], $0xffff;
	v43 =	vadd.f32 v11, v20  }
0x4ca: {  	s22 =	sadd.s32 $0x20, s22;
	v11 =	vmul.f32 v35, v26;
	v45 =	vld.idx.msk [tilespmem:v59+s28+$0x0], $0xffff;
	v51 =	vadd.f32 v47, v61;
	v47 =	vmul.f32 v5, v5  }
0x4cb: {  	_ =	sdelay $0x2  }
0x4cc: {  	v9 =	vadd.f32 v9, v52;
	v1 =	vmul.f32 v1, v1  }
0x4cd: {  	v15 =	vld.idx.msk [tilespmem:v59+s25+$0x0], $0xffff  }
0x4ce: {  	v42 =	vmul.f32 v40, v40;
	v1 =	vadd.f32 v1, v9;
	_ =	sdelay $0x1  }
0x4cf: {  	v16 =	vmul.f32 v6, v6;
	v1 =	vadd.f32 v42, v1;
	_ =	sdelay $0x1  }
0x4d0: {  	v46 =	vmul.f32 v15, v15;
	v1 =	vadd.f32 v16, v1;
	_ =	sdelay $0x1  }
0x4d1: {  	v1 =	vadd.f32 v46, v1;
	_ =	sdelay $0x1  }
0x4d2: {  	v1 =	vadd.f32 v43, v1;
	_ =	sdelay $0x1  }
0x4d3: {  	v49 =	vshrl.u32 v1, $0x1;
	v1 =	vmul.f32 $5.000000000e-01, v1  }
0x4d4: {  	v9 =	vsub.s32 $0x5F3759DF, v49  }
0x4d5: {  	v52 =	vmul.f32 v9, v1;
	_ =	sdelay $0x1  }
0x4d6: {  	v17 =	vadd.f32 v44, v51;
	v16 =	vmul.f32 v9, v52;
	_ =	sdelay $0x1  }
0x4d7: {  	v17 =	vadd.f32 v48, v17;
	v16 =	vsub.f32 $1.500000000e+00, v16;
	_ =	sdelay $0x1  }
0x4d8: {  	v3 =	vadd.f32 v3, v17;
	v9 =	vmul.f32 v9, v16;
	_ =	sdelay $0x1  }
0x4d9: {  	v0 =	vadd.f32 v0, v3;
	v3 =	vmul.f32 v9, v1;
	_ =	sdelay $0x1  }
0x4da: {  	v3 =	vmul.f32 v3, v9;
	_ =	sdelay $0x1  }
0x4db: {  	v4 =	vadd.f32 v41, v4;
	v3 =	vsub.f32 $1.500000000e+00, v3  }
0x4dc: {  	v54 =	vmul.f32 v13, v36;
	v55 =	vadd.f32 v50, v53;
	v0 =	vadd.f32 v11, v0  }
0x4dd: {  	v2 =	vadd.f32 v2, v12;
	v56 =	vmul.f32 v13, v13;
	v3 =	vmul.f32 v3, v9  }
0x4de: {  	v5 =	vmul.f32 v5, v40;
	v8 =	vadd.f32 v10, v8;
	v0 =	vadd.f32 v7, v0  }
0x4df: {  	v60 =	vmul.f32 v14, v38;
	v4 =	vadd.f32 v47, v4;
	v1 =	vmul.f32 v3, v1  }
0x4e0: {  	v57 =	vadd.f32 v45, v39;
	v59 =	vmul.f32 v8, v6;
	v0 =	vadd.f32 v5, v0  }
0x4e1: {  	v2 =	vadd.f32 v54, v2;
	v62 =	vadd.f32 v56, v55;
	v1 =	vmul.f32 v1, v3  }
0x4e2: {  	v8 =	vmul.f32 v8, v8;
	v61 =	vmul.f32 v57, v15;
	v0 =	vadd.f32 v59, v0  }
0x4e3: {  	v58 =	vmul.f32 v14, v14;
	v2 =	vadd.f32 v60, v2;
	v1 =	vsub.f32 $1.500000000e+00, v1  }
0x4e4: {  	v4 =	vadd.f32 v8, v4;
	v7 =	vmul.f32 v57, v57;
	v0 =	vadd.f32 v61, v0  }
0x4e5: {  	v63 =	vadd.f32 v58, v62;
	v1 =	vmul.f32 v1, v3;
	v3 =	vld [tilespmem:$0x1FDF0]  }
0x4e6: {  	s3 =	sadd.s32 $0x1, s3;
	v4 =	vadd.f32 v7, v4;
	v0 =	vadd.f32 v2, v0  }
0x4e7: {  	p0 =	sne.s32 s3, $0x8  }
.Ltmp8:
0x4e8: {  	v2 =	vadd.f32 v63, v4;
	v0 =	vadd.f32 v0, v0;
	(pc) =	sbr.rel @p0 .LBB2_16-.Ltmp8, $3  }
0x4e9: {  	_ = 	snop  }
0x4ea: {  	v0 =	vmul.f32 v1, v0;
	v2 =	vadd.f32 v2, v3;
	_ =	sdelay $0x1  }
0x4eb: {  	v0 =	vsub.f32 v2, v0  }
0x4ec: {  	s2 =	sadd.s32 $0x1, s2  }
0x4ed: {  	p0 =	sne.s32 s2, s15  }
.Ltmp9:
0x4ee: {  	s3 =	simm.s32 $0x1C3C0;
	[tilespmem:$0x1C3C0] =	vst v0;
	(pc) =	sbr.rel @p0 .LBB2_1-.Ltmp9, $4  }
0x4ef: {  	[hbm4b:s14+s5] =	stream.linear.scatter [tilespmem:s3], [sflag:$0x7], $0x80, $0x38;
	[tilespmem:$0x1C440] =	vst v63  }
0x4f0: {  	_ =	swait.ge [sflag:s16], $0x80  }
0x4f1: {  	[sflag:s16] =	ssyncset.done $0x0  }
0x4f2: {  	s22 =	simm.s32 $0x200;
	[sflag:s16] =	ssyncadd.s32 $0xFFFFFF80  }
0x4f3: {  	_ =	sfence.sel $0x180000  }
0x4f4: {  	[bflag:$0x0] =	sbarrier.arrive $0xFFFF  }
0x4f5: {  	_ =	strace $0x90000047  }
0x4f6: {  	s0 =	stileid.u32;
	[bflag:$0x2] =	sbarrier.arrive $0xFFFF  }
0x4f7: {  	p0 =	sne.s32 s0, $0x0;
	s0 =	rddreg [dreg:$0x8]  }
0x4f8: {  	s0 =	sadd.s32 @!p0 $0x100000, s0  }
0x4f9: {  	[sflag:s0] =	ssyncadd.tile.s32 @!p0 $0x1;
	_ =	shalt  }
.Lfunc_end2:
_tile_overlayer_lowered:
.L_overlay_start_2:
0x4fa: {  	(tag) =	ssettag $0x2  }
0x4fb: {  	s0 =	rddreg [dreg:$0x0];
	s2 =	stileid.u32  }
0x4fc: {  	s1 =	rddreg [dreg:$0x1];
	p0 =	sne.s32 s2, $0x0  }
0x4fd: {  	s3 =	rddreg [dreg:$0x2];
	[bflag:$0x3] =	sbarrier.arrive $0xFFFF;
	s2 =	simm.s32 @!p0 $0x1C07  }
0x4fe: {  	[timem:s3], [sflag:s2] =	dma.local @!p0 [hbm:s0], s1  }
0x4ff: {  	s0 =	simm.s32 @!p0 $0x7  }
0x500: {  	_ =	swait.ge @!p0 [sflag:s0], s1  }
0x501: {  	s1 =	ssub.s32 @!p0 $0x0, s1;
	[sflag:s0] =	ssyncset.done @!p0 $0x0  }
0x502: {  	[sflag:s0] =	ssyncadd.s32 @!p0 s1  }
0x503: {  	[bflag:$0x3] =	sbarrier.arrive $0xFFFF  }
0x504: {  	_ =	shalt  }

</sc_bundles>
